<compile_context>
chip_gen: v7x
topology: tpu7x:2x2x1
jax: 0.10.2.dev20260603
libtpu: 0.0.44.dev20260713+nightly
codegen_flags: <defaults>
</compile_context>

<pallas_src>
import functools

import jax
import jax.numpy as jnp
from jax import lax
from jax.experimental import pallas as pl
from jax.experimental.pallas import tpu as pltpu
from jax.experimental.pallas import tpu_sc as plsc

K = 5
ROWS = 128
VOCAB = 100000
VT = 8
CHUNK_V = 312
NCHUNK = 10
NPAIR = NCHUNK // 2
SLICE_V = NCHUNK * CHUNK_V
REM_START = 32 * SLICE_V
REM = VOCAB - REM_START


def _sc_count_kernel():
    info = plsc.get_sparse_core_info()
    nc, ns = info.num_cores, info.num_subcores
    nw = nc * ns

    mesh = plsc.VectorSubcoreMesh(core_axis_name="c", subcore_axis_name="s")

    @functools.partial(
        pl.kernel,
        mesh=mesh,
        compiler_params=pltpu.CompilerParams(needs_layout_passes=False),
        out_type=jax.ShapeDtypeStruct((nw, 128), jnp.float32),
        scratch_types=[
            pltpu.VMEM((ROWS,), jnp.int32),
            pltpu.VMEM((8, VT, ROWS), jnp.float32),
            pltpu.VMEM((16, 16), jnp.float32),
            pltpu.VMEM((CHUNK_V, ROWS), jnp.float32),
            pltpu.VMEM((CHUNK_V, ROWS), jnp.float32),
            pltpu.VMEM((REM, ROWS), jnp.float32),
            pltpu.VMEM((16,), jnp.float32),
            pltpu.VMEM((128,), jnp.float32),
            pltpu.VMEM_SHARED((16, 16), jnp.float32),
            pltpu.SemaphoreType.DMA,
            pltpu.SemaphoreType.DMA,
            pltpu.SemaphoreType.DMA,
            pltpu.SemaphoreType.DMA,
        ],
    )
    def sc_k(y_hbm, lbl_hbm, out_hbm, lbl_v, vstage, vloc, buf_a, buf_b,
             rbuf, vslot, ostage, vshared, sem_a, sem_b, sem_v, sem_r):
        sid = lax.axis_index("s")
        cid = lax.axis_index("c")
        wid = sid * nc + cid
        lanes = lax.iota(jnp.int32, 16)
        bufs = (buf_a, buf_b)
        sems = (sem_a, sem_b)
        j0 = pl.multiple_of(wid * SLICE_V, VT)

        def start(g, par):
            return pltpu.async_copy(
                y_hbm.at[pl.ds(j0 + g * CHUNK_V, CHUNK_V), :],
                bufs[par], sems[par])

        start(0, 0)
        start(1, 1)
        rem_handle = pltpu.async_copy(
            y_hbm.at[pl.ds(REM_START, REM), :], rbuf, sem_r)

        pltpu.sync_copy(lbl_hbm, lbl_v)

        lab_s, copies = [], []
        for i in range(VT):
            lb = plsc.load_gather(
                lbl_v, [jnp.full((16,), 1, jnp.int32) * (sid * VT + i)])
            ls = jnp.max(lb)
            lab_s.append(ls)
            jt = pl.multiple_of((ls >> 3) << 3, VT)
            copies.append(pltpu.async_copy(
                y_hbm.at[pl.ds(jt, VT), :], vstage.at[i], sem_v))
        for c in copies:
            c.wait()

        base_lane = (sid * VT) & 15
        myv = jnp.zeros((16,), jnp.float32)
        for i in range(VT):
            ls = lab_s[i]
            b = sid * VT + i
            vv = plsc.load_gather(
                vstage,
                [jnp.full((16,), i, jnp.int32),
                 jnp.full((16,), 1, jnp.int32) * (ls & (VT - 1)),
                 jnp.full((16,), 1, jnp.int32) * b])
            myv = jnp.where(lanes == base_lane + i, vv, myv)
        vslot[...] = myv
        pltpu.sync_copy(vslot, vshared.at[sid])
        plsc.subcore_barrier()
        pltpu.sync_copy(vshared, vloc)

        v_g, p_g, lab_g = [], [], []
        minus_tiny = jnp.full((16,), -2147483647, jnp.int32)
        for g in range(8):
            va = vloc[2 * g, :] + vloc[2 * g + 1, :]
            v_g.append(va)
            bb = plsc.bitcast(va, jnp.int32)
            pb = jnp.where(bb > 0, bb - 1,
                           jnp.where((bb << 1) == 0, minus_tiny, bb + 1))
            p_g.append(plsc.bitcast(pb, jnp.float32))
            lab_g.append(lbl_v[pl.ds(16 * g, 16)])

        accs = [jnp.zeros((16,), jnp.int32) for _ in range(8)]
        one = jnp.full((16,), 1, jnp.int32)
        zero = jnp.zeros((16,), jnp.int32)

        def lane_group_chunk(buf, jbase, nt, g, acc):
            vb, pb, lb = v_g[g], p_g[g], lab_g[g]
            jb0 = jnp.full((16,), 1, jnp.int32) * jbase

            def tbody(tt, a):
                jv0 = jb0 + tt * VT
                for jj in range(VT):
                    x = buf[tt * VT + jj, pl.ds(16 * g, 16)]
                    thr = jnp.where(jv0 + jj < lb, pb, vb)
                    a = a + jnp.where(x > thr, one, zero)
                return a

            return lax.fori_loop(0, nt, tbody, acc)

        def chunk_phase(g_chunk, par, accs8):
            pltpu.make_async_copy(
                y_hbm.at[pl.ds(0, CHUNK_V), :], bufs[par], sems[par]).wait()
            accs8 = list(accs8)
            jbase = j0 + g_chunk * CHUNK_V
            for g in range(8):
                accs8[g] = lane_group_chunk(bufs[par], jbase,
                                            CHUNK_V // VT, g, accs8[g])
            return tuple(accs8)

        def pair_body(p, accs8):
            g0 = 2 * p
            accs8 = chunk_phase(g0, 0, accs8)

            @pl.when(p < NPAIR - 1)
            def _():
                start(g0 + 2, 0)

            accs8 = chunk_phase(g0 + 1, 1, accs8)

            @pl.when(p < NPAIR - 1)
            def _():
                start(g0 + 3, 1)

            return accs8

        accs = list(lax.fori_loop(0, NPAIR, pair_body, tuple(accs)))

        rem_handle.wait()
        rem_on = jnp.where(wid == 0, 1, 0).astype(jnp.int32)
        for g in range(8):
            vb, pb, lb = v_g[g], p_g[g], lab_g[g]
            jb0 = jnp.full((16,), 1, jnp.int32) * REM_START

            def rbody(tt, a, g=g, vb=vb, pb=pb, lb=lb, jb0=jb0):
                jv0 = jb0 + tt * VT
                for jj in range(VT):
                    x = rbuf[tt * VT + jj, pl.ds(16 * g, 16)]
                    thr = jnp.where(jv0 + jj < lb, pb, vb)
                    a = a + jnp.where(x > thr, one, zero)
                return a

            accs[g] = accs[g] + rem_on * (
                lax.fori_loop(0, REM // VT, rbody, zero))

        for g in range(8):
            ostage[pl.ds(16 * g, 16)] = accs[g].astype(jnp.float32)
        pltpu.sync_copy(ostage, out_hbm.at[wid])

    return sc_k, nw


def _tc_reduce(partials):
    def body(x_ref, o_ref):
        ranks = jnp.sum(x_ref[...], axis=0, keepdims=True)
        correct = (ranks < jnp.float32(K)).astype(jnp.float32)
        o_ref[...] = jnp.sum(correct, axis=(0, 1), keepdims=True) * jnp.float32(
            1.0 / ROWS
        )

    return pl.pallas_call(
        body,
        out_shape=jax.ShapeDtypeStruct((1, 1), jnp.float32),
    )(partials)


def kernel(y_probs, y_true_label):
    labels = y_true_label.astype(jnp.int32)
    yt = jnp.transpose(y_probs)
    sc_k, nw = _sc_count_kernel()
    partials = sc_k(yt, labels)
    return _tc_reduce(partials)[0, 0]

# --- scband reference (transcript-rebuilt; emitter-appended) ---
"""Pipeline reference for scband-top-kaccuracy-867583394059 (READ-ONLY COPY).

The authoritative reference and input builder live on the scoring server;
editing this copy changes nothing except your own understanding.
"""

import jax, jax.numpy as jnp
import numpy as np

K = 5

def setup_inputs(seed: int = 0) -> dict:
    key = jax.random.key(seed)
    k1, k2 = jax.random.split(key)
    y_probs = jax.random.normal(k1, (128, 100000), dtype=jnp.float32)
    y_true_label = jax.random.randint(k2, (128,), 0, 100000, dtype=jnp.int64 if jax.config.jax_enable_x64 else jnp.int32)
    return {"y_probs": y_probs, "y_true_label": y_true_label}

def reference(y_probs, y_true_label):
    p = jax.nn.softmax(y_probs, axis=1)
    _, topk_preds = jax.lax.top_k(p, K)
    yt = jnp.reshape(y_true_label, (-1, 1))
    yt = jnp.broadcast_to(yt, topk_preds.shape)
    num_correct = jnp.sum(jnp.equal(topk_preds, yt))
    return num_correct.astype(jnp.float32) / y_probs.shape[0]

if __name__ == "__main__":
    import jax
    _d = setup_inputs()
    print(jax.jit(kernel)(*tuple(_d.values())))

</pallas_src>

<mosaic_0001>
#map = affine_map<(d0, d1) -> (0, 0)>
#map1 = affine_map<(d0, d1) -> (0)>
module attributes {stable_mosaic.version = 14 : i64} {
  func.func @sc_k(%arg0: i32, %arg1: i32, %arg2: memref<100000x128xf32, #tpu.memory_space<hbm>>, %arg3: memref<128xi32, #tpu.memory_space<hbm>>, %arg4: memref<32x128xf32, #tpu.memory_space<hbm>>, %arg5: memref<128xi32, #tpu.memory_space<vmem>>, %arg6: memref<8x8x128xf32, #tpu.memory_space<vmem>>, %arg7: memref<16x16xf32, #tpu.memory_space<vmem>>, %arg8: memref<312x128xf32, #tpu.memory_space<vmem>>, %arg9: memref<312x128xf32, #tpu.memory_space<vmem>>, %arg10: memref<160x128xf32, #tpu.memory_space<vmem>>, %arg11: memref<16xf32, #tpu.memory_space<vmem>>, %arg12: memref<128xf32, #tpu.memory_space<vmem>>, %arg13: memref<16x16xf32, #tpu.memory_space<vmem_shared>>, %arg14: memref<!tpu.dma_semaphore, #tpu.memory_space<semaphore_mem>>, %arg15: memref<!tpu.dma_semaphore, #tpu.memory_space<semaphore_mem>>, %arg16: memref<!tpu.dma_semaphore, #tpu.memory_space<semaphore_mem>>, %arg17: memref<!tpu.dma_semaphore, #tpu.memory_space<semaphore_mem>>) attributes {dimension_semantics = [#tpu.dimension_semantics<core_parallel>, #tpu.dimension_semantics<subcore_parallel>], iteration_bounds = array<i64: 2, 16>, scalar_prefetch = 0 : i64, scratch_operands = 13 : i64, tpu.core_type = #tpu.core_type<sc_vector_subcore>, window_params = [{transform_indices = #map}, {transform_indices = #map1}, {transform_indices = #map}]} {
    %mul3A = arith.constant 2 : i32
    %mul3A_0 = arith.muli %arg1, %mul3A : i32
    %add3A = arith.addi %mul3A_0, %arg0 : i32
    %iota3A = tpu.iota {dimensions = array<i32: 0>} : vector<16xi32>
    %mul3A_1 = arith.constant 3120 : i32
    %mul3A_2 = arith.muli %add3A, %mul3A_1 : i32
    %multiple_of3A = tpu.assume_multiple %mul3A_2, 8 : i32
    %add3A_3 = arith.constant 0 : i32
    %add3A_4 = arith.addi %multiple_of3A, %add3A_3 : i32
    %dma_start3A = arith.constant 0 : i32
    %dma_start3A_5 = tpu.memref_slice %arg2[%add3A_4, %dma_start3A] : memref<100000x128xf32, #tpu.memory_space<hbm>> -> memref<312x128xf32, #tpu.memory_space<hbm>>
    %dma_start3A_6 = arith.constant 0 : i32
    %dma_start3A_7 = tpu.memref_slice %arg2[%add3A_4, %dma_start3A_6] : memref<100000x128xf32, #tpu.memory_space<hbm>> -> memref<312x128xf32, #tpu.memory_space<hbm>>
    tpu.enqueue_dma source(%dma_start3A_7 : memref<312x128xf32, #tpu.memory_space<hbm>>) target(%arg8 : memref<312x128xf32, #tpu.memory_space<vmem>>) target_semaphore(%arg14 : memref<!tpu.dma_semaphore, #tpu.memory_space<semaphore_mem>>)
    %add3A_8 = arith.constant 312 : i32
    %add3A_9 = arith.addi %multiple_of3A, %add3A_8 : i32
    %dma_start3A_10 = arith.constant 0 : i32
    %dma_start3A_11 = tpu.memref_slice %arg2[%add3A_9, %dma_start3A_10] : memref<100000x128xf32, #tpu.memory_space<hbm>> -> memref<312x128xf32, #tpu.memory_space<hbm>>
    %dma_start3A_12 = arith.constant 0 : i32
    %dma_start3A_13 = tpu.memref_slice %arg2[%add3A_9, %dma_start3A_12] : memref<100000x128xf32, #tpu.memory_space<hbm>> -> memref<312x128xf32, #tpu.memory_space<hbm>>
    tpu.enqueue_dma source(%dma_start3A_13 : memref<312x128xf32, #tpu.memory_space<hbm>>) target(%arg9 : memref<312x128xf32, #tpu.memory_space<vmem>>) target_semaphore(%arg15 : memref<!tpu.dma_semaphore, #tpu.memory_space<semaphore_mem>>)
    %dma_start3A_14 = arith.constant 99840 : i32
    %dma_start3A_15 = arith.constant 0 : i32
    %dma_start3A_16 = tpu.memref_slice %arg2[%dma_start3A_14, %dma_start3A_15] : memref<100000x128xf32, #tpu.memory_space<hbm>> -> memref<160x128xf32, #tpu.memory_space<hbm>>
    %dma_start3A_17 = arith.constant 99840 : i32
    %dma_start3A_18 = arith.constant 0 : i32
    %dma_start3A_19 = tpu.memref_slice %arg2[%dma_start3A_17, %dma_start3A_18] : memref<100000x128xf32, #tpu.memory_space<hbm>> -> memref<160x128xf32, #tpu.memory_space<hbm>>
    tpu.enqueue_dma source(%dma_start3A_19 : memref<160x128xf32, #tpu.memory_space<hbm>>) target(%arg10 : memref<160x128xf32, #tpu.memory_space<vmem>>) target_semaphore(%arg17 : memref<!tpu.dma_semaphore, #tpu.memory_space<semaphore_mem>>)
    "tpu.region"() ({
      %run_scoped3A = tpu.sem_alloc : memref<!tpu.dma_semaphore, #tpu.memory_space<semaphore_mem>>
      tpu.enqueue_dma source(%arg3 : memref<128xi32, #tpu.memory_space<hbm>>) target(%arg5 : memref<128xi32, #tpu.memory_space<vmem>>) target_semaphore(%run_scoped3A : memref<!tpu.dma_semaphore, #tpu.memory_space<semaphore_mem>>)
      tpu.wait_dma2 semaphore(%run_scoped3A : memref<!tpu.dma_semaphore, #tpu.memory_space<semaphore_mem>>) src(%arg3 : memref<128xi32, #tpu.memory_space<hbm>>) dst(%arg5 : memref<128xi32, #tpu.memory_space<vmem>>)
      tpu.yield
    }) : () -> ()
    %broadcast_in_dim3A = arith.constant 1 : i32
    %broadcast_in_dim3A_20 = vector.broadcast %broadcast_in_dim3A : i32 to vector<16xi32>
    %mul3A_21 = arith.constant 8 : i32
    %mul3A_22 = arith.muli %arg1, %mul3A_21 : i32
    %add3A_23 = arith.constant 0 : i32
    %add3A_24 = arith.addi %mul3A_22, %add3A_23 : i32
    %mul3A_25 = vector.broadcast %add3A_24 : i32 to vector<16xi32>
    %mul3A_26 = arith.muli %broadcast_in_dim3A_20, %mul3A_25 : vector<16xi32>
    %gather3A = tpu.vector_load_idx %arg5[%mul3A_26] : memref<128xi32, #tpu.memory_space<vmem>>[vector<16xi32>], vector<16xi32>,
    %reduce_max3A = arith.constant true
    %reduce_max3A_27 = vector.broadcast %reduce_max3A : i1 to vector<16xi1>
    %reduce_max3A_28 = arith.constant -2147483648 : i32
    %reduce_max3A_29 = vector.broadcast %reduce_max3A_28 : i32 to vector<16xi32>
    %reduce_max3A_30 = arith.xori %gather3A, %reduce_max3A_29 : vector<16xi32>
    %reduce_max3A_31 = tpu.scan <max>, %reduce_max3A_30 masked %reduce_max3A_27 : vector<16xi32>, vector<16xi1> -> vector<16xi32>
    %reduce_max3A_32 = arith.xori %reduce_max3A_31, %reduce_max3A_29 : vector<16xi32>
    %reduce_max3A_33 = vector.extract %reduce_max3A_32[15] : i32 from vector<16xi32>
    %shift_right_arithmetic3A = arith.constant 3 : i32
    %shift_right_arithmetic3A_34 = arith.shrsi %reduce_max3A_33, %shift_right_arithmetic3A : i32
    %shift_left3A = arith.constant 3 : i32
    %shift_left3A_35 = arith.shli %shift_right_arithmetic3A_34, %shift_left3A : i32
    %multiple_of3A_36 = tpu.assume_multiple %shift_left3A_35, 8 : i32
    %dma_start3A_37 = arith.constant 0 : i32
    %dma_start3A_38 = arith.constant 0 : i32
    %dma_start3A_39 = arith.constant 0 : i32
    %dma_start3A_40 = tpu.memref_slice %arg6[%dma_start3A_37, %dma_start3A_38, %dma_start3A_39] : memref<8x8x128xf32, #tpu.memory_space<vmem>> -> memref<1x8x128xf32, #tpu.memory_space<vmem>>
    %dma_start3A_41 = tpu.memref_squeeze %dma_start3A_40 : memref<1x8x128xf32, #tpu.memory_space<vmem>> -> memref<8x128xf32, #tpu.memory_space<vmem>>
    %dma_start3A_42 = arith.constant 0 : i32
    %dma_start3A_43 = tpu.memref_slice %arg2[%multiple_of3A_36, %dma_start3A_42] : memref<100000x128xf32, #tpu.memory_space<hbm>> -> memref<8x128xf32, #tpu.memory_space<hbm>>
    %dma_start3A_44 = arith.constant 0 : i32
    %dma_start3A_45 = arith.constant 0 : i32
    %dma_start3A_46 = tpu.memref_slice %arg6[%dma_start3A_37, %dma_start3A_44, %dma_start3A_45] : memref<8x8x128xf32, #tpu.memory_space<vmem>> -> memref<1x8x128xf32, #tpu.memory_space<vmem>>
    %dma_start3A_47 = tpu.memref_squeeze %dma_start3A_46 : memref<1x8x128xf32, #tpu.memory_space<vmem>> -> memref<8x128xf32, #tpu.memory_space<vmem>>
    %dma_start3A_48 = arith.constant 0 : i32
    %dma_start3A_49 = tpu.memref_slice %arg2[%multiple_of3A_36, %dma_start3A_48] : memref<100000x128xf32, #tpu.memory_space<hbm>> -> memref<8x128xf32, #tpu.memory_space<hbm>>
    tpu.enqueue_dma source(%dma_start3A_49 : memref<8x128xf32, #tpu.memory_space<hbm>>) target(%dma_start3A_47 : memref<8x128xf32, #tpu.memory_space<vmem>>) target_semaphore(%arg16 : memref<!tpu.dma_semaphore, #tpu.memory_space<semaphore_mem>>)
    %broadcast_in_dim3A_50 = arith.constant 1 : i32
    %broadcast_in_dim3A_51 = vector.broadcast %broadcast_in_dim3A_50 : i32 to vector<16xi32>
    %mul3A_52 = arith.constant 8 : i32
    %mul3A_53 = arith.muli %arg1, %mul3A_52 : i32
    %add3A_54 = arith.constant 1 : i32
    %add3A_55 = arith.addi %mul3A_53, %add3A_54 : i32
    %mul3A_56 = vector.broadcast %add3A_55 : i32 to vector<16xi32>
    %mul3A_57 = arith.muli %broadcast_in_dim3A_51, %mul3A_56 : vector<16xi32>
    %gather3A_58 = tpu.vector_load_idx %arg5[%mul3A_57] : memref<128xi32, #tpu.memory_space<vmem>>[vector<16xi32>], vector<16xi32>,
    %reduce_max3A_59 = arith.constant true
    %reduce_max3A_60 = vector.broadcast %reduce_max3A_59 : i1 to vector<16xi1>
    %reduce_max3A_61 = arith.constant -2147483648 : i32
    %reduce_max3A_62 = vector.broadcast %reduce_max3A_61 : i32 to vector<16xi32>
    %reduce_max3A_63 = arith.xori %gather3A_58, %reduce_max3A_62 : vector<16xi32>
    %reduce_max3A_64 = tpu.scan <max>, %reduce_max3A_63 masked %reduce_max3A_60 : vector<16xi32>, vector<16xi1> -> vector<16xi32>
    %reduce_max3A_65 = arith.xori %reduce_max3A_64, %reduce_max3A_62 : vector<16xi32>
    %reduce_max3A_66 = vector.extract %reduce_max3A_65[15] : i32 from vector<16xi32>
    %shift_right_arithmetic3A_67 = arith.constant 3 : i32
    %shift_right_arithmetic3A_68 = arith.shrsi %reduce_max3A_66, %shift_right_arithmetic3A_67 : i32
    %shift_left3A_69 = arith.constant 3 : i32
    %shift_left3A_70 = arith.shli %shift_right_arithmetic3A_68, %shift_left3A_69 : i32
    %multiple_of3A_71 = tpu.assume_multiple %shift_left3A_70, 8 : i32
    %dma_start3A_72 = arith.constant 1 : i32
    %dma_start3A_73 = arith.constant 0 : i32
    %dma_start3A_74 = arith.constant 0 : i32
    %dma_start3A_75 = tpu.memref_slice %arg6[%dma_start3A_72, %dma_start3A_73, %dma_start3A_74] : memref<8x8x128xf32, #tpu.memory_space<vmem>> -> memref<1x8x128xf32, #tpu.memory_space<vmem>>
    %dma_start3A_76 = tpu.memref_squeeze %dma_start3A_75 : memref<1x8x128xf32, #tpu.memory_space<vmem>> -> memref<8x128xf32, #tpu.memory_space<vmem>>
    %dma_start3A_77 = arith.constant 0 : i32
    %dma_start3A_78 = tpu.memref_slice %arg2[%multiple_of3A_71, %dma_start3A_77] : memref<100000x128xf32, #tpu.memory_space<hbm>> -> memref<8x128xf32, #tpu.memory_space<hbm>>
    %dma_start3A_79 = arith.constant 0 : i32
    %dma_start3A_80 = arith.constant 0 : i32
    %dma_start3A_81 = tpu.memref_slice %arg6[%dma_start3A_72, %dma_start3A_79, %dma_start3A_80] : memref<8x8x128xf32, #tpu.memory_space<vmem>> -> memref<1x8x128xf32, #tpu.memory_space<vmem>>
    %dma_start3A_82 = tpu.memref_squeeze %dma_start3A_81 : memref<1x8x128xf32, #tpu.memory_space<vmem>> -> memref<8x128xf32, #tpu.memory_space<vmem>>
    %dma_start3A_83 = arith.constant 0 : i32
    %dma_start3A_84 = tpu.memref_slice %arg2[%multiple_of3A_71, %dma_start3A_83] : memref<100000x128xf32, #tpu.memory_space<hbm>> -> memref<8x128xf32, #tpu.memory_space<hbm>>
    tpu.enqueue_dma source(%dma_start3A_84 : memref<8x128xf32, #tpu.memory_space<hbm>>) target(%dma_start3A_82 : memref<8x128xf32, #tpu.memory_space<vmem>>) target_semaphore(%arg16 : memref<!tpu.dma_semaphore, #tpu.memory_space<semaphore_mem>>)
    %broadcast_in_dim3A_85 = arith.constant 1 : i32
    %broadcast_in_dim3A_86 = vector.broadcast %broadcast_in_dim3A_85 : i32 to vector<16xi32>
    %mul3A_87 = arith.constant 8 : i32
    %mul3A_88 = arith.muli %arg1, %mul3A_87 : i32
    %add3A_89 = arith.constant 2 : i32
    %add3A_90 = arith.addi %mul3A_88, %add3A_89 : i32
    %mul3A_91 = vector.broadcast %add3A_90 : i32 to vector<16xi32>
    %mul3A_92 = arith.muli %broadcast_in_dim3A_86, %mul3A_91 : vector<16xi32>
    %gather3A_93 = tpu.vector_load_idx %arg5[%mul3A_92] : memref<128xi32, #tpu.memory_space<vmem>>[vector<16xi32>], vector<16xi32>,
    %reduce_max3A_94 = arith.constant true
    %reduce_max3A_95 = vector.broadcast %reduce_max3A_94 : i1 to vector<16xi1>
    %reduce_max3A_96 = arith.constant -2147483648 : i32
    %reduce_max3A_97 = vector.broadcast %reduce_max3A_96 : i32 to vector<16xi32>
    %reduce_max3A_98 = arith.xori %gather3A_93, %reduce_max3A_97 : vector<16xi32>
    %reduce_max3A_99 = tpu.scan <max>, %reduce_max3A_98 masked %reduce_max3A_95 : vector<16xi32>, vector<16xi1> -> vector<16xi32>
    %reduce_max3A_100 = arith.xori %reduce_max3A_99, %reduce_max3A_97 : vector<16xi32>
    %reduce_max3A_101 = vector.extract %reduce_max3A_100[15] : i32 from vector<16xi32>
    %shift_right_arithmetic3A_102 = arith.constant 3 : i32
    %shift_right_arithmetic3A_103 = arith.shrsi %reduce_max3A_101, %shift_right_arithmetic3A_102 : i32
    %shift_left3A_104 = arith.constant 3 : i32
    %shift_left3A_105 = arith.shli %shift_right_arithmetic3A_103, %shift_left3A_104 : i32
    %multiple_of3A_106 = tpu.assume_multiple %shift_left3A_105, 8 : i32
    %dma_start3A_107 = arith.constant 2 : i32
    %dma_start3A_108 = arith.constant 0 : i32
    %dma_start3A_109 = arith.constant 0 : i32
    %dma_start3A_110 = tpu.memref_slice %arg6[%dma_start3A_107, %dma_start3A_108, %dma_start3A_109] : memref<8x8x128xf32, #tpu.memory_space<vmem>> -> memref<1x8x128xf32, #tpu.memory_space<vmem>>
    %dma_start3A_111 = tpu.memref_squeeze %dma_start3A_110 : memref<1x8x128xf32, #tpu.memory_space<vmem>> -> memref<8x128xf32, #tpu.memory_space<vmem>>
    %dma_start3A_112 = arith.constant 0 : i32
    %dma_start3A_113 = tpu.memref_slice %arg2[%multiple_of3A_106, %dma_start3A_112] : memref<100000x128xf32, #tpu.memory_space<hbm>> -> memref<8x128xf32, #tpu.memory_space<hbm>>
    %dma_start3A_114 = arith.constant 0 : i32
    %dma_start3A_115 = arith.constant 0 : i32
    %dma_start3A_116 = tpu.memref_slice %arg6[%dma_start3A_107, %dma_start3A_114, %dma_start3A_115] : memref<8x8x128xf32, #tpu.memory_space<vmem>> -> memref<1x8x128xf32, #tpu.memory_space<vmem>>
    %dma_start3A_117 = tpu.memref_squeeze %dma_start3A_116 : memref<1x8x128xf32, #tpu.memory_space<vmem>> -> memref<8x128xf32, #tpu.memory_space<vmem>>
    %dma_start3A_118 = arith.constant 0 : i32
    %dma_start3A_119 = tpu.memref_slice %arg2[%multiple_of3A_106, %dma_start3A_118] : memref<100000x128xf32, #tpu.memory_space<hbm>> -> memref<8x128xf32, #tpu.memory_space<hbm>>
    tpu.enqueue_dma source(%dma_start3A_119 : memref<8x128xf32, #tpu.memory_space<hbm>>) target(%dma_start3A_117 : memref<8x128xf32, #tpu.memory_space<vmem>>) target_semaphore(%arg16 : memref<!tpu.dma_semaphore, #tpu.memory_space<semaphore_mem>>)
    %broadcast_in_dim3A_120 = arith.constant 1 : i32
    %broadcast_in_dim3A_121 = vector.broadcast %broadcast_in_dim3A_120 : i32 to vector<16xi32>
    %mul3A_122 = arith.constant 8 : i32
    %mul3A_123 = arith.muli %arg1, %mul3A_122 : i32
    %add3A_124 = arith.constant 3 : i32
    %add3A_125 = arith.addi %mul3A_123, %add3A_124 : i32
    %mul3A_126 = vector.broadcast %add3A_125 : i32 to vector<16xi32>
    %mul3A_127 = arith.muli %broadcast_in_dim3A_121, %mul3A_126 : vector<16xi32>
    %gather3A_128 = tpu.vector_load_idx %arg5[%mul3A_127] : memref<128xi32, #tpu.memory_space<vmem>>[vector<16xi32>], vector<16xi32>,
    %reduce_max3A_129 = arith.constant true
    %reduce_max3A_130 = vector.broadcast %reduce_max3A_129 : i1 to vector<16xi1>
    %reduce_max3A_131 = arith.constant -2147483648 : i32
    %reduce_max3A_132 = vector.broadcast %reduce_max3A_131 : i32 to vector<16xi32>
    %reduce_max3A_133 = arith.xori %gather3A_128, %reduce_max3A_132 : vector<16xi32>
    %reduce_max3A_134 = tpu.scan <max>, %reduce_max3A_133 masked %reduce_max3A_130 : vector<16xi32>, vector<16xi1> -> vector<16xi32>
    %reduce_max3A_135 = arith.xori %reduce_max3A_134, %reduce_max3A_132 : vector<16xi32>
    %reduce_max3A_136 = vector.extract %reduce_max3A_135[15] : i32 from vector<16xi32>
    %shift_right_arithmetic3A_137 = arith.constant 3 : i32
    %shift_right_arithmetic3A_138 = arith.shrsi %reduce_max3A_136, %shift_right_arithmetic3A_137 : i32
    %shift_left3A_139 = arith.constant 3 : i32
    %shift_left3A_140 = arith.shli %shift_right_arithmetic3A_138, %shift_left3A_139 : i32
    %multiple_of3A_141 = tpu.assume_multiple %shift_left3A_140, 8 : i32
    %dma_start3A_142 = arith.constant 3 : i32
    %dma_start3A_143 = arith.constant 0 : i32
    %dma_start3A_144 = arith.constant 0 : i32
    %dma_start3A_145 = tpu.memref_slice %arg6[%dma_start3A_142, %dma_start3A_143, %dma_start3A_144] : memref<8x8x128xf32, #tpu.memory_space<vmem>> -> memref<1x8x128xf32, #tpu.memory_space<vmem>>
    %dma_start3A_146 = tpu.memref_squeeze %dma_start3A_145 : memref<1x8x128xf32, #tpu.memory_space<vmem>> -> memref<8x128xf32, #tpu.memory_space<vmem>>
    %dma_start3A_147 = arith.constant 0 : i32
    %dma_start3A_148 = tpu.memref_slice %arg2[%multiple_of3A_141, %dma_start3A_147] : memref<100000x128xf32, #tpu.memory_space<hbm>> -> memref<8x128xf32, #tpu.memory_space<hbm>>
    %dma_start3A_149 = arith.constant 0 : i32
    %dma_start3A_150 = arith.constant 0 : i32
    %dma_start3A_151 = tpu.memref_slice %arg6[%dma_start3A_142, %dma_start3A_149, %dma_start3A_150] : memref<8x8x128xf32, #tpu.memory_space<vmem>> -> memref<1x8x128xf32, #tpu.memory_space<vmem>>
    %dma_start3A_152 = tpu.memref_squeeze %dma_start3A_151 : memref<1x8x128xf32, #tpu.memory_space<vmem>> -> memref<8x128xf32, #tpu.memory_space<vmem>>
    %dma_start3A_153 = arith.constant 0 : i32
    %dma_start3A_154 = tpu.memref_slice %arg2[%multiple_of3A_141, %dma_start3A_153] : memref<100000x128xf32, #tpu.memory_space<hbm>> -> memref<8x128xf32, #tpu.memory_space<hbm>>
    tpu.enqueue_dma source(%dma_start3A_154 : memref<8x128xf32, #tpu.memory_space<hbm>>) target(%dma_start3A_152 : memref<8x128xf32, #tpu.memory_space<vmem>>) target_semaphore(%arg16 : memref<!tpu.dma_semaphore, #tpu.memory_space<semaphore_mem>>)
    %broadcast_in_dim3A_155 = arith.constant 1 : i32
    %broadcast_in_dim3A_156 = vector.broadcast %broadcast_in_dim3A_155 : i32 to vector<16xi32>
    %mul3A_157 = arith.constant 8 : i32
    %mul3A_158 = arith.muli %arg1, %mul3A_157 : i32
    %add3A_159 = arith.constant 4 : i32
    %add3A_160 = arith.addi %mul3A_158, %add3A_159 : i32
    %mul3A_161 = vector.broadcast %add3A_160 : i32 to vector<16xi32>
    %mul3A_162 = arith.muli %broadcast_in_dim3A_156, %mul3A_161 : vector<16xi32>
    %gather3A_163 = tpu.vector_load_idx %arg5[%mul3A_162] : memref<128xi32, #tpu.memory_space<vmem>>[vector<16xi32>], vector<16xi32>,
    %reduce_max3A_164 = arith.constant true
    %reduce_max3A_165 = vector.broadcast %reduce_max3A_164 : i1 to vector<16xi1>
    %reduce_max3A_166 = arith.constant -2147483648 : i32
    %reduce_max3A_167 = vector.broadcast %reduce_max3A_166 : i32 to vector<16xi32>
    %reduce_max3A_168 = arith.xori %gather3A_163, %reduce_max3A_167 : vector<16xi32>
    %reduce_max3A_169 = tpu.scan <max>, %reduce_max3A_168 masked %reduce_max3A_165 : vector<16xi32>, vector<16xi1> -> vector<16xi32>
    %reduce_max3A_170 = arith.xori %reduce_max3A_169, %reduce_max3A_167 : vector<16xi32>
    %reduce_max3A_171 = vector.extract %reduce_max3A_170[15] : i32 from vector<16xi32>
    %shift_right_arithmetic3A_172 = arith.constant 3 : i32
    %shift_right_arithmetic3A_173 = arith.shrsi %reduce_max3A_171, %shift_right_arithmetic3A_172 : i32
    %shift_left3A_174 = arith.constant 3 : i32
    %shift_left3A_175 = arith.shli %shift_right_arithmetic3A_173, %shift_left3A_174 : i32
    %multiple_of3A_176 = tpu.assume_multiple %shift_left3A_175, 8 : i32
    %dma_start3A_177 = arith.constant 4 : i32
    %dma_start3A_178 = arith.constant 0 : i32
    %dma_start3A_179 = arith.constant 0 : i32
    %dma_start3A_180 = tpu.memref_slice %arg6[%dma_start3A_177, %dma_start3A_178, %dma_start3A_179] : memref<8x8x128xf32, #tpu.memory_space<vmem>> -> memref<1x8x128xf32, #tpu.memory_space<vmem>>
    %dma_start3A_181 = tpu.memref_squeeze %dma_start3A_180 : memref<1x8x128xf32, #tpu.memory_space<vmem>> -> memref<8x128xf32, #tpu.memory_space<vmem>>
    %dma_start3A_182 = arith.constant 0 : i32
    %dma_start3A_183 = tpu.memref_slice %arg2[%multiple_of3A_176, %dma_start3A_182] : memref<100000x128xf32, #tpu.memory_space<hbm>> -> memref<8x128xf32, #tpu.memory_space<hbm>>
    %dma_start3A_184 = arith.constant 0 : i32
    %dma_start3A_185 = arith.constant 0 : i32
    %dma_start3A_186 = tpu.memref_slice %arg6[%dma_start3A_177, %dma_start3A_184, %dma_start3A_185] : memref<8x8x128xf32, #tpu.memory_space<vmem>> -> memref<1x8x128xf32, #tpu.memory_space<vmem>>
    %dma_start3A_187 = tpu.memref_squeeze %dma_start3A_186 : memref<1x8x128xf32, #tpu.memory_space<vmem>> -> memref<8x128xf32, #tpu.memory_space<vmem>>
    %dma_start3A_188 = arith.constant 0 : i32
    %dma_start3A_189 = tpu.memref_slice %arg2[%multiple_of3A_176, %dma_start3A_188] : memref<100000x128xf32, #tpu.memory_space<hbm>> -> memref<8x128xf32, #tpu.memory_space<hbm>>
    tpu.enqueue_dma source(%dma_start3A_189 : memref<8x128xf32, #tpu.memory_space<hbm>>) target(%dma_start3A_187 : memref<8x128xf32, #tpu.memory_space<vmem>>) target_semaphore(%arg16 : memref<!tpu.dma_semaphore, #tpu.memory_space<semaphore_mem>>)
    %broadcast_in_dim3A_190 = arith.constant 1 : i32
    %broadcast_in_dim3A_191 = vector.broadcast %broadcast_in_dim3A_190 : i32 to vector<16xi32>
    %mul3A_192 = arith.constant 8 : i32
    %mul3A_193 = arith.muli %arg1, %mul3A_192 : i32
    %add3A_194 = arith.constant 5 : i32
    %add3A_195 = arith.addi %mul3A_193, %add3A_194 : i32
    %mul3A_196 = vector.broadcast %add3A_195 : i32 to vector<16xi32>
    %mul3A_197 = arith.muli %broadcast_in_dim3A_191, %mul3A_196 : vector<16xi32>
    %gather3A_198 = tpu.vector_load_idx %arg5[%mul3A_197] : memref<128xi32, #tpu.memory_space<vmem>>[vector<16xi32>], vector<16xi32>,
    %reduce_max3A_199 = arith.constant true
    %reduce_max3A_200 = vector.broadcast %reduce_max3A_199 : i1 to vector<16xi1>
    %reduce_max3A_201 = arith.constant -2147483648 : i32
    %reduce_max3A_202 = vector.broadcast %reduce_max3A_201 : i32 to vector<16xi32>
    %reduce_max3A_203 = arith.xori %gather3A_198, %reduce_max3A_202 : vector<16xi32>
    %reduce_max3A_204 = tpu.scan <max>, %reduce_max3A_203 masked %reduce_max3A_200 : vector<16xi32>, vector<16xi1> -> vector<16xi32>
    %reduce_max3A_205 = arith.xori %reduce_max3A_204, %reduce_max3A_202 : vector<16xi32>
    %reduce_max3A_206 = vector.extract %reduce_max3A_205[15] : i32 from vector<16xi32>
    %shift_right_arithmetic3A_207 = arith.constant 3 : i32
    %shift_right_arithmetic3A_208 = arith.shrsi %reduce_max3A_206, %shift_right_arithmetic3A_207 : i32
    %shift_left3A_209 = arith.constant 3 : i32
    %shift_left3A_210 = arith.shli %shift_right_arithmetic3A_208, %shift_left3A_209 : i32
    %multiple_of3A_211 = tpu.assume_multiple %shift_left3A_210, 8 : i32
    %dma_start3A_212 = arith.constant 5 : i32
    %dma_start3A_213 = arith.constant 0 : i32
    %dma_start3A_214 = arith.constant 0 : i32
    %dma_start3A_215 = tpu.memref_slice %arg6[%dma_start3A_212, %dma_start3A_213, %dma_start3A_214] : memref<8x8x128xf32, #tpu.memory_space<vmem>> -> memref<1x8x128xf32, #tpu.memory_space<vmem>>
    %dma_start3A_216 = tpu.memref_squeeze %dma_start3A_215 : memref<1x8x128xf32, #tpu.memory_space<vmem>> -> memref<8x128xf32, #tpu.memory_space<vmem>>
    %dma_start3A_217 = arith.constant 0 : i32
    %dma_start3A_218 = tpu.memref_slice %arg2[%multiple_of3A_211, %dma_start3A_217] : memref<100000x128xf32, #tpu.memory_space<hbm>> -> memref<8x128xf32, #tpu.memory_space<hbm>>
    %dma_start3A_219 = arith.constant 0 : i32
    %dma_start3A_220 = arith.constant 0 : i32
    %dma_start3A_221 = tpu.memref_slice %arg6[%dma_start3A_212, %dma_start3A_219, %dma_start3A_220] : memref<8x8x128xf32, #tpu.memory_space<vmem>> -> memref<1x8x128xf32, #tpu.memory_space<vmem>>
    %dma_start3A_222 = tpu.memref_squeeze %dma_start3A_221 : memref<1x8x128xf32, #tpu.memory_space<vmem>> -> memref<8x128xf32, #tpu.memory_space<vmem>>
    %dma_start3A_223 = arith.constant 0 : i32
    %dma_start3A_224 = tpu.memref_slice %arg2[%multiple_of3A_211, %dma_start3A_223] : memref<100000x128xf32, #tpu.memory_space<hbm>> -> memref<8x128xf32, #tpu.memory_space<hbm>>
    tpu.enqueue_dma source(%dma_start3A_224 : memref<8x128xf32, #tpu.memory_space<hbm>>) target(%dma_start3A_222 : memref<8x128xf32, #tpu.memory_space<vmem>>) target_semaphore(%arg16 : memref<!tpu.dma_semaphore, #tpu.memory_space<semaphore_mem>>)
    %broadcast_in_dim3A_225 = arith.constant 1 : i32
    %broadcast_in_dim3A_226 = vector.broadcast %broadcast_in_dim3A_225 : i32 to vector<16xi32>
    %mul3A_227 = arith.constant 8 : i32
    %mul3A_228 = arith.muli %arg1, %mul3A_227 : i32
    %add3A_229 = arith.constant 6 : i32
    %add3A_230 = arith.addi %mul3A_228, %add3A_229 : i32
    %mul3A_231 = vector.broadcast %add3A_230 : i32 to vector<16xi32>
    %mul3A_232 = arith.muli %broadcast_in_dim3A_226, %mul3A_231 : vector<16xi32>
    %gather3A_233 = tpu.vector_load_idx %arg5[%mul3A_232] : memref<128xi32, #tpu.memory_space<vmem>>[vector<16xi32>], vector<16xi32>,
    %reduce_max3A_234 = arith.constant true
    %reduce_max3A_235 = vector.broadcast %reduce_max3A_234 : i1 to vector<16xi1>
    %reduce_max3A_236 = arith.constant -2147483648 : i32
    %reduce_max3A_237 = vector.broadcast %reduce_max3A_236 : i32 to vector<16xi32>
    %reduce_max3A_238 = arith.xori %gather3A_233, %reduce_max3A_237 : vector<16xi32>
    %reduce_max3A_239 = tpu.scan <max>, %reduce_max3A_238 masked %reduce_max3A_235 : vector<16xi32>, vector<16xi1> -> vector<16xi32>
    %reduce_max3A_240 = arith.xori %reduce_max3A_239, %reduce_max3A_237 : vector<16xi32>
    %reduce_max3A_241 = vector.extract %reduce_max3A_240[15] : i32 from vector<16xi32>
    %shift_right_arithmetic3A_242 = arith.constant 3 : i32
    %shift_right_arithmetic3A_243 = arith.shrsi %reduce_max3A_241, %shift_right_arithmetic3A_242 : i32
    %shift_left3A_244 = arith.constant 3 : i32
    %shift_left3A_245 = arith.shli %shift_right_arithmetic3A_243, %shift_left3A_244 : i32
    %multiple_of3A_246 = tpu.assume_multiple %shift_left3A_245, 8 : i32
    %dma_start3A_247 = arith.constant 6 : i32
    %dma_start3A_248 = arith.constant 0 : i32
    %dma_start3A_249 = arith.constant 0 : i32
    %dma_start3A_250 = tpu.memref_slice %arg6[%dma_start3A_247, %dma_start3A_248, %dma_start3A_249] : memref<8x8x128xf32, #tpu.memory_space<vmem>> -> memref<1x8x128xf32, #tpu.memory_space<vmem>>
    %dma_start3A_251 = tpu.memref_squeeze %dma_start3A_250 : memref<1x8x128xf32, #tpu.memory_space<vmem>> -> memref<8x128xf32, #tpu.memory_space<vmem>>
    %dma_start3A_252 = arith.constant 0 : i32
    %dma_start3A_253 = tpu.memref_slice %arg2[%multiple_of3A_246, %dma_start3A_252] : memref<100000x128xf32, #tpu.memory_space<hbm>> -> memref<8x128xf32, #tpu.memory_space<hbm>>
    %dma_start3A_254 = arith.constant 0 : i32
    %dma_start3A_255 = arith.constant 0 : i32
    %dma_start3A_256 = tpu.memref_slice %arg6[%dma_start3A_247, %dma_start3A_254, %dma_start3A_255] : memref<8x8x128xf32, #tpu.memory_space<vmem>> -> memref<1x8x128xf32, #tpu.memory_space<vmem>>
    %dma_start3A_257 = tpu.memref_squeeze %dma_start3A_256 : memref<1x8x128xf32, #tpu.memory_space<vmem>> -> memref<8x128xf32, #tpu.memory_space<vmem>>
    %dma_start3A_258 = arith.constant 0 : i32
    %dma_start3A_259 = tpu.memref_slice %arg2[%multiple_of3A_246, %dma_start3A_258] : memref<100000x128xf32, #tpu.memory_space<hbm>> -> memref<8x128xf32, #tpu.memory_space<hbm>>
    tpu.enqueue_dma source(%dma_start3A_259 : memref<8x128xf32, #tpu.memory_space<hbm>>) target(%dma_start3A_257 : memref<8x128xf32, #tpu.memory_space<vmem>>) target_semaphore(%arg16 : memref<!tpu.dma_semaphore, #tpu.memory_space<semaphore_mem>>)
    %broadcast_in_dim3A_260 = arith.constant 1 : i32
    %broadcast_in_dim3A_261 = vector.broadcast %broadcast_in_dim3A_260 : i32 to vector<16xi32>
    %mul3A_262 = arith.constant 8 : i32
    %mul3A_263 = arith.muli %arg1, %mul3A_262 : i32
    %add3A_264 = arith.constant 7 : i32
    %add3A_265 = arith.addi %mul3A_263, %add3A_264 : i32
    %mul3A_266 = vector.broadcast %add3A_265 : i32 to vector<16xi32>
    %mul3A_267 = arith.muli %broadcast_in_dim3A_261, %mul3A_266 : vector<16xi32>
    %gather3A_268 = tpu.vector_load_idx %arg5[%mul3A_267] : memref<128xi32, #tpu.memory_space<vmem>>[vector<16xi32>], vector<16xi32>,
    %reduce_max3A_269 = arith.constant true
    %reduce_max3A_270 = vector.broadcast %reduce_max3A_269 : i1 to vector<16xi1>
    %reduce_max3A_271 = arith.constant -2147483648 : i32
    %reduce_max3A_272 = vector.broadcast %reduce_max3A_271 : i32 to vector<16xi32>
    %reduce_max3A_273 = arith.xori %gather3A_268, %reduce_max3A_272 : vector<16xi32>
    %reduce_max3A_274 = tpu.scan <max>, %reduce_max3A_273 masked %reduce_max3A_270 : vector<16xi32>, vector<16xi1> -> vector<16xi32>
    %reduce_max3A_275 = arith.xori %reduce_max3A_274, %reduce_max3A_272 : vector<16xi32>
    %reduce_max3A_276 = vector.extract %reduce_max3A_275[15] : i32 from vector<16xi32>
    %shift_right_arithmetic3A_277 = arith.constant 3 : i32
    %shift_right_arithmetic3A_278 = arith.shrsi %reduce_max3A_276, %shift_right_arithmetic3A_277 : i32
    %shift_left3A_279 = arith.constant 3 : i32
    %shift_left3A_280 = arith.shli %shift_right_arithmetic3A_278, %shift_left3A_279 : i32
    %multiple_of3A_281 = tpu.assume_multiple %shift_left3A_280, 8 : i32
    %dma_start3A_282 = arith.constant 7 : i32
    %dma_start3A_283 = arith.constant 0 : i32
    %dma_start3A_284 = arith.constant 0 : i32
    %dma_start3A_285 = tpu.memref_slice %arg6[%dma_start3A_282, %dma_start3A_283, %dma_start3A_284] : memref<8x8x128xf32, #tpu.memory_space<vmem>> -> memref<1x8x128xf32, #tpu.memory_space<vmem>>
    %dma_start3A_286 = tpu.memref_squeeze %dma_start3A_285 : memref<1x8x128xf32, #tpu.memory_space<vmem>> -> memref<8x128xf32, #tpu.memory_space<vmem>>
    %dma_start3A_287 = arith.constant 0 : i32
    %dma_start3A_288 = tpu.memref_slice %arg2[%multiple_of3A_281, %dma_start3A_287] : memref<100000x128xf32, #tpu.memory_space<hbm>> -> memref<8x128xf32, #tpu.memory_space<hbm>>
    %dma_start3A_289 = arith.constant 0 : i32
    %dma_start3A_290 = arith.constant 0 : i32
    %dma_start3A_291 = tpu.memref_slice %arg6[%dma_start3A_282, %dma_start3A_289, %dma_start3A_290] : memref<8x8x128xf32, #tpu.memory_space<vmem>> -> memref<1x8x128xf32, #tpu.memory_space<vmem>>
    %dma_start3A_292 = tpu.memref_squeeze %dma_start3A_291 : memref<1x8x128xf32, #tpu.memory_space<vmem>> -> memref<8x128xf32, #tpu.memory_space<vmem>>
    %dma_start3A_293 = arith.constant 0 : i32
    %dma_start3A_294 = tpu.memref_slice %arg2[%multiple_of3A_281, %dma_start3A_293] : memref<100000x128xf32, #tpu.memory_space<hbm>> -> memref<8x128xf32, #tpu.memory_space<hbm>>
    tpu.enqueue_dma source(%dma_start3A_294 : memref<8x128xf32, #tpu.memory_space<hbm>>) target(%dma_start3A_292 : memref<8x128xf32, #tpu.memory_space<vmem>>) target_semaphore(%arg16 : memref<!tpu.dma_semaphore, #tpu.memory_space<semaphore_mem>>)
    %dma_wait3A = arith.constant 0 : i32
    %dma_wait3A_295 = arith.constant 0 : i32
    %dma_wait3A_296 = arith.constant 0 : i32
    %dma_wait3A_297 = tpu.memref_slice %arg6[%dma_wait3A, %dma_wait3A_295, %dma_wait3A_296] : memref<8x8x128xf32, #tpu.memory_space<vmem>> -> memref<1x8x128xf32, #tpu.memory_space<vmem>>
    %dma_wait3A_298 = tpu.memref_squeeze %dma_wait3A_297 : memref<1x8x128xf32, #tpu.memory_space<vmem>> -> memref<8x128xf32, #tpu.memory_space<vmem>>
    %dma_wait3A_299 = arith.constant 0 : i32
    %dma_wait3A_300 = tpu.memref_slice %arg2[%multiple_of3A_36, %dma_wait3A_299] : memref<100000x128xf32, #tpu.memory_space<hbm>> -> memref<8x128xf32, #tpu.memory_space<hbm>>
    %dma_wait3A_301 = arith.constant 0 : i32
    %dma_wait3A_302 = arith.constant 0 : i32
    %dma_wait3A_303 = tpu.memref_slice %arg6[%dma_wait3A, %dma_wait3A_301, %dma_wait3A_302] : memref<8x8x128xf32, #tpu.memory_space<vmem>> -> memref<1x8x128xf32, #tpu.memory_space<vmem>>
    %dma_wait3A_304 = tpu.memref_squeeze %dma_wait3A_303 : memref<1x8x128xf32, #tpu.memory_space<vmem>> -> memref<8x128xf32, #tpu.memory_space<vmem>>
    %dma_wait3A_305 = arith.constant 0 : i32
    %dma_wait3A_306 = tpu.memref_slice %arg2[%multiple_of3A_36, %dma_wait3A_305] : memref<100000x128xf32, #tpu.memory_space<hbm>> -> memref<8x128xf32, #tpu.memory_space<hbm>>
    tpu.wait_dma2 semaphore(%arg16 : memref<!tpu.dma_semaphore, #tpu.memory_space<semaphore_mem>>) src(%dma_wait3A_306 : memref<8x128xf32, #tpu.memory_space<hbm>>) dst(%dma_wait3A_304 : memref<8x128xf32, #tpu.memory_space<vmem>>)
    %dma_wait3A_307 = arith.constant 1 : i32
    %dma_wait3A_308 = arith.constant 0 : i32
    %dma_wait3A_309 = arith.constant 0 : i32
    %dma_wait3A_310 = tpu.memref_slice %arg6[%dma_wait3A_307, %dma_wait3A_308, %dma_wait3A_309] : memref<8x8x128xf32, #tpu.memory_space<vmem>> -> memref<1x8x128xf32, #tpu.memory_space<vmem>>
    %dma_wait3A_311 = tpu.memref_squeeze %dma_wait3A_310 : memref<1x8x128xf32, #tpu.memory_space<vmem>> -> memref<8x128xf32, #tpu.memory_space<vmem>>
    %dma_wait3A_312 = arith.constant 0 : i32
    %dma_wait3A_313 = tpu.memref_slice %arg2[%multiple_of3A_71, %dma_wait3A_312] : memref<100000x128xf32, #tpu.memory_space<hbm>> -> memref<8x128xf32, #tpu.memory_space<hbm>>
    %dma_wait3A_314 = arith.constant 0 : i32
    %dma_wait3A_315 = arith.constant 0 : i32
    %dma_wait3A_316 = tpu.memref_slice %arg6[%dma_wait3A_307, %dma_wait3A_314, %dma_wait3A_315] : memref<8x8x128xf32, #tpu.memory_space<vmem>> -> memref<1x8x128xf32, #tpu.memory_space<vmem>>
    %dma_wait3A_317 = tpu.memref_squeeze %dma_wait3A_316 : memref<1x8x128xf32, #tpu.memory_space<vmem>> -> memref<8x128xf32, #tpu.memory_space<vmem>>
    %dma_wait3A_318 = arith.constant 0 : i32
    %dma_wait3A_319 = tpu.memref_slice %arg2[%multiple_of3A_71, %dma_wait3A_318] : memref<100000x128xf32, #tpu.memory_space<hbm>> -> memref<8x128xf32, #tpu.memory_space<hbm>>
    tpu.wait_dma2 semaphore(%arg16 : memref<!tpu.dma_semaphore, #tpu.memory_space<semaphore_mem>>) src(%dma_wait3A_319 : memref<8x128xf32, #tpu.memory_space<hbm>>) dst(%dma_wait3A_317 : memref<8x128xf32, #tpu.memory_space<vmem>>)
    %dma_wait3A_320 = arith.constant 2 : i32
    %dma_wait3A_321 = arith.constant 0 : i32
    %dma_wait3A_322 = arith.constant 0 : i32
    %dma_wait3A_323 = tpu.memref_slice %arg6[%dma_wait3A_320, %dma_wait3A_321, %dma_wait3A_322] : memref<8x8x128xf32, #tpu.memory_space<vmem>> -> memref<1x8x128xf32, #tpu.memory_space<vmem>>
    %dma_wait3A_324 = tpu.memref_squeeze %dma_wait3A_323 : memref<1x8x128xf32, #tpu.memory_space<vmem>> -> memref<8x128xf32, #tpu.memory_space<vmem>>
    %dma_wait3A_325 = arith.constant 0 : i32
    %dma_wait3A_326 = tpu.memref_slice %arg2[%multiple_of3A_106, %dma_wait3A_325] : memref<100000x128xf32, #tpu.memory_space<hbm>> -> memref<8x128xf32, #tpu.memory_space<hbm>>
    %dma_wait3A_327 = arith.constant 0 : i32
    %dma_wait3A_328 = arith.constant 0 : i32
    %dma_wait3A_329 = tpu.memref_slice %arg6[%dma_wait3A_320, %dma_wait3A_327, %dma_wait3A_328] : memref<8x8x128xf32, #tpu.memory_space<vmem>> -> memref<1x8x128xf32, #tpu.memory_space<vmem>>
    %dma_wait3A_330 = tpu.memref_squeeze %dma_wait3A_329 : memref<1x8x128xf32, #tpu.memory_space<vmem>> -> memref<8x128xf32, #tpu.memory_space<vmem>>
    %dma_wait3A_331 = arith.constant 0 : i32
    %dma_wait3A_332 = tpu.memref_slice %arg2[%multiple_of3A_106, %dma_wait3A_331] : memref<100000x128xf32, #tpu.memory_space<hbm>> -> memref<8x128xf32, #tpu.memory_space<hbm>>
    tpu.wait_dma2 semaphore(%arg16 : memref<!tpu.dma_semaphore, #tpu.memory_space<semaphore_mem>>) src(%dma_wait3A_332 : memref<8x128xf32, #tpu.memory_space<hbm>>) dst(%dma_wait3A_330 : memref<8x128xf32, #tpu.memory_space<vmem>>)
    %dma_wait3A_333 = arith.constant 3 : i32
    %dma_wait3A_334 = arith.constant 0 : i32
    %dma_wait3A_335 = arith.constant 0 : i32
    %dma_wait3A_336 = tpu.memref_slice %arg6[%dma_wait3A_333, %dma_wait3A_334, %dma_wait3A_335] : memref<8x8x128xf32, #tpu.memory_space<vmem>> -> memref<1x8x128xf32, #tpu.memory_space<vmem>>
    %dma_wait3A_337 = tpu.memref_squeeze %dma_wait3A_336 : memref<1x8x128xf32, #tpu.memory_space<vmem>> -> memref<8x128xf32, #tpu.memory_space<vmem>>
    %dma_wait3A_338 = arith.constant 0 : i32
    %dma_wait3A_339 = tpu.memref_slice %arg2[%multiple_of3A_141, %dma_wait3A_338] : memref<100000x128xf32, #tpu.memory_space<hbm>> -> memref<8x128xf32, #tpu.memory_space<hbm>>
    %dma_wait3A_340 = arith.constant 0 : i32
    %dma_wait3A_341 = arith.constant 0 : i32
    %dma_wait3A_342 = tpu.memref_slice %arg6[%dma_wait3A_333, %dma_wait3A_340, %dma_wait3A_341] : memref<8x8x128xf32, #tpu.memory_space<vmem>> -> memref<1x8x128xf32, #tpu.memory_space<vmem>>
    %dma_wait3A_343 = tpu.memref_squeeze %dma_wait3A_342 : memref<1x8x128xf32, #tpu.memory_space<vmem>> -> memref<8x128xf32, #tpu.memory_space<vmem>>
    %dma_wait3A_344 = arith.constant 0 : i32
    %dma_wait3A_345 = tpu.memref_slice %arg2[%multiple_of3A_141, %dma_wait3A_344] : memref<100000x128xf32, #tpu.memory_space<hbm>> -> memref<8x128xf32, #tpu.memory_space<hbm>>
    tpu.wait_dma2 semaphore(%arg16 : memref<!tpu.dma_semaphore, #tpu.memory_space<semaphore_mem>>) src(%dma_wait3A_345 : memref<8x128xf32, #tpu.memory_space<hbm>>) dst(%dma_wait3A_343 : memref<8x128xf32, #tpu.memory_space<vmem>>)
    %dma_wait3A_346 = arith.constant 4 : i32
    %dma_wait3A_347 = arith.constant 0 : i32
    %dma_wait3A_348 = arith.constant 0 : i32
    %dma_wait3A_349 = tpu.memref_slice %arg6[%dma_wait3A_346, %dma_wait3A_347, %dma_wait3A_348] : memref<8x8x128xf32, #tpu.memory_space<vmem>> -> memref<1x8x128xf32, #tpu.memory_space<vmem>>
    %dma_wait3A_350 = tpu.memref_squeeze %dma_wait3A_349 : memref<1x8x128xf32, #tpu.memory_space<vmem>> -> memref<8x128xf32, #tpu.memory_space<vmem>>
    %dma_wait3A_351 = arith.constant 0 : i32
    %dma_wait3A_352 = tpu.memref_slice %arg2[%multiple_of3A_176, %dma_wait3A_351] : memref<100000x128xf32, #tpu.memory_space<hbm>> -> memref<8x128xf32, #tpu.memory_space<hbm>>
    %dma_wait3A_353 = arith.constant 0 : i32
    %dma_wait3A_354 = arith.constant 0 : i32
    %dma_wait3A_355 = tpu.memref_slice %arg6[%dma_wait3A_346, %dma_wait3A_353, %dma_wait3A_354] : memref<8x8x128xf32, #tpu.memory_space<vmem>> -> memref<1x8x128xf32, #tpu.memory_space<vmem>>
    %dma_wait3A_356 = tpu.memref_squeeze %dma_wait3A_355 : memref<1x8x128xf32, #tpu.memory_space<vmem>> -> memref<8x128xf32, #tpu.memory_space<vmem>>
    %dma_wait3A_357 = arith.constant 0 : i32
    %dma_wait3A_358 = tpu.memref_slice %arg2[%multiple_of3A_176, %dma_wait3A_357] : memref<100000x128xf32, #tpu.memory_space<hbm>> -> memref<8x128xf32, #tpu.memory_space<hbm>>
    tpu.wait_dma2 semaphore(%arg16 : memref<!tpu.dma_semaphore, #tpu.memory_space<semaphore_mem>>) src(%dma_wait3A_358 : memref<8x128xf32, #tpu.memory_space<hbm>>) dst(%dma_wait3A_356 : memref<8x128xf32, #tpu.memory_space<vmem>>)
    %dma_wait3A_359 = arith.constant 5 : i32
    %dma_wait3A_360 = arith.constant 0 : i32
    %dma_wait3A_361 = arith.constant 0 : i32
    %dma_wait3A_362 = tpu.memref_slice %arg6[%dma_wait3A_359, %dma_wait3A_360, %dma_wait3A_361] : memref<8x8x128xf32, #tpu.memory_space<vmem>> -> memref<1x8x128xf32, #tpu.memory_space<vmem>>
    %dma_wait3A_363 = tpu.memref_squeeze %dma_wait3A_362 : memref<1x8x128xf32, #tpu.memory_space<vmem>> -> memref<8x128xf32, #tpu.memory_space<vmem>>
    %dma_wait3A_364 = arith.constant 0 : i32
    %dma_wait3A_365 = tpu.memref_slice %arg2[%multiple_of3A_211, %dma_wait3A_364] : memref<100000x128xf32, #tpu.memory_space<hbm>> -> memref<8x128xf32, #tpu.memory_space<hbm>>
    %dma_wait3A_366 = arith.constant 0 : i32
    %dma_wait3A_367 = arith.constant 0 : i32
    %dma_wait3A_368 = tpu.memref_slice %arg6[%dma_wait3A_359, %dma_wait3A_366, %dma_wait3A_367] : memref<8x8x128xf32, #tpu.memory_space<vmem>> -> memref<1x8x128xf32, #tpu.memory_space<vmem>>
    %dma_wait3A_369 = tpu.memref_squeeze %dma_wait3A_368 : memref<1x8x128xf32, #tpu.memory_space<vmem>> -> memref<8x128xf32, #tpu.memory_space<vmem>>
    %dma_wait3A_370 = arith.constant 0 : i32
    %dma_wait3A_371 = tpu.memref_slice %arg2[%multiple_of3A_211, %dma_wait3A_370] : memref<100000x128xf32, #tpu.memory_space<hbm>> -> memref<8x128xf32, #tpu.memory_space<hbm>>
    tpu.wait_dma2 semaphore(%arg16 : memref<!tpu.dma_semaphore, #tpu.memory_space<semaphore_mem>>) src(%dma_wait3A_371 : memref<8x128xf32, #tpu.memory_space<hbm>>) dst(%dma_wait3A_369 : memref<8x128xf32, #tpu.memory_space<vmem>>)
    %dma_wait3A_372 = arith.constant 6 : i32
    %dma_wait3A_373 = arith.constant 0 : i32
    %dma_wait3A_374 = arith.constant 0 : i32
    %dma_wait3A_375 = tpu.memref_slice %arg6[%dma_wait3A_372, %dma_wait3A_373, %dma_wait3A_374] : memref<8x8x128xf32, #tpu.memory_space<vmem>> -> memref<1x8x128xf32, #tpu.memory_space<vmem>>
    %dma_wait3A_376 = tpu.memref_squeeze %dma_wait3A_375 : memref<1x8x128xf32, #tpu.memory_space<vmem>> -> memref<8x128xf32, #tpu.memory_space<vmem>>
    %dma_wait3A_377 = arith.constant 0 : i32
    %dma_wait3A_378 = tpu.memref_slice %arg2[%multiple_of3A_246, %dma_wait3A_377] : memref<100000x128xf32, #tpu.memory_space<hbm>> -> memref<8x128xf32, #tpu.memory_space<hbm>>
    %dma_wait3A_379 = arith.constant 0 : i32
    %dma_wait3A_380 = arith.constant 0 : i32
    %dma_wait3A_381 = tpu.memref_slice %arg6[%dma_wait3A_372, %dma_wait3A_379, %dma_wait3A_380] : memref<8x8x128xf32, #tpu.memory_space<vmem>> -> memref<1x8x128xf32, #tpu.memory_space<vmem>>
    %dma_wait3A_382 = tpu.memref_squeeze %dma_wait3A_381 : memref<1x8x128xf32, #tpu.memory_space<vmem>> -> memref<8x128xf32, #tpu.memory_space<vmem>>
    %dma_wait3A_383 = arith.constant 0 : i32
    %dma_wait3A_384 = tpu.memref_slice %arg2[%multiple_of3A_246, %dma_wait3A_383] : memref<100000x128xf32, #tpu.memory_space<hbm>> -> memref<8x128xf32, #tpu.memory_space<hbm>>
    tpu.wait_dma2 semaphore(%arg16 : memref<!tpu.dma_semaphore, #tpu.memory_space<semaphore_mem>>) src(%dma_wait3A_384 : memref<8x128xf32, #tpu.memory_space<hbm>>) dst(%dma_wait3A_382 : memref<8x128xf32, #tpu.memory_space<vmem>>)
    %dma_wait3A_385 = arith.constant 7 : i32
    %dma_wait3A_386 = arith.constant 0 : i32
    %dma_wait3A_387 = arith.constant 0 : i32
    %dma_wait3A_388 = tpu.memref_slice %arg6[%dma_wait3A_385, %dma_wait3A_386, %dma_wait3A_387] : memref<8x8x128xf32, #tpu.memory_space<vmem>> -> memref<1x8x128xf32, #tpu.memory_space<vmem>>
    %dma_wait3A_389 = tpu.memref_squeeze %dma_wait3A_388 : memref<1x8x128xf32, #tpu.memory_space<vmem>> -> memref<8x128xf32, #tpu.memory_space<vmem>>
    %dma_wait3A_390 = arith.constant 0 : i32
    %dma_wait3A_391 = tpu.memref_slice %arg2[%multiple_of3A_281, %dma_wait3A_390] : memref<100000x128xf32, #tpu.memory_space<hbm>> -> memref<8x128xf32, #tpu.memory_space<hbm>>
    %dma_wait3A_392 = arith.constant 0 : i32
    %dma_wait3A_393 = arith.constant 0 : i32
    %dma_wait3A_394 = tpu.memref_slice %arg6[%dma_wait3A_385, %dma_wait3A_392, %dma_wait3A_393] : memref<8x8x128xf32, #tpu.memory_space<vmem>> -> memref<1x8x128xf32, #tpu.memory_space<vmem>>
    %dma_wait3A_395 = tpu.memref_squeeze %dma_wait3A_394 : memref<1x8x128xf32, #tpu.memory_space<vmem>> -> memref<8x128xf32, #tpu.memory_space<vmem>>
    %dma_wait3A_396 = arith.constant 0 : i32
    %dma_wait3A_397 = tpu.memref_slice %arg2[%multiple_of3A_281, %dma_wait3A_396] : memref<100000x128xf32, #tpu.memory_space<hbm>> -> memref<8x128xf32, #tpu.memory_space<hbm>>
    tpu.wait_dma2 semaphore(%arg16 : memref<!tpu.dma_semaphore, #tpu.memory_space<semaphore_mem>>) src(%dma_wait3A_397 : memref<8x128xf32, #tpu.memory_space<hbm>>) dst(%dma_wait3A_395 : memref<8x128xf32, #tpu.memory_space<vmem>>)
    %mul3A_398 = arith.constant 8 : i32
    %mul3A_399 = arith.muli %arg1, %mul3A_398 : i32
    %and3A = arith.constant 15 : i32
    %and3A_400 = arith.andi %mul3A_399, %and3A : i32
    %broadcast_in_dim3A_401 = arith.constant 0.000000e+00 : f32
    %broadcast_in_dim3A_402 = vector.broadcast %broadcast_in_dim3A_401 : f32 to vector<16xf32>
    %mul3A_403 = arith.constant 8 : i32
    %mul3A_404 = arith.muli %arg1, %mul3A_403 : i32
    %add3A_405 = arith.constant 0 : i32
    %add3A_406 = arith.addi %mul3A_404, %add3A_405 : i32
    %broadcast_in_dim3A_407 = arith.constant 0 : i32
    %broadcast_in_dim3A_408 = vector.broadcast %broadcast_in_dim3A_407 : i32 to vector<16xi32>
    %broadcast_in_dim3A_409 = arith.constant 1 : i32
    %broadcast_in_dim3A_410 = vector.broadcast %broadcast_in_dim3A_409 : i32 to vector<16xi32>
    %and3A_411 = arith.constant 7 : i32
    %and3A_412 = arith.andi %reduce_max3A_33, %and3A_411 : i32
    %mul3A_413 = vector.broadcast %and3A_412 : i32 to vector<16xi32>
    %mul3A_414 = arith.muli %broadcast_in_dim3A_410, %mul3A_413 : vector<16xi32>
    %broadcast_in_dim3A_415 = arith.constant 1 : i32
    %broadcast_in_dim3A_416 = vector.broadcast %broadcast_in_dim3A_415 : i32 to vector<16xi32>
    %mul3A_417 = vector.broadcast %add3A_406 : i32 to vector<16xi32>
    %mul3A_418 = arith.muli %broadcast_in_dim3A_416, %mul3A_417 : vector<16xi32>
    %gather3A_419 = tpu.vector_load_idx %arg6[%broadcast_in_dim3A_408, %mul3A_414, %mul3A_418] : memref<8x8x128xf32, #tpu.memory_space<vmem>>[vector<16xi32>, vector<16xi32>, vector<16xi32>], vector<16xf32>,
    %add3A_420 = arith.constant 0 : i32
    %add3A_421 = arith.addi %and3A_400, %add3A_420 : i32
    %eq3A = vector.broadcast %add3A_421 : i32 to vector<16xi32>
    %eq3A_422 = arith.cmpi eq, %iota3A, %eq3A : vector<16xi32>
    %select_n3A = arith.select %eq3A_422, %gather3A_419, %broadcast_in_dim3A_402 : vector<16xi1>, vector<16xf32>
    %mul3A_423 = arith.constant 8 : i32
    %mul3A_424 = arith.muli %arg1, %mul3A_423 : i32
    %add3A_425 = arith.constant 1 : i32
    %add3A_426 = arith.addi %mul3A_424, %add3A_425 : i32
    %broadcast_in_dim3A_427 = arith.constant 1 : i32
    %broadcast_in_dim3A_428 = vector.broadcast %broadcast_in_dim3A_427 : i32 to vector<16xi32>
    %broadcast_in_dim3A_429 = arith.constant 1 : i32
    %broadcast_in_dim3A_430 = vector.broadcast %broadcast_in_dim3A_429 : i32 to vector<16xi32>
    %and3A_431 = arith.constant 7 : i32
    %and3A_432 = arith.andi %reduce_max3A_66, %and3A_431 : i32
    %mul3A_433 = vector.broadcast %and3A_432 : i32 to vector<16xi32>
    %mul3A_434 = arith.muli %broadcast_in_dim3A_430, %mul3A_433 : vector<16xi32>
    %broadcast_in_dim3A_435 = arith.constant 1 : i32
    %broadcast_in_dim3A_436 = vector.broadcast %broadcast_in_dim3A_435 : i32 to vector<16xi32>
    %mul3A_437 = vector.broadcast %add3A_426 : i32 to vector<16xi32>
    %mul3A_438 = arith.muli %broadcast_in_dim3A_436, %mul3A_437 : vector<16xi32>
    %gather3A_439 = tpu.vector_load_idx %arg6[%broadcast_in_dim3A_428, %mul3A_434, %mul3A_438] : memref<8x8x128xf32, #tpu.memory_space<vmem>>[vector<16xi32>, vector<16xi32>, vector<16xi32>], vector<16xf32>,
    %add3A_440 = arith.constant 1 : i32
    %add3A_441 = arith.addi %and3A_400, %add3A_440 : i32
    %eq3A_442 = vector.broadcast %add3A_441 : i32 to vector<16xi32>
    %eq3A_443 = arith.cmpi eq, %iota3A, %eq3A_442 : vector<16xi32>
    %select_n3A_444 = arith.select %eq3A_443, %gather3A_439, %select_n3A : vector<16xi1>, vector<16xf32>
    %mul3A_445 = arith.constant 8 : i32
    %mul3A_446 = arith.muli %arg1, %mul3A_445 : i32
    %add3A_447 = arith.constant 2 : i32
    %add3A_448 = arith.addi %mul3A_446, %add3A_447 : i32
    %broadcast_in_dim3A_449 = arith.constant 2 : i32
    %broadcast_in_dim3A_450 = vector.broadcast %broadcast_in_dim3A_449 : i32 to vector<16xi32>
    %broadcast_in_dim3A_451 = arith.constant 1 : i32
    %broadcast_in_dim3A_452 = vector.broadcast %broadcast_in_dim3A_451 : i32 to vector<16xi32>
    %and3A_453 = arith.constant 7 : i32
    %and3A_454 = arith.andi %reduce_max3A_101, %and3A_453 : i32
    %mul3A_455 = vector.broadcast %and3A_454 : i32 to vector<16xi32>
    %mul3A_456 = arith.muli %broadcast_in_dim3A_452, %mul3A_455 : vector<16xi32>
    %broadcast_in_dim3A_457 = arith.constant 1 : i32
    %broadcast_in_dim3A_458 = vector.broadcast %broadcast_in_dim3A_457 : i32 to vector<16xi32>
    %mul3A_459 = vector.broadcast %add3A_448 : i32 to vector<16xi32>
    %mul3A_460 = arith.muli %broadcast_in_dim3A_458, %mul3A_459 : vector<16xi32>
    %gather3A_461 = tpu.vector_load_idx %arg6[%broadcast_in_dim3A_450, %mul3A_456, %mul3A_460] : memref<8x8x128xf32, #tpu.memory_space<vmem>>[vector<16xi32>, vector<16xi32>, vector<16xi32>], vector<16xf32>,
    %add3A_462 = arith.constant 2 : i32
    %add3A_463 = arith.addi %and3A_400, %add3A_462 : i32
    %eq3A_464 = vector.broadcast %add3A_463 : i32 to vector<16xi32>
    %eq3A_465 = arith.cmpi eq, %iota3A, %eq3A_464 : vector<16xi32>
    %select_n3A_466 = arith.select %eq3A_465, %gather3A_461, %select_n3A_444 : vector<16xi1>, vector<16xf32>
    %mul3A_467 = arith.constant 8 : i32
    %mul3A_468 = arith.muli %arg1, %mul3A_467 : i32
    %add3A_469 = arith.constant 3 : i32
    %add3A_470 = arith.addi %mul3A_468, %add3A_469 : i32
    %broadcast_in_dim3A_471 = arith.constant 3 : i32
    %broadcast_in_dim3A_472 = vector.broadcast %broadcast_in_dim3A_471 : i32 to vector<16xi32>
    %broadcast_in_dim3A_473 = arith.constant 1 : i32
    %broadcast_in_dim3A_474 = vector.broadcast %broadcast_in_dim3A_473 : i32 to vector<16xi32>
    %and3A_475 = arith.constant 7 : i32
    %and3A_476 = arith.andi %reduce_max3A_136, %and3A_475 : i32
    %mul3A_477 = vector.broadcast %and3A_476 : i32 to vector<16xi32>
    %mul3A_478 = arith.muli %broadcast_in_dim3A_474, %mul3A_477 : vector<16xi32>
    %broadcast_in_dim3A_479 = arith.constant 1 : i32
    %broadcast_in_dim3A_480 = vector.broadcast %broadcast_in_dim3A_479 : i32 to vector<16xi32>
    %mul3A_481 = vector.broadcast %add3A_470 : i32 to vector<16xi32>
    %mul3A_482 = arith.muli %broadcast_in_dim3A_480, %mul3A_481 : vector<16xi32>
    %gather3A_483 = tpu.vector_load_idx %arg6[%broadcast_in_dim3A_472, %mul3A_478, %mul3A_482] : memref<8x8x128xf32, #tpu.memory_space<vmem>>[vector<16xi32>, vector<16xi32>, vector<16xi32>], vector<16xf32>,
    %add3A_484 = arith.constant 3 : i32
    %add3A_485 = arith.addi %and3A_400, %add3A_484 : i32
    %eq3A_486 = vector.broadcast %add3A_485 : i32 to vector<16xi32>
    %eq3A_487 = arith.cmpi eq, %iota3A, %eq3A_486 : vector<16xi32>
    %select_n3A_488 = arith.select %eq3A_487, %gather3A_483, %select_n3A_466 : vector<16xi1>, vector<16xf32>
    %mul3A_489 = arith.constant 8 : i32
    %mul3A_490 = arith.muli %arg1, %mul3A_489 : i32
    %add3A_491 = arith.constant 4 : i32
    %add3A_492 = arith.addi %mul3A_490, %add3A_491 : i32
    %broadcast_in_dim3A_493 = arith.constant 4 : i32
    %broadcast_in_dim3A_494 = vector.broadcast %broadcast_in_dim3A_493 : i32 to vector<16xi32>
    %broadcast_in_dim3A_495 = arith.constant 1 : i32
    %broadcast_in_dim3A_496 = vector.broadcast %broadcast_in_dim3A_495 : i32 to vector<16xi32>
    %and3A_497 = arith.constant 7 : i32
    %and3A_498 = arith.andi %reduce_max3A_171, %and3A_497 : i32
    %mul3A_499 = vector.broadcast %and3A_498 : i32 to vector<16xi32>
    %mul3A_500 = arith.muli %broadcast_in_dim3A_496, %mul3A_499 : vector<16xi32>
    %broadcast_in_dim3A_501 = arith.constant 1 : i32
    %broadcast_in_dim3A_502 = vector.broadcast %broadcast_in_dim3A_501 : i32 to vector<16xi32>
    %mul3A_503 = vector.broadcast %add3A_492 : i32 to vector<16xi32>
    %mul3A_504 = arith.muli %broadcast_in_dim3A_502, %mul3A_503 : vector<16xi32>
    %gather3A_505 = tpu.vector_load_idx %arg6[%broadcast_in_dim3A_494, %mul3A_500, %mul3A_504] : memref<8x8x128xf32, #tpu.memory_space<vmem>>[vector<16xi32>, vector<16xi32>, vector<16xi32>], vector<16xf32>,
    %add3A_506 = arith.constant 4 : i32
    %add3A_507 = arith.addi %and3A_400, %add3A_506 : i32
    %eq3A_508 = vector.broadcast %add3A_507 : i32 to vector<16xi32>
    %eq3A_509 = arith.cmpi eq, %iota3A, %eq3A_508 : vector<16xi32>
    %select_n3A_510 = arith.select %eq3A_509, %gather3A_505, %select_n3A_488 : vector<16xi1>, vector<16xf32>
    %mul3A_511 = arith.constant 8 : i32
    %mul3A_512 = arith.muli %arg1, %mul3A_511 : i32
    %add3A_513 = arith.constant 5 : i32
    %add3A_514 = arith.addi %mul3A_512, %add3A_513 : i32
    %broadcast_in_dim3A_515 = arith.constant 5 : i32
    %broadcast_in_dim3A_516 = vector.broadcast %broadcast_in_dim3A_515 : i32 to vector<16xi32>
    %broadcast_in_dim3A_517 = arith.constant 1 : i32
    %broadcast_in_dim3A_518 = vector.broadcast %broadcast_in_dim3A_517 : i32 to vector<16xi32>
    %and3A_519 = arith.constant 7 : i32
    %and3A_520 = arith.andi %reduce_max3A_206, %and3A_519 : i32
    %mul3A_521 = vector.broadcast %and3A_520 : i32 to vector<16xi32>
    %mul3A_522 = arith.muli %broadcast_in_dim3A_518, %mul3A_521 : vector<16xi32>
    %broadcast_in_dim3A_523 = arith.constant 1 : i32
    %broadcast_in_dim3A_524 = vector.broadcast %broadcast_in_dim3A_523 : i32 to vector<16xi32>
    %mul3A_525 = vector.broadcast %add3A_514 : i32 to vector<16xi32>
    %mul3A_526 = arith.muli %broadcast_in_dim3A_524, %mul3A_525 : vector<16xi32>
    %gather3A_527 = tpu.vector_load_idx %arg6[%broadcast_in_dim3A_516, %mul3A_522, %mul3A_526] : memref<8x8x128xf32, #tpu.memory_space<vmem>>[vector<16xi32>, vector<16xi32>, vector<16xi32>], vector<16xf32>,
    %add3A_528 = arith.constant 5 : i32
    %add3A_529 = arith.addi %and3A_400, %add3A_528 : i32
    %eq3A_530 = vector.broadcast %add3A_529 : i32 to vector<16xi32>
    %eq3A_531 = arith.cmpi eq, %iota3A, %eq3A_530 : vector<16xi32>
    %select_n3A_532 = arith.select %eq3A_531, %gather3A_527, %select_n3A_510 : vector<16xi1>, vector<16xf32>
    %mul3A_533 = arith.constant 8 : i32
    %mul3A_534 = arith.muli %arg1, %mul3A_533 : i32
    %add3A_535 = arith.constant 6 : i32
    %add3A_536 = arith.addi %mul3A_534, %add3A_535 : i32
    %broadcast_in_dim3A_537 = arith.constant 6 : i32
    %broadcast_in_dim3A_538 = vector.broadcast %broadcast_in_dim3A_537 : i32 to vector<16xi32>
    %broadcast_in_dim3A_539 = arith.constant 1 : i32
    %broadcast_in_dim3A_540 = vector.broadcast %broadcast_in_dim3A_539 : i32 to vector<16xi32>
    %and3A_541 = arith.constant 7 : i32
    %and3A_542 = arith.andi %reduce_max3A_241, %and3A_541 : i32
    %mul3A_543 = vector.broadcast %and3A_542 : i32 to vector<16xi32>
    %mul3A_544 = arith.muli %broadcast_in_dim3A_540, %mul3A_543 : vector<16xi32>
    %broadcast_in_dim3A_545 = arith.constant 1 : i32
    %broadcast_in_dim3A_546 = vector.broadcast %broadcast_in_dim3A_545 : i32 to vector<16xi32>
    %mul3A_547 = vector.broadcast %add3A_536 : i32 to vector<16xi32>
    %mul3A_548 = arith.muli %broadcast_in_dim3A_546, %mul3A_547 : vector<16xi32>
    %gather3A_549 = tpu.vector_load_idx %arg6[%broadcast_in_dim3A_538, %mul3A_544, %mul3A_548] : memref<8x8x128xf32, #tpu.memory_space<vmem>>[vector<16xi32>, vector<16xi32>, vector<16xi32>], vector<16xf32>,
    %add3A_550 = arith.constant 6 : i32
    %add3A_551 = arith.addi %and3A_400, %add3A_550 : i32
    %eq3A_552 = vector.broadcast %add3A_551 : i32 to vector<16xi32>
    %eq3A_553 = arith.cmpi eq, %iota3A, %eq3A_552 : vector<16xi32>
    %select_n3A_554 = arith.select %eq3A_553, %gather3A_549, %select_n3A_532 : vector<16xi1>, vector<16xf32>
    %mul3A_555 = arith.constant 8 : i32
    %mul3A_556 = arith.muli %arg1, %mul3A_555 : i32
    %add3A_557 = arith.constant 7 : i32
    %add3A_558 = arith.addi %mul3A_556, %add3A_557 : i32
    %broadcast_in_dim3A_559 = arith.constant 7 : i32
    %broadcast_in_dim3A_560 = vector.broadcast %broadcast_in_dim3A_559 : i32 to vector<16xi32>
    %broadcast_in_dim3A_561 = arith.constant 1 : i32
    %broadcast_in_dim3A_562 = vector.broadcast %broadcast_in_dim3A_561 : i32 to vector<16xi32>
    %and3A_563 = arith.constant 7 : i32
    %and3A_564 = arith.andi %reduce_max3A_276, %and3A_563 : i32
    %mul3A_565 = vector.broadcast %and3A_564 : i32 to vector<16xi32>
    %mul3A_566 = arith.muli %broadcast_in_dim3A_562, %mul3A_565 : vector<16xi32>
    %broadcast_in_dim3A_567 = arith.constant 1 : i32
    %broadcast_in_dim3A_568 = vector.broadcast %broadcast_in_dim3A_567 : i32 to vector<16xi32>
    %mul3A_569 = vector.broadcast %add3A_558 : i32 to vector<16xi32>
    %mul3A_570 = arith.muli %broadcast_in_dim3A_568, %mul3A_569 : vector<16xi32>
    %gather3A_571 = tpu.vector_load_idx %arg6[%broadcast_in_dim3A_560, %mul3A_566, %mul3A_570] : memref<8x8x128xf32, #tpu.memory_space<vmem>>[vector<16xi32>, vector<16xi32>, vector<16xi32>], vector<16xf32>,
    %add3A_572 = arith.constant 7 : i32
    %add3A_573 = arith.addi %and3A_400, %add3A_572 : i32
    %eq3A_574 = vector.broadcast %add3A_573 : i32 to vector<16xi32>
    %eq3A_575 = arith.cmpi eq, %iota3A, %eq3A_574 : vector<16xi32>
    %select_n3A_576 = arith.select %eq3A_575, %gather3A_571, %select_n3A_554 : vector<16xi1>, vector<16xf32>
    %swap3A = arith.constant 0 : index
    %swap3A_577 = tpu.vector_load %arg11[%swap3A] {strides = array<i32>} : memref<16xf32, #tpu.memory_space<vmem>>, vector<16xf32>,
    tpu.vector_store %arg11[%swap3A], %select_n3A_576 {strides = array<i32>} : memref<16xf32, #tpu.memory_space<vmem>>, vector<16xf32>,
    "tpu.region"() ({
      %run_scoped3A = tpu.sem_alloc : memref<!tpu.dma_semaphore, #tpu.memory_space<semaphore_mem>>
      %dma_start3A_986 = arith.constant 0 : i32
      %dma_start3A_987 = tpu.memref_slice %arg13[%arg1, %dma_start3A_986] : memref<16x16xf32, #tpu.memory_space<vmem_shared>> -> memref<1x16xf32, #tpu.memory_space<vmem_shared>>
      %dma_start3A_988 = tpu.memref_squeeze %dma_start3A_987 : memref<1x16xf32, #tpu.memory_space<vmem_shared>> -> memref<16xf32, #tpu.memory_space<vmem_shared>>
      %dma_start3A_989 = arith.constant 0 : i32
      %dma_start3A_990 = tpu.memref_slice %arg13[%arg1, %dma_start3A_989] : memref<16x16xf32, #tpu.memory_space<vmem_shared>> -> memref<1x16xf32, #tpu.memory_space<vmem_shared>>
      %dma_start3A_991 = tpu.memref_squeeze %dma_start3A_990 : memref<1x16xf32, #tpu.memory_space<vmem_shared>> -> memref<16xf32, #tpu.memory_space<vmem_shared>>
      tpu.enqueue_dma source(%arg11 : memref<16xf32, #tpu.memory_space<vmem>>) target(%dma_start3A_991 : memref<16xf32, #tpu.memory_space<vmem_shared>>) target_semaphore(%run_scoped3A : memref<!tpu.dma_semaphore, #tpu.memory_space<semaphore_mem>>)
      %dma_wait3A_992 = arith.constant 0 : i32
      %dma_wait3A_993 = tpu.memref_slice %arg13[%arg1, %dma_wait3A_992] : memref<16x16xf32, #tpu.memory_space<vmem_shared>> -> memref<1x16xf32, #tpu.memory_space<vmem_shared>>
      %dma_wait3A_994 = tpu.memref_squeeze %dma_wait3A_993 : memref<1x16xf32, #tpu.memory_space<vmem_shared>> -> memref<16xf32, #tpu.memory_space<vmem_shared>>
      %dma_wait3A_995 = arith.constant 0 : i32
      %dma_wait3A_996 = tpu.memref_slice %arg13[%arg1, %dma_wait3A_995] : memref<16x16xf32, #tpu.memory_space<vmem_shared>> -> memref<1x16xf32, #tpu.memory_space<vmem_shared>>
      %dma_wait3A_997 = tpu.memref_squeeze %dma_wait3A_996 : memref<1x16xf32, #tpu.memory_space<vmem_shared>> -> memref<16xf32, #tpu.memory_space<vmem_shared>>
      tpu.wait_dma2 semaphore(%run_scoped3A : memref<!tpu.dma_semaphore, #tpu.memory_space<semaphore_mem>>) src(%arg11 : memref<16xf32, #tpu.memory_space<vmem>>) dst(%dma_wait3A_997 : memref<16xf32, #tpu.memory_space<vmem_shared>>)
      tpu.yield
    }) : () -> ()
    %barrier3A = arith.constant 0 : index
    tpu.barrier barrier_id(%barrier3A)
    "tpu.region"() ({
      %run_scoped3A = tpu.sem_alloc : memref<!tpu.dma_semaphore, #tpu.memory_space<semaphore_mem>>
      tpu.enqueue_dma source(%arg13 : memref<16x16xf32, #tpu.memory_space<vmem_shared>>) target(%arg7 : memref<16x16xf32, #tpu.memory_space<vmem>>) target_semaphore(%run_scoped3A : memref<!tpu.dma_semaphore, #tpu.memory_space<semaphore_mem>>)
      tpu.wait_dma2 semaphore(%run_scoped3A : memref<!tpu.dma_semaphore, #tpu.memory_space<semaphore_mem>>) src(%arg13 : memref<16x16xf32, #tpu.memory_space<vmem_shared>>) dst(%arg7 : memref<16x16xf32, #tpu.memory_space<vmem>>)
      tpu.yield
    }) : () -> ()
    %broadcast_in_dim3A_578 = arith.constant -2147483647 : i32
    %broadcast_in_dim3A_579 = vector.broadcast %broadcast_in_dim3A_578 : i32 to vector<16xi32>
    %get3A = arith.constant 0 : i32
    %get3A_580 = arith.index_cast %get3A : i32 to index
    %get3A_581 = arith.constant 0 : index
    %get3A_582 = tpu.vector_load %arg7[%get3A_580, %get3A_581] {strides = array<i32>} : memref<16x16xf32, #tpu.memory_space<vmem>>, vector<16xf32>,
    %get3A_583 = arith.constant 1 : i32
    %get3A_584 = arith.index_cast %get3A_583 : i32 to index
    %get3A_585 = arith.constant 0 : index
    %get3A_586 = tpu.vector_load %arg7[%get3A_584, %get3A_585] {strides = array<i32>} : memref<16x16xf32, #tpu.memory_space<vmem>>, vector<16xf32>,
    %add3A_587 = arith.addf %get3A_582, %get3A_586 : vector<16xf32>
    %bitcast3A = vector.bitcast %add3A_587 : vector<16xf32> to vector<16xi32>
    %gt3A = arith.constant 0 : i32
    %gt3A_588 = vector.broadcast %gt3A : i32 to vector<16xi32>
    %gt3A_589 = arith.cmpi sgt, %bitcast3A, %gt3A_588 : vector<16xi32>
    %sub3A = arith.constant 1 : i32
    %sub3A_590 = vector.broadcast %sub3A : i32 to vector<16xi32>
    %sub3A_591 = arith.subi %bitcast3A, %sub3A_590 : vector<16xi32>
    %shift_left3A_592 = arith.constant 1 : i32
    %shift_left3A_593 = vector.broadcast %shift_left3A_592 : i32 to vector<16xi32>
    %shift_left3A_594 = arith.shli %bitcast3A, %shift_left3A_593 : vector<16xi32>
    %eq3A_595 = arith.constant 0 : i32
    %eq3A_596 = vector.broadcast %eq3A_595 : i32 to vector<16xi32>
    %eq3A_597 = arith.cmpi eq, %shift_left3A_594, %eq3A_596 : vector<16xi32>
    %add3A_598 = arith.constant 1 : i32
    %add3A_599 = vector.broadcast %add3A_598 : i32 to vector<16xi32>
    %add3A_600 = arith.addi %bitcast3A, %add3A_599 : vector<16xi32>
    %select_n3A_601 = arith.select %eq3A_597, %broadcast_in_dim3A_579, %add3A_600 : vector<16xi1>, vector<16xi32>
    %select_n3A_602 = arith.select %gt3A_589, %sub3A_591, %select_n3A_601 : vector<16xi1>, vector<16xi32>
    %bitcast3A_603 = vector.bitcast %select_n3A_602 : vector<16xi32> to vector<16xf32>
    %get3A_604 = arith.constant 0 : index
    %get3A_605 = tpu.vector_load %arg5[%get3A_604] {strides = array<i32>} : memref<128xi32, #tpu.memory_space<vmem>>, vector<16xi32>,
    %get3A_606 = arith.constant 2 : i32
    %get3A_607 = arith.index_cast %get3A_606 : i32 to index
    %get3A_608 = arith.constant 0 : index
    %get3A_609 = tpu.vector_load %arg7[%get3A_607, %get3A_608] {strides = array<i32>} : memref<16x16xf32, #tpu.memory_space<vmem>>, vector<16xf32>,
    %get3A_610 = arith.constant 3 : i32
    %get3A_611 = arith.index_cast %get3A_610 : i32 to index
    %get3A_612 = arith.constant 0 : index
    %get3A_613 = tpu.vector_load %arg7[%get3A_611, %get3A_612] {strides = array<i32>} : memref<16x16xf32, #tpu.memory_space<vmem>>, vector<16xf32>,
    %add3A_614 = arith.addf %get3A_609, %get3A_613 : vector<16xf32>
    %bitcast3A_615 = vector.bitcast %add3A_614 : vector<16xf32> to vector<16xi32>
    %gt3A_616 = arith.constant 0 : i32
    %gt3A_617 = vector.broadcast %gt3A_616 : i32 to vector<16xi32>
    %gt3A_618 = arith.cmpi sgt, %bitcast3A_615, %gt3A_617 : vector<16xi32>
    %sub3A_619 = arith.constant 1 : i32
    %sub3A_620 = vector.broadcast %sub3A_619 : i32 to vector<16xi32>
    %sub3A_621 = arith.subi %bitcast3A_615, %sub3A_620 : vector<16xi32>
    %shift_left3A_622 = arith.constant 1 : i32
    %shift_left3A_623 = vector.broadcast %shift_left3A_622 : i32 to vector<16xi32>
    %shift_left3A_624 = arith.shli %bitcast3A_615, %shift_left3A_623 : vector<16xi32>
    %eq3A_625 = arith.constant 0 : i32
    %eq3A_626 = vector.broadcast %eq3A_625 : i32 to vector<16xi32>
    %eq3A_627 = arith.cmpi eq, %shift_left3A_624, %eq3A_626 : vector<16xi32>
    %add3A_628 = arith.constant 1 : i32
    %add3A_629 = vector.broadcast %add3A_628 : i32 to vector<16xi32>
    %add3A_630 = arith.addi %bitcast3A_615, %add3A_629 : vector<16xi32>
    %select_n3A_631 = arith.select %eq3A_627, %broadcast_in_dim3A_579, %add3A_630 : vector<16xi1>, vector<16xi32>
    %select_n3A_632 = arith.select %gt3A_618, %sub3A_621, %select_n3A_631 : vector<16xi1>, vector<16xi32>
    %bitcast3A_633 = vector.bitcast %select_n3A_632 : vector<16xi32> to vector<16xf32>
    %get3A_634 = arith.constant 16 : index
    %get3A_635 = tpu.vector_load %arg5[%get3A_634] {strides = array<i32>} : memref<128xi32, #tpu.memory_space<vmem>>, vector<16xi32>,
    %get3A_636 = arith.constant 4 : i32
    %get3A_637 = arith.index_cast %get3A_636 : i32 to index
    %get3A_638 = arith.constant 0 : index
    %get3A_639 = tpu.vector_load %arg7[%get3A_637, %get3A_638] {strides = array<i32>} : memref<16x16xf32, #tpu.memory_space<vmem>>, vector<16xf32>,
    %get3A_640 = arith.constant 5 : i32
    %get3A_641 = arith.index_cast %get3A_640 : i32 to index
    %get3A_642 = arith.constant 0 : index
    %get3A_643 = tpu.vector_load %arg7[%get3A_641, %get3A_642] {strides = array<i32>} : memref<16x16xf32, #tpu.memory_space<vmem>>, vector<16xf32>,
    %add3A_644 = arith.addf %get3A_639, %get3A_643 : vector<16xf32>
    %bitcast3A_645 = vector.bitcast %add3A_644 : vector<16xf32> to vector<16xi32>
    %gt3A_646 = arith.constant 0 : i32
    %gt3A_647 = vector.broadcast %gt3A_646 : i32 to vector<16xi32>
    %gt3A_648 = arith.cmpi sgt, %bitcast3A_645, %gt3A_647 : vector<16xi32>
    %sub3A_649 = arith.constant 1 : i32
    %sub3A_650 = vector.broadcast %sub3A_649 : i32 to vector<16xi32>
    %sub3A_651 = arith.subi %bitcast3A_645, %sub3A_650 : vector<16xi32>
    %shift_left3A_652 = arith.constant 1 : i32
    %shift_left3A_653 = vector.broadcast %shift_left3A_652 : i32 to vector<16xi32>
    %shift_left3A_654 = arith.shli %bitcast3A_645, %shift_left3A_653 : vector<16xi32>
    %eq3A_655 = arith.constant 0 : i32
    %eq3A_656 = vector.broadcast %eq3A_655 : i32 to vector<16xi32>
    %eq3A_657 = arith.cmpi eq, %shift_left3A_654, %eq3A_656 : vector<16xi32>
    %add3A_658 = arith.constant 1 : i32
    %add3A_659 = vector.broadcast %add3A_658 : i32 to vector<16xi32>
    %add3A_660 = arith.addi %bitcast3A_645, %add3A_659 : vector<16xi32>
    %select_n3A_661 = arith.select %eq3A_657, %broadcast_in_dim3A_579, %add3A_660 : vector<16xi1>, vector<16xi32>
    %select_n3A_662 = arith.select %gt3A_648, %sub3A_651, %select_n3A_661 : vector<16xi1>, vector<16xi32>
    %bitcast3A_663 = vector.bitcast %select_n3A_662 : vector<16xi32> to vector<16xf32>
    %get3A_664 = arith.constant 32 : index
    %get3A_665 = tpu.vector_load %arg5[%get3A_664] {strides = array<i32>} : memref<128xi32, #tpu.memory_space<vmem>>, vector<16xi32>,
    %get3A_666 = arith.constant 6 : i32
    %get3A_667 = arith.index_cast %get3A_666 : i32 to index
    %get3A_668 = arith.constant 0 : index
    %get3A_669 = tpu.vector_load %arg7[%get3A_667, %get3A_668] {strides = array<i32>} : memref<16x16xf32, #tpu.memory_space<vmem>>, vector<16xf32>,
    %get3A_670 = arith.constant 7 : i32
    %get3A_671 = arith.index_cast %get3A_670 : i32 to index
    %get3A_672 = arith.constant 0 : index
    %get3A_673 = tpu.vector_load %arg7[%get3A_671, %get3A_672] {strides = array<i32>} : memref<16x16xf32, #tpu.memory_space<vmem>>, vector<16xf32>,
    %add3A_674 = arith.addf %get3A_669, %get3A_673 : vector<16xf32>
    %bitcast3A_675 = vector.bitcast %add3A_674 : vector<16xf32> to vector<16xi32>
    %gt3A_676 = arith.constant 0 : i32
    %gt3A_677 = vector.broadcast %gt3A_676 : i32 to vector<16xi32>
    %gt3A_678 = arith.cmpi sgt, %bitcast3A_675, %gt3A_677 : vector<16xi32>
    %sub3A_679 = arith.constant 1 : i32
    %sub3A_680 = vector.broadcast %sub3A_679 : i32 to vector<16xi32>
    %sub3A_681 = arith.subi %bitcast3A_675, %sub3A_680 : vector<16xi32>
    %shift_left3A_682 = arith.constant 1 : i32
    %shift_left3A_683 = vector.broadcast %shift_left3A_682 : i32 to vector<16xi32>
    %shift_left3A_684 = arith.shli %bitcast3A_675, %shift_left3A_683 : vector<16xi32>
    %eq3A_685 = arith.constant 0 : i32
    %eq3A_686 = vector.broadcast %eq3A_685 : i32 to vector<16xi32>
    %eq3A_687 = arith.cmpi eq, %shift_left3A_684, %eq3A_686 : vector<16xi32>
    %add3A_688 = arith.constant 1 : i32
    %add3A_689 = vector.broadcast %add3A_688 : i32 to vector<16xi32>
    %add3A_690 = arith.addi %bitcast3A_675, %add3A_689 : vector<16xi32>
    %select_n3A_691 = arith.select %eq3A_687, %broadcast_in_dim3A_579, %add3A_690 : vector<16xi1>, vector<16xi32>
    %select_n3A_692 = arith.select %gt3A_678, %sub3A_681, %select_n3A_691 : vector<16xi1>, vector<16xi32>
    %bitcast3A_693 = vector.bitcast %select_n3A_692 : vector<16xi32> to vector<16xf32>
    %get3A_694 = arith.constant 48 : index
    %get3A_695 = tpu.vector_load %arg5[%get3A_694] {strides = array<i32>} : memref<128xi32, #tpu.memory_space<vmem>>, vector<16xi32>,
    %get3A_696 = arith.constant 8 : i32
    %get3A_697 = arith.index_cast %get3A_696 : i32 to index
    %get3A_698 = arith.constant 0 : index
    %get3A_699 = tpu.vector_load %arg7[%get3A_697, %get3A_698] {strides = array<i32>} : memref<16x16xf32, #tpu.memory_space<vmem>>, vector<16xf32>,
    %get3A_700 = arith.constant 9 : i32
    %get3A_701 = arith.index_cast %get3A_700 : i32 to index
    %get3A_702 = arith.constant 0 : index
    %get3A_703 = tpu.vector_load %arg7[%get3A_701, %get3A_702] {strides = array<i32>} : memref<16x16xf32, #tpu.memory_space<vmem>>, vector<16xf32>,
    %add3A_704 = arith.addf %get3A_699, %get3A_703 : vector<16xf32>
    %bitcast3A_705 = vector.bitcast %add3A_704 : vector<16xf32> to vector<16xi32>
    %gt3A_706 = arith.constant 0 : i32
    %gt3A_707 = vector.broadcast %gt3A_706 : i32 to vector<16xi32>
    %gt3A_708 = arith.cmpi sgt, %bitcast3A_705, %gt3A_707 : vector<16xi32>
    %sub3A_709 = arith.constant 1 : i32
    %sub3A_710 = vector.broadcast %sub3A_709 : i32 to vector<16xi32>
    %sub3A_711 = arith.subi %bitcast3A_705, %sub3A_710 : vector<16xi32>
    %shift_left3A_712 = arith.constant 1 : i32
    %shift_left3A_713 = vector.broadcast %shift_left3A_712 : i32 to vector<16xi32>
    %shift_left3A_714 = arith.shli %bitcast3A_705, %shift_left3A_713 : vector<16xi32>
    %eq3A_715 = arith.constant 0 : i32
    %eq3A_716 = vector.broadcast %eq3A_715 : i32 to vector<16xi32>
    %eq3A_717 = arith.cmpi eq, %shift_left3A_714, %eq3A_716 : vector<16xi32>
    %add3A_718 = arith.constant 1 : i32
    %add3A_719 = vector.broadcast %add3A_718 : i32 to vector<16xi32>
    %add3A_720 = arith.addi %bitcast3A_705, %add3A_719 : vector<16xi32>
    %select_n3A_721 = arith.select %eq3A_717, %broadcast_in_dim3A_579, %add3A_720 : vector<16xi1>, vector<16xi32>
    %select_n3A_722 = arith.select %gt3A_708, %sub3A_711, %select_n3A_721 : vector<16xi1>, vector<16xi32>
    %bitcast3A_723 = vector.bitcast %select_n3A_722 : vector<16xi32> to vector<16xf32>
    %get3A_724 = arith.constant 64 : index
    %get3A_725 = tpu.vector_load %arg5[%get3A_724] {strides = array<i32>} : memref<128xi32, #tpu.memory_space<vmem>>, vector<16xi32>,
    %get3A_726 = arith.constant 10 : i32
    %get3A_727 = arith.index_cast %get3A_726 : i32 to index
    %get3A_728 = arith.constant 0 : index
    %get3A_729 = tpu.vector_load %arg7[%get3A_727, %get3A_728] {strides = array<i32>} : memref<16x16xf32, #tpu.memory_space<vmem>>, vector<16xf32>,
    %get3A_730 = arith.constant 11 : i32
    %get3A_731 = arith.index_cast %get3A_730 : i32 to index
    %get3A_732 = arith.constant 0 : index
    %get3A_733 = tpu.vector_load %arg7[%get3A_731, %get3A_732] {strides = array<i32>} : memref<16x16xf32, #tpu.memory_space<vmem>>, vector<16xf32>,
    %add3A_734 = arith.addf %get3A_729, %get3A_733 : vector<16xf32>
    %bitcast3A_735 = vector.bitcast %add3A_734 : vector<16xf32> to vector<16xi32>
    %gt3A_736 = arith.constant 0 : i32
    %gt3A_737 = vector.broadcast %gt3A_736 : i32 to vector<16xi32>
    %gt3A_738 = arith.cmpi sgt, %bitcast3A_735, %gt3A_737 : vector<16xi32>
    %sub3A_739 = arith.constant 1 : i32
    %sub3A_740 = vector.broadcast %sub3A_739 : i32 to vector<16xi32>
    %sub3A_741 = arith.subi %bitcast3A_735, %sub3A_740 : vector<16xi32>
    %shift_left3A_742 = arith.constant 1 : i32
    %shift_left3A_743 = vector.broadcast %shift_left3A_742 : i32 to vector<16xi32>
    %shift_left3A_744 = arith.shli %bitcast3A_735, %shift_left3A_743 : vector<16xi32>
    %eq3A_745 = arith.constant 0 : i32
    %eq3A_746 = vector.broadcast %eq3A_745 : i32 to vector<16xi32>
    %eq3A_747 = arith.cmpi eq, %shift_left3A_744, %eq3A_746 : vector<16xi32>
    %add3A_748 = arith.constant 1 : i32
    %add3A_749 = vector.broadcast %add3A_748 : i32 to vector<16xi32>
    %add3A_750 = arith.addi %bitcast3A_735, %add3A_749 : vector<16xi32>
    %select_n3A_751 = arith.select %eq3A_747, %broadcast_in_dim3A_579, %add3A_750 : vector<16xi1>, vector<16xi32>
    %select_n3A_752 = arith.select %gt3A_738, %sub3A_741, %select_n3A_751 : vector<16xi1>, vector<16xi32>
    %bitcast3A_753 = vector.bitcast %select_n3A_752 : vector<16xi32> to vector<16xf32>
    %get3A_754 = arith.constant 80 : index
    %get3A_755 = tpu.vector_load %arg5[%get3A_754] {strides = array<i32>} : memref<128xi32, #tpu.memory_space<vmem>>, vector<16xi32>,
    %get3A_756 = arith.constant 12 : i32
    %get3A_757 = arith.index_cast %get3A_756 : i32 to index
    %get3A_758 = arith.constant 0 : index
    %get3A_759 = tpu.vector_load %arg7[%get3A_757, %get3A_758] {strides = array<i32>} : memref<16x16xf32, #tpu.memory_space<vmem>>, vector<16xf32>,
    %get3A_760 = arith.constant 13 : i32
    %get3A_761 = arith.index_cast %get3A_760 : i32 to index
    %get3A_762 = arith.constant 0 : index
    %get3A_763 = tpu.vector_load %arg7[%get3A_761, %get3A_762] {strides = array<i32>} : memref<16x16xf32, #tpu.memory_space<vmem>>, vector<16xf32>,
    %add3A_764 = arith.addf %get3A_759, %get3A_763 : vector<16xf32>
    %bitcast3A_765 = vector.bitcast %add3A_764 : vector<16xf32> to vector<16xi32>
    %gt3A_766 = arith.constant 0 : i32
    %gt3A_767 = vector.broadcast %gt3A_766 : i32 to vector<16xi32>
    %gt3A_768 = arith.cmpi sgt, %bitcast3A_765, %gt3A_767 : vector<16xi32>
    %sub3A_769 = arith.constant 1 : i32
    %sub3A_770 = vector.broadcast %sub3A_769 : i32 to vector<16xi32>
    %sub3A_771 = arith.subi %bitcast3A_765, %sub3A_770 : vector<16xi32>
    %shift_left3A_772 = arith.constant 1 : i32
    %shift_left3A_773 = vector.broadcast %shift_left3A_772 : i32 to vector<16xi32>
    %shift_left3A_774 = arith.shli %bitcast3A_765, %shift_left3A_773 : vector<16xi32>
    %eq3A_775 = arith.constant 0 : i32
    %eq3A_776 = vector.broadcast %eq3A_775 : i32 to vector<16xi32>
    %eq3A_777 = arith.cmpi eq, %shift_left3A_774, %eq3A_776 : vector<16xi32>
    %add3A_778 = arith.constant 1 : i32
    %add3A_779 = vector.broadcast %add3A_778 : i32 to vector<16xi32>
    %add3A_780 = arith.addi %bitcast3A_765, %add3A_779 : vector<16xi32>
    %select_n3A_781 = arith.select %eq3A_777, %broadcast_in_dim3A_579, %add3A_780 : vector<16xi1>, vector<16xi32>
    %select_n3A_782 = arith.select %gt3A_768, %sub3A_771, %select_n3A_781 : vector<16xi1>, vector<16xi32>
    %bitcast3A_783 = vector.bitcast %select_n3A_782 : vector<16xi32> to vector<16xf32>
    %get3A_784 = arith.constant 96 : index
    %get3A_785 = tpu.vector_load %arg5[%get3A_784] {strides = array<i32>} : memref<128xi32, #tpu.memory_space<vmem>>, vector<16xi32>,
    %get3A_786 = arith.constant 14 : i32
    %get3A_787 = arith.index_cast %get3A_786 : i32 to index
    %get3A_788 = arith.constant 0 : index
    %get3A_789 = tpu.vector_load %arg7[%get3A_787, %get3A_788] {strides = array<i32>} : memref<16x16xf32, #tpu.memory_space<vmem>>, vector<16xf32>,
    %get3A_790 = arith.constant 15 : i32
    %get3A_791 = arith.index_cast %get3A_790 : i32 to index
    %get3A_792 = arith.constant 0 : index
    %get3A_793 = tpu.vector_load %arg7[%get3A_791, %get3A_792] {strides = array<i32>} : memref<16x16xf32, #tpu.memory_space<vmem>>, vector<16xf32>,
    %add3A_794 = arith.addf %get3A_789, %get3A_793 : vector<16xf32>
    %bitcast3A_795 = vector.bitcast %add3A_794 : vector<16xf32> to vector<16xi32>
    %gt3A_796 = arith.constant 0 : i32
    %gt3A_797 = vector.broadcast %gt3A_796 : i32 to vector<16xi32>
    %gt3A_798 = arith.cmpi sgt, %bitcast3A_795, %gt3A_797 : vector<16xi32>
    %sub3A_799 = arith.constant 1 : i32
    %sub3A_800 = vector.broadcast %sub3A_799 : i32 to vector<16xi32>
    %sub3A_801 = arith.subi %bitcast3A_795, %sub3A_800 : vector<16xi32>
    %shift_left3A_802 = arith.constant 1 : i32
    %shift_left3A_803 = vector.broadcast %shift_left3A_802 : i32 to vector<16xi32>
    %shift_left3A_804 = arith.shli %bitcast3A_795, %shift_left3A_803 : vector<16xi32>
    %eq3A_805 = arith.constant 0 : i32
    %eq3A_806 = vector.broadcast %eq3A_805 : i32 to vector<16xi32>
    %eq3A_807 = arith.cmpi eq, %shift_left3A_804, %eq3A_806 : vector<16xi32>
    %add3A_808 = arith.constant 1 : i32
    %add3A_809 = vector.broadcast %add3A_808 : i32 to vector<16xi32>
    %add3A_810 = arith.addi %bitcast3A_795, %add3A_809 : vector<16xi32>
    %select_n3A_811 = arith.select %eq3A_807, %broadcast_in_dim3A_579, %add3A_810 : vector<16xi1>, vector<16xi32>
    %select_n3A_812 = arith.select %gt3A_798, %sub3A_801, %select_n3A_811 : vector<16xi1>, vector<16xi32>
    %bitcast3A_813 = vector.bitcast %select_n3A_812 : vector<16xi32> to vector<16xf32>
    %get3A_814 = arith.constant 112 : index
    %get3A_815 = tpu.vector_load %arg5[%get3A_814] {strides = array<i32>} : memref<128xi32, #tpu.memory_space<vmem>>, vector<16xi32>,
    %broadcast_in_dim3A_816 = arith.constant 0 : i32
    %broadcast_in_dim3A_817 = vector.broadcast %broadcast_in_dim3A_816 : i32 to vector<16xi32>
    %broadcast_in_dim3A_818 = arith.constant 0 : i32
    %broadcast_in_dim3A_819 = vector.broadcast %broadcast_in_dim3A_818 : i32 to vector<16xi32>
    %broadcast_in_dim3A_820 = arith.constant 0 : i32
    %broadcast_in_dim3A_821 = vector.broadcast %broadcast_in_dim3A_820 : i32 to vector<16xi32>
    %broadcast_in_dim3A_822 = arith.constant 0 : i32
    %broadcast_in_dim3A_823 = vector.broadcast %broadcast_in_dim3A_822 : i32 to vector<16xi32>
    %broadcast_in_dim3A_824 = arith.constant 0 : i32
    %broadcast_in_dim3A_825 = vector.broadcast %broadcast_in_dim3A_824 : i32 to vector<16xi32>
    %broadcast_in_dim3A_826 = arith.constant 0 : i32
    %broadcast_in_dim3A_827 = vector.broadcast %broadcast_in_dim3A_826 : i32 to vector<16xi32>
    %broadcast_in_dim3A_828 = arith.constant 0 : i32
    %broadcast_in_dim3A_829 = vector.broadcast %broadcast_in_dim3A_828 : i32 to vector<16xi32>
    %broadcast_in_dim3A_830 = arith.constant 0 : i32
    %broadcast_in_dim3A_831 = vector.broadcast %broadcast_in_dim3A_830 : i32 to vector<16xi32>
    %broadcast_in_dim3A_832 = arith.constant 1 : i32
    %broadcast_in_dim3A_833 = vector.broadcast %broadcast_in_dim3A_832 : i32 to vector<16xi32>
    %broadcast_in_dim3A_834 = arith.constant 0 : i32
    %broadcast_in_dim3A_835 = vector.broadcast %broadcast_in_dim3A_834 : i32 to vector<16xi32>
    %scan3A = arith.constant 0 : i32
    %scan3A_836 = arith.constant 5 : i32
    %scan3A_837 = arith.addi %scan3A, %scan3A_836 : i32
    %scan3A_838 = arith.constant 1 : i32
    %scan3A_839:8 = scf.for %scan3A_986 = %scan3A to %scan3A_837 step %scan3A_838 iter_args(%scan3A_987 = %broadcast_in_dim3A_817, %scan3A_988 = %broadcast_in_dim3A_819, %scan3A_989 = %broadcast_in_dim3A_821, %scan3A_990 = %broadcast_in_dim3A_823, %scan3A_991 = %broadcast_in_dim3A_825, %scan3A_992 = %broadcast_in_dim3A_827, %scan3A_993 = %broadcast_in_dim3A_829, %scan3A_994 = %broadcast_in_dim3A_831) -> (vector<16xi32>, vector<16xi32>, vector<16xi32>, vector<16xi32>, vector<16xi32>, vector<16xi32>, vector<16xi32>, vector<16xi32>)  : i32 {
      %mul3A_995 = arith.constant 2 : i32
      %mul3A_996 = arith.muli %mul3A_995, %scan3A_986 : i32
      %dma_wait3A_997 = arith.constant 0 : i32
      %dma_wait3A_998 = arith.constant 0 : i32
      %dma_wait3A_999 = tpu.memref_slice %arg2[%dma_wait3A_997, %dma_wait3A_998] : memref<100000x128xf32, #tpu.memory_space<hbm>> -> memref<312x128xf32, #tpu.memory_space<hbm>>
      %dma_wait3A_1000 = arith.constant 0 : i32
      %dma_wait3A_1001 = arith.constant 0 : i32
      %dma_wait3A_1002 = tpu.memref_slice %arg2[%dma_wait3A_1000, %dma_wait3A_1001] : memref<100000x128xf32, #tpu.memory_space<hbm>> -> memref<312x128xf32, #tpu.memory_space<hbm>>
      tpu.wait_dma2 semaphore(%arg14 : memref<!tpu.dma_semaphore, #tpu.memory_space<semaphore_mem>>) src(%dma_wait3A_1002 : memref<312x128xf32, #tpu.memory_space<hbm>>) dst(%arg8 : memref<312x128xf32, #tpu.memory_space<vmem>>)
      %mul3A_1003 = arith.constant 312 : i32
      %mul3A_1004 = arith.muli %mul3A_996, %mul3A_1003 : i32
      %add3A_1005 = arith.addi %multiple_of3A, %mul3A_1004 : i32
      %broadcast_in_dim3A_1006 = arith.constant 1 : i32
      %broadcast_in_dim3A_1007 = vector.broadcast %broadcast_in_dim3A_1006 : i32 to vector<16xi32>
      %mul3A_1008 = vector.broadcast %add3A_1005 : i32 to vector<16xi32>
      %mul3A_1009 = arith.muli %broadcast_in_dim3A_1007, %mul3A_1008 : vector<16xi32>
      %scan3A_1010 = arith.constant 0 : i32
      %scan3A_1011 = arith.constant 39 : i32
      %scan3A_1012 = arith.addi %scan3A_1010, %scan3A_1011 : i32
      %scan3A_1013 = arith.constant 1 : i32
      %scan3A_1014 = scf.for %scan3A_1185 = %scan3A_1010 to %scan3A_1012 step %scan3A_1013 iter_args(%scan3A_1186 = %scan3A_987) -> (vector<16xi32>)  : i32 {
        %mul3A_1187 = arith.constant 8 : i32
        %mul3A_1188 = arith.muli %scan3A_1185, %mul3A_1187 : i32
        %add3A_1189 = vector.broadcast %mul3A_1188 : i32 to vector<16xi32>
        %add3A_1190 = arith.addi %mul3A_1009, %add3A_1189 : vector<16xi32>
        %mul3A_1191 = arith.constant 8 : i32
        %mul3A_1192 = arith.muli %scan3A_1185, %mul3A_1191 : i32
        %add3A_1193 = arith.constant 0 : i32
        %add3A_1194 = arith.addi %mul3A_1192, %add3A_1193 : i32
        %get3A_1195 = arith.index_cast %add3A_1194 : i32 to index
        %get3A_1196 = arith.constant 0 : index
        %get3A_1197 = tpu.vector_load %arg8[%get3A_1195, %get3A_1196] {strides = array<i32>} : memref<312x128xf32, #tpu.memory_space<vmem>>, vector<16xf32>,
        %add3A_1198 = arith.constant 0 : i32
        %add3A_1199 = vector.broadcast %add3A_1198 : i32 to vector<16xi32>
        %add3A_1200 = arith.addi %add3A_1190, %add3A_1199 : vector<16xi32>
        %lt3A_1201 = arith.cmpi slt, %add3A_1200, %get3A_605 : vector<16xi32>
        %select_n3A_1202 = arith.select %lt3A_1201, %bitcast3A_603, %add3A_587 : vector<16xi1>, vector<16xf32>
        %gt3A_1203 = arith.cmpf ogt, %get3A_1197, %select_n3A_1202 : vector<16xf32>
        %select_n3A_1204 = arith.select %gt3A_1203, %broadcast_in_dim3A_833, %broadcast_in_dim3A_835 : vector<16xi1>, vector<16xi32>
        %add3A_1205 = arith.addi %scan3A_1186, %select_n3A_1204 : vector<16xi32>
        %mul3A_1206 = arith.constant 8 : i32
        %mul3A_1207 = arith.muli %scan3A_1185, %mul3A_1206 : i32
        %add3A_1208 = arith.constant 1 : i32
        %add3A_1209 = arith.addi %mul3A_1207, %add3A_1208 : i32
        %get3A_1210 = arith.index_cast %add3A_1209 : i32 to index
        %get3A_1211 = arith.constant 0 : index
        %get3A_1212 = tpu.vector_load %arg8[%get3A_1210, %get3A_1211] {strides = array<i32>} : memref<312x128xf32, #tpu.memory_space<vmem>>, vector<16xf32>,
        %add3A_1213 = arith.constant 1 : i32
        %add3A_1214 = vector.broadcast %add3A_1213 : i32 to vector<16xi32>
        %add3A_1215 = arith.addi %add3A_1190, %add3A_1214 : vector<16xi32>
        %lt3A_1216 = arith.cmpi slt, %add3A_1215, %get3A_605 : vector<16xi32>
        %select_n3A_1217 = arith.select %lt3A_1216, %bitcast3A_603, %add3A_587 : vector<16xi1>, vector<16xf32>
        %gt3A_1218 = arith.cmpf ogt, %get3A_1212, %select_n3A_1217 : vector<16xf32>
        %select_n3A_1219 = arith.select %gt3A_1218, %broadcast_in_dim3A_833, %broadcast_in_dim3A_835 : vector<16xi1>, vector<16xi32>
        %add3A_1220 = arith.addi %add3A_1205, %select_n3A_1219 : vector<16xi32>
        %mul3A_1221 = arith.constant 8 : i32
        %mul3A_1222 = arith.muli %scan3A_1185, %mul3A_1221 : i32
        %add3A_1223 = arith.constant 2 : i32
        %add3A_1224 = arith.addi %mul3A_1222, %add3A_1223 : i32
        %get3A_1225 = arith.index_cast %add3A_1224 : i32 to index
        %get3A_1226 = arith.constant 0 : index
        %get3A_1227 = tpu.vector_load %arg8[%get3A_1225, %get3A_1226] {strides = array<i32>} : memref<312x128xf32, #tpu.memory_space<vmem>>, vector<16xf32>,
        %add3A_1228 = arith.constant 2 : i32
        %add3A_1229 = vector.broadcast %add3A_1228 : i32 to vector<16xi32>
        %add3A_1230 = arith.addi %add3A_1190, %add3A_1229 : vector<16xi32>
        %lt3A_1231 = arith.cmpi slt, %add3A_1230, %get3A_605 : vector<16xi32>
        %select_n3A_1232 = arith.select %lt3A_1231, %bitcast3A_603, %add3A_587 : vector<16xi1>, vector<16xf32>
        %gt3A_1233 = arith.cmpf ogt, %get3A_1227, %select_n3A_1232 : vector<16xf32>
        %select_n3A_1234 = arith.select %gt3A_1233, %broadcast_in_dim3A_833, %broadcast_in_dim3A_835 : vector<16xi1>, vector<16xi32>
        %add3A_1235 = arith.addi %add3A_1220, %select_n3A_1234 : vector<16xi32>
        %mul3A_1236 = arith.constant 8 : i32
        %mul3A_1237 = arith.muli %scan3A_1185, %mul3A_1236 : i32
        %add3A_1238 = arith.constant 3 : i32
        %add3A_1239 = arith.addi %mul3A_1237, %add3A_1238 : i32
        %get3A_1240 = arith.index_cast %add3A_1239 : i32 to index
        %get3A_1241 = arith.constant 0 : index
        %get3A_1242 = tpu.vector_load %arg8[%get3A_1240, %get3A_1241] {strides = array<i32>} : memref<312x128xf32, #tpu.memory_space<vmem>>, vector<16xf32>,
        %add3A_1243 = arith.constant 3 : i32
        %add3A_1244 = vector.broadcast %add3A_1243 : i32 to vector<16xi32>
        %add3A_1245 = arith.addi %add3A_1190, %add3A_1244 : vector<16xi32>
        %lt3A_1246 = arith.cmpi slt, %add3A_1245, %get3A_605 : vector<16xi32>
        %select_n3A_1247 = arith.select %lt3A_1246, %bitcast3A_603, %add3A_587 : vector<16xi1>, vector<16xf32>
        %gt3A_1248 = arith.cmpf ogt, %get3A_1242, %select_n3A_1247 : vector<16xf32>
        %select_n3A_1249 = arith.select %gt3A_1248, %broadcast_in_dim3A_833, %broadcast_in_dim3A_835 : vector<16xi1>, vector<16xi32>
        %add3A_1250 = arith.addi %add3A_1235, %select_n3A_1249 : vector<16xi32>
        %mul3A_1251 = arith.constant 8 : i32
        %mul3A_1252 = arith.muli %scan3A_1185, %mul3A_1251 : i32
        %add3A_1253 = arith.constant 4 : i32
        %add3A_1254 = arith.addi %mul3A_1252, %add3A_1253 : i32
        %get3A_1255 = arith.index_cast %add3A_1254 : i32 to index
        %get3A_1256 = arith.constant 0 : index
        %get3A_1257 = tpu.vector_load %arg8[%get3A_1255, %get3A_1256] {strides = array<i32>} : memref<312x128xf32, #tpu.memory_space<vmem>>, vector<16xf32>,
        %add3A_1258 = arith.constant 4 : i32
        %add3A_1259 = vector.broadcast %add3A_1258 : i32 to vector<16xi32>
        %add3A_1260 = arith.addi %add3A_1190, %add3A_1259 : vector<16xi32>
        %lt3A_1261 = arith.cmpi slt, %add3A_1260, %get3A_605 : vector<16xi32>
        %select_n3A_1262 = arith.select %lt3A_1261, %bitcast3A_603, %add3A_587 : vector<16xi1>, vector<16xf32>
        %gt3A_1263 = arith.cmpf ogt, %get3A_1257, %select_n3A_1262 : vector<16xf32>
        %select_n3A_1264 = arith.select %gt3A_1263, %broadcast_in_dim3A_833, %broadcast_in_dim3A_835 : vector<16xi1>, vector<16xi32>
        %add3A_1265 = arith.addi %add3A_1250, %select_n3A_1264 : vector<16xi32>
        %mul3A_1266 = arith.constant 8 : i32
        %mul3A_1267 = arith.muli %scan3A_1185, %mul3A_1266 : i32
        %add3A_1268 = arith.constant 5 : i32
        %add3A_1269 = arith.addi %mul3A_1267, %add3A_1268 : i32
        %get3A_1270 = arith.index_cast %add3A_1269 : i32 to index
        %get3A_1271 = arith.constant 0 : index
        %get3A_1272 = tpu.vector_load %arg8[%get3A_1270, %get3A_1271] {strides = array<i32>} : memref<312x128xf32, #tpu.memory_space<vmem>>, vector<16xf32>,
        %add3A_1273 = arith.constant 5 : i32
        %add3A_1274 = vector.broadcast %add3A_1273 : i32 to vector<16xi32>
        %add3A_1275 = arith.addi %add3A_1190, %add3A_1274 : vector<16xi32>
        %lt3A_1276 = arith.cmpi slt, %add3A_1275, %get3A_605 : vector<16xi32>
        %select_n3A_1277 = arith.select %lt3A_1276, %bitcast3A_603, %add3A_587 : vector<16xi1>, vector<16xf32>
        %gt3A_1278 = arith.cmpf ogt, %get3A_1272, %select_n3A_1277 : vector<16xf32>
        %select_n3A_1279 = arith.select %gt3A_1278, %broadcast_in_dim3A_833, %broadcast_in_dim3A_835 : vector<16xi1>, vector<16xi32>
        %add3A_1280 = arith.addi %add3A_1265, %select_n3A_1279 : vector<16xi32>
        %mul3A_1281 = arith.constant 8 : i32
        %mul3A_1282 = arith.muli %scan3A_1185, %mul3A_1281 : i32
        %add3A_1283 = arith.constant 6 : i32
        %add3A_1284 = arith.addi %mul3A_1282, %add3A_1283 : i32
        %get3A_1285 = arith.index_cast %add3A_1284 : i32 to index
        %get3A_1286 = arith.constant 0 : index
        %get3A_1287 = tpu.vector_load %arg8[%get3A_1285, %get3A_1286] {strides = array<i32>} : memref<312x128xf32, #tpu.memory_space<vmem>>, vector<16xf32>,
        %add3A_1288 = arith.constant 6 : i32
        %add3A_1289 = vector.broadcast %add3A_1288 : i32 to vector<16xi32>
        %add3A_1290 = arith.addi %add3A_1190, %add3A_1289 : vector<16xi32>
        %lt3A_1291 = arith.cmpi slt, %add3A_1290, %get3A_605 : vector<16xi32>
        %select_n3A_1292 = arith.select %lt3A_1291, %bitcast3A_603, %add3A_587 : vector<16xi1>, vector<16xf32>
        %gt3A_1293 = arith.cmpf ogt, %get3A_1287, %select_n3A_1292 : vector<16xf32>
        %select_n3A_1294 = arith.select %gt3A_1293, %broadcast_in_dim3A_833, %broadcast_in_dim3A_835 : vector<16xi1>, vector<16xi32>
        %add3A_1295 = arith.addi %add3A_1280, %select_n3A_1294 : vector<16xi32>
        %mul3A_1296 = arith.constant 8 : i32
        %mul3A_1297 = arith.muli %scan3A_1185, %mul3A_1296 : i32
        %add3A_1298 = arith.constant 7 : i32
        %add3A_1299 = arith.addi %mul3A_1297, %add3A_1298 : i32
        %get3A_1300 = arith.index_cast %add3A_1299 : i32 to index
        %get3A_1301 = arith.constant 0 : index
        %get3A_1302 = tpu.vector_load %arg8[%get3A_1300, %get3A_1301] {strides = array<i32>} : memref<312x128xf32, #tpu.memory_space<vmem>>, vector<16xf32>,
        %add3A_1303 = arith.constant 7 : i32
        %add3A_1304 = vector.broadcast %add3A_1303 : i32 to vector<16xi32>
        %add3A_1305 = arith.addi %add3A_1190, %add3A_1304 : vector<16xi32>
        %lt3A_1306 = arith.cmpi slt, %add3A_1305, %get3A_605 : vector<16xi32>
        %select_n3A_1307 = arith.select %lt3A_1306, %bitcast3A_603, %add3A_587 : vector<16xi1>, vector<16xf32>
        %gt3A_1308 = arith.cmpf ogt, %get3A_1302, %select_n3A_1307 : vector<16xf32>
        %select_n3A_1309 = arith.select %gt3A_1308, %broadcast_in_dim3A_833, %broadcast_in_dim3A_835 : vector<16xi1>, vector<16xi32>
        %add3A_1310 = arith.addi %add3A_1295, %select_n3A_1309 : vector<16xi32>
        scf.yield %add3A_1310 : vector<16xi32>
      }
      %scan3A_1015 = arith.constant 39 : i32
      %broadcast_in_dim3A_1016 = arith.constant 1 : i32
      %broadcast_in_dim3A_1017 = vector.broadcast %broadcast_in_dim3A_1016 : i32 to vector<16xi32>
      %mul3A_1018 = vector.broadcast %add3A_1005 : i32 to vector<16xi32>
      %mul3A_1019 = arith.muli %broadcast_in_dim3A_1017, %mul3A_1018 : vector<16xi32>
      %scan3A_1020 = arith.constant 0 : i32
      %scan3A_1021 = arith.constant 39 : i32
      %scan3A_1022 = arith.addi %scan3A_1020, %scan3A_1021 : i32
      %scan3A_1023 = arith.constant 1 : i32
      %scan3A_1024 = scf.for %scan3A_1185 = %scan3A_1020 to %scan3A_1022 step %scan3A_1023 iter_args(%scan3A_1186 = %scan3A_988) -> (vector<16xi32>)  : i32 {
        %mul3A_1187 = arith.constant 8 : i32
        %mul3A_1188 = arith.muli %scan3A_1185, %mul3A_1187 : i32
        %add3A_1189 = vector.broadcast %mul3A_1188 : i32 to vector<16xi32>
        %add3A_1190 = arith.addi %mul3A_1019, %add3A_1189 : vector<16xi32>
        %mul3A_1191 = arith.constant 8 : i32
        %mul3A_1192 = arith.muli %scan3A_1185, %mul3A_1191 : i32
        %add3A_1193 = arith.constant 0 : i32
        %add3A_1194 = arith.addi %mul3A_1192, %add3A_1193 : i32
        %get3A_1195 = arith.index_cast %add3A_1194 : i32 to index
        %get3A_1196 = arith.constant 16 : index
        %get3A_1197 = tpu.vector_load %arg8[%get3A_1195, %get3A_1196] {strides = array<i32>} : memref<312x128xf32, #tpu.memory_space<vmem>>, vector<16xf32>,
        %add3A_1198 = arith.constant 0 : i32
        %add3A_1199 = vector.broadcast %add3A_1198 : i32 to vector<16xi32>
        %add3A_1200 = arith.addi %add3A_1190, %add3A_1199 : vector<16xi32>
        %lt3A_1201 = arith.cmpi slt, %add3A_1200, %get3A_635 : vector<16xi32>
        %select_n3A_1202 = arith.select %lt3A_1201, %bitcast3A_633, %add3A_614 : vector<16xi1>, vector<16xf32>
        %gt3A_1203 = arith.cmpf ogt, %get3A_1197, %select_n3A_1202 : vector<16xf32>
        %select_n3A_1204 = arith.select %gt3A_1203, %broadcast_in_dim3A_833, %broadcast_in_dim3A_835 : vector<16xi1>, vector<16xi32>
        %add3A_1205 = arith.addi %scan3A_1186, %select_n3A_1204 : vector<16xi32>
        %mul3A_1206 = arith.constant 8 : i32
        %mul3A_1207 = arith.muli %scan3A_1185, %mul3A_1206 : i32
        %add3A_1208 = arith.constant 1 : i32
        %add3A_1209 = arith.addi %mul3A_1207, %add3A_1208 : i32
        %get3A_1210 = arith.index_cast %add3A_1209 : i32 to index
        %get3A_1211 = arith.constant 16 : index
        %get3A_1212 = tpu.vector_load %arg8[%get3A_1210, %get3A_1211] {strides = array<i32>} : memref<312x128xf32, #tpu.memory_space<vmem>>, vector<16xf32>,
        %add3A_1213 = arith.constant 1 : i32
        %add3A_1214 = vector.broadcast %add3A_1213 : i32 to vector<16xi32>
        %add3A_1215 = arith.addi %add3A_1190, %add3A_1214 : vector<16xi32>
        %lt3A_1216 = arith.cmpi slt, %add3A_1215, %get3A_635 : vector<16xi32>
        %select_n3A_1217 = arith.select %lt3A_1216, %bitcast3A_633, %add3A_614 : vector<16xi1>, vector<16xf32>
        %gt3A_1218 = arith.cmpf ogt, %get3A_1212, %select_n3A_1217 : vector<16xf32>
        %select_n3A_1219 = arith.select %gt3A_1218, %broadcast_in_dim3A_833, %broadcast_in_dim3A_835 : vector<16xi1>, vector<16xi32>
        %add3A_1220 = arith.addi %add3A_1205, %select_n3A_1219 : vector<16xi32>
        %mul3A_1221 = arith.constant 8 : i32
        %mul3A_1222 = arith.muli %scan3A_1185, %mul3A_1221 : i32
        %add3A_1223 = arith.constant 2 : i32
        %add3A_1224 = arith.addi %mul3A_1222, %add3A_1223 : i32
        %get3A_1225 = arith.index_cast %add3A_1224 : i32 to index
        %get3A_1226 = arith.constant 16 : index
        %get3A_1227 = tpu.vector_load %arg8[%get3A_1225, %get3A_1226] {strides = array<i32>} : memref<312x128xf32, #tpu.memory_space<vmem>>, vector<16xf32>,
        %add3A_1228 = arith.constant 2 : i32
        %add3A_1229 = vector.broadcast %add3A_1228 : i32 to vector<16xi32>
        %add3A_1230 = arith.addi %add3A_1190, %add3A_1229 : vector<16xi32>
        %lt3A_1231 = arith.cmpi slt, %add3A_1230, %get3A_635 : vector<16xi32>
        %select_n3A_1232 = arith.select %lt3A_1231, %bitcast3A_633, %add3A_614 : vector<16xi1>, vector<16xf32>
        %gt3A_1233 = arith.cmpf ogt, %get3A_1227, %select_n3A_1232 : vector<16xf32>
        %select_n3A_1234 = arith.select %gt3A_1233, %broadcast_in_dim3A_833, %broadcast_in_dim3A_835 : vector<16xi1>, vector<16xi32>
        %add3A_1235 = arith.addi %add3A_1220, %select_n3A_1234 : vector<16xi32>
        %mul3A_1236 = arith.constant 8 : i32
        %mul3A_1237 = arith.muli %scan3A_1185, %mul3A_1236 : i32
        %add3A_1238 = arith.constant 3 : i32
        %add3A_1239 = arith.addi %mul3A_1237, %add3A_1238 : i32
        %get3A_1240 = arith.index_cast %add3A_1239 : i32 to index
        %get3A_1241 = arith.constant 16 : index
        %get3A_1242 = tpu.vector_load %arg8[%get3A_1240, %get3A_1241] {strides = array<i32>} : memref<312x128xf32, #tpu.memory_space<vmem>>, vector<16xf32>,
        %add3A_1243 = arith.constant 3 : i32
        %add3A_1244 = vector.broadcast %add3A_1243 : i32 to vector<16xi32>
        %add3A_1245 = arith.addi %add3A_1190, %add3A_1244 : vector<16xi32>
        %lt3A_1246 = arith.cmpi slt, %add3A_1245, %get3A_635 : vector<16xi32>
        %select_n3A_1247 = arith.select %lt3A_1246, %bitcast3A_633, %add3A_614 : vector<16xi1>, vector<16xf32>
        %gt3A_1248 = arith.cmpf ogt, %get3A_1242, %select_n3A_1247 : vector<16xf32>
        %select_n3A_1249 = arith.select %gt3A_1248, %broadcast_in_dim3A_833, %broadcast_in_dim3A_835 : vector<16xi1>, vector<16xi32>
        %add3A_1250 = arith.addi %add3A_1235, %select_n3A_1249 : vector<16xi32>
        %mul3A_1251 = arith.constant 8 : i32
        %mul3A_1252 = arith.muli %scan3A_1185, %mul3A_1251 : i32
        %add3A_1253 = arith.constant 4 : i32
        %add3A_1254 = arith.addi %mul3A_1252, %add3A_1253 : i32
        %get3A_1255 = arith.index_cast %add3A_1254 : i32 to index
        %get3A_1256 = arith.constant 16 : index
        %get3A_1257 = tpu.vector_load %arg8[%get3A_1255, %get3A_1256] {strides = array<i32>} : memref<312x128xf32, #tpu.memory_space<vmem>>, vector<16xf32>,
        %add3A_1258 = arith.constant 4 : i32
        %add3A_1259 = vector.broadcast %add3A_1258 : i32 to vector<16xi32>
        %add3A_1260 = arith.addi %add3A_1190, %add3A_1259 : vector<16xi32>
        %lt3A_1261 = arith.cmpi slt, %add3A_1260, %get3A_635 : vector<16xi32>
        %select_n3A_1262 = arith.select %lt3A_1261, %bitcast3A_633, %add3A_614 : vector<16xi1>, vector<16xf32>
        %gt3A_1263 = arith.cmpf ogt, %get3A_1257, %select_n3A_1262 : vector<16xf32>
        %select_n3A_1264 = arith.select %gt3A_1263, %broadcast_in_dim3A_833, %broadcast_in_dim3A_835 : vector<16xi1>, vector<16xi32>
        %add3A_1265 = arith.addi %add3A_1250, %select_n3A_1264 : vector<16xi32>
        %mul3A_1266 = arith.constant 8 : i32
        %mul3A_1267 = arith.muli %scan3A_1185, %mul3A_1266 : i32
        %add3A_1268 = arith.constant 5 : i32
        %add3A_1269 = arith.addi %mul3A_1267, %add3A_1268 : i32
        %get3A_1270 = arith.index_cast %add3A_1269 : i32 to index
        %get3A_1271 = arith.constant 16 : index
        %get3A_1272 = tpu.vector_load %arg8[%get3A_1270, %get3A_1271] {strides = array<i32>} : memref<312x128xf32, #tpu.memory_space<vmem>>, vector<16xf32>,
        %add3A_1273 = arith.constant 5 : i32
        %add3A_1274 = vector.broadcast %add3A_1273 : i32 to vector<16xi32>
        %add3A_1275 = arith.addi %add3A_1190, %add3A_1274 : vector<16xi32>
        %lt3A_1276 = arith.cmpi slt, %add3A_1275, %get3A_635 : vector<16xi32>
        %select_n3A_1277 = arith.select %lt3A_1276, %bitcast3A_633, %add3A_614 : vector<16xi1>, vector<16xf32>
        %gt3A_1278 = arith.cmpf ogt, %get3A_1272, %select_n3A_1277 : vector<16xf32>
        %select_n3A_1279 = arith.select %gt3A_1278, %broadcast_in_dim3A_833, %broadcast_in_dim3A_835 : vector<16xi1>, vector<16xi32>
        %add3A_1280 = arith.addi %add3A_1265, %select_n3A_1279 : vector<16xi32>
        %mul3A_1281 = arith.constant 8 : i32
        %mul3A_1282 = arith.muli %scan3A_1185, %mul3A_1281 : i32
        %add3A_1283 = arith.constant 6 : i32
        %add3A_1284 = arith.addi %mul3A_1282, %add3A_1283 : i32
        %get3A_1285 = arith.index_cast %add3A_1284 : i32 to index
        %get3A_1286 = arith.constant 16 : index
        %get3A_1287 = tpu.vector_load %arg8[%get3A_1285, %get3A_1286] {strides = array<i32>} : memref<312x128xf32, #tpu.memory_space<vmem>>, vector<16xf32>,
        %add3A_1288 = arith.constant 6 : i32
        %add3A_1289 = vector.broadcast %add3A_1288 : i32 to vector<16xi32>
        %add3A_1290 = arith.addi %add3A_1190, %add3A_1289 : vector<16xi32>
        %lt3A_1291 = arith.cmpi slt, %add3A_1290, %get3A_635 : vector<16xi32>
        %select_n3A_1292 = arith.select %lt3A_1291, %bitcast3A_633, %add3A_614 : vector<16xi1>, vector<16xf32>
        %gt3A_1293 = arith.cmpf ogt, %get3A_1287, %select_n3A_1292 : vector<16xf32>
        %select_n3A_1294 = arith.select %gt3A_1293, %broadcast_in_dim3A_833, %broadcast_in_dim3A_835 : vector<16xi1>, vector<16xi32>
        %add3A_1295 = arith.addi %add3A_1280, %select_n3A_1294 : vector<16xi32>
        %mul3A_1296 = arith.constant 8 : i32
        %mul3A_1297 = arith.muli %scan3A_1185, %mul3A_1296 : i32
        %add3A_1298 = arith.constant 7 : i32
        %add3A_1299 = arith.addi %mul3A_1297, %add3A_1298 : i32
        %get3A_1300 = arith.index_cast %add3A_1299 : i32 to index
        %get3A_1301 = arith.constant 16 : index
        %get3A_1302 = tpu.vector_load %arg8[%get3A_1300, %get3A_1301] {strides = array<i32>} : memref<312x128xf32, #tpu.memory_space<vmem>>, vector<16xf32>,
        %add3A_1303 = arith.constant 7 : i32
        %add3A_1304 = vector.broadcast %add3A_1303 : i32 to vector<16xi32>
        %add3A_1305 = arith.addi %add3A_1190, %add3A_1304 : vector<16xi32>
        %lt3A_1306 = arith.cmpi slt, %add3A_1305, %get3A_635 : vector<16xi32>
        %select_n3A_1307 = arith.select %lt3A_1306, %bitcast3A_633, %add3A_614 : vector<16xi1>, vector<16xf32>
        %gt3A_1308 = arith.cmpf ogt, %get3A_1302, %select_n3A_1307 : vector<16xf32>
        %select_n3A_1309 = arith.select %gt3A_1308, %broadcast_in_dim3A_833, %broadcast_in_dim3A_835 : vector<16xi1>, vector<16xi32>
        %add3A_1310 = arith.addi %add3A_1295, %select_n3A_1309 : vector<16xi32>
        scf.yield %add3A_1310 : vector<16xi32>
      }
      %scan3A_1025 = arith.constant 39 : i32
      %broadcast_in_dim3A_1026 = arith.constant 1 : i32
      %broadcast_in_dim3A_1027 = vector.broadcast %broadcast_in_dim3A_1026 : i32 to vector<16xi32>
      %mul3A_1028 = vector.broadcast %add3A_1005 : i32 to vector<16xi32>
      %mul3A_1029 = arith.muli %broadcast_in_dim3A_1027, %mul3A_1028 : vector<16xi32>
      %scan3A_1030 = arith.constant 0 : i32
      %scan3A_1031 = arith.constant 39 : i32
      %scan3A_1032 = arith.addi %scan3A_1030, %scan3A_1031 : i32
      %scan3A_1033 = arith.constant 1 : i32
      %scan3A_1034 = scf.for %scan3A_1185 = %scan3A_1030 to %scan3A_1032 step %scan3A_1033 iter_args(%scan3A_1186 = %scan3A_989) -> (vector<16xi32>)  : i32 {
        %mul3A_1187 = arith.constant 8 : i32
        %mul3A_1188 = arith.muli %scan3A_1185, %mul3A_1187 : i32
        %add3A_1189 = vector.broadcast %mul3A_1188 : i32 to vector<16xi32>
        %add3A_1190 = arith.addi %mul3A_1029, %add3A_1189 : vector<16xi32>
        %mul3A_1191 = arith.constant 8 : i32
        %mul3A_1192 = arith.muli %scan3A_1185, %mul3A_1191 : i32
        %add3A_1193 = arith.constant 0 : i32
        %add3A_1194 = arith.addi %mul3A_1192, %add3A_1193 : i32
        %get3A_1195 = arith.index_cast %add3A_1194 : i32 to index
        %get3A_1196 = arith.constant 32 : index
        %get3A_1197 = tpu.vector_load %arg8[%get3A_1195, %get3A_1196] {strides = array<i32>} : memref<312x128xf32, #tpu.memory_space<vmem>>, vector<16xf32>,
        %add3A_1198 = arith.constant 0 : i32
        %add3A_1199 = vector.broadcast %add3A_1198 : i32 to vector<16xi32>
        %add3A_1200 = arith.addi %add3A_1190, %add3A_1199 : vector<16xi32>
        %lt3A_1201 = arith.cmpi slt, %add3A_1200, %get3A_665 : vector<16xi32>
        %select_n3A_1202 = arith.select %lt3A_1201, %bitcast3A_663, %add3A_644 : vector<16xi1>, vector<16xf32>
        %gt3A_1203 = arith.cmpf ogt, %get3A_1197, %select_n3A_1202 : vector<16xf32>
        %select_n3A_1204 = arith.select %gt3A_1203, %broadcast_in_dim3A_833, %broadcast_in_dim3A_835 : vector<16xi1>, vector<16xi32>
        %add3A_1205 = arith.addi %scan3A_1186, %select_n3A_1204 : vector<16xi32>
        %mul3A_1206 = arith.constant 8 : i32
        %mul3A_1207 = arith.muli %scan3A_1185, %mul3A_1206 : i32
        %add3A_1208 = arith.constant 1 : i32
        %add3A_1209 = arith.addi %mul3A_1207, %add3A_1208 : i32
        %get3A_1210 = arith.index_cast %add3A_1209 : i32 to index
        %get3A_1211 = arith.constant 32 : index
        %get3A_1212 = tpu.vector_load %arg8[%get3A_1210, %get3A_1211] {strides = array<i32>} : memref<312x128xf32, #tpu.memory_space<vmem>>, vector<16xf32>,
        %add3A_1213 = arith.constant 1 : i32
        %add3A_1214 = vector.broadcast %add3A_1213 : i32 to vector<16xi32>
        %add3A_1215 = arith.addi %add3A_1190, %add3A_1214 : vector<16xi32>
        %lt3A_1216 = arith.cmpi slt, %add3A_1215, %get3A_665 : vector<16xi32>
        %select_n3A_1217 = arith.select %lt3A_1216, %bitcast3A_663, %add3A_644 : vector<16xi1>, vector<16xf32>
        %gt3A_1218 = arith.cmpf ogt, %get3A_1212, %select_n3A_1217 : vector<16xf32>
        %select_n3A_1219 = arith.select %gt3A_1218, %broadcast_in_dim3A_833, %broadcast_in_dim3A_835 : vector<16xi1>, vector<16xi32>
        %add3A_1220 = arith.addi %add3A_1205, %select_n3A_1219 : vector<16xi32>
        %mul3A_1221 = arith.constant 8 : i32
        %mul3A_1222 = arith.muli %scan3A_1185, %mul3A_1221 : i32
        %add3A_1223 = arith.constant 2 : i32
        %add3A_1224 = arith.addi %mul3A_1222, %add3A_1223 : i32
        %get3A_1225 = arith.index_cast %add3A_1224 : i32 to index
        %get3A_1226 = arith.constant 32 : index
        %get3A_1227 = tpu.vector_load %arg8[%get3A_1225, %get3A_1226] {strides = array<i32>} : memref<312x128xf32, #tpu.memory_space<vmem>>, vector<16xf32>,
        %add3A_1228 = arith.constant 2 : i32
        %add3A_1229 = vector.broadcast %add3A_1228 : i32 to vector<16xi32>
        %add3A_1230 = arith.addi %add3A_1190, %add3A_1229 : vector<16xi32>
        %lt3A_1231 = arith.cmpi slt, %add3A_1230, %get3A_665 : vector<16xi32>
        %select_n3A_1232 = arith.select %lt3A_1231, %bitcast3A_663, %add3A_644 : vector<16xi1>, vector<16xf32>
        %gt3A_1233 = arith.cmpf ogt, %get3A_1227, %select_n3A_1232 : vector<16xf32>
        %select_n3A_1234 = arith.select %gt3A_1233, %broadcast_in_dim3A_833, %broadcast_in_dim3A_835 : vector<16xi1>, vector<16xi32>
        %add3A_1235 = arith.addi %add3A_1220, %select_n3A_1234 : vector<16xi32>
        %mul3A_1236 = arith.constant 8 : i32
        %mul3A_1237 = arith.muli %scan3A_1185, %mul3A_1236 : i32
        %add3A_1238 = arith.constant 3 : i32
        %add3A_1239 = arith.addi %mul3A_1237, %add3A_1238 : i32
        %get3A_1240 = arith.index_cast %add3A_1239 : i32 to index
        %get3A_1241 = arith.constant 32 : index
        %get3A_1242 = tpu.vector_load %arg8[%get3A_1240, %get3A_1241] {strides = array<i32>} : memref<312x128xf32, #tpu.memory_space<vmem>>, vector<16xf32>,
        %add3A_1243 = arith.constant 3 : i32
        %add3A_1244 = vector.broadcast %add3A_1243 : i32 to vector<16xi32>
        %add3A_1245 = arith.addi %add3A_1190, %add3A_1244 : vector<16xi32>
        %lt3A_1246 = arith.cmpi slt, %add3A_1245, %get3A_665 : vector<16xi32>
        %select_n3A_1247 = arith.select %lt3A_1246, %bitcast3A_663, %add3A_644 : vector<16xi1>, vector<16xf32>
        %gt3A_1248 = arith.cmpf ogt, %get3A_1242, %select_n3A_1247 : vector<16xf32>
        %select_n3A_1249 = arith.select %gt3A_1248, %broadcast_in_dim3A_833, %broadcast_in_dim3A_835 : vector<16xi1>, vector<16xi32>
        %add3A_1250 = arith.addi %add3A_1235, %select_n3A_1249 : vector<16xi32>
        %mul3A_1251 = arith.constant 8 : i32
        %mul3A_1252 = arith.muli %scan3A_1185, %mul3A_1251 : i32
        %add3A_1253 = arith.constant 4 : i32
        %add3A_1254 = arith.addi %mul3A_1252, %add3A_1253 : i32
        %get3A_1255 = arith.index_cast %add3A_1254 : i32 to index
        %get3A_1256 = arith.constant 32 : index
        %get3A_1257 = tpu.vector_load %arg8[%get3A_1255, %get3A_1256] {strides = array<i32>} : memref<312x128xf32, #tpu.memory_space<vmem>>, vector<16xf32>,
        %add3A_1258 = arith.constant 4 : i32
        %add3A_1259 = vector.broadcast %add3A_1258 : i32 to vector<16xi32>
        %add3A_1260 = arith.addi %add3A_1190, %add3A_1259 : vector<16xi32>
        %lt3A_1261 = arith.cmpi slt, %add3A_1260, %get3A_665 : vector<16xi32>
        %select_n3A_1262 = arith.select %lt3A_1261, %bitcast3A_663, %add3A_644 : vector<16xi1>, vector<16xf32>
        %gt3A_1263 = arith.cmpf ogt, %get3A_1257, %select_n3A_1262 : vector<16xf32>
        %select_n3A_1264 = arith.select %gt3A_1263, %broadcast_in_dim3A_833, %broadcast_in_dim3A_835 : vector<16xi1>, vector<16xi32>
        %add3A_1265 = arith.addi %add3A_1250, %select_n3A_1264 : vector<16xi32>
        %mul3A_1266 = arith.constant 8 : i32
        %mul3A_1267 = arith.muli %scan3A_1185, %mul3A_1266 : i32
        %add3A_1268 = arith.constant 5 : i32
        %add3A_1269 = arith.addi %mul3A_1267, %add3A_1268 : i32
        %get3A_1270 = arith.index_cast %add3A_1269 : i32 to index
        %get3A_1271 = arith.constant 32 : index
        %get3A_1272 = tpu.vector_load %arg8[%get3A_1270, %get3A_1271] {strides = array<i32>} : memref<312x128xf32, #tpu.memory_space<vmem>>, vector<16xf32>,
        %add3A_1273 = arith.constant 5 : i32
        %add3A_1274 = vector.broadcast %add3A_1273 : i32 to vector<16xi32>
        %add3A_1275 = arith.addi %add3A_1190, %add3A_1274 : vector<16xi32>
        %lt3A_1276 = arith.cmpi slt, %add3A_1275, %get3A_665 : vector<16xi32>
        %select_n3A_1277 = arith.select %lt3A_1276, %bitcast3A_663, %add3A_644 : vector<16xi1>, vector<16xf32>
        %gt3A_1278 = arith.cmpf ogt, %get3A_1272, %select_n3A_1277 : vector<16xf32>
        %select_n3A_1279 = arith.select %gt3A_1278, %broadcast_in_dim3A_833, %broadcast_in_dim3A_835 : vector<16xi1>, vector<16xi32>
        %add3A_1280 = arith.addi %add3A_1265, %select_n3A_1279 : vector<16xi32>
        %mul3A_1281 = arith.constant 8 : i32
        %mul3A_1282 = arith.muli %scan3A_1185, %mul3A_1281 : i32
        %add3A_1283 = arith.constant 6 : i32
        %add3A_1284 = arith.addi %mul3A_1282, %add3A_1283 : i32
        %get3A_1285 = arith.index_cast %add3A_1284 : i32 to index
        %get3A_1286 = arith.constant 32 : index
        %get3A_1287 = tpu.vector_load %arg8[%get3A_1285, %get3A_1286] {strides = array<i32>} : memref<312x128xf32, #tpu.memory_space<vmem>>, vector<16xf32>,
        %add3A_1288 = arith.constant 6 : i32
        %add3A_1289 = vector.broadcast %add3A_1288 : i32 to vector<16xi32>
        %add3A_1290 = arith.addi %add3A_1190, %add3A_1289 : vector<16xi32>
        %lt3A_1291 = arith.cmpi slt, %add3A_1290, %get3A_665 : vector<16xi32>
        %select_n3A_1292 = arith.select %lt3A_1291, %bitcast3A_663, %add3A_644 : vector<16xi1>, vector<16xf32>
        %gt3A_1293 = arith.cmpf ogt, %get3A_1287, %select_n3A_1292 : vector<16xf32>
        %select_n3A_1294 = arith.select %gt3A_1293, %broadcast_in_dim3A_833, %broadcast_in_dim3A_835 : vector<16xi1>, vector<16xi32>
        %add3A_1295 = arith.addi %add3A_1280, %select_n3A_1294 : vector<16xi32>
        %mul3A_1296 = arith.constant 8 : i32
        %mul3A_1297 = arith.muli %scan3A_1185, %mul3A_1296 : i32
        %add3A_1298 = arith.constant 7 : i32
        %add3A_1299 = arith.addi %mul3A_1297, %add3A_1298 : i32
        %get3A_1300 = arith.index_cast %add3A_1299 : i32 to index
        %get3A_1301 = arith.constant 32 : index
        %get3A_1302 = tpu.vector_load %arg8[%get3A_1300, %get3A_1301] {strides = array<i32>} : memref<312x128xf32, #tpu.memory_space<vmem>>, vector<16xf32>,
        %add3A_1303 = arith.constant 7 : i32
        %add3A_1304 = vector.broadcast %add3A_1303 : i32 to vector<16xi32>
        %add3A_1305 = arith.addi %add3A_1190, %add3A_1304 : vector<16xi32>
        %lt3A_1306 = arith.cmpi slt, %add3A_1305, %get3A_665 : vector<16xi32>
        %select_n3A_1307 = arith.select %lt3A_1306, %bitcast3A_663, %add3A_644 : vector<16xi1>, vector<16xf32>
        %gt3A_1308 = arith.cmpf ogt, %get3A_1302, %select_n3A_1307 : vector<16xf32>
        %select_n3A_1309 = arith.select %gt3A_1308, %broadcast_in_dim3A_833, %broadcast_in_dim3A_835 : vector<16xi1>, vector<16xi32>
        %add3A_1310 = arith.addi %add3A_1295, %select_n3A_1309 : vector<16xi32>
        scf.yield %add3A_1310 : vector<16xi32>
      }
      %scan3A_1035 = arith.constant 39 : i32
      %broadcast_in_dim3A_1036 = arith.constant 1 : i32
      %broadcast_in_dim3A_1037 = vector.broadcast %broadcast_in_dim3A_1036 : i32 to vector<16xi32>
      %mul3A_1038 = vector.broadcast %add3A_1005 : i32 to vector<16xi32>
      %mul3A_1039 = arith.muli %broadcast_in_dim3A_1037, %mul3A_1038 : vector<16xi32>
      %scan3A_1040 = arith.constant 0 : i32
      %scan3A_1041 = arith.constant 39 : i32
      %scan3A_1042 = arith.addi %scan3A_1040, %scan3A_1041 : i32
      %scan3A_1043 = arith.constant 1 : i32
      %scan3A_1044 = scf.for %scan3A_1185 = %scan3A_1040 to %scan3A_1042 step %scan3A_1043 iter_args(%scan3A_1186 = %scan3A_990) -> (vector<16xi32>)  : i32 {
        %mul3A_1187 = arith.constant 8 : i32
        %mul3A_1188 = arith.muli %scan3A_1185, %mul3A_1187 : i32
        %add3A_1189 = vector.broadcast %mul3A_1188 : i32 to vector<16xi32>
        %add3A_1190 = arith.addi %mul3A_1039, %add3A_1189 : vector<16xi32>
        %mul3A_1191 = arith.constant 8 : i32
        %mul3A_1192 = arith.muli %scan3A_1185, %mul3A_1191 : i32
        %add3A_1193 = arith.constant 0 : i32
        %add3A_1194 = arith.addi %mul3A_1192, %add3A_1193 : i32
        %get3A_1195 = arith.index_cast %add3A_1194 : i32 to index
        %get3A_1196 = arith.constant 48 : index
        %get3A_1197 = tpu.vector_load %arg8[%get3A_1195, %get3A_1196] {strides = array<i32>} : memref<312x128xf32, #tpu.memory_space<vmem>>, vector<16xf32>,
        %add3A_1198 = arith.constant 0 : i32
        %add3A_1199 = vector.broadcast %add3A_1198 : i32 to vector<16xi32>
        %add3A_1200 = arith.addi %add3A_1190, %add3A_1199 : vector<16xi32>
        %lt3A_1201 = arith.cmpi slt, %add3A_1200, %get3A_695 : vector<16xi32>
        %select_n3A_1202 = arith.select %lt3A_1201, %bitcast3A_693, %add3A_674 : vector<16xi1>, vector<16xf32>
        %gt3A_1203 = arith.cmpf ogt, %get3A_1197, %select_n3A_1202 : vector<16xf32>
        %select_n3A_1204 = arith.select %gt3A_1203, %broadcast_in_dim3A_833, %broadcast_in_dim3A_835 : vector<16xi1>, vector<16xi32>
        %add3A_1205 = arith.addi %scan3A_1186, %select_n3A_1204 : vector<16xi32>
        %mul3A_1206 = arith.constant 8 : i32
        %mul3A_1207 = arith.muli %scan3A_1185, %mul3A_1206 : i32
        %add3A_1208 = arith.constant 1 : i32
        %add3A_1209 = arith.addi %mul3A_1207, %add3A_1208 : i32
        %get3A_1210 = arith.index_cast %add3A_1209 : i32 to index
        %get3A_1211 = arith.constant 48 : index
        %get3A_1212 = tpu.vector_load %arg8[%get3A_1210, %get3A_1211] {strides = array<i32>} : memref<312x128xf32, #tpu.memory_space<vmem>>, vector<16xf32>,
        %add3A_1213 = arith.constant 1 : i32
        %add3A_1214 = vector.broadcast %add3A_1213 : i32 to vector<16xi32>
        %add3A_1215 = arith.addi %add3A_1190, %add3A_1214 : vector<16xi32>
        %lt3A_1216 = arith.cmpi slt, %add3A_1215, %get3A_695 : vector<16xi32>
        %select_n3A_1217 = arith.select %lt3A_1216, %bitcast3A_693, %add3A_674 : vector<16xi1>, vector<16xf32>
        %gt3A_1218 = arith.cmpf ogt, %get3A_1212, %select_n3A_1217 : vector<16xf32>
        %select_n3A_1219 = arith.select %gt3A_1218, %broadcast_in_dim3A_833, %broadcast_in_dim3A_835 : vector<16xi1>, vector<16xi32>
        %add3A_1220 = arith.addi %add3A_1205, %select_n3A_1219 : vector<16xi32>
        %mul3A_1221 = arith.constant 8 : i32
        %mul3A_1222 = arith.muli %scan3A_1185, %mul3A_1221 : i32
        %add3A_1223 = arith.constant 2 : i32
        %add3A_1224 = arith.addi %mul3A_1222, %add3A_1223 : i32
        %get3A_1225 = arith.index_cast %add3A_1224 : i32 to index
        %get3A_1226 = arith.constant 48 : index
        %get3A_1227 = tpu.vector_load %arg8[%get3A_1225, %get3A_1226] {strides = array<i32>} : memref<312x128xf32, #tpu.memory_space<vmem>>, vector<16xf32>,
        %add3A_1228 = arith.constant 2 : i32
        %add3A_1229 = vector.broadcast %add3A_1228 : i32 to vector<16xi32>
        %add3A_1230 = arith.addi %add3A_1190, %add3A_1229 : vector<16xi32>
        %lt3A_1231 = arith.cmpi slt, %add3A_1230, %get3A_695 : vector<16xi32>
        %select_n3A_1232 = arith.select %lt3A_1231, %bitcast3A_693, %add3A_674 : vector<16xi1>, vector<16xf32>
        %gt3A_1233 = arith.cmpf ogt, %get3A_1227, %select_n3A_1232 : vector<16xf32>
        %select_n3A_1234 = arith.select %gt3A_1233, %broadcast_in_dim3A_833, %broadcast_in_dim3A_835 : vector<16xi1>, vector<16xi32>
        %add3A_1235 = arith.addi %add3A_1220, %select_n3A_1234 : vector<16xi32>
        %mul3A_1236 = arith.constant 8 : i32
        %mul3A_1237 = arith.muli %scan3A_1185, %mul3A_1236 : i32
        %add3A_1238 = arith.constant 3 : i32
        %add3A_1239 = arith.addi %mul3A_1237, %add3A_1238 : i32
        %get3A_1240 = arith.index_cast %add3A_1239 : i32 to index
        %get3A_1241 = arith.constant 48 : index
        %get3A_1242 = tpu.vector_load %arg8[%get3A_1240, %get3A_1241] {strides = array<i32>} : memref<312x128xf32, #tpu.memory_space<vmem>>, vector<16xf32>,
        %add3A_1243 = arith.constant 3 : i32
        %add3A_1244 = vector.broadcast %add3A_1243 : i32 to vector<16xi32>
        %add3A_1245 = arith.addi %add3A_1190, %add3A_1244 : vector<16xi32>
        %lt3A_1246 = arith.cmpi slt, %add3A_1245, %get3A_695 : vector<16xi32>
        %select_n3A_1247 = arith.select %lt3A_1246, %bitcast3A_693, %add3A_674 : vector<16xi1>, vector<16xf32>
        %gt3A_1248 = arith.cmpf ogt, %get3A_1242, %select_n3A_1247 : vector<16xf32>
        %select_n3A_1249 = arith.select %gt3A_1248, %broadcast_in_dim3A_833, %broadcast_in_dim3A_835 : vector<16xi1>, vector<16xi32>
        %add3A_1250 = arith.addi %add3A_1235, %select_n3A_1249 : vector<16xi32>
        %mul3A_1251 = arith.constant 8 : i32
        %mul3A_1252 = arith.muli %scan3A_1185, %mul3A_1251 : i32
        %add3A_1253 = arith.constant 4 : i32
        %add3A_1254 = arith.addi %mul3A_1252, %add3A_1253 : i32
        %get3A_1255 = arith.index_cast %add3A_1254 : i32 to index
        %get3A_1256 = arith.constant 48 : index
        %get3A_1257 = tpu.vector_load %arg8[%get3A_1255, %get3A_1256] {strides = array<i32>} : memref<312x128xf32, #tpu.memory_space<vmem>>, vector<16xf32>,
        %add3A_1258 = arith.constant 4 : i32
        %add3A_1259 = vector.broadcast %add3A_1258 : i32 to vector<16xi32>
        %add3A_1260 = arith.addi %add3A_1190, %add3A_1259 : vector<16xi32>
        %lt3A_1261 = arith.cmpi slt, %add3A_1260, %get3A_695 : vector<16xi32>
        %select_n3A_1262 = arith.select %lt3A_1261, %bitcast3A_693, %add3A_674 : vector<16xi1>, vector<16xf32>
        %gt3A_1263 = arith.cmpf ogt, %get3A_1257, %select_n3A_1262 : vector<16xf32>
        %select_n3A_1264 = arith.select %gt3A_1263, %broadcast_in_dim3A_833, %broadcast_in_dim3A_835 : vector<16xi1>, vector<16xi32>
        %add3A_1265 = arith.addi %add3A_1250, %select_n3A_1264 : vector<16xi32>
        %mul3A_1266 = arith.constant 8 : i32
        %mul3A_1267 = arith.muli %scan3A_1185, %mul3A_1266 : i32
        %add3A_1268 = arith.constant 5 : i32
        %add3A_1269 = arith.addi %mul3A_1267, %add3A_1268 : i32
        %get3A_1270 = arith.index_cast %add3A_1269 : i32 to index
        %get3A_1271 = arith.constant 48 : index
        %get3A_1272 = tpu.vector_load %arg8[%get3A_1270, %get3A_1271] {strides = array<i32>} : memref<312x128xf32, #tpu.memory_space<vmem>>, vector<16xf32>,
        %add3A_1273 = arith.constant 5 : i32
        %add3A_1274 = vector.broadcast %add3A_1273 : i32 to vector<16xi32>
        %add3A_1275 = arith.addi %add3A_1190, %add3A_1274 : vector<16xi32>
        %lt3A_1276 = arith.cmpi slt, %add3A_1275, %get3A_695 : vector<16xi32>
        %select_n3A_1277 = arith.select %lt3A_1276, %bitcast3A_693, %add3A_674 : vector<16xi1>, vector<16xf32>
        %gt3A_1278 = arith.cmpf ogt, %get3A_1272, %select_n3A_1277 : vector<16xf32>
        %select_n3A_1279 = arith.select %gt3A_1278, %broadcast_in_dim3A_833, %broadcast_in_dim3A_835 : vector<16xi1>, vector<16xi32>
        %add3A_1280 = arith.addi %add3A_1265, %select_n3A_1279 : vector<16xi32>
        %mul3A_1281 = arith.constant 8 : i32
        %mul3A_1282 = arith.muli %scan3A_1185, %mul3A_1281 : i32
        %add3A_1283 = arith.constant 6 : i32
        %add3A_1284 = arith.addi %mul3A_1282, %add3A_1283 : i32
        %get3A_1285 = arith.index_cast %add3A_1284 : i32 to index
        %get3A_1286 = arith.constant 48 : index
        %get3A_1287 = tpu.vector_load %arg8[%get3A_1285, %get3A_1286] {strides = array<i32>} : memref<312x128xf32, #tpu.memory_space<vmem>>, vector<16xf32>,
        %add3A_1288 = arith.constant 6 : i32
        %add3A_1289 = vector.broadcast %add3A_1288 : i32 to vector<16xi32>
        %add3A_1290 = arith.addi %add3A_1190, %add3A_1289 : vector<16xi32>
        %lt3A_1291 = arith.cmpi slt, %add3A_1290, %get3A_695 : vector<16xi32>
        %select_n3A_1292 = arith.select %lt3A_1291, %bitcast3A_693, %add3A_674 : vector<16xi1>, vector<16xf32>
        %gt3A_1293 = arith.cmpf ogt, %get3A_1287, %select_n3A_1292 : vector<16xf32>
        %select_n3A_1294 = arith.select %gt3A_1293, %broadcast_in_dim3A_833, %broadcast_in_dim3A_835 : vector<16xi1>, vector<16xi32>
        %add3A_1295 = arith.addi %add3A_1280, %select_n3A_1294 : vector<16xi32>
        %mul3A_1296 = arith.constant 8 : i32
        %mul3A_1297 = arith.muli %scan3A_1185, %mul3A_1296 : i32
        %add3A_1298 = arith.constant 7 : i32
        %add3A_1299 = arith.addi %mul3A_1297, %add3A_1298 : i32
        %get3A_1300 = arith.index_cast %add3A_1299 : i32 to index
        %get3A_1301 = arith.constant 48 : index
        %get3A_1302 = tpu.vector_load %arg8[%get3A_1300, %get3A_1301] {strides = array<i32>} : memref<312x128xf32, #tpu.memory_space<vmem>>, vector<16xf32>,
        %add3A_1303 = arith.constant 7 : i32
        %add3A_1304 = vector.broadcast %add3A_1303 : i32 to vector<16xi32>
        %add3A_1305 = arith.addi %add3A_1190, %add3A_1304 : vector<16xi32>
        %lt3A_1306 = arith.cmpi slt, %add3A_1305, %get3A_695 : vector<16xi32>
        %select_n3A_1307 = arith.select %lt3A_1306, %bitcast3A_693, %add3A_674 : vector<16xi1>, vector<16xf32>
        %gt3A_1308 = arith.cmpf ogt, %get3A_1302, %select_n3A_1307 : vector<16xf32>
        %select_n3A_1309 = arith.select %gt3A_1308, %broadcast_in_dim3A_833, %broadcast_in_dim3A_835 : vector<16xi1>, vector<16xi32>
        %add3A_1310 = arith.addi %add3A_1295, %select_n3A_1309 : vector<16xi32>
        scf.yield %add3A_1310 : vector<16xi32>
      }
      %scan3A_1045 = arith.constant 39 : i32
      %broadcast_in_dim3A_1046 = arith.constant 1 : i32
      %broadcast_in_dim3A_1047 = vector.broadcast %broadcast_in_dim3A_1046 : i32 to vector<16xi32>
      %mul3A_1048 = vector.broadcast %add3A_1005 : i32 to vector<16xi32>
      %mul3A_1049 = arith.muli %broadcast_in_dim3A_1047, %mul3A_1048 : vector<16xi32>
      %scan3A_1050 = arith.constant 0 : i32
      %scan3A_1051 = arith.constant 39 : i32
      %scan3A_1052 = arith.addi %scan3A_1050, %scan3A_1051 : i32
      %scan3A_1053 = arith.constant 1 : i32
      %scan3A_1054 = scf.for %scan3A_1185 = %scan3A_1050 to %scan3A_1052 step %scan3A_1053 iter_args(%scan3A_1186 = %scan3A_991) -> (vector<16xi32>)  : i32 {
        %mul3A_1187 = arith.constant 8 : i32
        %mul3A_1188 = arith.muli %scan3A_1185, %mul3A_1187 : i32
        %add3A_1189 = vector.broadcast %mul3A_1188 : i32 to vector<16xi32>
        %add3A_1190 = arith.addi %mul3A_1049, %add3A_1189 : vector<16xi32>
        %mul3A_1191 = arith.constant 8 : i32
        %mul3A_1192 = arith.muli %scan3A_1185, %mul3A_1191 : i32
        %add3A_1193 = arith.constant 0 : i32
        %add3A_1194 = arith.addi %mul3A_1192, %add3A_1193 : i32
        %get3A_1195 = arith.index_cast %add3A_1194 : i32 to index
        %get3A_1196 = arith.constant 64 : index
        %get3A_1197 = tpu.vector_load %arg8[%get3A_1195, %get3A_1196] {strides = array<i32>} : memref<312x128xf32, #tpu.memory_space<vmem>>, vector<16xf32>,
        %add3A_1198 = arith.constant 0 : i32
        %add3A_1199 = vector.broadcast %add3A_1198 : i32 to vector<16xi32>
        %add3A_1200 = arith.addi %add3A_1190, %add3A_1199 : vector<16xi32>
        %lt3A_1201 = arith.cmpi slt, %add3A_1200, %get3A_725 : vector<16xi32>
        %select_n3A_1202 = arith.select %lt3A_1201, %bitcast3A_723, %add3A_704 : vector<16xi1>, vector<16xf32>
        %gt3A_1203 = arith.cmpf ogt, %get3A_1197, %select_n3A_1202 : vector<16xf32>
        %select_n3A_1204 = arith.select %gt3A_1203, %broadcast_in_dim3A_833, %broadcast_in_dim3A_835 : vector<16xi1>, vector<16xi32>
        %add3A_1205 = arith.addi %scan3A_1186, %select_n3A_1204 : vector<16xi32>
        %mul3A_1206 = arith.constant 8 : i32
        %mul3A_1207 = arith.muli %scan3A_1185, %mul3A_1206 : i32
        %add3A_1208 = arith.constant 1 : i32
        %add3A_1209 = arith.addi %mul3A_1207, %add3A_1208 : i32
        %get3A_1210 = arith.index_cast %add3A_1209 : i32 to index
        %get3A_1211 = arith.constant 64 : index
        %get3A_1212 = tpu.vector_load %arg8[%get3A_1210, %get3A_1211] {strides = array<i32>} : memref<312x128xf32, #tpu.memory_space<vmem>>, vector<16xf32>,
        %add3A_1213 = arith.constant 1 : i32
        %add3A_1214 = vector.broadcast %add3A_1213 : i32 to vector<16xi32>
        %add3A_1215 = arith.addi %add3A_1190, %add3A_1214 : vector<16xi32>
        %lt3A_1216 = arith.cmpi slt, %add3A_1215, %get3A_725 : vector<16xi32>
        %select_n3A_1217 = arith.select %lt3A_1216, %bitcast3A_723, %add3A_704 : vector<16xi1>, vector<16xf32>
        %gt3A_1218 = arith.cmpf ogt, %get3A_1212, %select_n3A_1217 : vector<16xf32>
        %select_n3A_1219 = arith.select %gt3A_1218, %broadcast_in_dim3A_833, %broadcast_in_dim3A_835 : vector<16xi1>, vector<16xi32>
        %add3A_1220 = arith.addi %add3A_1205, %select_n3A_1219 : vector<16xi32>
        %mul3A_1221 = arith.constant 8 : i32
        %mul3A_1222 = arith.muli %scan3A_1185, %mul3A_1221 : i32
        %add3A_1223 = arith.constant 2 : i32
        %add3A_1224 = arith.addi %mul3A_1222, %add3A_1223 : i32
        %get3A_1225 = arith.index_cast %add3A_1224 : i32 to index
        %get3A_1226 = arith.constant 64 : index
        %get3A_1227 = tpu.vector_load %arg8[%get3A_1225, %get3A_1226] {strides = array<i32>} : memref<312x128xf32, #tpu.memory_space<vmem>>, vector<16xf32>,
        %add3A_1228 = arith.constant 2 : i32
        %add3A_1229 = vector.broadcast %add3A_1228 : i32 to vector<16xi32>
        %add3A_1230 = arith.addi %add3A_1190, %add3A_1229 : vector<16xi32>
        %lt3A_1231 = arith.cmpi slt, %add3A_1230, %get3A_725 : vector<16xi32>
        %select_n3A_1232 = arith.select %lt3A_1231, %bitcast3A_723, %add3A_704 : vector<16xi1>, vector<16xf32>
        %gt3A_1233 = arith.cmpf ogt, %get3A_1227, %select_n3A_1232 : vector<16xf32>
        %select_n3A_1234 = arith.select %gt3A_1233, %broadcast_in_dim3A_833, %broadcast_in_dim3A_835 : vector<16xi1>, vector<16xi32>
        %add3A_1235 = arith.addi %add3A_1220, %select_n3A_1234 : vector<16xi32>
        %mul3A_1236 = arith.constant 8 : i32
        %mul3A_1237 = arith.muli %scan3A_1185, %mul3A_1236 : i32
        %add3A_1238 = arith.constant 3 : i32
        %add3A_1239 = arith.addi %mul3A_1237, %add3A_1238 : i32
        %get3A_1240 = arith.index_cast %add3A_1239 : i32 to index
        %get3A_1241 = arith.constant 64 : index
        %get3A_1242 = tpu.vector_load %arg8[%get3A_1240, %get3A_1241] {strides = array<i32>} : memref<312x128xf32, #tpu.memory_space<vmem>>, vector<16xf32>,
        %add3A_1243 = arith.constant 3 : i32
        %add3A_1244 = vector.broadcast %add3A_1243 : i32 to vector<16xi32>
        %add3A_1245 = arith.addi %add3A_1190, %add3A_1244 : vector<16xi32>
        %lt3A_1246 = arith.cmpi slt, %add3A_1245, %get3A_725 : vector<16xi32>
        %select_n3A_1247 = arith.select %lt3A_1246, %bitcast3A_723, %add3A_704 : vector<16xi1>, vector<16xf32>
        %gt3A_1248 = arith.cmpf ogt, %get3A_1242, %select_n3A_1247 : vector<16xf32>
        %select_n3A_1249 = arith.select %gt3A_1248, %broadcast_in_dim3A_833, %broadcast_in_dim3A_835 : vector<16xi1>, vector<16xi32>
        %add3A_1250 = arith.addi %add3A_1235, %select_n3A_1249 : vector<16xi32>
        %mul3A_1251 = arith.constant 8 : i32
        %mul3A_1252 = arith.muli %scan3A_1185, %mul3A_1251 : i32
        %add3A_1253 = arith.constant 4 : i32
        %add3A_1254 = arith.addi %mul3A_1252, %add3A_1253 : i32
        %get3A_1255 = arith.index_cast %add3A_1254 : i32 to index
        %get3A_1256 = arith.constant 64 : index
        %get3A_1257 = tpu.vector_load %arg8[%get3A_1255, %get3A_1256] {strides = array<i32>} : memref<312x128xf32, #tpu.memory_space<vmem>>, vector<16xf32>,
        %add3A_1258 = arith.constant 4 : i32
        %add3A_1259 = vector.broadcast %add3A_1258 : i32 to vector<16xi32>
        %add3A_1260 = arith.addi %add3A_1190, %add3A_1259 : vector<16xi32>
        %lt3A_1261 = arith.cmpi slt, %add3A_1260, %get3A_725 : vector<16xi32>
        %select_n3A_1262 = arith.select %lt3A_1261, %bitcast3A_723, %add3A_704 : vector<16xi1>, vector<16xf32>
        %gt3A_1263 = arith.cmpf ogt, %get3A_1257, %select_n3A_1262 : vector<16xf32>
        %select_n3A_1264 = arith.select %gt3A_1263, %broadcast_in_dim3A_833, %broadcast_in_dim3A_835 : vector<16xi1>, vector<16xi32>
        %add3A_1265 = arith.addi %add3A_1250, %select_n3A_1264 : vector<16xi32>
        %mul3A_1266 = arith.constant 8 : i32
        %mul3A_1267 = arith.muli %scan3A_1185, %mul3A_1266 : i32
        %add3A_1268 = arith.constant 5 : i32
        %add3A_1269 = arith.addi %mul3A_1267, %add3A_1268 : i32
        %get3A_1270 = arith.index_cast %add3A_1269 : i32 to index
        %get3A_1271 = arith.constant 64 : index
        %get3A_1272 = tpu.vector_load %arg8[%get3A_1270, %get3A_1271] {strides = array<i32>} : memref<312x128xf32, #tpu.memory_space<vmem>>, vector<16xf32>,
        %add3A_1273 = arith.constant 5 : i32
        %add3A_1274 = vector.broadcast %add3A_1273 : i32 to vector<16xi32>
        %add3A_1275 = arith.addi %add3A_1190, %add3A_1274 : vector<16xi32>
        %lt3A_1276 = arith.cmpi slt, %add3A_1275, %get3A_725 : vector<16xi32>
        %select_n3A_1277 = arith.select %lt3A_1276, %bitcast3A_723, %add3A_704 : vector<16xi1>, vector<16xf32>
        %gt3A_1278 = arith.cmpf ogt, %get3A_1272, %select_n3A_1277 : vector<16xf32>
        %select_n3A_1279 = arith.select %gt3A_1278, %broadcast_in_dim3A_833, %broadcast_in_dim3A_835 : vector<16xi1>, vector<16xi32>
        %add3A_1280 = arith.addi %add3A_1265, %select_n3A_1279 : vector<16xi32>
        %mul3A_1281 = arith.constant 8 : i32
        %mul3A_1282 = arith.muli %scan3A_1185, %mul3A_1281 : i32
        %add3A_1283 = arith.constant 6 : i32
        %add3A_1284 = arith.addi %mul3A_1282, %add3A_1283 : i32
        %get3A_1285 = arith.index_cast %add3A_1284 : i32 to index
        %get3A_1286 = arith.constant 64 : index
        %get3A_1287 = tpu.vector_load %arg8[%get3A_1285, %get3A_1286] {strides = array<i32>} : memref<312x128xf32, #tpu.memory_space<vmem>>, vector<16xf32>,
        %add3A_1288 = arith.constant 6 : i32
        %add3A_1289 = vector.broadcast %add3A_1288 : i32 to vector<16xi32>
        %add3A_1290 = arith.addi %add3A_1190, %add3A_1289 : vector<16xi32>
        %lt3A_1291 = arith.cmpi slt, %add3A_1290, %get3A_725 : vector<16xi32>
        %select_n3A_1292 = arith.select %lt3A_1291, %bitcast3A_723, %add3A_704 : vector<16xi1>, vector<16xf32>
        %gt3A_1293 = arith.cmpf ogt, %get3A_1287, %select_n3A_1292 : vector<16xf32>
        %select_n3A_1294 = arith.select %gt3A_1293, %broadcast_in_dim3A_833, %broadcast_in_dim3A_835 : vector<16xi1>, vector<16xi32>
        %add3A_1295 = arith.addi %add3A_1280, %select_n3A_1294 : vector<16xi32>
        %mul3A_1296 = arith.constant 8 : i32
        %mul3A_1297 = arith.muli %scan3A_1185, %mul3A_1296 : i32
        %add3A_1298 = arith.constant 7 : i32
        %add3A_1299 = arith.addi %mul3A_1297, %add3A_1298 : i32
        %get3A_1300 = arith.index_cast %add3A_1299 : i32 to index
        %get3A_1301 = arith.constant 64 : index
        %get3A_1302 = tpu.vector_load %arg8[%get3A_1300, %get3A_1301] {strides = array<i32>} : memref<312x128xf32, #tpu.memory_space<vmem>>, vector<16xf32>,
        %add3A_1303 = arith.constant 7 : i32
        %add3A_1304 = vector.broadcast %add3A_1303 : i32 to vector<16xi32>
        %add3A_1305 = arith.addi %add3A_1190, %add3A_1304 : vector<16xi32>
        %lt3A_1306 = arith.cmpi slt, %add3A_1305, %get3A_725 : vector<16xi32>
        %select_n3A_1307 = arith.select %lt3A_1306, %bitcast3A_723, %add3A_704 : vector<16xi1>, vector<16xf32>
        %gt3A_1308 = arith.cmpf ogt, %get3A_1302, %select_n3A_1307 : vector<16xf32>
        %select_n3A_1309 = arith.select %gt3A_1308, %broadcast_in_dim3A_833, %broadcast_in_dim3A_835 : vector<16xi1>, vector<16xi32>
        %add3A_1310 = arith.addi %add3A_1295, %select_n3A_1309 : vector<16xi32>
        scf.yield %add3A_1310 : vector<16xi32>
      }
      %scan3A_1055 = arith.constant 39 : i32
      %broadcast_in_dim3A_1056 = arith.constant 1 : i32
      %broadcast_in_dim3A_1057 = vector.broadcast %broadcast_in_dim3A_1056 : i32 to vector<16xi32>
      %mul3A_1058 = vector.broadcast %add3A_1005 : i32 to vector<16xi32>
      %mul3A_1059 = arith.muli %broadcast_in_dim3A_1057, %mul3A_1058 : vector<16xi32>
      %scan3A_1060 = arith.constant 0 : i32
      %scan3A_1061 = arith.constant 39 : i32
      %scan3A_1062 = arith.addi %scan3A_1060, %scan3A_1061 : i32
      %scan3A_1063 = arith.constant 1 : i32
      %scan3A_1064 = scf.for %scan3A_1185 = %scan3A_1060 to %scan3A_1062 step %scan3A_1063 iter_args(%scan3A_1186 = %scan3A_992) -> (vector<16xi32>)  : i32 {
        %mul3A_1187 = arith.constant 8 : i32
        %mul3A_1188 = arith.muli %scan3A_1185, %mul3A_1187 : i32
        %add3A_1189 = vector.broadcast %mul3A_1188 : i32 to vector<16xi32>
        %add3A_1190 = arith.addi %mul3A_1059, %add3A_1189 : vector<16xi32>
        %mul3A_1191 = arith.constant 8 : i32
        %mul3A_1192 = arith.muli %scan3A_1185, %mul3A_1191 : i32
        %add3A_1193 = arith.constant 0 : i32
        %add3A_1194 = arith.addi %mul3A_1192, %add3A_1193 : i32
        %get3A_1195 = arith.index_cast %add3A_1194 : i32 to index
        %get3A_1196 = arith.constant 80 : index
        %get3A_1197 = tpu.vector_load %arg8[%get3A_1195, %get3A_1196] {strides = array<i32>} : memref<312x128xf32, #tpu.memory_space<vmem>>, vector<16xf32>,
        %add3A_1198 = arith.constant 0 : i32
        %add3A_1199 = vector.broadcast %add3A_1198 : i32 to vector<16xi32>
        %add3A_1200 = arith.addi %add3A_1190, %add3A_1199 : vector<16xi32>
        %lt3A_1201 = arith.cmpi slt, %add3A_1200, %get3A_755 : vector<16xi32>
        %select_n3A_1202 = arith.select %lt3A_1201, %bitcast3A_753, %add3A_734 : vector<16xi1>, vector<16xf32>
        %gt3A_1203 = arith.cmpf ogt, %get3A_1197, %select_n3A_1202 : vector<16xf32>
        %select_n3A_1204 = arith.select %gt3A_1203, %broadcast_in_dim3A_833, %broadcast_in_dim3A_835 : vector<16xi1>, vector<16xi32>
        %add3A_1205 = arith.addi %scan3A_1186, %select_n3A_1204 : vector<16xi32>
        %mul3A_1206 = arith.constant 8 : i32
        %mul3A_1207 = arith.muli %scan3A_1185, %mul3A_1206 : i32
        %add3A_1208 = arith.constant 1 : i32
        %add3A_1209 = arith.addi %mul3A_1207, %add3A_1208 : i32
        %get3A_1210 = arith.index_cast %add3A_1209 : i32 to index
        %get3A_1211 = arith.constant 80 : index
        %get3A_1212 = tpu.vector_load %arg8[%get3A_1210, %get3A_1211] {strides = array<i32>} : memref<312x128xf32, #tpu.memory_space<vmem>>, vector<16xf32>,
        %add3A_1213 = arith.constant 1 : i32
        %add3A_1214 = vector.broadcast %add3A_1213 : i32 to vector<16xi32>
        %add3A_1215 = arith.addi %add3A_1190, %add3A_1214 : vector<16xi32>
        %lt3A_1216 = arith.cmpi slt, %add3A_1215, %get3A_755 : vector<16xi32>
        %select_n3A_1217 = arith.select %lt3A_1216, %bitcast3A_753, %add3A_734 : vector<16xi1>, vector<16xf32>
        %gt3A_1218 = arith.cmpf ogt, %get3A_1212, %select_n3A_1217 : vector<16xf32>
        %select_n3A_1219 = arith.select %gt3A_1218, %broadcast_in_dim3A_833, %broadcast_in_dim3A_835 : vector<16xi1>, vector<16xi32>
        %add3A_1220 = arith.addi %add3A_1205, %select_n3A_1219 : vector<16xi32>
        %mul3A_1221 = arith.constant 8 : i32
        %mul3A_1222 = arith.muli %scan3A_1185, %mul3A_1221 : i32
        %add3A_1223 = arith.constant 2 : i32
        %add3A_1224 = arith.addi %mul3A_1222, %add3A_1223 : i32
        %get3A_1225 = arith.index_cast %add3A_1224 : i32 to index
        %get3A_1226 = arith.constant 80 : index
        %get3A_1227 = tpu.vector_load %arg8[%get3A_1225, %get3A_1226] {strides = array<i32>} : memref<312x128xf32, #tpu.memory_space<vmem>>, vector<16xf32>,
        %add3A_1228 = arith.constant 2 : i32
        %add3A_1229 = vector.broadcast %add3A_1228 : i32 to vector<16xi32>
        %add3A_1230 = arith.addi %add3A_1190, %add3A_1229 : vector<16xi32>
        %lt3A_1231 = arith.cmpi slt, %add3A_1230, %get3A_755 : vector<16xi32>
        %select_n3A_1232 = arith.select %lt3A_1231, %bitcast3A_753, %add3A_734 : vector<16xi1>, vector<16xf32>
        %gt3A_1233 = arith.cmpf ogt, %get3A_1227, %select_n3A_1232 : vector<16xf32>
        %select_n3A_1234 = arith.select %gt3A_1233, %broadcast_in_dim3A_833, %broadcast_in_dim3A_835 : vector<16xi1>, vector<16xi32>
        %add3A_1235 = arith.addi %add3A_1220, %select_n3A_1234 : vector<16xi32>
        %mul3A_1236 = arith.constant 8 : i32
        %mul3A_1237 = arith.muli %scan3A_1185, %mul3A_1236 : i32
        %add3A_1238 = arith.constant 3 : i32
        %add3A_1239 = arith.addi %mul3A_1237, %add3A_1238 : i32
        %get3A_1240 = arith.index_cast %add3A_1239 : i32 to index
        %get3A_1241 = arith.constant 80 : index
        %get3A_1242 = tpu.vector_load %arg8[%get3A_1240, %get3A_1241] {strides = array<i32>} : memref<312x128xf32, #tpu.memory_space<vmem>>, vector<16xf32>,
        %add3A_1243 = arith.constant 3 : i32
        %add3A_1244 = vector.broadcast %add3A_1243 : i32 to vector<16xi32>
        %add3A_1245 = arith.addi %add3A_1190, %add3A_1244 : vector<16xi32>
        %lt3A_1246 = arith.cmpi slt, %add3A_1245, %get3A_755 : vector<16xi32>
        %select_n3A_1247 = arith.select %lt3A_1246, %bitcast3A_753, %add3A_734 : vector<16xi1>, vector<16xf32>
        %gt3A_1248 = arith.cmpf ogt, %get3A_1242, %select_n3A_1247 : vector<16xf32>
        %select_n3A_1249 = arith.select %gt3A_1248, %broadcast_in_dim3A_833, %broadcast_in_dim3A_835 : vector<16xi1>, vector<16xi32>
        %add3A_1250 = arith.addi %add3A_1235, %select_n3A_1249 : vector<16xi32>
        %mul3A_1251 = arith.constant 8 : i32
        %mul3A_1252 = arith.muli %scan3A_1185, %mul3A_1251 : i32
        %add3A_1253 = arith.constant 4 : i32
        %add3A_1254 = arith.addi %mul3A_1252, %add3A_1253 : i32
        %get3A_1255 = arith.index_cast %add3A_1254 : i32 to index
        %get3A_1256 = arith.constant 80 : index
        %get3A_1257 = tpu.vector_load %arg8[%get3A_1255, %get3A_1256] {strides = array<i32>} : memref<312x128xf32, #tpu.memory_space<vmem>>, vector<16xf32>,
        %add3A_1258 = arith.constant 4 : i32
        %add3A_1259 = vector.broadcast %add3A_1258 : i32 to vector<16xi32>
        %add3A_1260 = arith.addi %add3A_1190, %add3A_1259 : vector<16xi32>
        %lt3A_1261 = arith.cmpi slt, %add3A_1260, %get3A_755 : vector<16xi32>
        %select_n3A_1262 = arith.select %lt3A_1261, %bitcast3A_753, %add3A_734 : vector<16xi1>, vector<16xf32>
        %gt3A_1263 = arith.cmpf ogt, %get3A_1257, %select_n3A_1262 : vector<16xf32>
        %select_n3A_1264 = arith.select %gt3A_1263, %broadcast_in_dim3A_833, %broadcast_in_dim3A_835 : vector<16xi1>, vector<16xi32>
        %add3A_1265 = arith.addi %add3A_1250, %select_n3A_1264 : vector<16xi32>
        %mul3A_1266 = arith.constant 8 : i32
        %mul3A_1267 = arith.muli %scan3A_1185, %mul3A_1266 : i32
        %add3A_1268 = arith.constant 5 : i32
        %add3A_1269 = arith.addi %mul3A_1267, %add3A_1268 : i32
        %get3A_1270 = arith.index_cast %add3A_1269 : i32 to index
        %get3A_1271 = arith.constant 80 : index
        %get3A_1272 = tpu.vector_load %arg8[%get3A_1270, %get3A_1271] {strides = array<i32>} : memref<312x128xf32, #tpu.memory_space<vmem>>, vector<16xf32>,
        %add3A_1273 = arith.constant 5 : i32
        %add3A_1274 = vector.broadcast %add3A_1273 : i32 to vector<16xi32>
        %add3A_1275 = arith.addi %add3A_1190, %add3A_1274 : vector<16xi32>
        %lt3A_1276 = arith.cmpi slt, %add3A_1275, %get3A_755 : vector<16xi32>
        %select_n3A_1277 = arith.select %lt3A_1276, %bitcast3A_753, %add3A_734 : vector<16xi1>, vector<16xf32>
        %gt3A_1278 = arith.cmpf ogt, %get3A_1272, %select_n3A_1277 : vector<16xf32>
        %select_n3A_1279 = arith.select %gt3A_1278, %broadcast_in_dim3A_833, %broadcast_in_dim3A_835 : vector<16xi1>, vector<16xi32>
        %add3A_1280 = arith.addi %add3A_1265, %select_n3A_1279 : vector<16xi32>
        %mul3A_1281 = arith.constant 8 : i32
        %mul3A_1282 = arith.muli %scan3A_1185, %mul3A_1281 : i32
        %add3A_1283 = arith.constant 6 : i32
        %add3A_1284 = arith.addi %mul3A_1282, %add3A_1283 : i32
        %get3A_1285 = arith.index_cast %add3A_1284 : i32 to index
        %get3A_1286 = arith.constant 80 : index
        %get3A_1287 = tpu.vector_load %arg8[%get3A_1285, %get3A_1286] {strides = array<i32>} : memref<312x128xf32, #tpu.memory_space<vmem>>, vector<16xf32>,
        %add3A_1288 = arith.constant 6 : i32
        %add3A_1289 = vector.broadcast %add3A_1288 : i32 to vector<16xi32>
        %add3A_1290 = arith.addi %add3A_1190, %add3A_1289 : vector<16xi32>
        %lt3A_1291 = arith.cmpi slt, %add3A_1290, %get3A_755 : vector<16xi32>
        %select_n3A_1292 = arith.select %lt3A_1291, %bitcast3A_753, %add3A_734 : vector<16xi1>, vector<16xf32>
        %gt3A_1293 = arith.cmpf ogt, %get3A_1287, %select_n3A_1292 : vector<16xf32>
        %select_n3A_1294 = arith.select %gt3A_1293, %broadcast_in_dim3A_833, %broadcast_in_dim3A_835 : vector<16xi1>, vector<16xi32>
        %add3A_1295 = arith.addi %add3A_1280, %select_n3A_1294 : vector<16xi32>
        %mul3A_1296 = arith.constant 8 : i32
        %mul3A_1297 = arith.muli %scan3A_1185, %mul3A_1296 : i32
        %add3A_1298 = arith.constant 7 : i32
        %add3A_1299 = arith.addi %mul3A_1297, %add3A_1298 : i32
        %get3A_1300 = arith.index_cast %add3A_1299 : i32 to index
        %get3A_1301 = arith.constant 80 : index
        %get3A_1302 = tpu.vector_load %arg8[%get3A_1300, %get3A_1301] {strides = array<i32>} : memref<312x128xf32, #tpu.memory_space<vmem>>, vector<16xf32>,
        %add3A_1303 = arith.constant 7 : i32
        %add3A_1304 = vector.broadcast %add3A_1303 : i32 to vector<16xi32>
        %add3A_1305 = arith.addi %add3A_1190, %add3A_1304 : vector<16xi32>
        %lt3A_1306 = arith.cmpi slt, %add3A_1305, %get3A_755 : vector<16xi32>
        %select_n3A_1307 = arith.select %lt3A_1306, %bitcast3A_753, %add3A_734 : vector<16xi1>, vector<16xf32>
        %gt3A_1308 = arith.cmpf ogt, %get3A_1302, %select_n3A_1307 : vector<16xf32>
        %select_n3A_1309 = arith.select %gt3A_1308, %broadcast_in_dim3A_833, %broadcast_in_dim3A_835 : vector<16xi1>, vector<16xi32>
        %add3A_1310 = arith.addi %add3A_1295, %select_n3A_1309 : vector<16xi32>
        scf.yield %add3A_1310 : vector<16xi32>
      }
      %scan3A_1065 = arith.constant 39 : i32
      %broadcast_in_dim3A_1066 = arith.constant 1 : i32
      %broadcast_in_dim3A_1067 = vector.broadcast %broadcast_in_dim3A_1066 : i32 to vector<16xi32>
      %mul3A_1068 = vector.broadcast %add3A_1005 : i32 to vector<16xi32>
      %mul3A_1069 = arith.muli %broadcast_in_dim3A_1067, %mul3A_1068 : vector<16xi32>
      %scan3A_1070 = arith.constant 0 : i32
      %scan3A_1071 = arith.constant 39 : i32
      %scan3A_1072 = arith.addi %scan3A_1070, %scan3A_1071 : i32
      %scan3A_1073 = arith.constant 1 : i32
      %scan3A_1074 = scf.for %scan3A_1185 = %scan3A_1070 to %scan3A_1072 step %scan3A_1073 iter_args(%scan3A_1186 = %scan3A_993) -> (vector<16xi32>)  : i32 {
        %mul3A_1187 = arith.constant 8 : i32
        %mul3A_1188 = arith.muli %scan3A_1185, %mul3A_1187 : i32
        %add3A_1189 = vector.broadcast %mul3A_1188 : i32 to vector<16xi32>
        %add3A_1190 = arith.addi %mul3A_1069, %add3A_1189 : vector<16xi32>
        %mul3A_1191 = arith.constant 8 : i32
        %mul3A_1192 = arith.muli %scan3A_1185, %mul3A_1191 : i32
        %add3A_1193 = arith.constant 0 : i32
        %add3A_1194 = arith.addi %mul3A_1192, %add3A_1193 : i32
        %get3A_1195 = arith.index_cast %add3A_1194 : i32 to index
        %get3A_1196 = arith.constant 96 : index
        %get3A_1197 = tpu.vector_load %arg8[%get3A_1195, %get3A_1196] {strides = array<i32>} : memref<312x128xf32, #tpu.memory_space<vmem>>, vector<16xf32>,
        %add3A_1198 = arith.constant 0 : i32
        %add3A_1199 = vector.broadcast %add3A_1198 : i32 to vector<16xi32>
        %add3A_1200 = arith.addi %add3A_1190, %add3A_1199 : vector<16xi32>
        %lt3A_1201 = arith.cmpi slt, %add3A_1200, %get3A_785 : vector<16xi32>
        %select_n3A_1202 = arith.select %lt3A_1201, %bitcast3A_783, %add3A_764 : vector<16xi1>, vector<16xf32>
        %gt3A_1203 = arith.cmpf ogt, %get3A_1197, %select_n3A_1202 : vector<16xf32>
        %select_n3A_1204 = arith.select %gt3A_1203, %broadcast_in_dim3A_833, %broadcast_in_dim3A_835 : vector<16xi1>, vector<16xi32>
        %add3A_1205 = arith.addi %scan3A_1186, %select_n3A_1204 : vector<16xi32>
        %mul3A_1206 = arith.constant 8 : i32
        %mul3A_1207 = arith.muli %scan3A_1185, %mul3A_1206 : i32
        %add3A_1208 = arith.constant 1 : i32
        %add3A_1209 = arith.addi %mul3A_1207, %add3A_1208 : i32
        %get3A_1210 = arith.index_cast %add3A_1209 : i32 to index
        %get3A_1211 = arith.constant 96 : index
        %get3A_1212 = tpu.vector_load %arg8[%get3A_1210, %get3A_1211] {strides = array<i32>} : memref<312x128xf32, #tpu.memory_space<vmem>>, vector<16xf32>,
        %add3A_1213 = arith.constant 1 : i32
        %add3A_1214 = vector.broadcast %add3A_1213 : i32 to vector<16xi32>
        %add3A_1215 = arith.addi %add3A_1190, %add3A_1214 : vector<16xi32>
        %lt3A_1216 = arith.cmpi slt, %add3A_1215, %get3A_785 : vector<16xi32>
        %select_n3A_1217 = arith.select %lt3A_1216, %bitcast3A_783, %add3A_764 : vector<16xi1>, vector<16xf32>
        %gt3A_1218 = arith.cmpf ogt, %get3A_1212, %select_n3A_1217 : vector<16xf32>
        %select_n3A_1219 = arith.select %gt3A_1218, %broadcast_in_dim3A_833, %broadcast_in_dim3A_835 : vector<16xi1>, vector<16xi32>
        %add3A_1220 = arith.addi %add3A_1205, %select_n3A_1219 : vector<16xi32>
        %mul3A_1221 = arith.constant 8 : i32
        %mul3A_1222 = arith.muli %scan3A_1185, %mul3A_1221 : i32
        %add3A_1223 = arith.constant 2 : i32
        %add3A_1224 = arith.addi %mul3A_1222, %add3A_1223 : i32
        %get3A_1225 = arith.index_cast %add3A_1224 : i32 to index
        %get3A_1226 = arith.constant 96 : index
        %get3A_1227 = tpu.vector_load %arg8[%get3A_1225, %get3A_1226] {strides = array<i32>} : memref<312x128xf32, #tpu.memory_space<vmem>>, vector<16xf32>,
        %add3A_1228 = arith.constant 2 : i32
        %add3A_1229 = vector.broadcast %add3A_1228 : i32 to vector<16xi32>
        %add3A_1230 = arith.addi %add3A_1190, %add3A_1229 : vector<16xi32>
        %lt3A_1231 = arith.cmpi slt, %add3A_1230, %get3A_785 : vector<16xi32>
        %select_n3A_1232 = arith.select %lt3A_1231, %bitcast3A_783, %add3A_764 : vector<16xi1>, vector<16xf32>
        %gt3A_1233 = arith.cmpf ogt, %get3A_1227, %select_n3A_1232 : vector<16xf32>
        %select_n3A_1234 = arith.select %gt3A_1233, %broadcast_in_dim3A_833, %broadcast_in_dim3A_835 : vector<16xi1>, vector<16xi32>
        %add3A_1235 = arith.addi %add3A_1220, %select_n3A_1234 : vector<16xi32>
        %mul3A_1236 = arith.constant 8 : i32
        %mul3A_1237 = arith.muli %scan3A_1185, %mul3A_1236 : i32
        %add3A_1238 = arith.constant 3 : i32
        %add3A_1239 = arith.addi %mul3A_1237, %add3A_1238 : i32
        %get3A_1240 = arith.index_cast %add3A_1239 : i32 to index
        %get3A_1241 = arith.constant 96 : index
        %get3A_1242 = tpu.vector_load %arg8[%get3A_1240, %get3A_1241] {strides = array<i32>} : memref<312x128xf32, #tpu.memory_space<vmem>>, vector<16xf32>,
        %add3A_1243 = arith.constant 3 : i32
        %add3A_1244 = vector.broadcast %add3A_1243 : i32 to vector<16xi32>
        %add3A_1245 = arith.addi %add3A_1190, %add3A_1244 : vector<16xi32>
        %lt3A_1246 = arith.cmpi slt, %add3A_1245, %get3A_785 : vector<16xi32>
        %select_n3A_1247 = arith.select %lt3A_1246, %bitcast3A_783, %add3A_764 : vector<16xi1>, vector<16xf32>
        %gt3A_1248 = arith.cmpf ogt, %get3A_1242, %select_n3A_1247 : vector<16xf32>
        %select_n3A_1249 = arith.select %gt3A_1248, %broadcast_in_dim3A_833, %broadcast_in_dim3A_835 : vector<16xi1>, vector<16xi32>
        %add3A_1250 = arith.addi %add3A_1235, %select_n3A_1249 : vector<16xi32>
        %mul3A_1251 = arith.constant 8 : i32
        %mul3A_1252 = arith.muli %scan3A_1185, %mul3A_1251 : i32
        %add3A_1253 = arith.constant 4 : i32
        %add3A_1254 = arith.addi %mul3A_1252, %add3A_1253 : i32
        %get3A_1255 = arith.index_cast %add3A_1254 : i32 to index
        %get3A_1256 = arith.constant 96 : index
        %get3A_1257 = tpu.vector_load %arg8[%get3A_1255, %get3A_1256] {strides = array<i32>} : memref<312x128xf32, #tpu.memory_space<vmem>>, vector<16xf32>,
        %add3A_1258 = arith.constant 4 : i32
        %add3A_1259 = vector.broadcast %add3A_1258 : i32 to vector<16xi32>
        %add3A_1260 = arith.addi %add3A_1190, %add3A_1259 : vector<16xi32>
        %lt3A_1261 = arith.cmpi slt, %add3A_1260, %get3A_785 : vector<16xi32>
        %select_n3A_1262 = arith.select %lt3A_1261, %bitcast3A_783, %add3A_764 : vector<16xi1>, vector<16xf32>
        %gt3A_1263 = arith.cmpf ogt, %get3A_1257, %select_n3A_1262 : vector<16xf32>
        %select_n3A_1264 = arith.select %gt3A_1263, %broadcast_in_dim3A_833, %broadcast_in_dim3A_835 : vector<16xi1>, vector<16xi32>
        %add3A_1265 = arith.addi %add3A_1250, %select_n3A_1264 : vector<16xi32>
        %mul3A_1266 = arith.constant 8 : i32
        %mul3A_1267 = arith.muli %scan3A_1185, %mul3A_1266 : i32
        %add3A_1268 = arith.constant 5 : i32
        %add3A_1269 = arith.addi %mul3A_1267, %add3A_1268 : i32
        %get3A_1270 = arith.index_cast %add3A_1269 : i32 to index
        %get3A_1271 = arith.constant 96 : index
        %get3A_1272 = tpu.vector_load %arg8[%get3A_1270, %get3A_1271] {strides = array<i32>} : memref<312x128xf32, #tpu.memory_space<vmem>>, vector<16xf32>,
        %add3A_1273 = arith.constant 5 : i32
        %add3A_1274 = vector.broadcast %add3A_1273 : i32 to vector<16xi32>
        %add3A_1275 = arith.addi %add3A_1190, %add3A_1274 : vector<16xi32>
        %lt3A_1276 = arith.cmpi slt, %add3A_1275, %get3A_785 : vector<16xi32>
        %select_n3A_1277 = arith.select %lt3A_1276, %bitcast3A_783, %add3A_764 : vector<16xi1>, vector<16xf32>
        %gt3A_1278 = arith.cmpf ogt, %get3A_1272, %select_n3A_1277 : vector<16xf32>
        %select_n3A_1279 = arith.select %gt3A_1278, %broadcast_in_dim3A_833, %broadcast_in_dim3A_835 : vector<16xi1>, vector<16xi32>
        %add3A_1280 = arith.addi %add3A_1265, %select_n3A_1279 : vector<16xi32>
        %mul3A_1281 = arith.constant 8 : i32
        %mul3A_1282 = arith.muli %scan3A_1185, %mul3A_1281 : i32
        %add3A_1283 = arith.constant 6 : i32
        %add3A_1284 = arith.addi %mul3A_1282, %add3A_1283 : i32
        %get3A_1285 = arith.index_cast %add3A_1284 : i32 to index
        %get3A_1286 = arith.constant 96 : index
        %get3A_1287 = tpu.vector_load %arg8[%get3A_1285, %get3A_1286] {strides = array<i32>} : memref<312x128xf32, #tpu.memory_space<vmem>>, vector<16xf32>,
        %add3A_1288 = arith.constant 6 : i32
        %add3A_1289 = vector.broadcast %add3A_1288 : i32 to vector<16xi32>
        %add3A_1290 = arith.addi %add3A_1190, %add3A_1289 : vector<16xi32>
        %lt3A_1291 = arith.cmpi slt, %add3A_1290, %get3A_785 : vector<16xi32>
        %select_n3A_1292 = arith.select %lt3A_1291, %bitcast3A_783, %add3A_764 : vector<16xi1>, vector<16xf32>
        %gt3A_1293 = arith.cmpf ogt, %get3A_1287, %select_n3A_1292 : vector<16xf32>
        %select_n3A_1294 = arith.select %gt3A_1293, %broadcast_in_dim3A_833, %broadcast_in_dim3A_835 : vector<16xi1>, vector<16xi32>
        %add3A_1295 = arith.addi %add3A_1280, %select_n3A_1294 : vector<16xi32>
        %mul3A_1296 = arith.constant 8 : i32
        %mul3A_1297 = arith.muli %scan3A_1185, %mul3A_1296 : i32
        %add3A_1298 = arith.constant 7 : i32
        %add3A_1299 = arith.addi %mul3A_1297, %add3A_1298 : i32
        %get3A_1300 = arith.index_cast %add3A_1299 : i32 to index
        %get3A_1301 = arith.constant 96 : index
        %get3A_1302 = tpu.vector_load %arg8[%get3A_1300, %get3A_1301] {strides = array<i32>} : memref<312x128xf32, #tpu.memory_space<vmem>>, vector<16xf32>,
        %add3A_1303 = arith.constant 7 : i32
        %add3A_1304 = vector.broadcast %add3A_1303 : i32 to vector<16xi32>
        %add3A_1305 = arith.addi %add3A_1190, %add3A_1304 : vector<16xi32>
        %lt3A_1306 = arith.cmpi slt, %add3A_1305, %get3A_785 : vector<16xi32>
        %select_n3A_1307 = arith.select %lt3A_1306, %bitcast3A_783, %add3A_764 : vector<16xi1>, vector<16xf32>
        %gt3A_1308 = arith.cmpf ogt, %get3A_1302, %select_n3A_1307 : vector<16xf32>
        %select_n3A_1309 = arith.select %gt3A_1308, %broadcast_in_dim3A_833, %broadcast_in_dim3A_835 : vector<16xi1>, vector<16xi32>
        %add3A_1310 = arith.addi %add3A_1295, %select_n3A_1309 : vector<16xi32>
        scf.yield %add3A_1310 : vector<16xi32>
      }
      %scan3A_1075 = arith.constant 39 : i32
      %broadcast_in_dim3A_1076 = arith.constant 1 : i32
      %broadcast_in_dim3A_1077 = vector.broadcast %broadcast_in_dim3A_1076 : i32 to vector<16xi32>
      %mul3A_1078 = vector.broadcast %add3A_1005 : i32 to vector<16xi32>
      %mul3A_1079 = arith.muli %broadcast_in_dim3A_1077, %mul3A_1078 : vector<16xi32>
      %scan3A_1080 = arith.constant 0 : i32
      %scan3A_1081 = arith.constant 39 : i32
      %scan3A_1082 = arith.addi %scan3A_1080, %scan3A_1081 : i32
      %scan3A_1083 = arith.constant 1 : i32
      %scan3A_1084 = scf.for %scan3A_1185 = %scan3A_1080 to %scan3A_1082 step %scan3A_1083 iter_args(%scan3A_1186 = %scan3A_994) -> (vector<16xi32>)  : i32 {
        %mul3A_1187 = arith.constant 8 : i32
        %mul3A_1188 = arith.muli %scan3A_1185, %mul3A_1187 : i32
        %add3A_1189 = vector.broadcast %mul3A_1188 : i32 to vector<16xi32>
        %add3A_1190 = arith.addi %mul3A_1079, %add3A_1189 : vector<16xi32>
        %mul3A_1191 = arith.constant 8 : i32
        %mul3A_1192 = arith.muli %scan3A_1185, %mul3A_1191 : i32
        %add3A_1193 = arith.constant 0 : i32
        %add3A_1194 = arith.addi %mul3A_1192, %add3A_1193 : i32
        %get3A_1195 = arith.index_cast %add3A_1194 : i32 to index
        %get3A_1196 = arith.constant 112 : index
        %get3A_1197 = tpu.vector_load %arg8[%get3A_1195, %get3A_1196] {strides = array<i32>} : memref<312x128xf32, #tpu.memory_space<vmem>>, vector<16xf32>,
        %add3A_1198 = arith.constant 0 : i32
        %add3A_1199 = vector.broadcast %add3A_1198 : i32 to vector<16xi32>
        %add3A_1200 = arith.addi %add3A_1190, %add3A_1199 : vector<16xi32>
        %lt3A_1201 = arith.cmpi slt, %add3A_1200, %get3A_815 : vector<16xi32>
        %select_n3A_1202 = arith.select %lt3A_1201, %bitcast3A_813, %add3A_794 : vector<16xi1>, vector<16xf32>
        %gt3A_1203 = arith.cmpf ogt, %get3A_1197, %select_n3A_1202 : vector<16xf32>
        %select_n3A_1204 = arith.select %gt3A_1203, %broadcast_in_dim3A_833, %broadcast_in_dim3A_835 : vector<16xi1>, vector<16xi32>
        %add3A_1205 = arith.addi %scan3A_1186, %select_n3A_1204 : vector<16xi32>
        %mul3A_1206 = arith.constant 8 : i32
        %mul3A_1207 = arith.muli %scan3A_1185, %mul3A_1206 : i32
        %add3A_1208 = arith.constant 1 : i32
        %add3A_1209 = arith.addi %mul3A_1207, %add3A_1208 : i32
        %get3A_1210 = arith.index_cast %add3A_1209 : i32 to index
        %get3A_1211 = arith.constant 112 : index
        %get3A_1212 = tpu.vector_load %arg8[%get3A_1210, %get3A_1211] {strides = array<i32>} : memref<312x128xf32, #tpu.memory_space<vmem>>, vector<16xf32>,
        %add3A_1213 = arith.constant 1 : i32
        %add3A_1214 = vector.broadcast %add3A_1213 : i32 to vector<16xi32>
        %add3A_1215 = arith.addi %add3A_1190, %add3A_1214 : vector<16xi32>
        %lt3A_1216 = arith.cmpi slt, %add3A_1215, %get3A_815 : vector<16xi32>
        %select_n3A_1217 = arith.select %lt3A_1216, %bitcast3A_813, %add3A_794 : vector<16xi1>, vector<16xf32>
        %gt3A_1218 = arith.cmpf ogt, %get3A_1212, %select_n3A_1217 : vector<16xf32>
        %select_n3A_1219 = arith.select %gt3A_1218, %broadcast_in_dim3A_833, %broadcast_in_dim3A_835 : vector<16xi1>, vector<16xi32>
        %add3A_1220 = arith.addi %add3A_1205, %select_n3A_1219 : vector<16xi32>
        %mul3A_1221 = arith.constant 8 : i32
        %mul3A_1222 = arith.muli %scan3A_1185, %mul3A_1221 : i32
        %add3A_1223 = arith.constant 2 : i32
        %add3A_1224 = arith.addi %mul3A_1222, %add3A_1223 : i32
        %get3A_1225 = arith.index_cast %add3A_1224 : i32 to index
        %get3A_1226 = arith.constant 112 : index
        %get3A_1227 = tpu.vector_load %arg8[%get3A_1225, %get3A_1226] {strides = array<i32>} : memref<312x128xf32, #tpu.memory_space<vmem>>, vector<16xf32>,
        %add3A_1228 = arith.constant 2 : i32
        %add3A_1229 = vector.broadcast %add3A_1228 : i32 to vector<16xi32>
        %add3A_1230 = arith.addi %add3A_1190, %add3A_1229 : vector<16xi32>
        %lt3A_1231 = arith.cmpi slt, %add3A_1230, %get3A_815 : vector<16xi32>
        %select_n3A_1232 = arith.select %lt3A_1231, %bitcast3A_813, %add3A_794 : vector<16xi1>, vector<16xf32>
        %gt3A_1233 = arith.cmpf ogt, %get3A_1227, %select_n3A_1232 : vector<16xf32>
        %select_n3A_1234 = arith.select %gt3A_1233, %broadcast_in_dim3A_833, %broadcast_in_dim3A_835 : vector<16xi1>, vector<16xi32>
        %add3A_1235 = arith.addi %add3A_1220, %select_n3A_1234 : vector<16xi32>
        %mul3A_1236 = arith.constant 8 : i32
        %mul3A_1237 = arith.muli %scan3A_1185, %mul3A_1236 : i32
        %add3A_1238 = arith.constant 3 : i32
        %add3A_1239 = arith.addi %mul3A_1237, %add3A_1238 : i32
        %get3A_1240 = arith.index_cast %add3A_1239 : i32 to index
        %get3A_1241 = arith.constant 112 : index
        %get3A_1242 = tpu.vector_load %arg8[%get3A_1240, %get3A_1241] {strides = array<i32>} : memref<312x128xf32, #tpu.memory_space<vmem>>, vector<16xf32>,
        %add3A_1243 = arith.constant 3 : i32
        %add3A_1244 = vector.broadcast %add3A_1243 : i32 to vector<16xi32>
        %add3A_1245 = arith.addi %add3A_1190, %add3A_1244 : vector<16xi32>
        %lt3A_1246 = arith.cmpi slt, %add3A_1245, %get3A_815 : vector<16xi32>
        %select_n3A_1247 = arith.select %lt3A_1246, %bitcast3A_813, %add3A_794 : vector<16xi1>, vector<16xf32>
        %gt3A_1248 = arith.cmpf ogt, %get3A_1242, %select_n3A_1247 : vector<16xf32>
        %select_n3A_1249 = arith.select %gt3A_1248, %broadcast_in_dim3A_833, %broadcast_in_dim3A_835 : vector<16xi1>, vector<16xi32>
        %add3A_1250 = arith.addi %add3A_1235, %select_n3A_1249 : vector<16xi32>
        %mul3A_1251 = arith.constant 8 : i32
        %mul3A_1252 = arith.muli %scan3A_1185, %mul3A_1251 : i32
        %add3A_1253 = arith.constant 4 : i32
        %add3A_1254 = arith.addi %mul3A_1252, %add3A_1253 : i32
        %get3A_1255 = arith.index_cast %add3A_1254 : i32 to index
        %get3A_1256 = arith.constant 112 : index
        %get3A_1257 = tpu.vector_load %arg8[%get3A_1255, %get3A_1256] {strides = array<i32>} : memref<312x128xf32, #tpu.memory_space<vmem>>, vector<16xf32>,
        %add3A_1258 = arith.constant 4 : i32
        %add3A_1259 = vector.broadcast %add3A_1258 : i32 to vector<16xi32>
        %add3A_1260 = arith.addi %add3A_1190, %add3A_1259 : vector<16xi32>
        %lt3A_1261 = arith.cmpi slt, %add3A_1260, %get3A_815 : vector<16xi32>
        %select_n3A_1262 = arith.select %lt3A_1261, %bitcast3A_813, %add3A_794 : vector<16xi1>, vector<16xf32>
        %gt3A_1263 = arith.cmpf ogt, %get3A_1257, %select_n3A_1262 : vector<16xf32>
        %select_n3A_1264 = arith.select %gt3A_1263, %broadcast_in_dim3A_833, %broadcast_in_dim3A_835 : vector<16xi1>, vector<16xi32>
        %add3A_1265 = arith.addi %add3A_1250, %select_n3A_1264 : vector<16xi32>
        %mul3A_1266 = arith.constant 8 : i32
        %mul3A_1267 = arith.muli %scan3A_1185, %mul3A_1266 : i32
        %add3A_1268 = arith.constant 5 : i32
        %add3A_1269 = arith.addi %mul3A_1267, %add3A_1268 : i32
        %get3A_1270 = arith.index_cast %add3A_1269 : i32 to index
        %get3A_1271 = arith.constant 112 : index
        %get3A_1272 = tpu.vector_load %arg8[%get3A_1270, %get3A_1271] {strides = array<i32>} : memref<312x128xf32, #tpu.memory_space<vmem>>, vector<16xf32>,
        %add3A_1273 = arith.constant 5 : i32
        %add3A_1274 = vector.broadcast %add3A_1273 : i32 to vector<16xi32>
        %add3A_1275 = arith.addi %add3A_1190, %add3A_1274 : vector<16xi32>
        %lt3A_1276 = arith.cmpi slt, %add3A_1275, %get3A_815 : vector<16xi32>
        %select_n3A_1277 = arith.select %lt3A_1276, %bitcast3A_813, %add3A_794 : vector<16xi1>, vector<16xf32>
        %gt3A_1278 = arith.cmpf ogt, %get3A_1272, %select_n3A_1277 : vector<16xf32>
        %select_n3A_1279 = arith.select %gt3A_1278, %broadcast_in_dim3A_833, %broadcast_in_dim3A_835 : vector<16xi1>, vector<16xi32>
        %add3A_1280 = arith.addi %add3A_1265, %select_n3A_1279 : vector<16xi32>
        %mul3A_1281 = arith.constant 8 : i32
        %mul3A_1282 = arith.muli %scan3A_1185, %mul3A_1281 : i32
        %add3A_1283 = arith.constant 6 : i32
        %add3A_1284 = arith.addi %mul3A_1282, %add3A_1283 : i32
        %get3A_1285 = arith.index_cast %add3A_1284 : i32 to index
        %get3A_1286 = arith.constant 112 : index
        %get3A_1287 = tpu.vector_load %arg8[%get3A_1285, %get3A_1286] {strides = array<i32>} : memref<312x128xf32, #tpu.memory_space<vmem>>, vector<16xf32>,
        %add3A_1288 = arith.constant 6 : i32
        %add3A_1289 = vector.broadcast %add3A_1288 : i32 to vector<16xi32>
        %add3A_1290 = arith.addi %add3A_1190, %add3A_1289 : vector<16xi32>
        %lt3A_1291 = arith.cmpi slt, %add3A_1290, %get3A_815 : vector<16xi32>
        %select_n3A_1292 = arith.select %lt3A_1291, %bitcast3A_813, %add3A_794 : vector<16xi1>, vector<16xf32>
        %gt3A_1293 = arith.cmpf ogt, %get3A_1287, %select_n3A_1292 : vector<16xf32>
        %select_n3A_1294 = arith.select %gt3A_1293, %broadcast_in_dim3A_833, %broadcast_in_dim3A_835 : vector<16xi1>, vector<16xi32>
        %add3A_1295 = arith.addi %add3A_1280, %select_n3A_1294 : vector<16xi32>
        %mul3A_1296 = arith.constant 8 : i32
        %mul3A_1297 = arith.muli %scan3A_1185, %mul3A_1296 : i32
        %add3A_1298 = arith.constant 7 : i32
        %add3A_1299 = arith.addi %mul3A_1297, %add3A_1298 : i32
        %get3A_1300 = arith.index_cast %add3A_1299 : i32 to index
        %get3A_1301 = arith.constant 112 : index
        %get3A_1302 = tpu.vector_load %arg8[%get3A_1300, %get3A_1301] {strides = array<i32>} : memref<312x128xf32, #tpu.memory_space<vmem>>, vector<16xf32>,
        %add3A_1303 = arith.constant 7 : i32
        %add3A_1304 = vector.broadcast %add3A_1303 : i32 to vector<16xi32>
        %add3A_1305 = arith.addi %add3A_1190, %add3A_1304 : vector<16xi32>
        %lt3A_1306 = arith.cmpi slt, %add3A_1305, %get3A_815 : vector<16xi32>
        %select_n3A_1307 = arith.select %lt3A_1306, %bitcast3A_813, %add3A_794 : vector<16xi1>, vector<16xf32>
        %gt3A_1308 = arith.cmpf ogt, %get3A_1302, %select_n3A_1307 : vector<16xf32>
        %select_n3A_1309 = arith.select %gt3A_1308, %broadcast_in_dim3A_833, %broadcast_in_dim3A_835 : vector<16xi1>, vector<16xi32>
        %add3A_1310 = arith.addi %add3A_1295, %select_n3A_1309 : vector<16xi32>
        scf.yield %add3A_1310 : vector<16xi32>
      }
      %scan3A_1085 = arith.constant 39 : i32
      %lt3A = arith.constant 4 : i32
      %lt3A_1086 = arith.cmpi slt, %scan3A_986, %lt3A : i32
      %convert_element_type3A_1087 = arith.extui %lt3A_1086 : i1 to i32
      %cond3A = arith.constant 0 : i32
      %cond3A_1088 = arith.cmpi ne, %convert_element_type3A_1087, %cond3A : i32
      scf.if %cond3A_1088 {
        %add3A_1185 = arith.constant 2 : i32
        %add3A_1186 = arith.addi %mul3A_996, %add3A_1185 : i32
        %mul3A_1187 = arith.constant 312 : i32
        %mul3A_1188 = arith.muli %add3A_1186, %mul3A_1187 : i32
        %add3A_1189 = arith.addi %multiple_of3A, %mul3A_1188 : i32
        %dma_start3A_1190 = arith.constant 0 : i32
        %dma_start3A_1191 = tpu.memref_slice %arg2[%add3A_1189, %dma_start3A_1190] : memref<100000x128xf32, #tpu.memory_space<hbm>> -> memref<312x128xf32, #tpu.memory_space<hbm>>
        %dma_start3A_1192 = arith.constant 0 : i32
        %dma_start3A_1193 = tpu.memref_slice %arg2[%add3A_1189, %dma_start3A_1192] : memref<100000x128xf32, #tpu.memory_space<hbm>> -> memref<312x128xf32, #tpu.memory_space<hbm>>
        tpu.enqueue_dma source(%dma_start3A_1193 : memref<312x128xf32, #tpu.memory_space<hbm>>) target(%arg8 : memref<312x128xf32, #tpu.memory_space<vmem>>) target_semaphore(%arg14 : memref<!tpu.dma_semaphore, #tpu.memory_space<semaphore_mem>>)
      } else {
      }
      %add3A_1089 = arith.constant 1 : i32
      %add3A_1090 = arith.addi %mul3A_996, %add3A_1089 : i32
      %dma_wait3A_1091 = arith.constant 0 : i32
      %dma_wait3A_1092 = arith.constant 0 : i32
      %dma_wait3A_1093 = tpu.memref_slice %arg2[%dma_wait3A_1091, %dma_wait3A_1092] : memref<100000x128xf32, #tpu.memory_space<hbm>> -> memref<312x128xf32, #tpu.memory_space<hbm>>
      %dma_wait3A_1094 = arith.constant 0 : i32
      %dma_wait3A_1095 = arith.constant 0 : i32
      %dma_wait3A_1096 = tpu.memref_slice %arg2[%dma_wait3A_1094, %dma_wait3A_1095] : memref<100000x128xf32, #tpu.memory_space<hbm>> -> memref<312x128xf32, #tpu.memory_space<hbm>>
      tpu.wait_dma2 semaphore(%arg15 : memref<!tpu.dma_semaphore, #tpu.memory_space<semaphore_mem>>) src(%dma_wait3A_1096 : memref<312x128xf32, #tpu.memory_space<hbm>>) dst(%arg9 : memref<312x128xf32, #tpu.memory_space<vmem>>)
      %mul3A_1097 = arith.constant 312 : i32
      %mul3A_1098 = arith.muli %add3A_1090, %mul3A_1097 : i32
      %add3A_1099 = arith.addi %multiple_of3A, %mul3A_1098 : i32
      %broadcast_in_dim3A_1100 = arith.constant 1 : i32
      %broadcast_in_dim3A_1101 = vector.broadcast %broadcast_in_dim3A_1100 : i32 to vector<16xi32>
      %mul3A_1102 = vector.broadcast %add3A_1099 : i32 to vector<16xi32>
      %mul3A_1103 = arith.muli %broadcast_in_dim3A_1101, %mul3A_1102 : vector<16xi32>
      %scan3A_1104 = arith.constant 0 : i32
      %scan3A_1105 = arith.constant 39 : i32
      %scan3A_1106 = arith.addi %scan3A_1104, %scan3A_1105 : i32
      %scan3A_1107 = arith.constant 1 : i32
      %scan3A_1108 = scf.for %scan3A_1185 = %scan3A_1104 to %scan3A_1106 step %scan3A_1107 iter_args(%scan3A_1186 = %scan3A_1014) -> (vector<16xi32>)  : i32 {
        %mul3A_1187 = arith.constant 8 : i32
        %mul3A_1188 = arith.muli %scan3A_1185, %mul3A_1187 : i32
        %add3A_1189 = vector.broadcast %mul3A_1188 : i32 to vector<16xi32>
        %add3A_1190 = arith.addi %mul3A_1103, %add3A_1189 : vector<16xi32>
        %mul3A_1191 = arith.constant 8 : i32
        %mul3A_1192 = arith.muli %scan3A_1185, %mul3A_1191 : i32
        %add3A_1193 = arith.constant 0 : i32
        %add3A_1194 = arith.addi %mul3A_1192, %add3A_1193 : i32
        %get3A_1195 = arith.index_cast %add3A_1194 : i32 to index
        %get3A_1196 = arith.constant 0 : index
        %get3A_1197 = tpu.vector_load %arg9[%get3A_1195, %get3A_1196] {strides = array<i32>} : memref<312x128xf32, #tpu.memory_space<vmem>>, vector<16xf32>,
        %add3A_1198 = arith.constant 0 : i32
        %add3A_1199 = vector.broadcast %add3A_1198 : i32 to vector<16xi32>
        %add3A_1200 = arith.addi %add3A_1190, %add3A_1199 : vector<16xi32>
        %lt3A_1201 = arith.cmpi slt, %add3A_1200, %get3A_605 : vector<16xi32>
        %select_n3A_1202 = arith.select %lt3A_1201, %bitcast3A_603, %add3A_587 : vector<16xi1>, vector<16xf32>
        %gt3A_1203 = arith.cmpf ogt, %get3A_1197, %select_n3A_1202 : vector<16xf32>
        %select_n3A_1204 = arith.select %gt3A_1203, %broadcast_in_dim3A_833, %broadcast_in_dim3A_835 : vector<16xi1>, vector<16xi32>
        %add3A_1205 = arith.addi %scan3A_1186, %select_n3A_1204 : vector<16xi32>
        %mul3A_1206 = arith.constant 8 : i32
        %mul3A_1207 = arith.muli %scan3A_1185, %mul3A_1206 : i32
        %add3A_1208 = arith.constant 1 : i32
        %add3A_1209 = arith.addi %mul3A_1207, %add3A_1208 : i32
        %get3A_1210 = arith.index_cast %add3A_1209 : i32 to index
        %get3A_1211 = arith.constant 0 : index
        %get3A_1212 = tpu.vector_load %arg9[%get3A_1210, %get3A_1211] {strides = array<i32>} : memref<312x128xf32, #tpu.memory_space<vmem>>, vector<16xf32>,
        %add3A_1213 = arith.constant 1 : i32
        %add3A_1214 = vector.broadcast %add3A_1213 : i32 to vector<16xi32>
        %add3A_1215 = arith.addi %add3A_1190, %add3A_1214 : vector<16xi32>
        %lt3A_1216 = arith.cmpi slt, %add3A_1215, %get3A_605 : vector<16xi32>
        %select_n3A_1217 = arith.select %lt3A_1216, %bitcast3A_603, %add3A_587 : vector<16xi1>, vector<16xf32>
        %gt3A_1218 = arith.cmpf ogt, %get3A_1212, %select_n3A_1217 : vector<16xf32>
        %select_n3A_1219 = arith.select %gt3A_1218, %broadcast_in_dim3A_833, %broadcast_in_dim3A_835 : vector<16xi1>, vector<16xi32>
        %add3A_1220 = arith.addi %add3A_1205, %select_n3A_1219 : vector<16xi32>
        %mul3A_1221 = arith.constant 8 : i32
        %mul3A_1222 = arith.muli %scan3A_1185, %mul3A_1221 : i32
        %add3A_1223 = arith.constant 2 : i32
        %add3A_1224 = arith.addi %mul3A_1222, %add3A_1223 : i32
        %get3A_1225 = arith.index_cast %add3A_1224 : i32 to index
        %get3A_1226 = arith.constant 0 : index
        %get3A_1227 = tpu.vector_load %arg9[%get3A_1225, %get3A_1226] {strides = array<i32>} : memref<312x128xf32, #tpu.memory_space<vmem>>, vector<16xf32>,
        %add3A_1228 = arith.constant 2 : i32
        %add3A_1229 = vector.broadcast %add3A_1228 : i32 to vector<16xi32>
        %add3A_1230 = arith.addi %add3A_1190, %add3A_1229 : vector<16xi32>
        %lt3A_1231 = arith.cmpi slt, %add3A_1230, %get3A_605 : vector<16xi32>
        %select_n3A_1232 = arith.select %lt3A_1231, %bitcast3A_603, %add3A_587 : vector<16xi1>, vector<16xf32>
        %gt3A_1233 = arith.cmpf ogt, %get3A_1227, %select_n3A_1232 : vector<16xf32>
        %select_n3A_1234 = arith.select %gt3A_1233, %broadcast_in_dim3A_833, %broadcast_in_dim3A_835 : vector<16xi1>, vector<16xi32>
        %add3A_1235 = arith.addi %add3A_1220, %select_n3A_1234 : vector<16xi32>
        %mul3A_1236 = arith.constant 8 : i32
        %mul3A_1237 = arith.muli %scan3A_1185, %mul3A_1236 : i32
        %add3A_1238 = arith.constant 3 : i32
        %add3A_1239 = arith.addi %mul3A_1237, %add3A_1238 : i32
        %get3A_1240 = arith.index_cast %add3A_1239 : i32 to index
        %get3A_1241 = arith.constant 0 : index
        %get3A_1242 = tpu.vector_load %arg9[%get3A_1240, %get3A_1241] {strides = array<i32>} : memref<312x128xf32, #tpu.memory_space<vmem>>, vector<16xf32>,
        %add3A_1243 = arith.constant 3 : i32
        %add3A_1244 = vector.broadcast %add3A_1243 : i32 to vector<16xi32>
        %add3A_1245 = arith.addi %add3A_1190, %add3A_1244 : vector<16xi32>
        %lt3A_1246 = arith.cmpi slt, %add3A_1245, %get3A_605 : vector<16xi32>
        %select_n3A_1247 = arith.select %lt3A_1246, %bitcast3A_603, %add3A_587 : vector<16xi1>, vector<16xf32>
        %gt3A_1248 = arith.cmpf ogt, %get3A_1242, %select_n3A_1247 : vector<16xf32>
        %select_n3A_1249 = arith.select %gt3A_1248, %broadcast_in_dim3A_833, %broadcast_in_dim3A_835 : vector<16xi1>, vector<16xi32>
        %add3A_1250 = arith.addi %add3A_1235, %select_n3A_1249 : vector<16xi32>
        %mul3A_1251 = arith.constant 8 : i32
        %mul3A_1252 = arith.muli %scan3A_1185, %mul3A_1251 : i32
        %add3A_1253 = arith.constant 4 : i32
        %add3A_1254 = arith.addi %mul3A_1252, %add3A_1253 : i32
        %get3A_1255 = arith.index_cast %add3A_1254 : i32 to index
        %get3A_1256 = arith.constant 0 : index
        %get3A_1257 = tpu.vector_load %arg9[%get3A_1255, %get3A_1256] {strides = array<i32>} : memref<312x128xf32, #tpu.memory_space<vmem>>, vector<16xf32>,
        %add3A_1258 = arith.constant 4 : i32
        %add3A_1259 = vector.broadcast %add3A_1258 : i32 to vector<16xi32>
        %add3A_1260 = arith.addi %add3A_1190, %add3A_1259 : vector<16xi32>
        %lt3A_1261 = arith.cmpi slt, %add3A_1260, %get3A_605 : vector<16xi32>
        %select_n3A_1262 = arith.select %lt3A_1261, %bitcast3A_603, %add3A_587 : vector<16xi1>, vector<16xf32>
        %gt3A_1263 = arith.cmpf ogt, %get3A_1257, %select_n3A_1262 : vector<16xf32>
        %select_n3A_1264 = arith.select %gt3A_1263, %broadcast_in_dim3A_833, %broadcast_in_dim3A_835 : vector<16xi1>, vector<16xi32>
        %add3A_1265 = arith.addi %add3A_1250, %select_n3A_1264 : vector<16xi32>
        %mul3A_1266 = arith.constant 8 : i32
        %mul3A_1267 = arith.muli %scan3A_1185, %mul3A_1266 : i32
        %add3A_1268 = arith.constant 5 : i32
        %add3A_1269 = arith.addi %mul3A_1267, %add3A_1268 : i32
        %get3A_1270 = arith.index_cast %add3A_1269 : i32 to index
        %get3A_1271 = arith.constant 0 : index
        %get3A_1272 = tpu.vector_load %arg9[%get3A_1270, %get3A_1271] {strides = array<i32>} : memref<312x128xf32, #tpu.memory_space<vmem>>, vector<16xf32>,
        %add3A_1273 = arith.constant 5 : i32
        %add3A_1274 = vector.broadcast %add3A_1273 : i32 to vector<16xi32>
        %add3A_1275 = arith.addi %add3A_1190, %add3A_1274 : vector<16xi32>
        %lt3A_1276 = arith.cmpi slt, %add3A_1275, %get3A_605 : vector<16xi32>
        %select_n3A_1277 = arith.select %lt3A_1276, %bitcast3A_603, %add3A_587 : vector<16xi1>, vector<16xf32>
        %gt3A_1278 = arith.cmpf ogt, %get3A_1272, %select_n3A_1277 : vector<16xf32>
        %select_n3A_1279 = arith.select %gt3A_1278, %broadcast_in_dim3A_833, %broadcast_in_dim3A_835 : vector<16xi1>, vector<16xi32>
        %add3A_1280 = arith.addi %add3A_1265, %select_n3A_1279 : vector<16xi32>
        %mul3A_1281 = arith.constant 8 : i32
        %mul3A_1282 = arith.muli %scan3A_1185, %mul3A_1281 : i32
        %add3A_1283 = arith.constant 6 : i32
        %add3A_1284 = arith.addi %mul3A_1282, %add3A_1283 : i32
        %get3A_1285 = arith.index_cast %add3A_1284 : i32 to index
        %get3A_1286 = arith.constant 0 : index
        %get3A_1287 = tpu.vector_load %arg9[%get3A_1285, %get3A_1286] {strides = array<i32>} : memref<312x128xf32, #tpu.memory_space<vmem>>, vector<16xf32>,
        %add3A_1288 = arith.constant 6 : i32
        %add3A_1289 = vector.broadcast %add3A_1288 : i32 to vector<16xi32>
        %add3A_1290 = arith.addi %add3A_1190, %add3A_1289 : vector<16xi32>
        %lt3A_1291 = arith.cmpi slt, %add3A_1290, %get3A_605 : vector<16xi32>
        %select_n3A_1292 = arith.select %lt3A_1291, %bitcast3A_603, %add3A_587 : vector<16xi1>, vector<16xf32>
        %gt3A_1293 = arith.cmpf ogt, %get3A_1287, %select_n3A_1292 : vector<16xf32>
        %select_n3A_1294 = arith.select %gt3A_1293, %broadcast_in_dim3A_833, %broadcast_in_dim3A_835 : vector<16xi1>, vector<16xi32>
        %add3A_1295 = arith.addi %add3A_1280, %select_n3A_1294 : vector<16xi32>
        %mul3A_1296 = arith.constant 8 : i32
        %mul3A_1297 = arith.muli %scan3A_1185, %mul3A_1296 : i32
        %add3A_1298 = arith.constant 7 : i32
        %add3A_1299 = arith.addi %mul3A_1297, %add3A_1298 : i32
        %get3A_1300 = arith.index_cast %add3A_1299 : i32 to index
        %get3A_1301 = arith.constant 0 : index
        %get3A_1302 = tpu.vector_load %arg9[%get3A_1300, %get3A_1301] {strides = array<i32>} : memref<312x128xf32, #tpu.memory_space<vmem>>, vector<16xf32>,
        %add3A_1303 = arith.constant 7 : i32
        %add3A_1304 = vector.broadcast %add3A_1303 : i32 to vector<16xi32>
        %add3A_1305 = arith.addi %add3A_1190, %add3A_1304 : vector<16xi32>
        %lt3A_1306 = arith.cmpi slt, %add3A_1305, %get3A_605 : vector<16xi32>
        %select_n3A_1307 = arith.select %lt3A_1306, %bitcast3A_603, %add3A_587 : vector<16xi1>, vector<16xf32>
        %gt3A_1308 = arith.cmpf ogt, %get3A_1302, %select_n3A_1307 : vector<16xf32>
        %select_n3A_1309 = arith.select %gt3A_1308, %broadcast_in_dim3A_833, %broadcast_in_dim3A_835 : vector<16xi1>, vector<16xi32>
        %add3A_1310 = arith.addi %add3A_1295, %select_n3A_1309 : vector<16xi32>
        scf.yield %add3A_1310 : vector<16xi32>
      }
      %scan3A_1109 = arith.constant 39 : i32
      %broadcast_in_dim3A_1110 = arith.constant 1 : i32
      %broadcast_in_dim3A_1111 = vector.broadcast %broadcast_in_dim3A_1110 : i32 to vector<16xi32>
      %mul3A_1112 = vector.broadcast %add3A_1099 : i32 to vector<16xi32>
      %mul3A_1113 = arith.muli %broadcast_in_dim3A_1111, %mul3A_1112 : vector<16xi32>
      %scan3A_1114 = arith.constant 0 : i32
      %scan3A_1115 = arith.constant 39 : i32
      %scan3A_1116 = arith.addi %scan3A_1114, %scan3A_1115 : i32
      %scan3A_1117 = arith.constant 1 : i32
      %scan3A_1118 = scf.for %scan3A_1185 = %scan3A_1114 to %scan3A_1116 step %scan3A_1117 iter_args(%scan3A_1186 = %scan3A_1024) -> (vector<16xi32>)  : i32 {
        %mul3A_1187 = arith.constant 8 : i32
        %mul3A_1188 = arith.muli %scan3A_1185, %mul3A_1187 : i32
        %add3A_1189 = vector.broadcast %mul3A_1188 : i32 to vector<16xi32>
        %add3A_1190 = arith.addi %mul3A_1113, %add3A_1189 : vector<16xi32>
        %mul3A_1191 = arith.constant 8 : i32
        %mul3A_1192 = arith.muli %scan3A_1185, %mul3A_1191 : i32
        %add3A_1193 = arith.constant 0 : i32
        %add3A_1194 = arith.addi %mul3A_1192, %add3A_1193 : i32
        %get3A_1195 = arith.index_cast %add3A_1194 : i32 to index
        %get3A_1196 = arith.constant 16 : index
        %get3A_1197 = tpu.vector_load %arg9[%get3A_1195, %get3A_1196] {strides = array<i32>} : memref<312x128xf32, #tpu.memory_space<vmem>>, vector<16xf32>,
        %add3A_1198 = arith.constant 0 : i32
        %add3A_1199 = vector.broadcast %add3A_1198 : i32 to vector<16xi32>
        %add3A_1200 = arith.addi %add3A_1190, %add3A_1199 : vector<16xi32>
        %lt3A_1201 = arith.cmpi slt, %add3A_1200, %get3A_635 : vector<16xi32>
        %select_n3A_1202 = arith.select %lt3A_1201, %bitcast3A_633, %add3A_614 : vector<16xi1>, vector<16xf32>
        %gt3A_1203 = arith.cmpf ogt, %get3A_1197, %select_n3A_1202 : vector<16xf32>
        %select_n3A_1204 = arith.select %gt3A_1203, %broadcast_in_dim3A_833, %broadcast_in_dim3A_835 : vector<16xi1>, vector<16xi32>
        %add3A_1205 = arith.addi %scan3A_1186, %select_n3A_1204 : vector<16xi32>
        %mul3A_1206 = arith.constant 8 : i32
        %mul3A_1207 = arith.muli %scan3A_1185, %mul3A_1206 : i32
        %add3A_1208 = arith.constant 1 : i32
        %add3A_1209 = arith.addi %mul3A_1207, %add3A_1208 : i32
        %get3A_1210 = arith.index_cast %add3A_1209 : i32 to index
        %get3A_1211 = arith.constant 16 : index
        %get3A_1212 = tpu.vector_load %arg9[%get3A_1210, %get3A_1211] {strides = array<i32>} : memref<312x128xf32, #tpu.memory_space<vmem>>, vector<16xf32>,
        %add3A_1213 = arith.constant 1 : i32
        %add3A_1214 = vector.broadcast %add3A_1213 : i32 to vector<16xi32>
        %add3A_1215 = arith.addi %add3A_1190, %add3A_1214 : vector<16xi32>
        %lt3A_1216 = arith.cmpi slt, %add3A_1215, %get3A_635 : vector<16xi32>
        %select_n3A_1217 = arith.select %lt3A_1216, %bitcast3A_633, %add3A_614 : vector<16xi1>, vector<16xf32>
        %gt3A_1218 = arith.cmpf ogt, %get3A_1212, %select_n3A_1217 : vector<16xf32>
        %select_n3A_1219 = arith.select %gt3A_1218, %broadcast_in_dim3A_833, %broadcast_in_dim3A_835 : vector<16xi1>, vector<16xi32>
        %add3A_1220 = arith.addi %add3A_1205, %select_n3A_1219 : vector<16xi32>
        %mul3A_1221 = arith.constant 8 : i32
        %mul3A_1222 = arith.muli %scan3A_1185, %mul3A_1221 : i32
        %add3A_1223 = arith.constant 2 : i32
        %add3A_1224 = arith.addi %mul3A_1222, %add3A_1223 : i32
        %get3A_1225 = arith.index_cast %add3A_1224 : i32 to index
        %get3A_1226 = arith.constant 16 : index
        %get3A_1227 = tpu.vector_load %arg9[%get3A_1225, %get3A_1226] {strides = array<i32>} : memref<312x128xf32, #tpu.memory_space<vmem>>, vector<16xf32>,
        %add3A_1228 = arith.constant 2 : i32
        %add3A_1229 = vector.broadcast %add3A_1228 : i32 to vector<16xi32>
        %add3A_1230 = arith.addi %add3A_1190, %add3A_1229 : vector<16xi32>
        %lt3A_1231 = arith.cmpi slt, %add3A_1230, %get3A_635 : vector<16xi32>
        %select_n3A_1232 = arith.select %lt3A_1231, %bitcast3A_633, %add3A_614 : vector<16xi1>, vector<16xf32>
        %gt3A_1233 = arith.cmpf ogt, %get3A_1227, %select_n3A_1232 : vector<16xf32>
        %select_n3A_1234 = arith.select %gt3A_1233, %broadcast_in_dim3A_833, %broadcast_in_dim3A_835 : vector<16xi1>, vector<16xi32>
        %add3A_1235 = arith.addi %add3A_1220, %select_n3A_1234 : vector<16xi32>
        %mul3A_1236 = arith.constant 8 : i32
        %mul3A_1237 = arith.muli %scan3A_1185, %mul3A_1236 : i32
        %add3A_1238 = arith.constant 3 : i32
        %add3A_1239 = arith.addi %mul3A_1237, %add3A_1238 : i32
        %get3A_1240 = arith.index_cast %add3A_1239 : i32 to index
        %get3A_1241 = arith.constant 16 : index
        %get3A_1242 = tpu.vector_load %arg9[%get3A_1240, %get3A_1241] {strides = array<i32>} : memref<312x128xf32, #tpu.memory_space<vmem>>, vector<16xf32>,
        %add3A_1243 = arith.constant 3 : i32
        %add3A_1244 = vector.broadcast %add3A_1243 : i32 to vector<16xi32>
        %add3A_1245 = arith.addi %add3A_1190, %add3A_1244 : vector<16xi32>
        %lt3A_1246 = arith.cmpi slt, %add3A_1245, %get3A_635 : vector<16xi32>
        %select_n3A_1247 = arith.select %lt3A_1246, %bitcast3A_633, %add3A_614 : vector<16xi1>, vector<16xf32>
        %gt3A_1248 = arith.cmpf ogt, %get3A_1242, %select_n3A_1247 : vector<16xf32>
        %select_n3A_1249 = arith.select %gt3A_1248, %broadcast_in_dim3A_833, %broadcast_in_dim3A_835 : vector<16xi1>, vector<16xi32>
        %add3A_1250 = arith.addi %add3A_1235, %select_n3A_1249 : vector<16xi32>
        %mul3A_1251 = arith.constant 8 : i32
        %mul3A_1252 = arith.muli %scan3A_1185, %mul3A_1251 : i32
        %add3A_1253 = arith.constant 4 : i32
        %add3A_1254 = arith.addi %mul3A_1252, %add3A_1253 : i32
        %get3A_1255 = arith.index_cast %add3A_1254 : i32 to index
        %get3A_1256 = arith.constant 16 : index
        %get3A_1257 = tpu.vector_load %arg9[%get3A_1255, %get3A_1256] {strides = array<i32>} : memref<312x128xf32, #tpu.memory_space<vmem>>, vector<16xf32>,
        %add3A_1258 = arith.constant 4 : i32
        %add3A_1259 = vector.broadcast %add3A_1258 : i32 to vector<16xi32>
        %add3A_1260 = arith.addi %add3A_1190, %add3A_1259 : vector<16xi32>
        %lt3A_1261 = arith.cmpi slt, %add3A_1260, %get3A_635 : vector<16xi32>
        %select_n3A_1262 = arith.select %lt3A_1261, %bitcast3A_633, %add3A_614 : vector<16xi1>, vector<16xf32>
        %gt3A_1263 = arith.cmpf ogt, %get3A_1257, %select_n3A_1262 : vector<16xf32>
        %select_n3A_1264 = arith.select %gt3A_1263, %broadcast_in_dim3A_833, %broadcast_in_dim3A_835 : vector<16xi1>, vector<16xi32>
        %add3A_1265 = arith.addi %add3A_1250, %select_n3A_1264 : vector<16xi32>
        %mul3A_1266 = arith.constant 8 : i32
        %mul3A_1267 = arith.muli %scan3A_1185, %mul3A_1266 : i32
        %add3A_1268 = arith.constant 5 : i32
        %add3A_1269 = arith.addi %mul3A_1267, %add3A_1268 : i32
        %get3A_1270 = arith.index_cast %add3A_1269 : i32 to index
        %get3A_1271 = arith.constant 16 : index
        %get3A_1272 = tpu.vector_load %arg9[%get3A_1270, %get3A_1271] {strides = array<i32>} : memref<312x128xf32, #tpu.memory_space<vmem>>, vector<16xf32>,
        %add3A_1273 = arith.constant 5 : i32
        %add3A_1274 = vector.broadcast %add3A_1273 : i32 to vector<16xi32>
        %add3A_1275 = arith.addi %add3A_1190, %add3A_1274 : vector<16xi32>
        %lt3A_1276 = arith.cmpi slt, %add3A_1275, %get3A_635 : vector<16xi32>
        %select_n3A_1277 = arith.select %lt3A_1276, %bitcast3A_633, %add3A_614 : vector<16xi1>, vector<16xf32>
        %gt3A_1278 = arith.cmpf ogt, %get3A_1272, %select_n3A_1277 : vector<16xf32>
        %select_n3A_1279 = arith.select %gt3A_1278, %broadcast_in_dim3A_833, %broadcast_in_dim3A_835 : vector<16xi1>, vector<16xi32>
        %add3A_1280 = arith.addi %add3A_1265, %select_n3A_1279 : vector<16xi32>
        %mul3A_1281 = arith.constant 8 : i32
        %mul3A_1282 = arith.muli %scan3A_1185, %mul3A_1281 : i32
        %add3A_1283 = arith.constant 6 : i32
        %add3A_1284 = arith.addi %mul3A_1282, %add3A_1283 : i32
        %get3A_1285 = arith.index_cast %add3A_1284 : i32 to index
        %get3A_1286 = arith.constant 16 : index
        %get3A_1287 = tpu.vector_load %arg9[%get3A_1285, %get3A_1286] {strides = array<i32>} : memref<312x128xf32, #tpu.memory_space<vmem>>, vector<16xf32>,
        %add3A_1288 = arith.constant 6 : i32
        %add3A_1289 = vector.broadcast %add3A_1288 : i32 to vector<16xi32>
        %add3A_1290 = arith.addi %add3A_1190, %add3A_1289 : vector<16xi32>
        %lt3A_1291 = arith.cmpi slt, %add3A_1290, %get3A_635 : vector<16xi32>
        %select_n3A_1292 = arith.select %lt3A_1291, %bitcast3A_633, %add3A_614 : vector<16xi1>, vector<16xf32>
        %gt3A_1293 = arith.cmpf ogt, %get3A_1287, %select_n3A_1292 : vector<16xf32>
        %select_n3A_1294 = arith.select %gt3A_1293, %broadcast_in_dim3A_833, %broadcast_in_dim3A_835 : vector<16xi1>, vector<16xi32>
        %add3A_1295 = arith.addi %add3A_1280, %select_n3A_1294 : vector<16xi32>
        %mul3A_1296 = arith.constant 8 : i32
        %mul3A_1297 = arith.muli %scan3A_1185, %mul3A_1296 : i32
        %add3A_1298 = arith.constant 7 : i32
        %add3A_1299 = arith.addi %mul3A_1297, %add3A_1298 : i32
        %get3A_1300 = arith.index_cast %add3A_1299 : i32 to index
        %get3A_1301 = arith.constant 16 : index
        %get3A_1302 = tpu.vector_load %arg9[%get3A_1300, %get3A_1301] {strides = array<i32>} : memref<312x128xf32, #tpu.memory_space<vmem>>, vector<16xf32>,
        %add3A_1303 = arith.constant 7 : i32
        %add3A_1304 = vector.broadcast %add3A_1303 : i32 to vector<16xi32>
        %add3A_1305 = arith.addi %add3A_1190, %add3A_1304 : vector<16xi32>
        %lt3A_1306 = arith.cmpi slt, %add3A_1305, %get3A_635 : vector<16xi32>
        %select_n3A_1307 = arith.select %lt3A_1306, %bitcast3A_633, %add3A_614 : vector<16xi1>, vector<16xf32>
        %gt3A_1308 = arith.cmpf ogt, %get3A_1302, %select_n3A_1307 : vector<16xf32>
        %select_n3A_1309 = arith.select %gt3A_1308, %broadcast_in_dim3A_833, %broadcast_in_dim3A_835 : vector<16xi1>, vector<16xi32>
        %add3A_1310 = arith.addi %add3A_1295, %select_n3A_1309 : vector<16xi32>
        scf.yield %add3A_1310 : vector<16xi32>
      }
      %scan3A_1119 = arith.constant 39 : i32
      %broadcast_in_dim3A_1120 = arith.constant 1 : i32
      %broadcast_in_dim3A_1121 = vector.broadcast %broadcast_in_dim3A_1120 : i32 to vector<16xi32>
      %mul3A_1122 = vector.broadcast %add3A_1099 : i32 to vector<16xi32>
      %mul3A_1123 = arith.muli %broadcast_in_dim3A_1121, %mul3A_1122 : vector<16xi32>
      %scan3A_1124 = arith.constant 0 : i32
      %scan3A_1125 = arith.constant 39 : i32
      %scan3A_1126 = arith.addi %scan3A_1124, %scan3A_1125 : i32
      %scan3A_1127 = arith.constant 1 : i32
      %scan3A_1128 = scf.for %scan3A_1185 = %scan3A_1124 to %scan3A_1126 step %scan3A_1127 iter_args(%scan3A_1186 = %scan3A_1034) -> (vector<16xi32>)  : i32 {
        %mul3A_1187 = arith.constant 8 : i32
        %mul3A_1188 = arith.muli %scan3A_1185, %mul3A_1187 : i32
        %add3A_1189 = vector.broadcast %mul3A_1188 : i32 to vector<16xi32>
        %add3A_1190 = arith.addi %mul3A_1123, %add3A_1189 : vector<16xi32>
        %mul3A_1191 = arith.constant 8 : i32
        %mul3A_1192 = arith.muli %scan3A_1185, %mul3A_1191 : i32
        %add3A_1193 = arith.constant 0 : i32
        %add3A_1194 = arith.addi %mul3A_1192, %add3A_1193 : i32
        %get3A_1195 = arith.index_cast %add3A_1194 : i32 to index
        %get3A_1196 = arith.constant 32 : index
        %get3A_1197 = tpu.vector_load %arg9[%get3A_1195, %get3A_1196] {strides = array<i32>} : memref<312x128xf32, #tpu.memory_space<vmem>>, vector<16xf32>,
        %add3A_1198 = arith.constant 0 : i32
        %add3A_1199 = vector.broadcast %add3A_1198 : i32 to vector<16xi32>
        %add3A_1200 = arith.addi %add3A_1190, %add3A_1199 : vector<16xi32>
        %lt3A_1201 = arith.cmpi slt, %add3A_1200, %get3A_665 : vector<16xi32>
        %select_n3A_1202 = arith.select %lt3A_1201, %bitcast3A_663, %add3A_644 : vector<16xi1>, vector<16xf32>
        %gt3A_1203 = arith.cmpf ogt, %get3A_1197, %select_n3A_1202 : vector<16xf32>
        %select_n3A_1204 = arith.select %gt3A_1203, %broadcast_in_dim3A_833, %broadcast_in_dim3A_835 : vector<16xi1>, vector<16xi32>
        %add3A_1205 = arith.addi %scan3A_1186, %select_n3A_1204 : vector<16xi32>
        %mul3A_1206 = arith.constant 8 : i32
        %mul3A_1207 = arith.muli %scan3A_1185, %mul3A_1206 : i32
        %add3A_1208 = arith.constant 1 : i32
        %add3A_1209 = arith.addi %mul3A_1207, %add3A_1208 : i32
        %get3A_1210 = arith.index_cast %add3A_1209 : i32 to index
        %get3A_1211 = arith.constant 32 : index
        %get3A_1212 = tpu.vector_load %arg9[%get3A_1210, %get3A_1211] {strides = array<i32>} : memref<312x128xf32, #tpu.memory_space<vmem>>, vector<16xf32>,
        %add3A_1213 = arith.constant 1 : i32
        %add3A_1214 = vector.broadcast %add3A_1213 : i32 to vector<16xi32>
        %add3A_1215 = arith.addi %add3A_1190, %add3A_1214 : vector<16xi32>
        %lt3A_1216 = arith.cmpi slt, %add3A_1215, %get3A_665 : vector<16xi32>
        %select_n3A_1217 = arith.select %lt3A_1216, %bitcast3A_663, %add3A_644 : vector<16xi1>, vector<16xf32>
        %gt3A_1218 = arith.cmpf ogt, %get3A_1212, %select_n3A_1217 : vector<16xf32>
        %select_n3A_1219 = arith.select %gt3A_1218, %broadcast_in_dim3A_833, %broadcast_in_dim3A_835 : vector<16xi1>, vector<16xi32>
        %add3A_1220 = arith.addi %add3A_1205, %select_n3A_1219 : vector<16xi32>
        %mul3A_1221 = arith.constant 8 : i32
        %mul3A_1222 = arith.muli %scan3A_1185, %mul3A_1221 : i32
        %add3A_1223 = arith.constant 2 : i32
        %add3A_1224 = arith.addi %mul3A_1222, %add3A_1223 : i32
        %get3A_1225 = arith.index_cast %add3A_1224 : i32 to index
        %get3A_1226 = arith.constant 32 : index
        %get3A_1227 = tpu.vector_load %arg9[%get3A_1225, %get3A_1226] {strides = array<i32>} : memref<312x128xf32, #tpu.memory_space<vmem>>, vector<16xf32>,
        %add3A_1228 = arith.constant 2 : i32
        %add3A_1229 = vector.broadcast %add3A_1228 : i32 to vector<16xi32>
        %add3A_1230 = arith.addi %add3A_1190, %add3A_1229 : vector<16xi32>
        %lt3A_1231 = arith.cmpi slt, %add3A_1230, %get3A_665 : vector<16xi32>
        %select_n3A_1232 = arith.select %lt3A_1231, %bitcast3A_663, %add3A_644 : vector<16xi1>, vector<16xf32>
        %gt3A_1233 = arith.cmpf ogt, %get3A_1227, %select_n3A_1232 : vector<16xf32>
        %select_n3A_1234 = arith.select %gt3A_1233, %broadcast_in_dim3A_833, %broadcast_in_dim3A_835 : vector<16xi1>, vector<16xi32>
        %add3A_1235 = arith.addi %add3A_1220, %select_n3A_1234 : vector<16xi32>
        %mul3A_1236 = arith.constant 8 : i32
        %mul3A_1237 = arith.muli %scan3A_1185, %mul3A_1236 : i32
        %add3A_1238 = arith.constant 3 : i32
        %add3A_1239 = arith.addi %mul3A_1237, %add3A_1238 : i32
        %get3A_1240 = arith.index_cast %add3A_1239 : i32 to index
        %get3A_1241 = arith.constant 32 : index
        %get3A_1242 = tpu.vector_load %arg9[%get3A_1240, %get3A_1241] {strides = array<i32>} : memref<312x128xf32, #tpu.memory_space<vmem>>, vector<16xf32>,
        %add3A_1243 = arith.constant 3 : i32
        %add3A_1244 = vector.broadcast %add3A_1243 : i32 to vector<16xi32>
        %add3A_1245 = arith.addi %add3A_1190, %add3A_1244 : vector<16xi32>
        %lt3A_1246 = arith.cmpi slt, %add3A_1245, %get3A_665 : vector<16xi32>
        %select_n3A_1247 = arith.select %lt3A_1246, %bitcast3A_663, %add3A_644 : vector<16xi1>, vector<16xf32>
        %gt3A_1248 = arith.cmpf ogt, %get3A_1242, %select_n3A_1247 : vector<16xf32>
        %select_n3A_1249 = arith.select %gt3A_1248, %broadcast_in_dim3A_833, %broadcast_in_dim3A_835 : vector<16xi1>, vector<16xi32>
        %add3A_1250 = arith.addi %add3A_1235, %select_n3A_1249 : vector<16xi32>
        %mul3A_1251 = arith.constant 8 : i32
        %mul3A_1252 = arith.muli %scan3A_1185, %mul3A_1251 : i32
        %add3A_1253 = arith.constant 4 : i32
        %add3A_1254 = arith.addi %mul3A_1252, %add3A_1253 : i32
        %get3A_1255 = arith.index_cast %add3A_1254 : i32 to index
        %get3A_1256 = arith.constant 32 : index
        %get3A_1257 = tpu.vector_load %arg9[%get3A_1255, %get3A_1256] {strides = array<i32>} : memref<312x128xf32, #tpu.memory_space<vmem>>, vector<16xf32>,
        %add3A_1258 = arith.constant 4 : i32
        %add3A_1259 = vector.broadcast %add3A_1258 : i32 to vector<16xi32>
        %add3A_1260 = arith.addi %add3A_1190, %add3A_1259 : vector<16xi32>
        %lt3A_1261 = arith.cmpi slt, %add3A_1260, %get3A_665 : vector<16xi32>
        %select_n3A_1262 = arith.select %lt3A_1261, %bitcast3A_663, %add3A_644 : vector<16xi1>, vector<16xf32>
        %gt3A_1263 = arith.cmpf ogt, %get3A_1257, %select_n3A_1262 : vector<16xf32>
        %select_n3A_1264 = arith.select %gt3A_1263, %broadcast_in_dim3A_833, %broadcast_in_dim3A_835 : vector<16xi1>, vector<16xi32>
        %add3A_1265 = arith.addi %add3A_1250, %select_n3A_1264 : vector<16xi32>
        %mul3A_1266 = arith.constant 8 : i32
        %mul3A_1267 = arith.muli %scan3A_1185, %mul3A_1266 : i32
        %add3A_1268 = arith.constant 5 : i32
        %add3A_1269 = arith.addi %mul3A_1267, %add3A_1268 : i32
        %get3A_1270 = arith.index_cast %add3A_1269 : i32 to index
        %get3A_1271 = arith.constant 32 : index
        %get3A_1272 = tpu.vector_load %arg9[%get3A_1270, %get3A_1271] {strides = array<i32>} : memref<312x128xf32, #tpu.memory_space<vmem>>, vector<16xf32>,
        %add3A_1273 = arith.constant 5 : i32
        %add3A_1274 = vector.broadcast %add3A_1273 : i32 to vector<16xi32>
        %add3A_1275 = arith.addi %add3A_1190, %add3A_1274 : vector<16xi32>
        %lt3A_1276 = arith.cmpi slt, %add3A_1275, %get3A_665 : vector<16xi32>
        %select_n3A_1277 = arith.select %lt3A_1276, %bitcast3A_663, %add3A_644 : vector<16xi1>, vector<16xf32>
        %gt3A_1278 = arith.cmpf ogt, %get3A_1272, %select_n3A_1277 : vector<16xf32>
        %select_n3A_1279 = arith.select %gt3A_1278, %broadcast_in_dim3A_833, %broadcast_in_dim3A_835 : vector<16xi1>, vector<16xi32>
        %add3A_1280 = arith.addi %add3A_1265, %select_n3A_1279 : vector<16xi32>
        %mul3A_1281 = arith.constant 8 : i32
        %mul3A_1282 = arith.muli %scan3A_1185, %mul3A_1281 : i32
        %add3A_1283 = arith.constant 6 : i32
        %add3A_1284 = arith.addi %mul3A_1282, %add3A_1283 : i32
        %get3A_1285 = arith.index_cast %add3A_1284 : i32 to index
        %get3A_1286 = arith.constant 32 : index
        %get3A_1287 = tpu.vector_load %arg9[%get3A_1285, %get3A_1286] {strides = array<i32>} : memref<312x128xf32, #tpu.memory_space<vmem>>, vector<16xf32>,
        %add3A_1288 = arith.constant 6 : i32
        %add3A_1289 = vector.broadcast %add3A_1288 : i32 to vector<16xi32>
        %add3A_1290 = arith.addi %add3A_1190, %add3A_1289 : vector<16xi32>
        %lt3A_1291 = arith.cmpi slt, %add3A_1290, %get3A_665 : vector<16xi32>
        %select_n3A_1292 = arith.select %lt3A_1291, %bitcast3A_663, %add3A_644 : vector<16xi1>, vector<16xf32>
        %gt3A_1293 = arith.cmpf ogt, %get3A_1287, %select_n3A_1292 : vector<16xf32>
        %select_n3A_1294 = arith.select %gt3A_1293, %broadcast_in_dim3A_833, %broadcast_in_dim3A_835 : vector<16xi1>, vector<16xi32>
        %add3A_1295 = arith.addi %add3A_1280, %select_n3A_1294 : vector<16xi32>
        %mul3A_1296 = arith.constant 8 : i32
        %mul3A_1297 = arith.muli %scan3A_1185, %mul3A_1296 : i32
        %add3A_1298 = arith.constant 7 : i32
        %add3A_1299 = arith.addi %mul3A_1297, %add3A_1298 : i32
        %get3A_1300 = arith.index_cast %add3A_1299 : i32 to index
        %get3A_1301 = arith.constant 32 : index
        %get3A_1302 = tpu.vector_load %arg9[%get3A_1300, %get3A_1301] {strides = array<i32>} : memref<312x128xf32, #tpu.memory_space<vmem>>, vector<16xf32>,
        %add3A_1303 = arith.constant 7 : i32
        %add3A_1304 = vector.broadcast %add3A_1303 : i32 to vector<16xi32>
        %add3A_1305 = arith.addi %add3A_1190, %add3A_1304 : vector<16xi32>
        %lt3A_1306 = arith.cmpi slt, %add3A_1305, %get3A_665 : vector<16xi32>
        %select_n3A_1307 = arith.select %lt3A_1306, %bitcast3A_663, %add3A_644 : vector<16xi1>, vector<16xf32>
        %gt3A_1308 = arith.cmpf ogt, %get3A_1302, %select_n3A_1307 : vector<16xf32>
        %select_n3A_1309 = arith.select %gt3A_1308, %broadcast_in_dim3A_833, %broadcast_in_dim3A_835 : vector<16xi1>, vector<16xi32>
        %add3A_1310 = arith.addi %add3A_1295, %select_n3A_1309 : vector<16xi32>
        scf.yield %add3A_1310 : vector<16xi32>
      }
      %scan3A_1129 = arith.constant 39 : i32
      %broadcast_in_dim3A_1130 = arith.constant 1 : i32
      %broadcast_in_dim3A_1131 = vector.broadcast %broadcast_in_dim3A_1130 : i32 to vector<16xi32>
      %mul3A_1132 = vector.broadcast %add3A_1099 : i32 to vector<16xi32>
      %mul3A_1133 = arith.muli %broadcast_in_dim3A_1131, %mul3A_1132 : vector<16xi32>
      %scan3A_1134 = arith.constant 0 : i32
      %scan3A_1135 = arith.constant 39 : i32
      %scan3A_1136 = arith.addi %scan3A_1134, %scan3A_1135 : i32
      %scan3A_1137 = arith.constant 1 : i32
      %scan3A_1138 = scf.for %scan3A_1185 = %scan3A_1134 to %scan3A_1136 step %scan3A_1137 iter_args(%scan3A_1186 = %scan3A_1044) -> (vector<16xi32>)  : i32 {
        %mul3A_1187 = arith.constant 8 : i32
        %mul3A_1188 = arith.muli %scan3A_1185, %mul3A_1187 : i32
        %add3A_1189 = vector.broadcast %mul3A_1188 : i32 to vector<16xi32>
        %add3A_1190 = arith.addi %mul3A_1133, %add3A_1189 : vector<16xi32>
        %mul3A_1191 = arith.constant 8 : i32
        %mul3A_1192 = arith.muli %scan3A_1185, %mul3A_1191 : i32
        %add3A_1193 = arith.constant 0 : i32
        %add3A_1194 = arith.addi %mul3A_1192, %add3A_1193 : i32
        %get3A_1195 = arith.index_cast %add3A_1194 : i32 to index
        %get3A_1196 = arith.constant 48 : index
        %get3A_1197 = tpu.vector_load %arg9[%get3A_1195, %get3A_1196] {strides = array<i32>} : memref<312x128xf32, #tpu.memory_space<vmem>>, vector<16xf32>,
        %add3A_1198 = arith.constant 0 : i32
        %add3A_1199 = vector.broadcast %add3A_1198 : i32 to vector<16xi32>
        %add3A_1200 = arith.addi %add3A_1190, %add3A_1199 : vector<16xi32>
        %lt3A_1201 = arith.cmpi slt, %add3A_1200, %get3A_695 : vector<16xi32>
        %select_n3A_1202 = arith.select %lt3A_1201, %bitcast3A_693, %add3A_674 : vector<16xi1>, vector<16xf32>
        %gt3A_1203 = arith.cmpf ogt, %get3A_1197, %select_n3A_1202 : vector<16xf32>
        %select_n3A_1204 = arith.select %gt3A_1203, %broadcast_in_dim3A_833, %broadcast_in_dim3A_835 : vector<16xi1>, vector<16xi32>
        %add3A_1205 = arith.addi %scan3A_1186, %select_n3A_1204 : vector<16xi32>
        %mul3A_1206 = arith.constant 8 : i32
        %mul3A_1207 = arith.muli %scan3A_1185, %mul3A_1206 : i32
        %add3A_1208 = arith.constant 1 : i32
        %add3A_1209 = arith.addi %mul3A_1207, %add3A_1208 : i32
        %get3A_1210 = arith.index_cast %add3A_1209 : i32 to index
        %get3A_1211 = arith.constant 48 : index
        %get3A_1212 = tpu.vector_load %arg9[%get3A_1210, %get3A_1211] {strides = array<i32>} : memref<312x128xf32, #tpu.memory_space<vmem>>, vector<16xf32>,
        %add3A_1213 = arith.constant 1 : i32
        %add3A_1214 = vector.broadcast %add3A_1213 : i32 to vector<16xi32>
        %add3A_1215 = arith.addi %add3A_1190, %add3A_1214 : vector<16xi32>
        %lt3A_1216 = arith.cmpi slt, %add3A_1215, %get3A_695 : vector<16xi32>
        %select_n3A_1217 = arith.select %lt3A_1216, %bitcast3A_693, %add3A_674 : vector<16xi1>, vector<16xf32>
        %gt3A_1218 = arith.cmpf ogt, %get3A_1212, %select_n3A_1217 : vector<16xf32>
        %select_n3A_1219 = arith.select %gt3A_1218, %broadcast_in_dim3A_833, %broadcast_in_dim3A_835 : vector<16xi1>, vector<16xi32>
        %add3A_1220 = arith.addi %add3A_1205, %select_n3A_1219 : vector<16xi32>
        %mul3A_1221 = arith.constant 8 : i32
        %mul3A_1222 = arith.muli %scan3A_1185, %mul3A_1221 : i32
        %add3A_1223 = arith.constant 2 : i32
        %add3A_1224 = arith.addi %mul3A_1222, %add3A_1223 : i32
        %get3A_1225 = arith.index_cast %add3A_1224 : i32 to index
        %get3A_1226 = arith.constant 48 : index
        %get3A_1227 = tpu.vector_load %arg9[%get3A_1225, %get3A_1226] {strides = array<i32>} : memref<312x128xf32, #tpu.memory_space<vmem>>, vector<16xf32>,
        %add3A_1228 = arith.constant 2 : i32
        %add3A_1229 = vector.broadcast %add3A_1228 : i32 to vector<16xi32>
        %add3A_1230 = arith.addi %add3A_1190, %add3A_1229 : vector<16xi32>
        %lt3A_1231 = arith.cmpi slt, %add3A_1230, %get3A_695 : vector<16xi32>
        %select_n3A_1232 = arith.select %lt3A_1231, %bitcast3A_693, %add3A_674 : vector<16xi1>, vector<16xf32>
        %gt3A_1233 = arith.cmpf ogt, %get3A_1227, %select_n3A_1232 : vector<16xf32>
        %select_n3A_1234 = arith.select %gt3A_1233, %broadcast_in_dim3A_833, %broadcast_in_dim3A_835 : vector<16xi1>, vector<16xi32>
        %add3A_1235 = arith.addi %add3A_1220, %select_n3A_1234 : vector<16xi32>
        %mul3A_1236 = arith.constant 8 : i32
        %mul3A_1237 = arith.muli %scan3A_1185, %mul3A_1236 : i32
        %add3A_1238 = arith.constant 3 : i32
        %add3A_1239 = arith.addi %mul3A_1237, %add3A_1238 : i32
        %get3A_1240 = arith.index_cast %add3A_1239 : i32 to index
        %get3A_1241 = arith.constant 48 : index
        %get3A_1242 = tpu.vector_load %arg9[%get3A_1240, %get3A_1241] {strides = array<i32>} : memref<312x128xf32, #tpu.memory_space<vmem>>, vector<16xf32>,
        %add3A_1243 = arith.constant 3 : i32
        %add3A_1244 = vector.broadcast %add3A_1243 : i32 to vector<16xi32>
        %add3A_1245 = arith.addi %add3A_1190, %add3A_1244 : vector<16xi32>
        %lt3A_1246 = arith.cmpi slt, %add3A_1245, %get3A_695 : vector<16xi32>
        %select_n3A_1247 = arith.select %lt3A_1246, %bitcast3A_693, %add3A_674 : vector<16xi1>, vector<16xf32>
        %gt3A_1248 = arith.cmpf ogt, %get3A_1242, %select_n3A_1247 : vector<16xf32>
        %select_n3A_1249 = arith.select %gt3A_1248, %broadcast_in_dim3A_833, %broadcast_in_dim3A_835 : vector<16xi1>, vector<16xi32>
        %add3A_1250 = arith.addi %add3A_1235, %select_n3A_1249 : vector<16xi32>
        %mul3A_1251 = arith.constant 8 : i32
        %mul3A_1252 = arith.muli %scan3A_1185, %mul3A_1251 : i32
        %add3A_1253 = arith.constant 4 : i32
        %add3A_1254 = arith.addi %mul3A_1252, %add3A_1253 : i32
        %get3A_1255 = arith.index_cast %add3A_1254 : i32 to index
        %get3A_1256 = arith.constant 48 : index
        %get3A_1257 = tpu.vector_load %arg9[%get3A_1255, %get3A_1256] {strides = array<i32>} : memref<312x128xf32, #tpu.memory_space<vmem>>, vector<16xf32>,
        %add3A_1258 = arith.constant 4 : i32
        %add3A_1259 = vector.broadcast %add3A_1258 : i32 to vector<16xi32>
        %add3A_1260 = arith.addi %add3A_1190, %add3A_1259 : vector<16xi32>
        %lt3A_1261 = arith.cmpi slt, %add3A_1260, %get3A_695 : vector<16xi32>
        %select_n3A_1262 = arith.select %lt3A_1261, %bitcast3A_693, %add3A_674 : vector<16xi1>, vector<16xf32>
        %gt3A_1263 = arith.cmpf ogt, %get3A_1257, %select_n3A_1262 : vector<16xf32>
        %select_n3A_1264 = arith.select %gt3A_1263, %broadcast_in_dim3A_833, %broadcast_in_dim3A_835 : vector<16xi1>, vector<16xi32>
        %add3A_1265 = arith.addi %add3A_1250, %select_n3A_1264 : vector<16xi32>
        %mul3A_1266 = arith.constant 8 : i32
        %mul3A_1267 = arith.muli %scan3A_1185, %mul3A_1266 : i32
        %add3A_1268 = arith.constant 5 : i32
        %add3A_1269 = arith.addi %mul3A_1267, %add3A_1268 : i32
        %get3A_1270 = arith.index_cast %add3A_1269 : i32 to index
        %get3A_1271 = arith.constant 48 : index
        %get3A_1272 = tpu.vector_load %arg9[%get3A_1270, %get3A_1271] {strides = array<i32>} : memref<312x128xf32, #tpu.memory_space<vmem>>, vector<16xf32>,
        %add3A_1273 = arith.constant 5 : i32
        %add3A_1274 = vector.broadcast %add3A_1273 : i32 to vector<16xi32>
        %add3A_1275 = arith.addi %add3A_1190, %add3A_1274 : vector<16xi32>
        %lt3A_1276 = arith.cmpi slt, %add3A_1275, %get3A_695 : vector<16xi32>
        %select_n3A_1277 = arith.select %lt3A_1276, %bitcast3A_693, %add3A_674 : vector<16xi1>, vector<16xf32>
        %gt3A_1278 = arith.cmpf ogt, %get3A_1272, %select_n3A_1277 : vector<16xf32>
        %select_n3A_1279 = arith.select %gt3A_1278, %broadcast_in_dim3A_833, %broadcast_in_dim3A_835 : vector<16xi1>, vector<16xi32>
        %add3A_1280 = arith.addi %add3A_1265, %select_n3A_1279 : vector<16xi32>
        %mul3A_1281 = arith.constant 8 : i32
        %mul3A_1282 = arith.muli %scan3A_1185, %mul3A_1281 : i32
        %add3A_1283 = arith.constant 6 : i32
        %add3A_1284 = arith.addi %mul3A_1282, %add3A_1283 : i32
        %get3A_1285 = arith.index_cast %add3A_1284 : i32 to index
        %get3A_1286 = arith.constant 48 : index
        %get3A_1287 = tpu.vector_load %arg9[%get3A_1285, %get3A_1286] {strides = array<i32>} : memref<312x128xf32, #tpu.memory_space<vmem>>, vector<16xf32>,
        %add3A_1288 = arith.constant 6 : i32
        %add3A_1289 = vector.broadcast %add3A_1288 : i32 to vector<16xi32>
        %add3A_1290 = arith.addi %add3A_1190, %add3A_1289 : vector<16xi32>
        %lt3A_1291 = arith.cmpi slt, %add3A_1290, %get3A_695 : vector<16xi32>
        %select_n3A_1292 = arith.select %lt3A_1291, %bitcast3A_693, %add3A_674 : vector<16xi1>, vector<16xf32>
        %gt3A_1293 = arith.cmpf ogt, %get3A_1287, %select_n3A_1292 : vector<16xf32>
        %select_n3A_1294 = arith.select %gt3A_1293, %broadcast_in_dim3A_833, %broadcast_in_dim3A_835 : vector<16xi1>, vector<16xi32>
        %add3A_1295 = arith.addi %add3A_1280, %select_n3A_1294 : vector<16xi32>
        %mul3A_1296 = arith.constant 8 : i32
        %mul3A_1297 = arith.muli %scan3A_1185, %mul3A_1296 : i32
        %add3A_1298 = arith.constant 7 : i32
        %add3A_1299 = arith.addi %mul3A_1297, %add3A_1298 : i32
        %get3A_1300 = arith.index_cast %add3A_1299 : i32 to index
        %get3A_1301 = arith.constant 48 : index
        %get3A_1302 = tpu.vector_load %arg9[%get3A_1300, %get3A_1301] {strides = array<i32>} : memref<312x128xf32, #tpu.memory_space<vmem>>, vector<16xf32>,
        %add3A_1303 = arith.constant 7 : i32
        %add3A_1304 = vector.broadcast %add3A_1303 : i32 to vector<16xi32>
        %add3A_1305 = arith.addi %add3A_1190, %add3A_1304 : vector<16xi32>
        %lt3A_1306 = arith.cmpi slt, %add3A_1305, %get3A_695 : vector<16xi32>
        %select_n3A_1307 = arith.select %lt3A_1306, %bitcast3A_693, %add3A_674 : vector<16xi1>, vector<16xf32>
        %gt3A_1308 = arith.cmpf ogt, %get3A_1302, %select_n3A_1307 : vector<16xf32>
        %select_n3A_1309 = arith.select %gt3A_1308, %broadcast_in_dim3A_833, %broadcast_in_dim3A_835 : vector<16xi1>, vector<16xi32>
        %add3A_1310 = arith.addi %add3A_1295, %select_n3A_1309 : vector<16xi32>
        scf.yield %add3A_1310 : vector<16xi32>
      }
      %scan3A_1139 = arith.constant 39 : i32
      %broadcast_in_dim3A_1140 = arith.constant 1 : i32
      %broadcast_in_dim3A_1141 = vector.broadcast %broadcast_in_dim3A_1140 : i32 to vector<16xi32>
      %mul3A_1142 = vector.broadcast %add3A_1099 : i32 to vector<16xi32>
      %mul3A_1143 = arith.muli %broadcast_in_dim3A_1141, %mul3A_1142 : vector<16xi32>
      %scan3A_1144 = arith.constant 0 : i32
      %scan3A_1145 = arith.constant 39 : i32
      %scan3A_1146 = arith.addi %scan3A_1144, %scan3A_1145 : i32
      %scan3A_1147 = arith.constant 1 : i32
      %scan3A_1148 = scf.for %scan3A_1185 = %scan3A_1144 to %scan3A_1146 step %scan3A_1147 iter_args(%scan3A_1186 = %scan3A_1054) -> (vector<16xi32>)  : i32 {
        %mul3A_1187 = arith.constant 8 : i32
        %mul3A_1188 = arith.muli %scan3A_1185, %mul3A_1187 : i32
        %add3A_1189 = vector.broadcast %mul3A_1188 : i32 to vector<16xi32>
        %add3A_1190 = arith.addi %mul3A_1143, %add3A_1189 : vector<16xi32>
        %mul3A_1191 = arith.constant 8 : i32
        %mul3A_1192 = arith.muli %scan3A_1185, %mul3A_1191 : i32
        %add3A_1193 = arith.constant 0 : i32
        %add3A_1194 = arith.addi %mul3A_1192, %add3A_1193 : i32
        %get3A_1195 = arith.index_cast %add3A_1194 : i32 to index
        %get3A_1196 = arith.constant 64 : index
        %get3A_1197 = tpu.vector_load %arg9[%get3A_1195, %get3A_1196] {strides = array<i32>} : memref<312x128xf32, #tpu.memory_space<vmem>>, vector<16xf32>,
        %add3A_1198 = arith.constant 0 : i32
        %add3A_1199 = vector.broadcast %add3A_1198 : i32 to vector<16xi32>
        %add3A_1200 = arith.addi %add3A_1190, %add3A_1199 : vector<16xi32>
        %lt3A_1201 = arith.cmpi slt, %add3A_1200, %get3A_725 : vector<16xi32>
        %select_n3A_1202 = arith.select %lt3A_1201, %bitcast3A_723, %add3A_704 : vector<16xi1>, vector<16xf32>
        %gt3A_1203 = arith.cmpf ogt, %get3A_1197, %select_n3A_1202 : vector<16xf32>
        %select_n3A_1204 = arith.select %gt3A_1203, %broadcast_in_dim3A_833, %broadcast_in_dim3A_835 : vector<16xi1>, vector<16xi32>
        %add3A_1205 = arith.addi %scan3A_1186, %select_n3A_1204 : vector<16xi32>
        %mul3A_1206 = arith.constant 8 : i32
        %mul3A_1207 = arith.muli %scan3A_1185, %mul3A_1206 : i32
        %add3A_1208 = arith.constant 1 : i32
        %add3A_1209 = arith.addi %mul3A_1207, %add3A_1208 : i32
        %get3A_1210 = arith.index_cast %add3A_1209 : i32 to index
        %get3A_1211 = arith.constant 64 : index
        %get3A_1212 = tpu.vector_load %arg9[%get3A_1210, %get3A_1211] {strides = array<i32>} : memref<312x128xf32, #tpu.memory_space<vmem>>, vector<16xf32>,
        %add3A_1213 = arith.constant 1 : i32
        %add3A_1214 = vector.broadcast %add3A_1213 : i32 to vector<16xi32>
        %add3A_1215 = arith.addi %add3A_1190, %add3A_1214 : vector<16xi32>
        %lt3A_1216 = arith.cmpi slt, %add3A_1215, %get3A_725 : vector<16xi32>
        %select_n3A_1217 = arith.select %lt3A_1216, %bitcast3A_723, %add3A_704 : vector<16xi1>, vector<16xf32>
        %gt3A_1218 = arith.cmpf ogt, %get3A_1212, %select_n3A_1217 : vector<16xf32>
        %select_n3A_1219 = arith.select %gt3A_1218, %broadcast_in_dim3A_833, %broadcast_in_dim3A_835 : vector<16xi1>, vector<16xi32>
        %add3A_1220 = arith.addi %add3A_1205, %select_n3A_1219 : vector<16xi32>
        %mul3A_1221 = arith.constant 8 : i32
        %mul3A_1222 = arith.muli %scan3A_1185, %mul3A_1221 : i32
        %add3A_1223 = arith.constant 2 : i32
        %add3A_1224 = arith.addi %mul3A_1222, %add3A_1223 : i32
        %get3A_1225 = arith.index_cast %add3A_1224 : i32 to index
        %get3A_1226 = arith.constant 64 : index
        %get3A_1227 = tpu.vector_load %arg9[%get3A_1225, %get3A_1226] {strides = array<i32>} : memref<312x128xf32, #tpu.memory_space<vmem>>, vector<16xf32>,
        %add3A_1228 = arith.constant 2 : i32
        %add3A_1229 = vector.broadcast %add3A_1228 : i32 to vector<16xi32>
        %add3A_1230 = arith.addi %add3A_1190, %add3A_1229 : vector<16xi32>
        %lt3A_1231 = arith.cmpi slt, %add3A_1230, %get3A_725 : vector<16xi32>
        %select_n3A_1232 = arith.select %lt3A_1231, %bitcast3A_723, %add3A_704 : vector<16xi1>, vector<16xf32>
        %gt3A_1233 = arith.cmpf ogt, %get3A_1227, %select_n3A_1232 : vector<16xf32>
        %select_n3A_1234 = arith.select %gt3A_1233, %broadcast_in_dim3A_833, %broadcast_in_dim3A_835 : vector<16xi1>, vector<16xi32>
        %add3A_1235 = arith.addi %add3A_1220, %select_n3A_1234 : vector<16xi32>
        %mul3A_1236 = arith.constant 8 : i32
        %mul3A_1237 = arith.muli %scan3A_1185, %mul3A_1236 : i32
        %add3A_1238 = arith.constant 3 : i32
        %add3A_1239 = arith.addi %mul3A_1237, %add3A_1238 : i32
        %get3A_1240 = arith.index_cast %add3A_1239 : i32 to index
        %get3A_1241 = arith.constant 64 : index
        %get3A_1242 = tpu.vector_load %arg9[%get3A_1240, %get3A_1241] {strides = array<i32>} : memref<312x128xf32, #tpu.memory_space<vmem>>, vector<16xf32>,
        %add3A_1243 = arith.constant 3 : i32
        %add3A_1244 = vector.broadcast %add3A_1243 : i32 to vector<16xi32>
        %add3A_1245 = arith.addi %add3A_1190, %add3A_1244 : vector<16xi32>
        %lt3A_1246 = arith.cmpi slt, %add3A_1245, %get3A_725 : vector<16xi32>
        %select_n3A_1247 = arith.select %lt3A_1246, %bitcast3A_723, %add3A_704 : vector<16xi1>, vector<16xf32>
        %gt3A_1248 = arith.cmpf ogt, %get3A_1242, %select_n3A_1247 : vector<16xf32>
        %select_n3A_1249 = arith.select %gt3A_1248, %broadcast_in_dim3A_833, %broadcast_in_dim3A_835 : vector<16xi1>, vector<16xi32>
        %add3A_1250 = arith.addi %add3A_1235, %select_n3A_1249 : vector<16xi32>
        %mul3A_1251 = arith.constant 8 : i32
        %mul3A_1252 = arith.muli %scan3A_1185, %mul3A_1251 : i32
        %add3A_1253 = arith.constant 4 : i32
        %add3A_1254 = arith.addi %mul3A_1252, %add3A_1253 : i32
        %get3A_1255 = arith.index_cast %add3A_1254 : i32 to index
        %get3A_1256 = arith.constant 64 : index
        %get3A_1257 = tpu.vector_load %arg9[%get3A_1255, %get3A_1256] {strides = array<i32>} : memref<312x128xf32, #tpu.memory_space<vmem>>, vector<16xf32>,
        %add3A_1258 = arith.constant 4 : i32
        %add3A_1259 = vector.broadcast %add3A_1258 : i32 to vector<16xi32>
        %add3A_1260 = arith.addi %add3A_1190, %add3A_1259 : vector<16xi32>
        %lt3A_1261 = arith.cmpi slt, %add3A_1260, %get3A_725 : vector<16xi32>
        %select_n3A_1262 = arith.select %lt3A_1261, %bitcast3A_723, %add3A_704 : vector<16xi1>, vector<16xf32>
        %gt3A_1263 = arith.cmpf ogt, %get3A_1257, %select_n3A_1262 : vector<16xf32>
        %select_n3A_1264 = arith.select %gt3A_1263, %broadcast_in_dim3A_833, %broadcast_in_dim3A_835 : vector<16xi1>, vector<16xi32>
        %add3A_1265 = arith.addi %add3A_1250, %select_n3A_1264 : vector<16xi32>
        %mul3A_1266 = arith.constant 8 : i32
        %mul3A_1267 = arith.muli %scan3A_1185, %mul3A_1266 : i32
        %add3A_1268 = arith.constant 5 : i32
        %add3A_1269 = arith.addi %mul3A_1267, %add3A_1268 : i32
        %get3A_1270 = arith.index_cast %add3A_1269 : i32 to index
        %get3A_1271 = arith.constant 64 : index
        %get3A_1272 = tpu.vector_load %arg9[%get3A_1270, %get3A_1271] {strides = array<i32>} : memref<312x128xf32, #tpu.memory_space<vmem>>, vector<16xf32>,
        %add3A_1273 = arith.constant 5 : i32
        %add3A_1274 = vector.broadcast %add3A_1273 : i32 to vector<16xi32>
        %add3A_1275 = arith.addi %add3A_1190, %add3A_1274 : vector<16xi32>
        %lt3A_1276 = arith.cmpi slt, %add3A_1275, %get3A_725 : vector<16xi32>
        %select_n3A_1277 = arith.select %lt3A_1276, %bitcast3A_723, %add3A_704 : vector<16xi1>, vector<16xf32>
        %gt3A_1278 = arith.cmpf ogt, %get3A_1272, %select_n3A_1277 : vector<16xf32>
        %select_n3A_1279 = arith.select %gt3A_1278, %broadcast_in_dim3A_833, %broadcast_in_dim3A_835 : vector<16xi1>, vector<16xi32>
        %add3A_1280 = arith.addi %add3A_1265, %select_n3A_1279 : vector<16xi32>
        %mul3A_1281 = arith.constant 8 : i32
        %mul3A_1282 = arith.muli %scan3A_1185, %mul3A_1281 : i32
        %add3A_1283 = arith.constant 6 : i32
        %add3A_1284 = arith.addi %mul3A_1282, %add3A_1283 : i32
        %get3A_1285 = arith.index_cast %add3A_1284 : i32 to index
        %get3A_1286 = arith.constant 64 : index
        %get3A_1287 = tpu.vector_load %arg9[%get3A_1285, %get3A_1286] {strides = array<i32>} : memref<312x128xf32, #tpu.memory_space<vmem>>, vector<16xf32>,
        %add3A_1288 = arith.constant 6 : i32
        %add3A_1289 = vector.broadcast %add3A_1288 : i32 to vector<16xi32>
        %add3A_1290 = arith.addi %add3A_1190, %add3A_1289 : vector<16xi32>
        %lt3A_1291 = arith.cmpi slt, %add3A_1290, %get3A_725 : vector<16xi32>
        %select_n3A_1292 = arith.select %lt3A_1291, %bitcast3A_723, %add3A_704 : vector<16xi1>, vector<16xf32>
        %gt3A_1293 = arith.cmpf ogt, %get3A_1287, %select_n3A_1292 : vector<16xf32>
        %select_n3A_1294 = arith.select %gt3A_1293, %broadcast_in_dim3A_833, %broadcast_in_dim3A_835 : vector<16xi1>, vector<16xi32>
        %add3A_1295 = arith.addi %add3A_1280, %select_n3A_1294 : vector<16xi32>
        %mul3A_1296 = arith.constant 8 : i32
        %mul3A_1297 = arith.muli %scan3A_1185, %mul3A_1296 : i32
        %add3A_1298 = arith.constant 7 : i32
        %add3A_1299 = arith.addi %mul3A_1297, %add3A_1298 : i32
        %get3A_1300 = arith.index_cast %add3A_1299 : i32 to index
        %get3A_1301 = arith.constant 64 : index
        %get3A_1302 = tpu.vector_load %arg9[%get3A_1300, %get3A_1301] {strides = array<i32>} : memref<312x128xf32, #tpu.memory_space<vmem>>, vector<16xf32>,
        %add3A_1303 = arith.constant 7 : i32
        %add3A_1304 = vector.broadcast %add3A_1303 : i32 to vector<16xi32>
        %add3A_1305 = arith.addi %add3A_1190, %add3A_1304 : vector<16xi32>
        %lt3A_1306 = arith.cmpi slt, %add3A_1305, %get3A_725 : vector<16xi32>
        %select_n3A_1307 = arith.select %lt3A_1306, %bitcast3A_723, %add3A_704 : vector<16xi1>, vector<16xf32>
        %gt3A_1308 = arith.cmpf ogt, %get3A_1302, %select_n3A_1307 : vector<16xf32>
        %select_n3A_1309 = arith.select %gt3A_1308, %broadcast_in_dim3A_833, %broadcast_in_dim3A_835 : vector<16xi1>, vector<16xi32>
        %add3A_1310 = arith.addi %add3A_1295, %select_n3A_1309 : vector<16xi32>
        scf.yield %add3A_1310 : vector<16xi32>
      }
      %scan3A_1149 = arith.constant 39 : i32
      %broadcast_in_dim3A_1150 = arith.constant 1 : i32
      %broadcast_in_dim3A_1151 = vector.broadcast %broadcast_in_dim3A_1150 : i32 to vector<16xi32>
      %mul3A_1152 = vector.broadcast %add3A_1099 : i32 to vector<16xi32>
      %mul3A_1153 = arith.muli %broadcast_in_dim3A_1151, %mul3A_1152 : vector<16xi32>
      %scan3A_1154 = arith.constant 0 : i32
      %scan3A_1155 = arith.constant 39 : i32
      %scan3A_1156 = arith.addi %scan3A_1154, %scan3A_1155 : i32
      %scan3A_1157 = arith.constant 1 : i32
      %scan3A_1158 = scf.for %scan3A_1185 = %scan3A_1154 to %scan3A_1156 step %scan3A_1157 iter_args(%scan3A_1186 = %scan3A_1064) -> (vector<16xi32>)  : i32 {
        %mul3A_1187 = arith.constant 8 : i32
        %mul3A_1188 = arith.muli %scan3A_1185, %mul3A_1187 : i32
        %add3A_1189 = vector.broadcast %mul3A_1188 : i32 to vector<16xi32>
        %add3A_1190 = arith.addi %mul3A_1153, %add3A_1189 : vector<16xi32>
        %mul3A_1191 = arith.constant 8 : i32
        %mul3A_1192 = arith.muli %scan3A_1185, %mul3A_1191 : i32
        %add3A_1193 = arith.constant 0 : i32
        %add3A_1194 = arith.addi %mul3A_1192, %add3A_1193 : i32
        %get3A_1195 = arith.index_cast %add3A_1194 : i32 to index
        %get3A_1196 = arith.constant 80 : index
        %get3A_1197 = tpu.vector_load %arg9[%get3A_1195, %get3A_1196] {strides = array<i32>} : memref<312x128xf32, #tpu.memory_space<vmem>>, vector<16xf32>,
        %add3A_1198 = arith.constant 0 : i32
        %add3A_1199 = vector.broadcast %add3A_1198 : i32 to vector<16xi32>
        %add3A_1200 = arith.addi %add3A_1190, %add3A_1199 : vector<16xi32>
        %lt3A_1201 = arith.cmpi slt, %add3A_1200, %get3A_755 : vector<16xi32>
        %select_n3A_1202 = arith.select %lt3A_1201, %bitcast3A_753, %add3A_734 : vector<16xi1>, vector<16xf32>
        %gt3A_1203 = arith.cmpf ogt, %get3A_1197, %select_n3A_1202 : vector<16xf32>
        %select_n3A_1204 = arith.select %gt3A_1203, %broadcast_in_dim3A_833, %broadcast_in_dim3A_835 : vector<16xi1>, vector<16xi32>
        %add3A_1205 = arith.addi %scan3A_1186, %select_n3A_1204 : vector<16xi32>
        %mul3A_1206 = arith.constant 8 : i32
        %mul3A_1207 = arith.muli %scan3A_1185, %mul3A_1206 : i32
        %add3A_1208 = arith.constant 1 : i32
        %add3A_1209 = arith.addi %mul3A_1207, %add3A_1208 : i32
        %get3A_1210 = arith.index_cast %add3A_1209 : i32 to index
        %get3A_1211 = arith.constant 80 : index
        %get3A_1212 = tpu.vector_load %arg9[%get3A_1210, %get3A_1211] {strides = array<i32>} : memref<312x128xf32, #tpu.memory_space<vmem>>, vector<16xf32>,
        %add3A_1213 = arith.constant 1 : i32
        %add3A_1214 = vector.broadcast %add3A_1213 : i32 to vector<16xi32>
        %add3A_1215 = arith.addi %add3A_1190, %add3A_1214 : vector<16xi32>
        %lt3A_1216 = arith.cmpi slt, %add3A_1215, %get3A_755 : vector<16xi32>
        %select_n3A_1217 = arith.select %lt3A_1216, %bitcast3A_753, %add3A_734 : vector<16xi1>, vector<16xf32>
        %gt3A_1218 = arith.cmpf ogt, %get3A_1212, %select_n3A_1217 : vector<16xf32>
        %select_n3A_1219 = arith.select %gt3A_1218, %broadcast_in_dim3A_833, %broadcast_in_dim3A_835 : vector<16xi1>, vector<16xi32>
        %add3A_1220 = arith.addi %add3A_1205, %select_n3A_1219 : vector<16xi32>
        %mul3A_1221 = arith.constant 8 : i32
        %mul3A_1222 = arith.muli %scan3A_1185, %mul3A_1221 : i32
        %add3A_1223 = arith.constant 2 : i32
        %add3A_1224 = arith.addi %mul3A_1222, %add3A_1223 : i32
        %get3A_1225 = arith.index_cast %add3A_1224 : i32 to index
        %get3A_1226 = arith.constant 80 : index
        %get3A_1227 = tpu.vector_load %arg9[%get3A_1225, %get3A_1226] {strides = array<i32>} : memref<312x128xf32, #tpu.memory_space<vmem>>, vector<16xf32>,
        %add3A_1228 = arith.constant 2 : i32
        %add3A_1229 = vector.broadcast %add3A_1228 : i32 to vector<16xi32>
        %add3A_1230 = arith.addi %add3A_1190, %add3A_1229 : vector<16xi32>
        %lt3A_1231 = arith.cmpi slt, %add3A_1230, %get3A_755 : vector<16xi32>
        %select_n3A_1232 = arith.select %lt3A_1231, %bitcast3A_753, %add3A_734 : vector<16xi1>, vector<16xf32>
        %gt3A_1233 = arith.cmpf ogt, %get3A_1227, %select_n3A_1232 : vector<16xf32>
        %select_n3A_1234 = arith.select %gt3A_1233, %broadcast_in_dim3A_833, %broadcast_in_dim3A_835 : vector<16xi1>, vector<16xi32>
        %add3A_1235 = arith.addi %add3A_1220, %select_n3A_1234 : vector<16xi32>
        %mul3A_1236 = arith.constant 8 : i32
        %mul3A_1237 = arith.muli %scan3A_1185, %mul3A_1236 : i32
        %add3A_1238 = arith.constant 3 : i32
        %add3A_1239 = arith.addi %mul3A_1237, %add3A_1238 : i32
        %get3A_1240 = arith.index_cast %add3A_1239 : i32 to index
        %get3A_1241 = arith.constant 80 : index
        %get3A_1242 = tpu.vector_load %arg9[%get3A_1240, %get3A_1241] {strides = array<i32>} : memref<312x128xf32, #tpu.memory_space<vmem>>, vector<16xf32>,
        %add3A_1243 = arith.constant 3 : i32
        %add3A_1244 = vector.broadcast %add3A_1243 : i32 to vector<16xi32>
        %add3A_1245 = arith.addi %add3A_1190, %add3A_1244 : vector<16xi32>
        %lt3A_1246 = arith.cmpi slt, %add3A_1245, %get3A_755 : vector<16xi32>
        %select_n3A_1247 = arith.select %lt3A_1246, %bitcast3A_753, %add3A_734 : vector<16xi1>, vector<16xf32>
        %gt3A_1248 = arith.cmpf ogt, %get3A_1242, %select_n3A_1247 : vector<16xf32>
        %select_n3A_1249 = arith.select %gt3A_1248, %broadcast_in_dim3A_833, %broadcast_in_dim3A_835 : vector<16xi1>, vector<16xi32>
        %add3A_1250 = arith.addi %add3A_1235, %select_n3A_1249 : vector<16xi32>
        %mul3A_1251 = arith.constant 8 : i32
        %mul3A_1252 = arith.muli %scan3A_1185, %mul3A_1251 : i32
        %add3A_1253 = arith.constant 4 : i32
        %add3A_1254 = arith.addi %mul3A_1252, %add3A_1253 : i32
        %get3A_1255 = arith.index_cast %add3A_1254 : i32 to index
        %get3A_1256 = arith.constant 80 : index
        %get3A_1257 = tpu.vector_load %arg9[%get3A_1255, %get3A_1256] {strides = array<i32>} : memref<312x128xf32, #tpu.memory_space<vmem>>, vector<16xf32>,
        %add3A_1258 = arith.constant 4 : i32
        %add3A_1259 = vector.broadcast %add3A_1258 : i32 to vector<16xi32>
        %add3A_1260 = arith.addi %add3A_1190, %add3A_1259 : vector<16xi32>
        %lt3A_1261 = arith.cmpi slt, %add3A_1260, %get3A_755 : vector<16xi32>
        %select_n3A_1262 = arith.select %lt3A_1261, %bitcast3A_753, %add3A_734 : vector<16xi1>, vector<16xf32>
        %gt3A_1263 = arith.cmpf ogt, %get3A_1257, %select_n3A_1262 : vector<16xf32>
        %select_n3A_1264 = arith.select %gt3A_1263, %broadcast_in_dim3A_833, %broadcast_in_dim3A_835 : vector<16xi1>, vector<16xi32>
        %add3A_1265 = arith.addi %add3A_1250, %select_n3A_1264 : vector<16xi32>
        %mul3A_1266 = arith.constant 8 : i32
        %mul3A_1267 = arith.muli %scan3A_1185, %mul3A_1266 : i32
        %add3A_1268 = arith.constant 5 : i32
        %add3A_1269 = arith.addi %mul3A_1267, %add3A_1268 : i32
        %get3A_1270 = arith.index_cast %add3A_1269 : i32 to index
        %get3A_1271 = arith.constant 80 : index
        %get3A_1272 = tpu.vector_load %arg9[%get3A_1270, %get3A_1271] {strides = array<i32>} : memref<312x128xf32, #tpu.memory_space<vmem>>, vector<16xf32>,
        %add3A_1273 = arith.constant 5 : i32
        %add3A_1274 = vector.broadcast %add3A_1273 : i32 to vector<16xi32>
        %add3A_1275 = arith.addi %add3A_1190, %add3A_1274 : vector<16xi32>
        %lt3A_1276 = arith.cmpi slt, %add3A_1275, %get3A_755 : vector<16xi32>
        %select_n3A_1277 = arith.select %lt3A_1276, %bitcast3A_753, %add3A_734 : vector<16xi1>, vector<16xf32>
        %gt3A_1278 = arith.cmpf ogt, %get3A_1272, %select_n3A_1277 : vector<16xf32>
        %select_n3A_1279 = arith.select %gt3A_1278, %broadcast_in_dim3A_833, %broadcast_in_dim3A_835 : vector<16xi1>, vector<16xi32>
        %add3A_1280 = arith.addi %add3A_1265, %select_n3A_1279 : vector<16xi32>
        %mul3A_1281 = arith.constant 8 : i32
        %mul3A_1282 = arith.muli %scan3A_1185, %mul3A_1281 : i32
        %add3A_1283 = arith.constant 6 : i32
        %add3A_1284 = arith.addi %mul3A_1282, %add3A_1283 : i32
        %get3A_1285 = arith.index_cast %add3A_1284 : i32 to index
        %get3A_1286 = arith.constant 80 : index
        %get3A_1287 = tpu.vector_load %arg9[%get3A_1285, %get3A_1286] {strides = array<i32>} : memref<312x128xf32, #tpu.memory_space<vmem>>, vector<16xf32>,
        %add3A_1288 = arith.constant 6 : i32
        %add3A_1289 = vector.broadcast %add3A_1288 : i32 to vector<16xi32>
        %add3A_1290 = arith.addi %add3A_1190, %add3A_1289 : vector<16xi32>
        %lt3A_1291 = arith.cmpi slt, %add3A_1290, %get3A_755 : vector<16xi32>
        %select_n3A_1292 = arith.select %lt3A_1291, %bitcast3A_753, %add3A_734 : vector<16xi1>, vector<16xf32>
        %gt3A_1293 = arith.cmpf ogt, %get3A_1287, %select_n3A_1292 : vector<16xf32>
        %select_n3A_1294 = arith.select %gt3A_1293, %broadcast_in_dim3A_833, %broadcast_in_dim3A_835 : vector<16xi1>, vector<16xi32>
        %add3A_1295 = arith.addi %add3A_1280, %select_n3A_1294 : vector<16xi32>
        %mul3A_1296 = arith.constant 8 : i32
        %mul3A_1297 = arith.muli %scan3A_1185, %mul3A_1296 : i32
        %add3A_1298 = arith.constant 7 : i32
        %add3A_1299 = arith.addi %mul3A_1297, %add3A_1298 : i32
        %get3A_1300 = arith.index_cast %add3A_1299 : i32 to index
        %get3A_1301 = arith.constant 80 : index
        %get3A_1302 = tpu.vector_load %arg9[%get3A_1300, %get3A_1301] {strides = array<i32>} : memref<312x128xf32, #tpu.memory_space<vmem>>, vector<16xf32>,
        %add3A_1303 = arith.constant 7 : i32
        %add3A_1304 = vector.broadcast %add3A_1303 : i32 to vector<16xi32>
        %add3A_1305 = arith.addi %add3A_1190, %add3A_1304 : vector<16xi32>
        %lt3A_1306 = arith.cmpi slt, %add3A_1305, %get3A_755 : vector<16xi32>
        %select_n3A_1307 = arith.select %lt3A_1306, %bitcast3A_753, %add3A_734 : vector<16xi1>, vector<16xf32>
        %gt3A_1308 = arith.cmpf ogt, %get3A_1302, %select_n3A_1307 : vector<16xf32>
        %select_n3A_1309 = arith.select %gt3A_1308, %broadcast_in_dim3A_833, %broadcast_in_dim3A_835 : vector<16xi1>, vector<16xi32>
        %add3A_1310 = arith.addi %add3A_1295, %select_n3A_1309 : vector<16xi32>
        scf.yield %add3A_1310 : vector<16xi32>
      }
      %scan3A_1159 = arith.constant 39 : i32
      %broadcast_in_dim3A_1160 = arith.constant 1 : i32
      %broadcast_in_dim3A_1161 = vector.broadcast %broadcast_in_dim3A_1160 : i32 to vector<16xi32>
      %mul3A_1162 = vector.broadcast %add3A_1099 : i32 to vector<16xi32>
      %mul3A_1163 = arith.muli %broadcast_in_dim3A_1161, %mul3A_1162 : vector<16xi32>
      %scan3A_1164 = arith.constant 0 : i32
      %scan3A_1165 = arith.constant 39 : i32
      %scan3A_1166 = arith.addi %scan3A_1164, %scan3A_1165 : i32
      %scan3A_1167 = arith.constant 1 : i32
      %scan3A_1168 = scf.for %scan3A_1185 = %scan3A_1164 to %scan3A_1166 step %scan3A_1167 iter_args(%scan3A_1186 = %scan3A_1074) -> (vector<16xi32>)  : i32 {
        %mul3A_1187 = arith.constant 8 : i32
        %mul3A_1188 = arith.muli %scan3A_1185, %mul3A_1187 : i32
        %add3A_1189 = vector.broadcast %mul3A_1188 : i32 to vector<16xi32>
        %add3A_1190 = arith.addi %mul3A_1163, %add3A_1189 : vector<16xi32>
        %mul3A_1191 = arith.constant 8 : i32
        %mul3A_1192 = arith.muli %scan3A_1185, %mul3A_1191 : i32
        %add3A_1193 = arith.constant 0 : i32
        %add3A_1194 = arith.addi %mul3A_1192, %add3A_1193 : i32
        %get3A_1195 = arith.index_cast %add3A_1194 : i32 to index
        %get3A_1196 = arith.constant 96 : index
        %get3A_1197 = tpu.vector_load %arg9[%get3A_1195, %get3A_1196] {strides = array<i32>} : memref<312x128xf32, #tpu.memory_space<vmem>>, vector<16xf32>,
        %add3A_1198 = arith.constant 0 : i32
        %add3A_1199 = vector.broadcast %add3A_1198 : i32 to vector<16xi32>
        %add3A_1200 = arith.addi %add3A_1190, %add3A_1199 : vector<16xi32>
        %lt3A_1201 = arith.cmpi slt, %add3A_1200, %get3A_785 : vector<16xi32>
        %select_n3A_1202 = arith.select %lt3A_1201, %bitcast3A_783, %add3A_764 : vector<16xi1>, vector<16xf32>
        %gt3A_1203 = arith.cmpf ogt, %get3A_1197, %select_n3A_1202 : vector<16xf32>
        %select_n3A_1204 = arith.select %gt3A_1203, %broadcast_in_dim3A_833, %broadcast_in_dim3A_835 : vector<16xi1>, vector<16xi32>
        %add3A_1205 = arith.addi %scan3A_1186, %select_n3A_1204 : vector<16xi32>
        %mul3A_1206 = arith.constant 8 : i32
        %mul3A_1207 = arith.muli %scan3A_1185, %mul3A_1206 : i32
        %add3A_1208 = arith.constant 1 : i32
        %add3A_1209 = arith.addi %mul3A_1207, %add3A_1208 : i32
        %get3A_1210 = arith.index_cast %add3A_1209 : i32 to index
        %get3A_1211 = arith.constant 96 : index
        %get3A_1212 = tpu.vector_load %arg9[%get3A_1210, %get3A_1211] {strides = array<i32>} : memref<312x128xf32, #tpu.memory_space<vmem>>, vector<16xf32>,
        %add3A_1213 = arith.constant 1 : i32
        %add3A_1214 = vector.broadcast %add3A_1213 : i32 to vector<16xi32>
        %add3A_1215 = arith.addi %add3A_1190, %add3A_1214 : vector<16xi32>
        %lt3A_1216 = arith.cmpi slt, %add3A_1215, %get3A_785 : vector<16xi32>
        %select_n3A_1217 = arith.select %lt3A_1216, %bitcast3A_783, %add3A_764 : vector<16xi1>, vector<16xf32>
        %gt3A_1218 = arith.cmpf ogt, %get3A_1212, %select_n3A_1217 : vector<16xf32>
        %select_n3A_1219 = arith.select %gt3A_1218, %broadcast_in_dim3A_833, %broadcast_in_dim3A_835 : vector<16xi1>, vector<16xi32>
        %add3A_1220 = arith.addi %add3A_1205, %select_n3A_1219 : vector<16xi32>
        %mul3A_1221 = arith.constant 8 : i32
        %mul3A_1222 = arith.muli %scan3A_1185, %mul3A_1221 : i32
        %add3A_1223 = arith.constant 2 : i32
        %add3A_1224 = arith.addi %mul3A_1222, %add3A_1223 : i32
        %get3A_1225 = arith.index_cast %add3A_1224 : i32 to index
        %get3A_1226 = arith.constant 96 : index
        %get3A_1227 = tpu.vector_load %arg9[%get3A_1225, %get3A_1226] {strides = array<i32>} : memref<312x128xf32, #tpu.memory_space<vmem>>, vector<16xf32>,
        %add3A_1228 = arith.constant 2 : i32
        %add3A_1229 = vector.broadcast %add3A_1228 : i32 to vector<16xi32>
        %add3A_1230 = arith.addi %add3A_1190, %add3A_1229 : vector<16xi32>
        %lt3A_1231 = arith.cmpi slt, %add3A_1230, %get3A_785 : vector<16xi32>
        %select_n3A_1232 = arith.select %lt3A_1231, %bitcast3A_783, %add3A_764 : vector<16xi1>, vector<16xf32>
        %gt3A_1233 = arith.cmpf ogt, %get3A_1227, %select_n3A_1232 : vector<16xf32>
        %select_n3A_1234 = arith.select %gt3A_1233, %broadcast_in_dim3A_833, %broadcast_in_dim3A_835 : vector<16xi1>, vector<16xi32>
        %add3A_1235 = arith.addi %add3A_1220, %select_n3A_1234 : vector<16xi32>
        %mul3A_1236 = arith.constant 8 : i32
        %mul3A_1237 = arith.muli %scan3A_1185, %mul3A_1236 : i32
        %add3A_1238 = arith.constant 3 : i32
        %add3A_1239 = arith.addi %mul3A_1237, %add3A_1238 : i32
        %get3A_1240 = arith.index_cast %add3A_1239 : i32 to index
        %get3A_1241 = arith.constant 96 : index
        %get3A_1242 = tpu.vector_load %arg9[%get3A_1240, %get3A_1241] {strides = array<i32>} : memref<312x128xf32, #tpu.memory_space<vmem>>, vector<16xf32>,
        %add3A_1243 = arith.constant 3 : i32
        %add3A_1244 = vector.broadcast %add3A_1243 : i32 to vector<16xi32>
        %add3A_1245 = arith.addi %add3A_1190, %add3A_1244 : vector<16xi32>
        %lt3A_1246 = arith.cmpi slt, %add3A_1245, %get3A_785 : vector<16xi32>
        %select_n3A_1247 = arith.select %lt3A_1246, %bitcast3A_783, %add3A_764 : vector<16xi1>, vector<16xf32>
        %gt3A_1248 = arith.cmpf ogt, %get3A_1242, %select_n3A_1247 : vector<16xf32>
        %select_n3A_1249 = arith.select %gt3A_1248, %broadcast_in_dim3A_833, %broadcast_in_dim3A_835 : vector<16xi1>, vector<16xi32>
        %add3A_1250 = arith.addi %add3A_1235, %select_n3A_1249 : vector<16xi32>
        %mul3A_1251 = arith.constant 8 : i32
        %mul3A_1252 = arith.muli %scan3A_1185, %mul3A_1251 : i32
        %add3A_1253 = arith.constant 4 : i32
        %add3A_1254 = arith.addi %mul3A_1252, %add3A_1253 : i32
        %get3A_1255 = arith.index_cast %add3A_1254 : i32 to index
        %get3A_1256 = arith.constant 96 : index
        %get3A_1257 = tpu.vector_load %arg9[%get3A_1255, %get3A_1256] {strides = array<i32>} : memref<312x128xf32, #tpu.memory_space<vmem>>, vector<16xf32>,
        %add3A_1258 = arith.constant 4 : i32
        %add3A_1259 = vector.broadcast %add3A_1258 : i32 to vector<16xi32>
        %add3A_1260 = arith.addi %add3A_1190, %add3A_1259 : vector<16xi32>
        %lt3A_1261 = arith.cmpi slt, %add3A_1260, %get3A_785 : vector<16xi32>
        %select_n3A_1262 = arith.select %lt3A_1261, %bitcast3A_783, %add3A_764 : vector<16xi1>, vector<16xf32>
        %gt3A_1263 = arith.cmpf ogt, %get3A_1257, %select_n3A_1262 : vector<16xf32>
        %select_n3A_1264 = arith.select %gt3A_1263, %broadcast_in_dim3A_833, %broadcast_in_dim3A_835 : vector<16xi1>, vector<16xi32>
        %add3A_1265 = arith.addi %add3A_1250, %select_n3A_1264 : vector<16xi32>
        %mul3A_1266 = arith.constant 8 : i32
        %mul3A_1267 = arith.muli %scan3A_1185, %mul3A_1266 : i32
        %add3A_1268 = arith.constant 5 : i32
        %add3A_1269 = arith.addi %mul3A_1267, %add3A_1268 : i32
        %get3A_1270 = arith.index_cast %add3A_1269 : i32 to index
        %get3A_1271 = arith.constant 96 : index
        %get3A_1272 = tpu.vector_load %arg9[%get3A_1270, %get3A_1271] {strides = array<i32>} : memref<312x128xf32, #tpu.memory_space<vmem>>, vector<16xf32>,
        %add3A_1273 = arith.constant 5 : i32
        %add3A_1274 = vector.broadcast %add3A_1273 : i32 to vector<16xi32>
        %add3A_1275 = arith.addi %add3A_1190, %add3A_1274 : vector<16xi32>
        %lt3A_1276 = arith.cmpi slt, %add3A_1275, %get3A_785 : vector<16xi32>
        %select_n3A_1277 = arith.select %lt3A_1276, %bitcast3A_783, %add3A_764 : vector<16xi1>, vector<16xf32>
        %gt3A_1278 = arith.cmpf ogt, %get3A_1272, %select_n3A_1277 : vector<16xf32>
        %select_n3A_1279 = arith.select %gt3A_1278, %broadcast_in_dim3A_833, %broadcast_in_dim3A_835 : vector<16xi1>, vector<16xi32>
        %add3A_1280 = arith.addi %add3A_1265, %select_n3A_1279 : vector<16xi32>
        %mul3A_1281 = arith.constant 8 : i32
        %mul3A_1282 = arith.muli %scan3A_1185, %mul3A_1281 : i32
        %add3A_1283 = arith.constant 6 : i32
        %add3A_1284 = arith.addi %mul3A_1282, %add3A_1283 : i32
        %get3A_1285 = arith.index_cast %add3A_1284 : i32 to index
        %get3A_1286 = arith.constant 96 : index
        %get3A_1287 = tpu.vector_load %arg9[%get3A_1285, %get3A_1286] {strides = array<i32>} : memref<312x128xf32, #tpu.memory_space<vmem>>, vector<16xf32>,
        %add3A_1288 = arith.constant 6 : i32
        %add3A_1289 = vector.broadcast %add3A_1288 : i32 to vector<16xi32>
        %add3A_1290 = arith.addi %add3A_1190, %add3A_1289 : vector<16xi32>
        %lt3A_1291 = arith.cmpi slt, %add3A_1290, %get3A_785 : vector<16xi32>
        %select_n3A_1292 = arith.select %lt3A_1291, %bitcast3A_783, %add3A_764 : vector<16xi1>, vector<16xf32>
        %gt3A_1293 = arith.cmpf ogt, %get3A_1287, %select_n3A_1292 : vector<16xf32>
        %select_n3A_1294 = arith.select %gt3A_1293, %broadcast_in_dim3A_833, %broadcast_in_dim3A_835 : vector<16xi1>, vector<16xi32>
        %add3A_1295 = arith.addi %add3A_1280, %select_n3A_1294 : vector<16xi32>
        %mul3A_1296 = arith.constant 8 : i32
        %mul3A_1297 = arith.muli %scan3A_1185, %mul3A_1296 : i32
        %add3A_1298 = arith.constant 7 : i32
        %add3A_1299 = arith.addi %mul3A_1297, %add3A_1298 : i32
        %get3A_1300 = arith.index_cast %add3A_1299 : i32 to index
        %get3A_1301 = arith.constant 96 : index
        %get3A_1302 = tpu.vector_load %arg9[%get3A_1300, %get3A_1301] {strides = array<i32>} : memref<312x128xf32, #tpu.memory_space<vmem>>, vector<16xf32>,
        %add3A_1303 = arith.constant 7 : i32
        %add3A_1304 = vector.broadcast %add3A_1303 : i32 to vector<16xi32>
        %add3A_1305 = arith.addi %add3A_1190, %add3A_1304 : vector<16xi32>
        %lt3A_1306 = arith.cmpi slt, %add3A_1305, %get3A_785 : vector<16xi32>
        %select_n3A_1307 = arith.select %lt3A_1306, %bitcast3A_783, %add3A_764 : vector<16xi1>, vector<16xf32>
        %gt3A_1308 = arith.cmpf ogt, %get3A_1302, %select_n3A_1307 : vector<16xf32>
        %select_n3A_1309 = arith.select %gt3A_1308, %broadcast_in_dim3A_833, %broadcast_in_dim3A_835 : vector<16xi1>, vector<16xi32>
        %add3A_1310 = arith.addi %add3A_1295, %select_n3A_1309 : vector<16xi32>
        scf.yield %add3A_1310 : vector<16xi32>
      }
      %scan3A_1169 = arith.constant 39 : i32
      %broadcast_in_dim3A_1170 = arith.constant 1 : i32
      %broadcast_in_dim3A_1171 = vector.broadcast %broadcast_in_dim3A_1170 : i32 to vector<16xi32>
      %mul3A_1172 = vector.broadcast %add3A_1099 : i32 to vector<16xi32>
      %mul3A_1173 = arith.muli %broadcast_in_dim3A_1171, %mul3A_1172 : vector<16xi32>
      %scan3A_1174 = arith.constant 0 : i32
      %scan3A_1175 = arith.constant 39 : i32
      %scan3A_1176 = arith.addi %scan3A_1174, %scan3A_1175 : i32
      %scan3A_1177 = arith.constant 1 : i32
      %scan3A_1178 = scf.for %scan3A_1185 = %scan3A_1174 to %scan3A_1176 step %scan3A_1177 iter_args(%scan3A_1186 = %scan3A_1084) -> (vector<16xi32>)  : i32 {
        %mul3A_1187 = arith.constant 8 : i32
        %mul3A_1188 = arith.muli %scan3A_1185, %mul3A_1187 : i32
        %add3A_1189 = vector.broadcast %mul3A_1188 : i32 to vector<16xi32>
        %add3A_1190 = arith.addi %mul3A_1173, %add3A_1189 : vector<16xi32>
        %mul3A_1191 = arith.constant 8 : i32
        %mul3A_1192 = arith.muli %scan3A_1185, %mul3A_1191 : i32
        %add3A_1193 = arith.constant 0 : i32
        %add3A_1194 = arith.addi %mul3A_1192, %add3A_1193 : i32
        %get3A_1195 = arith.index_cast %add3A_1194 : i32 to index
        %get3A_1196 = arith.constant 112 : index
        %get3A_1197 = tpu.vector_load %arg9[%get3A_1195, %get3A_1196] {strides = array<i32>} : memref<312x128xf32, #tpu.memory_space<vmem>>, vector<16xf32>,
        %add3A_1198 = arith.constant 0 : i32
        %add3A_1199 = vector.broadcast %add3A_1198 : i32 to vector<16xi32>
        %add3A_1200 = arith.addi %add3A_1190, %add3A_1199 : vector<16xi32>
        %lt3A_1201 = arith.cmpi slt, %add3A_1200, %get3A_815 : vector<16xi32>
        %select_n3A_1202 = arith.select %lt3A_1201, %bitcast3A_813, %add3A_794 : vector<16xi1>, vector<16xf32>
        %gt3A_1203 = arith.cmpf ogt, %get3A_1197, %select_n3A_1202 : vector<16xf32>
        %select_n3A_1204 = arith.select %gt3A_1203, %broadcast_in_dim3A_833, %broadcast_in_dim3A_835 : vector<16xi1>, vector<16xi32>
        %add3A_1205 = arith.addi %scan3A_1186, %select_n3A_1204 : vector<16xi32>
        %mul3A_1206 = arith.constant 8 : i32
        %mul3A_1207 = arith.muli %scan3A_1185, %mul3A_1206 : i32
        %add3A_1208 = arith.constant 1 : i32
        %add3A_1209 = arith.addi %mul3A_1207, %add3A_1208 : i32
        %get3A_1210 = arith.index_cast %add3A_1209 : i32 to index
        %get3A_1211 = arith.constant 112 : index
        %get3A_1212 = tpu.vector_load %arg9[%get3A_1210, %get3A_1211] {strides = array<i32>} : memref<312x128xf32, #tpu.memory_space<vmem>>, vector<16xf32>,
        %add3A_1213 = arith.constant 1 : i32
        %add3A_1214 = vector.broadcast %add3A_1213 : i32 to vector<16xi32>
        %add3A_1215 = arith.addi %add3A_1190, %add3A_1214 : vector<16xi32>
        %lt3A_1216 = arith.cmpi slt, %add3A_1215, %get3A_815 : vector<16xi32>
        %select_n3A_1217 = arith.select %lt3A_1216, %bitcast3A_813, %add3A_794 : vector<16xi1>, vector<16xf32>
        %gt3A_1218 = arith.cmpf ogt, %get3A_1212, %select_n3A_1217 : vector<16xf32>
        %select_n3A_1219 = arith.select %gt3A_1218, %broadcast_in_dim3A_833, %broadcast_in_dim3A_835 : vector<16xi1>, vector<16xi32>
        %add3A_1220 = arith.addi %add3A_1205, %select_n3A_1219 : vector<16xi32>
        %mul3A_1221 = arith.constant 8 : i32
        %mul3A_1222 = arith.muli %scan3A_1185, %mul3A_1221 : i32
        %add3A_1223 = arith.constant 2 : i32
        %add3A_1224 = arith.addi %mul3A_1222, %add3A_1223 : i32
        %get3A_1225 = arith.index_cast %add3A_1224 : i32 to index
        %get3A_1226 = arith.constant 112 : index
        %get3A_1227 = tpu.vector_load %arg9[%get3A_1225, %get3A_1226] {strides = array<i32>} : memref<312x128xf32, #tpu.memory_space<vmem>>, vector<16xf32>,
        %add3A_1228 = arith.constant 2 : i32
        %add3A_1229 = vector.broadcast %add3A_1228 : i32 to vector<16xi32>
        %add3A_1230 = arith.addi %add3A_1190, %add3A_1229 : vector<16xi32>
        %lt3A_1231 = arith.cmpi slt, %add3A_1230, %get3A_815 : vector<16xi32>
        %select_n3A_1232 = arith.select %lt3A_1231, %bitcast3A_813, %add3A_794 : vector<16xi1>, vector<16xf32>
        %gt3A_1233 = arith.cmpf ogt, %get3A_1227, %select_n3A_1232 : vector<16xf32>
        %select_n3A_1234 = arith.select %gt3A_1233, %broadcast_in_dim3A_833, %broadcast_in_dim3A_835 : vector<16xi1>, vector<16xi32>
        %add3A_1235 = arith.addi %add3A_1220, %select_n3A_1234 : vector<16xi32>
        %mul3A_1236 = arith.constant 8 : i32
        %mul3A_1237 = arith.muli %scan3A_1185, %mul3A_1236 : i32
        %add3A_1238 = arith.constant 3 : i32
        %add3A_1239 = arith.addi %mul3A_1237, %add3A_1238 : i32
        %get3A_1240 = arith.index_cast %add3A_1239 : i32 to index
        %get3A_1241 = arith.constant 112 : index
        %get3A_1242 = tpu.vector_load %arg9[%get3A_1240, %get3A_1241] {strides = array<i32>} : memref<312x128xf32, #tpu.memory_space<vmem>>, vector<16xf32>,
        %add3A_1243 = arith.constant 3 : i32
        %add3A_1244 = vector.broadcast %add3A_1243 : i32 to vector<16xi32>
        %add3A_1245 = arith.addi %add3A_1190, %add3A_1244 : vector<16xi32>
        %lt3A_1246 = arith.cmpi slt, %add3A_1245, %get3A_815 : vector<16xi32>
        %select_n3A_1247 = arith.select %lt3A_1246, %bitcast3A_813, %add3A_794 : vector<16xi1>, vector<16xf32>
        %gt3A_1248 = arith.cmpf ogt, %get3A_1242, %select_n3A_1247 : vector<16xf32>
        %select_n3A_1249 = arith.select %gt3A_1248, %broadcast_in_dim3A_833, %broadcast_in_dim3A_835 : vector<16xi1>, vector<16xi32>
        %add3A_1250 = arith.addi %add3A_1235, %select_n3A_1249 : vector<16xi32>
        %mul3A_1251 = arith.constant 8 : i32
        %mul3A_1252 = arith.muli %scan3A_1185, %mul3A_1251 : i32
        %add3A_1253 = arith.constant 4 : i32
        %add3A_1254 = arith.addi %mul3A_1252, %add3A_1253 : i32
        %get3A_1255 = arith.index_cast %add3A_1254 : i32 to index
        %get3A_1256 = arith.constant 112 : index
        %get3A_1257 = tpu.vector_load %arg9[%get3A_1255, %get3A_1256] {strides = array<i32>} : memref<312x128xf32, #tpu.memory_space<vmem>>, vector<16xf32>,
        %add3A_1258 = arith.constant 4 : i32
        %add3A_1259 = vector.broadcast %add3A_1258 : i32 to vector<16xi32>
        %add3A_1260 = arith.addi %add3A_1190, %add3A_1259 : vector<16xi32>
        %lt3A_1261 = arith.cmpi slt, %add3A_1260, %get3A_815 : vector<16xi32>
        %select_n3A_1262 = arith.select %lt3A_1261, %bitcast3A_813, %add3A_794 : vector<16xi1>, vector<16xf32>
        %gt3A_1263 = arith.cmpf ogt, %get3A_1257, %select_n3A_1262 : vector<16xf32>
        %select_n3A_1264 = arith.select %gt3A_1263, %broadcast_in_dim3A_833, %broadcast_in_dim3A_835 : vector<16xi1>, vector<16xi32>
        %add3A_1265 = arith.addi %add3A_1250, %select_n3A_1264 : vector<16xi32>
        %mul3A_1266 = arith.constant 8 : i32
        %mul3A_1267 = arith.muli %scan3A_1185, %mul3A_1266 : i32
        %add3A_1268 = arith.constant 5 : i32
        %add3A_1269 = arith.addi %mul3A_1267, %add3A_1268 : i32
        %get3A_1270 = arith.index_cast %add3A_1269 : i32 to index
        %get3A_1271 = arith.constant 112 : index
        %get3A_1272 = tpu.vector_load %arg9[%get3A_1270, %get3A_1271] {strides = array<i32>} : memref<312x128xf32, #tpu.memory_space<vmem>>, vector<16xf32>,
        %add3A_1273 = arith.constant 5 : i32
        %add3A_1274 = vector.broadcast %add3A_1273 : i32 to vector<16xi32>
        %add3A_1275 = arith.addi %add3A_1190, %add3A_1274 : vector<16xi32>
        %lt3A_1276 = arith.cmpi slt, %add3A_1275, %get3A_815 : vector<16xi32>
        %select_n3A_1277 = arith.select %lt3A_1276, %bitcast3A_813, %add3A_794 : vector<16xi1>, vector<16xf32>
        %gt3A_1278 = arith.cmpf ogt, %get3A_1272, %select_n3A_1277 : vector<16xf32>
        %select_n3A_1279 = arith.select %gt3A_1278, %broadcast_in_dim3A_833, %broadcast_in_dim3A_835 : vector<16xi1>, vector<16xi32>
        %add3A_1280 = arith.addi %add3A_1265, %select_n3A_1279 : vector<16xi32>
        %mul3A_1281 = arith.constant 8 : i32
        %mul3A_1282 = arith.muli %scan3A_1185, %mul3A_1281 : i32
        %add3A_1283 = arith.constant 6 : i32
        %add3A_1284 = arith.addi %mul3A_1282, %add3A_1283 : i32
        %get3A_1285 = arith.index_cast %add3A_1284 : i32 to index
        %get3A_1286 = arith.constant 112 : index
        %get3A_1287 = tpu.vector_load %arg9[%get3A_1285, %get3A_1286] {strides = array<i32>} : memref<312x128xf32, #tpu.memory_space<vmem>>, vector<16xf32>,
        %add3A_1288 = arith.constant 6 : i32
        %add3A_1289 = vector.broadcast %add3A_1288 : i32 to vector<16xi32>
        %add3A_1290 = arith.addi %add3A_1190, %add3A_1289 : vector<16xi32>
        %lt3A_1291 = arith.cmpi slt, %add3A_1290, %get3A_815 : vector<16xi32>
        %select_n3A_1292 = arith.select %lt3A_1291, %bitcast3A_813, %add3A_794 : vector<16xi1>, vector<16xf32>
        %gt3A_1293 = arith.cmpf ogt, %get3A_1287, %select_n3A_1292 : vector<16xf32>
        %select_n3A_1294 = arith.select %gt3A_1293, %broadcast_in_dim3A_833, %broadcast_in_dim3A_835 : vector<16xi1>, vector<16xi32>
        %add3A_1295 = arith.addi %add3A_1280, %select_n3A_1294 : vector<16xi32>
        %mul3A_1296 = arith.constant 8 : i32
        %mul3A_1297 = arith.muli %scan3A_1185, %mul3A_1296 : i32
        %add3A_1298 = arith.constant 7 : i32
        %add3A_1299 = arith.addi %mul3A_1297, %add3A_1298 : i32
        %get3A_1300 = arith.index_cast %add3A_1299 : i32 to index
        %get3A_1301 = arith.constant 112 : index
        %get3A_1302 = tpu.vector_load %arg9[%get3A_1300, %get3A_1301] {strides = array<i32>} : memref<312x128xf32, #tpu.memory_space<vmem>>, vector<16xf32>,
        %add3A_1303 = arith.constant 7 : i32
        %add3A_1304 = vector.broadcast %add3A_1303 : i32 to vector<16xi32>
        %add3A_1305 = arith.addi %add3A_1190, %add3A_1304 : vector<16xi32>
        %lt3A_1306 = arith.cmpi slt, %add3A_1305, %get3A_815 : vector<16xi32>
        %select_n3A_1307 = arith.select %lt3A_1306, %bitcast3A_813, %add3A_794 : vector<16xi1>, vector<16xf32>
        %gt3A_1308 = arith.cmpf ogt, %get3A_1302, %select_n3A_1307 : vector<16xf32>
        %select_n3A_1309 = arith.select %gt3A_1308, %broadcast_in_dim3A_833, %broadcast_in_dim3A_835 : vector<16xi1>, vector<16xi32>
        %add3A_1310 = arith.addi %add3A_1295, %select_n3A_1309 : vector<16xi32>
        scf.yield %add3A_1310 : vector<16xi32>
      }
      %scan3A_1179 = arith.constant 39 : i32
      %lt3A_1180 = arith.constant 4 : i32
      %lt3A_1181 = arith.cmpi slt, %scan3A_986, %lt3A_1180 : i32
      %convert_element_type3A_1182 = arith.extui %lt3A_1181 : i1 to i32
      %cond3A_1183 = arith.constant 0 : i32
      %cond3A_1184 = arith.cmpi ne, %convert_element_type3A_1182, %cond3A_1183 : i32
      scf.if %cond3A_1184 {
        %add3A_1185 = arith.constant 3 : i32
        %add3A_1186 = arith.addi %mul3A_996, %add3A_1185 : i32
        %mul3A_1187 = arith.constant 312 : i32
        %mul3A_1188 = arith.muli %add3A_1186, %mul3A_1187 : i32
        %add3A_1189 = arith.addi %multiple_of3A, %mul3A_1188 : i32
        %dma_start3A_1190 = arith.constant 0 : i32
        %dma_start3A_1191 = tpu.memref_slice %arg2[%add3A_1189, %dma_start3A_1190] : memref<100000x128xf32, #tpu.memory_space<hbm>> -> memref<312x128xf32, #tpu.memory_space<hbm>>
        %dma_start3A_1192 = arith.constant 0 : i32
        %dma_start3A_1193 = tpu.memref_slice %arg2[%add3A_1189, %dma_start3A_1192] : memref<100000x128xf32, #tpu.memory_space<hbm>> -> memref<312x128xf32, #tpu.memory_space<hbm>>
        tpu.enqueue_dma source(%dma_start3A_1193 : memref<312x128xf32, #tpu.memory_space<hbm>>) target(%arg9 : memref<312x128xf32, #tpu.memory_space<vmem>>) target_semaphore(%arg15 : memref<!tpu.dma_semaphore, #tpu.memory_space<semaphore_mem>>)
      } else {
      }
      scf.yield %scan3A_1108, %scan3A_1118, %scan3A_1128, %scan3A_1138, %scan3A_1148, %scan3A_1158, %scan3A_1168, %scan3A_1178 : vector<16xi32>, vector<16xi32>, vector<16xi32>, vector<16xi32>, vector<16xi32>, vector<16xi32>, vector<16xi32>, vector<16xi32>
    }
    %scan3A_840 = arith.constant 5 : i32
    %dma_wait3A_841 = arith.constant 99840 : i32
    %dma_wait3A_842 = arith.constant 0 : i32
    %dma_wait3A_843 = tpu.memref_slice %arg2[%dma_wait3A_841, %dma_wait3A_842] : memref<100000x128xf32, #tpu.memory_space<hbm>> -> memref<160x128xf32, #tpu.memory_space<hbm>>
    %dma_wait3A_844 = arith.constant 99840 : i32
    %dma_wait3A_845 = arith.constant 0 : i32
    %dma_wait3A_846 = tpu.memref_slice %arg2[%dma_wait3A_844, %dma_wait3A_845] : memref<100000x128xf32, #tpu.memory_space<hbm>> -> memref<160x128xf32, #tpu.memory_space<hbm>>
    tpu.wait_dma2 semaphore(%arg17 : memref<!tpu.dma_semaphore, #tpu.memory_space<semaphore_mem>>) src(%dma_wait3A_846 : memref<160x128xf32, #tpu.memory_space<hbm>>) dst(%arg10 : memref<160x128xf32, #tpu.memory_space<vmem>>)
    %eq3A_847 = arith.constant 0 : i32
    %eq3A_848 = arith.cmpi eq, %add3A, %eq3A_847 : i32
    %jit3A = arith.constant 1 : i32
    %jit3A_849 = arith.constant 0 : i32
    %select_n3A_850 = arith.select %eq3A_848, %jit3A, %jit3A_849 : i32
    %broadcast_in_dim3A_851 = arith.constant 1 : i32
    %broadcast_in_dim3A_852 = vector.broadcast %broadcast_in_dim3A_851 : i32 to vector<16xi32>
    %mul3A_853 = arith.constant 99840 : i32
    %mul3A_854 = vector.broadcast %mul3A_853 : i32 to vector<16xi32>
    %mul3A_855 = arith.muli %broadcast_in_dim3A_852, %mul3A_854 : vector<16xi32>
    %scan3A_856 = arith.constant 0 : i32
    %scan3A_857 = arith.constant 20 : i32
    %scan3A_858 = arith.addi %scan3A_856, %scan3A_857 : i32
    %scan3A_859 = arith.constant 1 : i32
    %scan3A_860 = scf.for %scan3A_986 = %scan3A_856 to %scan3A_858 step %scan3A_859 iter_args(%scan3A_987 = %broadcast_in_dim3A_835) -> (vector<16xi32>)  : i32 {
      %mul3A_988 = arith.constant 8 : i32
      %mul3A_989 = arith.muli %scan3A_986, %mul3A_988 : i32
      %add3A_990 = vector.broadcast %mul3A_989 : i32 to vector<16xi32>
      %add3A_991 = arith.addi %mul3A_855, %add3A_990 : vector<16xi32>
      %mul3A_992 = arith.constant 8 : i32
      %mul3A_993 = arith.muli %scan3A_986, %mul3A_992 : i32
      %add3A_994 = arith.constant 0 : i32
      %add3A_995 = arith.addi %mul3A_993, %add3A_994 : i32
      %get3A_996 = arith.index_cast %add3A_995 : i32 to index
      %get3A_997 = arith.constant 0 : index
      %get3A_998 = tpu.vector_load %arg10[%get3A_996, %get3A_997] {strides = array<i32>} : memref<160x128xf32, #tpu.memory_space<vmem>>, vector<16xf32>,
      %add3A_999 = arith.constant 0 : i32
      %add3A_1000 = vector.broadcast %add3A_999 : i32 to vector<16xi32>
      %add3A_1001 = arith.addi %add3A_991, %add3A_1000 : vector<16xi32>
      %lt3A = arith.cmpi slt, %add3A_1001, %get3A_605 : vector<16xi32>
      %select_n3A_1002 = arith.select %lt3A, %bitcast3A_603, %add3A_587 : vector<16xi1>, vector<16xf32>
      %gt3A_1003 = arith.cmpf ogt, %get3A_998, %select_n3A_1002 : vector<16xf32>
      %select_n3A_1004 = arith.select %gt3A_1003, %broadcast_in_dim3A_833, %broadcast_in_dim3A_835 : vector<16xi1>, vector<16xi32>
      %add3A_1005 = arith.addi %scan3A_987, %select_n3A_1004 : vector<16xi32>
      %mul3A_1006 = arith.constant 8 : i32
      %mul3A_1007 = arith.muli %scan3A_986, %mul3A_1006 : i32
      %add3A_1008 = arith.constant 1 : i32
      %add3A_1009 = arith.addi %mul3A_1007, %add3A_1008 : i32
      %get3A_1010 = arith.index_cast %add3A_1009 : i32 to index
      %get3A_1011 = arith.constant 0 : index
      %get3A_1012 = tpu.vector_load %arg10[%get3A_1010, %get3A_1011] {strides = array<i32>} : memref<160x128xf32, #tpu.memory_space<vmem>>, vector<16xf32>,
      %add3A_1013 = arith.constant 1 : i32
      %add3A_1014 = vector.broadcast %add3A_1013 : i32 to vector<16xi32>
      %add3A_1015 = arith.addi %add3A_991, %add3A_1014 : vector<16xi32>
      %lt3A_1016 = arith.cmpi slt, %add3A_1015, %get3A_605 : vector<16xi32>
      %select_n3A_1017 = arith.select %lt3A_1016, %bitcast3A_603, %add3A_587 : vector<16xi1>, vector<16xf32>
      %gt3A_1018 = arith.cmpf ogt, %get3A_1012, %select_n3A_1017 : vector<16xf32>
      %select_n3A_1019 = arith.select %gt3A_1018, %broadcast_in_dim3A_833, %broadcast_in_dim3A_835 : vector<16xi1>, vector<16xi32>
      %add3A_1020 = arith.addi %add3A_1005, %select_n3A_1019 : vector<16xi32>
      %mul3A_1021 = arith.constant 8 : i32
      %mul3A_1022 = arith.muli %scan3A_986, %mul3A_1021 : i32
      %add3A_1023 = arith.constant 2 : i32
      %add3A_1024 = arith.addi %mul3A_1022, %add3A_1023 : i32
      %get3A_1025 = arith.index_cast %add3A_1024 : i32 to index
      %get3A_1026 = arith.constant 0 : index
      %get3A_1027 = tpu.vector_load %arg10[%get3A_1025, %get3A_1026] {strides = array<i32>} : memref<160x128xf32, #tpu.memory_space<vmem>>, vector<16xf32>,
      %add3A_1028 = arith.constant 2 : i32
      %add3A_1029 = vector.broadcast %add3A_1028 : i32 to vector<16xi32>
      %add3A_1030 = arith.addi %add3A_991, %add3A_1029 : vector<16xi32>
      %lt3A_1031 = arith.cmpi slt, %add3A_1030, %get3A_605 : vector<16xi32>
      %select_n3A_1032 = arith.select %lt3A_1031, %bitcast3A_603, %add3A_587 : vector<16xi1>, vector<16xf32>
      %gt3A_1033 = arith.cmpf ogt, %get3A_1027, %select_n3A_1032 : vector<16xf32>
      %select_n3A_1034 = arith.select %gt3A_1033, %broadcast_in_dim3A_833, %broadcast_in_dim3A_835 : vector<16xi1>, vector<16xi32>
      %add3A_1035 = arith.addi %add3A_1020, %select_n3A_1034 : vector<16xi32>
      %mul3A_1036 = arith.constant 8 : i32
      %mul3A_1037 = arith.muli %scan3A_986, %mul3A_1036 : i32
      %add3A_1038 = arith.constant 3 : i32
      %add3A_1039 = arith.addi %mul3A_1037, %add3A_1038 : i32
      %get3A_1040 = arith.index_cast %add3A_1039 : i32 to index
      %get3A_1041 = arith.constant 0 : index
      %get3A_1042 = tpu.vector_load %arg10[%get3A_1040, %get3A_1041] {strides = array<i32>} : memref<160x128xf32, #tpu.memory_space<vmem>>, vector<16xf32>,
      %add3A_1043 = arith.constant 3 : i32
      %add3A_1044 = vector.broadcast %add3A_1043 : i32 to vector<16xi32>
      %add3A_1045 = arith.addi %add3A_991, %add3A_1044 : vector<16xi32>
      %lt3A_1046 = arith.cmpi slt, %add3A_1045, %get3A_605 : vector<16xi32>
      %select_n3A_1047 = arith.select %lt3A_1046, %bitcast3A_603, %add3A_587 : vector<16xi1>, vector<16xf32>
      %gt3A_1048 = arith.cmpf ogt, %get3A_1042, %select_n3A_1047 : vector<16xf32>
      %select_n3A_1049 = arith.select %gt3A_1048, %broadcast_in_dim3A_833, %broadcast_in_dim3A_835 : vector<16xi1>, vector<16xi32>
      %add3A_1050 = arith.addi %add3A_1035, %select_n3A_1049 : vector<16xi32>
      %mul3A_1051 = arith.constant 8 : i32
      %mul3A_1052 = arith.muli %scan3A_986, %mul3A_1051 : i32
      %add3A_1053 = arith.constant 4 : i32
      %add3A_1054 = arith.addi %mul3A_1052, %add3A_1053 : i32
      %get3A_1055 = arith.index_cast %add3A_1054 : i32 to index
      %get3A_1056 = arith.constant 0 : index
      %get3A_1057 = tpu.vector_load %arg10[%get3A_1055, %get3A_1056] {strides = array<i32>} : memref<160x128xf32, #tpu.memory_space<vmem>>, vector<16xf32>,
      %add3A_1058 = arith.constant 4 : i32
      %add3A_1059 = vector.broadcast %add3A_1058 : i32 to vector<16xi32>
      %add3A_1060 = arith.addi %add3A_991, %add3A_1059 : vector<16xi32>
      %lt3A_1061 = arith.cmpi slt, %add3A_1060, %get3A_605 : vector<16xi32>
      %select_n3A_1062 = arith.select %lt3A_1061, %bitcast3A_603, %add3A_587 : vector<16xi1>, vector<16xf32>
      %gt3A_1063 = arith.cmpf ogt, %get3A_1057, %select_n3A_1062 : vector<16xf32>
      %select_n3A_1064 = arith.select %gt3A_1063, %broadcast_in_dim3A_833, %broadcast_in_dim3A_835 : vector<16xi1>, vector<16xi32>
      %add3A_1065 = arith.addi %add3A_1050, %select_n3A_1064 : vector<16xi32>
      %mul3A_1066 = arith.constant 8 : i32
      %mul3A_1067 = arith.muli %scan3A_986, %mul3A_1066 : i32
      %add3A_1068 = arith.constant 5 : i32
      %add3A_1069 = arith.addi %mul3A_1067, %add3A_1068 : i32
      %get3A_1070 = arith.index_cast %add3A_1069 : i32 to index
      %get3A_1071 = arith.constant 0 : index
      %get3A_1072 = tpu.vector_load %arg10[%get3A_1070, %get3A_1071] {strides = array<i32>} : memref<160x128xf32, #tpu.memory_space<vmem>>, vector<16xf32>,
      %add3A_1073 = arith.constant 5 : i32
      %add3A_1074 = vector.broadcast %add3A_1073 : i32 to vector<16xi32>
      %add3A_1075 = arith.addi %add3A_991, %add3A_1074 : vector<16xi32>
      %lt3A_1076 = arith.cmpi slt, %add3A_1075, %get3A_605 : vector<16xi32>
      %select_n3A_1077 = arith.select %lt3A_1076, %bitcast3A_603, %add3A_587 : vector<16xi1>, vector<16xf32>
      %gt3A_1078 = arith.cmpf ogt, %get3A_1072, %select_n3A_1077 : vector<16xf32>
      %select_n3A_1079 = arith.select %gt3A_1078, %broadcast_in_dim3A_833, %broadcast_in_dim3A_835 : vector<16xi1>, vector<16xi32>
      %add3A_1080 = arith.addi %add3A_1065, %select_n3A_1079 : vector<16xi32>
      %mul3A_1081 = arith.constant 8 : i32
      %mul3A_1082 = arith.muli %scan3A_986, %mul3A_1081 : i32
      %add3A_1083 = arith.constant 6 : i32
      %add3A_1084 = arith.addi %mul3A_1082, %add3A_1083 : i32
      %get3A_1085 = arith.index_cast %add3A_1084 : i32 to index
      %get3A_1086 = arith.constant 0 : index
      %get3A_1087 = tpu.vector_load %arg10[%get3A_1085, %get3A_1086] {strides = array<i32>} : memref<160x128xf32, #tpu.memory_space<vmem>>, vector<16xf32>,
      %add3A_1088 = arith.constant 6 : i32
      %add3A_1089 = vector.broadcast %add3A_1088 : i32 to vector<16xi32>
      %add3A_1090 = arith.addi %add3A_991, %add3A_1089 : vector<16xi32>
      %lt3A_1091 = arith.cmpi slt, %add3A_1090, %get3A_605 : vector<16xi32>
      %select_n3A_1092 = arith.select %lt3A_1091, %bitcast3A_603, %add3A_587 : vector<16xi1>, vector<16xf32>
      %gt3A_1093 = arith.cmpf ogt, %get3A_1087, %select_n3A_1092 : vector<16xf32>
      %select_n3A_1094 = arith.select %gt3A_1093, %broadcast_in_dim3A_833, %broadcast_in_dim3A_835 : vector<16xi1>, vector<16xi32>
      %add3A_1095 = arith.addi %add3A_1080, %select_n3A_1094 : vector<16xi32>
      %mul3A_1096 = arith.constant 8 : i32
      %mul3A_1097 = arith.muli %scan3A_986, %mul3A_1096 : i32
      %add3A_1098 = arith.constant 7 : i32
      %add3A_1099 = arith.addi %mul3A_1097, %add3A_1098 : i32
      %get3A_1100 = arith.index_cast %add3A_1099 : i32 to index
      %get3A_1101 = arith.constant 0 : index
      %get3A_1102 = tpu.vector_load %arg10[%get3A_1100, %get3A_1101] {strides = array<i32>} : memref<160x128xf32, #tpu.memory_space<vmem>>, vector<16xf32>,
      %add3A_1103 = arith.constant 7 : i32
      %add3A_1104 = vector.broadcast %add3A_1103 : i32 to vector<16xi32>
      %add3A_1105 = arith.addi %add3A_991, %add3A_1104 : vector<16xi32>
      %lt3A_1106 = arith.cmpi slt, %add3A_1105, %get3A_605 : vector<16xi32>
      %select_n3A_1107 = arith.select %lt3A_1106, %bitcast3A_603, %add3A_587 : vector<16xi1>, vector<16xf32>
      %gt3A_1108 = arith.cmpf ogt, %get3A_1102, %select_n3A_1107 : vector<16xf32>
      %select_n3A_1109 = arith.select %gt3A_1108, %broadcast_in_dim3A_833, %broadcast_in_dim3A_835 : vector<16xi1>, vector<16xi32>
      %add3A_1110 = arith.addi %add3A_1095, %select_n3A_1109 : vector<16xi32>
      scf.yield %add3A_1110 : vector<16xi32>
    }
    %scan3A_861 = arith.constant 20 : i32
    %mul3A_862 = vector.broadcast %select_n3A_850 : i32 to vector<16xi32>
    %mul3A_863 = arith.muli %mul3A_862, %scan3A_860 : vector<16xi32>
    %add3A_864 = arith.addi %scan3A_839#0, %mul3A_863 : vector<16xi32>
    %broadcast_in_dim3A_865 = arith.constant 1 : i32
    %broadcast_in_dim3A_866 = vector.broadcast %broadcast_in_dim3A_865 : i32 to vector<16xi32>
    %mul3A_867 = arith.constant 99840 : i32
    %mul3A_868 = vector.broadcast %mul3A_867 : i32 to vector<16xi32>
    %mul3A_869 = arith.muli %broadcast_in_dim3A_866, %mul3A_868 : vector<16xi32>
    %scan3A_870 = arith.constant 0 : i32
    %scan3A_871 = arith.constant 20 : i32
    %scan3A_872 = arith.addi %scan3A_870, %scan3A_871 : i32
    %scan3A_873 = arith.constant 1 : i32
    %scan3A_874 = scf.for %scan3A_986 = %scan3A_870 to %scan3A_872 step %scan3A_873 iter_args(%scan3A_987 = %broadcast_in_dim3A_835) -> (vector<16xi32>)  : i32 {
      %mul3A_988 = arith.constant 8 : i32
      %mul3A_989 = arith.muli %scan3A_986, %mul3A_988 : i32
      %add3A_990 = vector.broadcast %mul3A_989 : i32 to vector<16xi32>
      %add3A_991 = arith.addi %mul3A_869, %add3A_990 : vector<16xi32>
      %mul3A_992 = arith.constant 8 : i32
      %mul3A_993 = arith.muli %scan3A_986, %mul3A_992 : i32
      %add3A_994 = arith.constant 0 : i32
      %add3A_995 = arith.addi %mul3A_993, %add3A_994 : i32
      %get3A_996 = arith.index_cast %add3A_995 : i32 to index
      %get3A_997 = arith.constant 16 : index
      %get3A_998 = tpu.vector_load %arg10[%get3A_996, %get3A_997] {strides = array<i32>} : memref<160x128xf32, #tpu.memory_space<vmem>>, vector<16xf32>,
      %add3A_999 = arith.constant 0 : i32
      %add3A_1000 = vector.broadcast %add3A_999 : i32 to vector<16xi32>
      %add3A_1001 = arith.addi %add3A_991, %add3A_1000 : vector<16xi32>
      %lt3A = arith.cmpi slt, %add3A_1001, %get3A_635 : vector<16xi32>
      %select_n3A_1002 = arith.select %lt3A, %bitcast3A_633, %add3A_614 : vector<16xi1>, vector<16xf32>
      %gt3A_1003 = arith.cmpf ogt, %get3A_998, %select_n3A_1002 : vector<16xf32>
      %select_n3A_1004 = arith.select %gt3A_1003, %broadcast_in_dim3A_833, %broadcast_in_dim3A_835 : vector<16xi1>, vector<16xi32>
      %add3A_1005 = arith.addi %scan3A_987, %select_n3A_1004 : vector<16xi32>
      %mul3A_1006 = arith.constant 8 : i32
      %mul3A_1007 = arith.muli %scan3A_986, %mul3A_1006 : i32
      %add3A_1008 = arith.constant 1 : i32
      %add3A_1009 = arith.addi %mul3A_1007, %add3A_1008 : i32
      %get3A_1010 = arith.index_cast %add3A_1009 : i32 to index
      %get3A_1011 = arith.constant 16 : index
      %get3A_1012 = tpu.vector_load %arg10[%get3A_1010, %get3A_1011] {strides = array<i32>} : memref<160x128xf32, #tpu.memory_space<vmem>>, vector<16xf32>,
      %add3A_1013 = arith.constant 1 : i32
      %add3A_1014 = vector.broadcast %add3A_1013 : i32 to vector<16xi32>
      %add3A_1015 = arith.addi %add3A_991, %add3A_1014 : vector<16xi32>
      %lt3A_1016 = arith.cmpi slt, %add3A_1015, %get3A_635 : vector<16xi32>
      %select_n3A_1017 = arith.select %lt3A_1016, %bitcast3A_633, %add3A_614 : vector<16xi1>, vector<16xf32>
      %gt3A_1018 = arith.cmpf ogt, %get3A_1012, %select_n3A_1017 : vector<16xf32>
      %select_n3A_1019 = arith.select %gt3A_1018, %broadcast_in_dim3A_833, %broadcast_in_dim3A_835 : vector<16xi1>, vector<16xi32>
      %add3A_1020 = arith.addi %add3A_1005, %select_n3A_1019 : vector<16xi32>
      %mul3A_1021 = arith.constant 8 : i32
      %mul3A_1022 = arith.muli %scan3A_986, %mul3A_1021 : i32
      %add3A_1023 = arith.constant 2 : i32
      %add3A_1024 = arith.addi %mul3A_1022, %add3A_1023 : i32
      %get3A_1025 = arith.index_cast %add3A_1024 : i32 to index
      %get3A_1026 = arith.constant 16 : index
      %get3A_1027 = tpu.vector_load %arg10[%get3A_1025, %get3A_1026] {strides = array<i32>} : memref<160x128xf32, #tpu.memory_space<vmem>>, vector<16xf32>,
      %add3A_1028 = arith.constant 2 : i32
      %add3A_1029 = vector.broadcast %add3A_1028 : i32 to vector<16xi32>
      %add3A_1030 = arith.addi %add3A_991, %add3A_1029 : vector<16xi32>
      %lt3A_1031 = arith.cmpi slt, %add3A_1030, %get3A_635 : vector<16xi32>
      %select_n3A_1032 = arith.select %lt3A_1031, %bitcast3A_633, %add3A_614 : vector<16xi1>, vector<16xf32>
      %gt3A_1033 = arith.cmpf ogt, %get3A_1027, %select_n3A_1032 : vector<16xf32>
      %select_n3A_1034 = arith.select %gt3A_1033, %broadcast_in_dim3A_833, %broadcast_in_dim3A_835 : vector<16xi1>, vector<16xi32>
      %add3A_1035 = arith.addi %add3A_1020, %select_n3A_1034 : vector<16xi32>
      %mul3A_1036 = arith.constant 8 : i32
      %mul3A_1037 = arith.muli %scan3A_986, %mul3A_1036 : i32
      %add3A_1038 = arith.constant 3 : i32
      %add3A_1039 = arith.addi %mul3A_1037, %add3A_1038 : i32
      %get3A_1040 = arith.index_cast %add3A_1039 : i32 to index
      %get3A_1041 = arith.constant 16 : index
      %get3A_1042 = tpu.vector_load %arg10[%get3A_1040, %get3A_1041] {strides = array<i32>} : memref<160x128xf32, #tpu.memory_space<vmem>>, vector<16xf32>,
      %add3A_1043 = arith.constant 3 : i32
      %add3A_1044 = vector.broadcast %add3A_1043 : i32 to vector<16xi32>
      %add3A_1045 = arith.addi %add3A_991, %add3A_1044 : vector<16xi32>
      %lt3A_1046 = arith.cmpi slt, %add3A_1045, %get3A_635 : vector<16xi32>
      %select_n3A_1047 = arith.select %lt3A_1046, %bitcast3A_633, %add3A_614 : vector<16xi1>, vector<16xf32>
      %gt3A_1048 = arith.cmpf ogt, %get3A_1042, %select_n3A_1047 : vector<16xf32>
      %select_n3A_1049 = arith.select %gt3A_1048, %broadcast_in_dim3A_833, %broadcast_in_dim3A_835 : vector<16xi1>, vector<16xi32>
      %add3A_1050 = arith.addi %add3A_1035, %select_n3A_1049 : vector<16xi32>
      %mul3A_1051 = arith.constant 8 : i32
      %mul3A_1052 = arith.muli %scan3A_986, %mul3A_1051 : i32
      %add3A_1053 = arith.constant 4 : i32
      %add3A_1054 = arith.addi %mul3A_1052, %add3A_1053 : i32
      %get3A_1055 = arith.index_cast %add3A_1054 : i32 to index
      %get3A_1056 = arith.constant 16 : index
      %get3A_1057 = tpu.vector_load %arg10[%get3A_1055, %get3A_1056] {strides = array<i32>} : memref<160x128xf32, #tpu.memory_space<vmem>>, vector<16xf32>,
      %add3A_1058 = arith.constant 4 : i32
      %add3A_1059 = vector.broadcast %add3A_1058 : i32 to vector<16xi32>
      %add3A_1060 = arith.addi %add3A_991, %add3A_1059 : vector<16xi32>
      %lt3A_1061 = arith.cmpi slt, %add3A_1060, %get3A_635 : vector<16xi32>
      %select_n3A_1062 = arith.select %lt3A_1061, %bitcast3A_633, %add3A_614 : vector<16xi1>, vector<16xf32>
      %gt3A_1063 = arith.cmpf ogt, %get3A_1057, %select_n3A_1062 : vector<16xf32>
      %select_n3A_1064 = arith.select %gt3A_1063, %broadcast_in_dim3A_833, %broadcast_in_dim3A_835 : vector<16xi1>, vector<16xi32>
      %add3A_1065 = arith.addi %add3A_1050, %select_n3A_1064 : vector<16xi32>
      %mul3A_1066 = arith.constant 8 : i32
      %mul3A_1067 = arith.muli %scan3A_986, %mul3A_1066 : i32
      %add3A_1068 = arith.constant 5 : i32
      %add3A_1069 = arith.addi %mul3A_1067, %add3A_1068 : i32
      %get3A_1070 = arith.index_cast %add3A_1069 : i32 to index
      %get3A_1071 = arith.constant 16 : index
      %get3A_1072 = tpu.vector_load %arg10[%get3A_1070, %get3A_1071] {strides = array<i32>} : memref<160x128xf32, #tpu.memory_space<vmem>>, vector<16xf32>,
      %add3A_1073 = arith.constant 5 : i32
      %add3A_1074 = vector.broadcast %add3A_1073 : i32 to vector<16xi32>
      %add3A_1075 = arith.addi %add3A_991, %add3A_1074 : vector<16xi32>
      %lt3A_1076 = arith.cmpi slt, %add3A_1075, %get3A_635 : vector<16xi32>
      %select_n3A_1077 = arith.select %lt3A_1076, %bitcast3A_633, %add3A_614 : vector<16xi1>, vector<16xf32>
      %gt3A_1078 = arith.cmpf ogt, %get3A_1072, %select_n3A_1077 : vector<16xf32>
      %select_n3A_1079 = arith.select %gt3A_1078, %broadcast_in_dim3A_833, %broadcast_in_dim3A_835 : vector<16xi1>, vector<16xi32>
      %add3A_1080 = arith.addi %add3A_1065, %select_n3A_1079 : vector<16xi32>
      %mul3A_1081 = arith.constant 8 : i32
      %mul3A_1082 = arith.muli %scan3A_986, %mul3A_1081 : i32
      %add3A_1083 = arith.constant 6 : i32
      %add3A_1084 = arith.addi %mul3A_1082, %add3A_1083 : i32
      %get3A_1085 = arith.index_cast %add3A_1084 : i32 to index
      %get3A_1086 = arith.constant 16 : index
      %get3A_1087 = tpu.vector_load %arg10[%get3A_1085, %get3A_1086] {strides = array<i32>} : memref<160x128xf32, #tpu.memory_space<vmem>>, vector<16xf32>,
      %add3A_1088 = arith.constant 6 : i32
      %add3A_1089 = vector.broadcast %add3A_1088 : i32 to vector<16xi32>
      %add3A_1090 = arith.addi %add3A_991, %add3A_1089 : vector<16xi32>
      %lt3A_1091 = arith.cmpi slt, %add3A_1090, %get3A_635 : vector<16xi32>
      %select_n3A_1092 = arith.select %lt3A_1091, %bitcast3A_633, %add3A_614 : vector<16xi1>, vector<16xf32>
      %gt3A_1093 = arith.cmpf ogt, %get3A_1087, %select_n3A_1092 : vector<16xf32>
      %select_n3A_1094 = arith.select %gt3A_1093, %broadcast_in_dim3A_833, %broadcast_in_dim3A_835 : vector<16xi1>, vector<16xi32>
      %add3A_1095 = arith.addi %add3A_1080, %select_n3A_1094 : vector<16xi32>
      %mul3A_1096 = arith.constant 8 : i32
      %mul3A_1097 = arith.muli %scan3A_986, %mul3A_1096 : i32
      %add3A_1098 = arith.constant 7 : i32
      %add3A_1099 = arith.addi %mul3A_1097, %add3A_1098 : i32
      %get3A_1100 = arith.index_cast %add3A_1099 : i32 to index
      %get3A_1101 = arith.constant 16 : index
      %get3A_1102 = tpu.vector_load %arg10[%get3A_1100, %get3A_1101] {strides = array<i32>} : memref<160x128xf32, #tpu.memory_space<vmem>>, vector<16xf32>,
      %add3A_1103 = arith.constant 7 : i32
      %add3A_1104 = vector.broadcast %add3A_1103 : i32 to vector<16xi32>
      %add3A_1105 = arith.addi %add3A_991, %add3A_1104 : vector<16xi32>
      %lt3A_1106 = arith.cmpi slt, %add3A_1105, %get3A_635 : vector<16xi32>
      %select_n3A_1107 = arith.select %lt3A_1106, %bitcast3A_633, %add3A_614 : vector<16xi1>, vector<16xf32>
      %gt3A_1108 = arith.cmpf ogt, %get3A_1102, %select_n3A_1107 : vector<16xf32>
      %select_n3A_1109 = arith.select %gt3A_1108, %broadcast_in_dim3A_833, %broadcast_in_dim3A_835 : vector<16xi1>, vector<16xi32>
      %add3A_1110 = arith.addi %add3A_1095, %select_n3A_1109 : vector<16xi32>
      scf.yield %add3A_1110 : vector<16xi32>
    }
    %scan3A_875 = arith.constant 20 : i32
    %mul3A_876 = vector.broadcast %select_n3A_850 : i32 to vector<16xi32>
    %mul3A_877 = arith.muli %mul3A_876, %scan3A_874 : vector<16xi32>
    %add3A_878 = arith.addi %scan3A_839#1, %mul3A_877 : vector<16xi32>
    %broadcast_in_dim3A_879 = arith.constant 1 : i32
    %broadcast_in_dim3A_880 = vector.broadcast %broadcast_in_dim3A_879 : i32 to vector<16xi32>
    %mul3A_881 = arith.constant 99840 : i32
    %mul3A_882 = vector.broadcast %mul3A_881 : i32 to vector<16xi32>
    %mul3A_883 = arith.muli %broadcast_in_dim3A_880, %mul3A_882 : vector<16xi32>
    %scan3A_884 = arith.constant 0 : i32
    %scan3A_885 = arith.constant 20 : i32
    %scan3A_886 = arith.addi %scan3A_884, %scan3A_885 : i32
    %scan3A_887 = arith.constant 1 : i32
    %scan3A_888 = scf.for %scan3A_986 = %scan3A_884 to %scan3A_886 step %scan3A_887 iter_args(%scan3A_987 = %broadcast_in_dim3A_835) -> (vector<16xi32>)  : i32 {
      %mul3A_988 = arith.constant 8 : i32
      %mul3A_989 = arith.muli %scan3A_986, %mul3A_988 : i32
      %add3A_990 = vector.broadcast %mul3A_989 : i32 to vector<16xi32>
      %add3A_991 = arith.addi %mul3A_883, %add3A_990 : vector<16xi32>
      %mul3A_992 = arith.constant 8 : i32
      %mul3A_993 = arith.muli %scan3A_986, %mul3A_992 : i32
      %add3A_994 = arith.constant 0 : i32
      %add3A_995 = arith.addi %mul3A_993, %add3A_994 : i32
      %get3A_996 = arith.index_cast %add3A_995 : i32 to index
      %get3A_997 = arith.constant 32 : index
      %get3A_998 = tpu.vector_load %arg10[%get3A_996, %get3A_997] {strides = array<i32>} : memref<160x128xf32, #tpu.memory_space<vmem>>, vector<16xf32>,
      %add3A_999 = arith.constant 0 : i32
      %add3A_1000 = vector.broadcast %add3A_999 : i32 to vector<16xi32>
      %add3A_1001 = arith.addi %add3A_991, %add3A_1000 : vector<16xi32>
      %lt3A = arith.cmpi slt, %add3A_1001, %get3A_665 : vector<16xi32>
      %select_n3A_1002 = arith.select %lt3A, %bitcast3A_663, %add3A_644 : vector<16xi1>, vector<16xf32>
      %gt3A_1003 = arith.cmpf ogt, %get3A_998, %select_n3A_1002 : vector<16xf32>
      %select_n3A_1004 = arith.select %gt3A_1003, %broadcast_in_dim3A_833, %broadcast_in_dim3A_835 : vector<16xi1>, vector<16xi32>
      %add3A_1005 = arith.addi %scan3A_987, %select_n3A_1004 : vector<16xi32>
      %mul3A_1006 = arith.constant 8 : i32
      %mul3A_1007 = arith.muli %scan3A_986, %mul3A_1006 : i32
      %add3A_1008 = arith.constant 1 : i32
      %add3A_1009 = arith.addi %mul3A_1007, %add3A_1008 : i32
      %get3A_1010 = arith.index_cast %add3A_1009 : i32 to index
      %get3A_1011 = arith.constant 32 : index
      %get3A_1012 = tpu.vector_load %arg10[%get3A_1010, %get3A_1011] {strides = array<i32>} : memref<160x128xf32, #tpu.memory_space<vmem>>, vector<16xf32>,
      %add3A_1013 = arith.constant 1 : i32
      %add3A_1014 = vector.broadcast %add3A_1013 : i32 to vector<16xi32>
      %add3A_1015 = arith.addi %add3A_991, %add3A_1014 : vector<16xi32>
      %lt3A_1016 = arith.cmpi slt, %add3A_1015, %get3A_665 : vector<16xi32>
      %select_n3A_1017 = arith.select %lt3A_1016, %bitcast3A_663, %add3A_644 : vector<16xi1>, vector<16xf32>
      %gt3A_1018 = arith.cmpf ogt, %get3A_1012, %select_n3A_1017 : vector<16xf32>
      %select_n3A_1019 = arith.select %gt3A_1018, %broadcast_in_dim3A_833, %broadcast_in_dim3A_835 : vector<16xi1>, vector<16xi32>
      %add3A_1020 = arith.addi %add3A_1005, %select_n3A_1019 : vector<16xi32>
      %mul3A_1021 = arith.constant 8 : i32
      %mul3A_1022 = arith.muli %scan3A_986, %mul3A_1021 : i32
      %add3A_1023 = arith.constant 2 : i32
      %add3A_1024 = arith.addi %mul3A_1022, %add3A_1023 : i32
      %get3A_1025 = arith.index_cast %add3A_1024 : i32 to index
      %get3A_1026 = arith.constant 32 : index
      %get3A_1027 = tpu.vector_load %arg10[%get3A_1025, %get3A_1026] {strides = array<i32>} : memref<160x128xf32, #tpu.memory_space<vmem>>, vector<16xf32>,
      %add3A_1028 = arith.constant 2 : i32
      %add3A_1029 = vector.broadcast %add3A_1028 : i32 to vector<16xi32>
      %add3A_1030 = arith.addi %add3A_991, %add3A_1029 : vector<16xi32>
      %lt3A_1031 = arith.cmpi slt, %add3A_1030, %get3A_665 : vector<16xi32>
      %select_n3A_1032 = arith.select %lt3A_1031, %bitcast3A_663, %add3A_644 : vector<16xi1>, vector<16xf32>
      %gt3A_1033 = arith.cmpf ogt, %get3A_1027, %select_n3A_1032 : vector<16xf32>
      %select_n3A_1034 = arith.select %gt3A_1033, %broadcast_in_dim3A_833, %broadcast_in_dim3A_835 : vector<16xi1>, vector<16xi32>
      %add3A_1035 = arith.addi %add3A_1020, %select_n3A_1034 : vector<16xi32>
      %mul3A_1036 = arith.constant 8 : i32
      %mul3A_1037 = arith.muli %scan3A_986, %mul3A_1036 : i32
      %add3A_1038 = arith.constant 3 : i32
      %add3A_1039 = arith.addi %mul3A_1037, %add3A_1038 : i32
      %get3A_1040 = arith.index_cast %add3A_1039 : i32 to index
      %get3A_1041 = arith.constant 32 : index
      %get3A_1042 = tpu.vector_load %arg10[%get3A_1040, %get3A_1041] {strides = array<i32>} : memref<160x128xf32, #tpu.memory_space<vmem>>, vector<16xf32>,
      %add3A_1043 = arith.constant 3 : i32
      %add3A_1044 = vector.broadcast %add3A_1043 : i32 to vector<16xi32>
      %add3A_1045 = arith.addi %add3A_991, %add3A_1044 : vector<16xi32>
      %lt3A_1046 = arith.cmpi slt, %add3A_1045, %get3A_665 : vector<16xi32>
      %select_n3A_1047 = arith.select %lt3A_1046, %bitcast3A_663, %add3A_644 : vector<16xi1>, vector<16xf32>
      %gt3A_1048 = arith.cmpf ogt, %get3A_1042, %select_n3A_1047 : vector<16xf32>
      %select_n3A_1049 = arith.select %gt3A_1048, %broadcast_in_dim3A_833, %broadcast_in_dim3A_835 : vector<16xi1>, vector<16xi32>
      %add3A_1050 = arith.addi %add3A_1035, %select_n3A_1049 : vector<16xi32>
      %mul3A_1051 = arith.constant 8 : i32
      %mul3A_1052 = arith.muli %scan3A_986, %mul3A_1051 : i32
      %add3A_1053 = arith.constant 4 : i32
      %add3A_1054 = arith.addi %mul3A_1052, %add3A_1053 : i32
      %get3A_1055 = arith.index_cast %add3A_1054 : i32 to index
      %get3A_1056 = arith.constant 32 : index
      %get3A_1057 = tpu.vector_load %arg10[%get3A_1055, %get3A_1056] {strides = array<i32>} : memref<160x128xf32, #tpu.memory_space<vmem>>, vector<16xf32>,
      %add3A_1058 = arith.constant 4 : i32
      %add3A_1059 = vector.broadcast %add3A_1058 : i32 to vector<16xi32>
      %add3A_1060 = arith.addi %add3A_991, %add3A_1059 : vector<16xi32>
      %lt3A_1061 = arith.cmpi slt, %add3A_1060, %get3A_665 : vector<16xi32>
      %select_n3A_1062 = arith.select %lt3A_1061, %bitcast3A_663, %add3A_644 : vector<16xi1>, vector<16xf32>
      %gt3A_1063 = arith.cmpf ogt, %get3A_1057, %select_n3A_1062 : vector<16xf32>
      %select_n3A_1064 = arith.select %gt3A_1063, %broadcast_in_dim3A_833, %broadcast_in_dim3A_835 : vector<16xi1>, vector<16xi32>
      %add3A_1065 = arith.addi %add3A_1050, %select_n3A_1064 : vector<16xi32>
      %mul3A_1066 = arith.constant 8 : i32
      %mul3A_1067 = arith.muli %scan3A_986, %mul3A_1066 : i32
      %add3A_1068 = arith.constant 5 : i32
      %add3A_1069 = arith.addi %mul3A_1067, %add3A_1068 : i32
      %get3A_1070 = arith.index_cast %add3A_1069 : i32 to index
      %get3A_1071 = arith.constant 32 : index
      %get3A_1072 = tpu.vector_load %arg10[%get3A_1070, %get3A_1071] {strides = array<i32>} : memref<160x128xf32, #tpu.memory_space<vmem>>, vector<16xf32>,
      %add3A_1073 = arith.constant 5 : i32
      %add3A_1074 = vector.broadcast %add3A_1073 : i32 to vector<16xi32>
      %add3A_1075 = arith.addi %add3A_991, %add3A_1074 : vector<16xi32>
      %lt3A_1076 = arith.cmpi slt, %add3A_1075, %get3A_665 : vector<16xi32>
      %select_n3A_1077 = arith.select %lt3A_1076, %bitcast3A_663, %add3A_644 : vector<16xi1>, vector<16xf32>
      %gt3A_1078 = arith.cmpf ogt, %get3A_1072, %select_n3A_1077 : vector<16xf32>
      %select_n3A_1079 = arith.select %gt3A_1078, %broadcast_in_dim3A_833, %broadcast_in_dim3A_835 : vector<16xi1>, vector<16xi32>
      %add3A_1080 = arith.addi %add3A_1065, %select_n3A_1079 : vector<16xi32>
      %mul3A_1081 = arith.constant 8 : i32
      %mul3A_1082 = arith.muli %scan3A_986, %mul3A_1081 : i32
      %add3A_1083 = arith.constant 6 : i32
      %add3A_1084 = arith.addi %mul3A_1082, %add3A_1083 : i32
      %get3A_1085 = arith.index_cast %add3A_1084 : i32 to index
      %get3A_1086 = arith.constant 32 : index
      %get3A_1087 = tpu.vector_load %arg10[%get3A_1085, %get3A_1086] {strides = array<i32>} : memref<160x128xf32, #tpu.memory_space<vmem>>, vector<16xf32>,
      %add3A_1088 = arith.constant 6 : i32
      %add3A_1089 = vector.broadcast %add3A_1088 : i32 to vector<16xi32>
      %add3A_1090 = arith.addi %add3A_991, %add3A_1089 : vector<16xi32>
      %lt3A_1091 = arith.cmpi slt, %add3A_1090, %get3A_665 : vector<16xi32>
      %select_n3A_1092 = arith.select %lt3A_1091, %bitcast3A_663, %add3A_644 : vector<16xi1>, vector<16xf32>
      %gt3A_1093 = arith.cmpf ogt, %get3A_1087, %select_n3A_1092 : vector<16xf32>
      %select_n3A_1094 = arith.select %gt3A_1093, %broadcast_in_dim3A_833, %broadcast_in_dim3A_835 : vector<16xi1>, vector<16xi32>
      %add3A_1095 = arith.addi %add3A_1080, %select_n3A_1094 : vector<16xi32>
      %mul3A_1096 = arith.constant 8 : i32
      %mul3A_1097 = arith.muli %scan3A_986, %mul3A_1096 : i32
      %add3A_1098 = arith.constant 7 : i32
      %add3A_1099 = arith.addi %mul3A_1097, %add3A_1098 : i32
      %get3A_1100 = arith.index_cast %add3A_1099 : i32 to index
      %get3A_1101 = arith.constant 32 : index
      %get3A_1102 = tpu.vector_load %arg10[%get3A_1100, %get3A_1101] {strides = array<i32>} : memref<160x128xf32, #tpu.memory_space<vmem>>, vector<16xf32>,
      %add3A_1103 = arith.constant 7 : i32
      %add3A_1104 = vector.broadcast %add3A_1103 : i32 to vector<16xi32>
      %add3A_1105 = arith.addi %add3A_991, %add3A_1104 : vector<16xi32>
      %lt3A_1106 = arith.cmpi slt, %add3A_1105, %get3A_665 : vector<16xi32>
      %select_n3A_1107 = arith.select %lt3A_1106, %bitcast3A_663, %add3A_644 : vector<16xi1>, vector<16xf32>
      %gt3A_1108 = arith.cmpf ogt, %get3A_1102, %select_n3A_1107 : vector<16xf32>
      %select_n3A_1109 = arith.select %gt3A_1108, %broadcast_in_dim3A_833, %broadcast_in_dim3A_835 : vector<16xi1>, vector<16xi32>
      %add3A_1110 = arith.addi %add3A_1095, %select_n3A_1109 : vector<16xi32>
      scf.yield %add3A_1110 : vector<16xi32>
    }
    %scan3A_889 = arith.constant 20 : i32
    %mul3A_890 = vector.broadcast %select_n3A_850 : i32 to vector<16xi32>
    %mul3A_891 = arith.muli %mul3A_890, %scan3A_888 : vector<16xi32>
    %add3A_892 = arith.addi %scan3A_839#2, %mul3A_891 : vector<16xi32>
    %broadcast_in_dim3A_893 = arith.constant 1 : i32
    %broadcast_in_dim3A_894 = vector.broadcast %broadcast_in_dim3A_893 : i32 to vector<16xi32>
    %mul3A_895 = arith.constant 99840 : i32
    %mul3A_896 = vector.broadcast %mul3A_895 : i32 to vector<16xi32>
    %mul3A_897 = arith.muli %broadcast_in_dim3A_894, %mul3A_896 : vector<16xi32>
    %scan3A_898 = arith.constant 0 : i32
    %scan3A_899 = arith.constant 20 : i32
    %scan3A_900 = arith.addi %scan3A_898, %scan3A_899 : i32
    %scan3A_901 = arith.constant 1 : i32
    %scan3A_902 = scf.for %scan3A_986 = %scan3A_898 to %scan3A_900 step %scan3A_901 iter_args(%scan3A_987 = %broadcast_in_dim3A_835) -> (vector<16xi32>)  : i32 {
      %mul3A_988 = arith.constant 8 : i32
      %mul3A_989 = arith.muli %scan3A_986, %mul3A_988 : i32
      %add3A_990 = vector.broadcast %mul3A_989 : i32 to vector<16xi32>
      %add3A_991 = arith.addi %mul3A_897, %add3A_990 : vector<16xi32>
      %mul3A_992 = arith.constant 8 : i32
      %mul3A_993 = arith.muli %scan3A_986, %mul3A_992 : i32
      %add3A_994 = arith.constant 0 : i32
      %add3A_995 = arith.addi %mul3A_993, %add3A_994 : i32
      %get3A_996 = arith.index_cast %add3A_995 : i32 to index
      %get3A_997 = arith.constant 48 : index
      %get3A_998 = tpu.vector_load %arg10[%get3A_996, %get3A_997] {strides = array<i32>} : memref<160x128xf32, #tpu.memory_space<vmem>>, vector<16xf32>,
      %add3A_999 = arith.constant 0 : i32
      %add3A_1000 = vector.broadcast %add3A_999 : i32 to vector<16xi32>
      %add3A_1001 = arith.addi %add3A_991, %add3A_1000 : vector<16xi32>
      %lt3A = arith.cmpi slt, %add3A_1001, %get3A_695 : vector<16xi32>
      %select_n3A_1002 = arith.select %lt3A, %bitcast3A_693, %add3A_674 : vector<16xi1>, vector<16xf32>
      %gt3A_1003 = arith.cmpf ogt, %get3A_998, %select_n3A_1002 : vector<16xf32>
      %select_n3A_1004 = arith.select %gt3A_1003, %broadcast_in_dim3A_833, %broadcast_in_dim3A_835 : vector<16xi1>, vector<16xi32>
      %add3A_1005 = arith.addi %scan3A_987, %select_n3A_1004 : vector<16xi32>
      %mul3A_1006 = arith.constant 8 : i32
      %mul3A_1007 = arith.muli %scan3A_986, %mul3A_1006 : i32
      %add3A_1008 = arith.constant 1 : i32
      %add3A_1009 = arith.addi %mul3A_1007, %add3A_1008 : i32
      %get3A_1010 = arith.index_cast %add3A_1009 : i32 to index
      %get3A_1011 = arith.constant 48 : index
      %get3A_1012 = tpu.vector_load %arg10[%get3A_1010, %get3A_1011] {strides = array<i32>} : memref<160x128xf32, #tpu.memory_space<vmem>>, vector<16xf32>,
      %add3A_1013 = arith.constant 1 : i32
      %add3A_1014 = vector.broadcast %add3A_1013 : i32 to vector<16xi32>
      %add3A_1015 = arith.addi %add3A_991, %add3A_1014 : vector<16xi32>
      %lt3A_1016 = arith.cmpi slt, %add3A_1015, %get3A_695 : vector<16xi32>
      %select_n3A_1017 = arith.select %lt3A_1016, %bitcast3A_693, %add3A_674 : vector<16xi1>, vector<16xf32>
      %gt3A_1018 = arith.cmpf ogt, %get3A_1012, %select_n3A_1017 : vector<16xf32>
      %select_n3A_1019 = arith.select %gt3A_1018, %broadcast_in_dim3A_833, %broadcast_in_dim3A_835 : vector<16xi1>, vector<16xi32>
      %add3A_1020 = arith.addi %add3A_1005, %select_n3A_1019 : vector<16xi32>
      %mul3A_1021 = arith.constant 8 : i32
      %mul3A_1022 = arith.muli %scan3A_986, %mul3A_1021 : i32
      %add3A_1023 = arith.constant 2 : i32
      %add3A_1024 = arith.addi %mul3A_1022, %add3A_1023 : i32
      %get3A_1025 = arith.index_cast %add3A_1024 : i32 to index
      %get3A_1026 = arith.constant 48 : index
      %get3A_1027 = tpu.vector_load %arg10[%get3A_1025, %get3A_1026] {strides = array<i32>} : memref<160x128xf32, #tpu.memory_space<vmem>>, vector<16xf32>,
      %add3A_1028 = arith.constant 2 : i32
      %add3A_1029 = vector.broadcast %add3A_1028 : i32 to vector<16xi32>
      %add3A_1030 = arith.addi %add3A_991, %add3A_1029 : vector<16xi32>
      %lt3A_1031 = arith.cmpi slt, %add3A_1030, %get3A_695 : vector<16xi32>
      %select_n3A_1032 = arith.select %lt3A_1031, %bitcast3A_693, %add3A_674 : vector<16xi1>, vector<16xf32>
      %gt3A_1033 = arith.cmpf ogt, %get3A_1027, %select_n3A_1032 : vector<16xf32>
      %select_n3A_1034 = arith.select %gt3A_1033, %broadcast_in_dim3A_833, %broadcast_in_dim3A_835 : vector<16xi1>, vector<16xi32>
      %add3A_1035 = arith.addi %add3A_1020, %select_n3A_1034 : vector<16xi32>
      %mul3A_1036 = arith.constant 8 : i32
      %mul3A_1037 = arith.muli %scan3A_986, %mul3A_1036 : i32
      %add3A_1038 = arith.constant 3 : i32
      %add3A_1039 = arith.addi %mul3A_1037, %add3A_1038 : i32
      %get3A_1040 = arith.index_cast %add3A_1039 : i32 to index
      %get3A_1041 = arith.constant 48 : index
      %get3A_1042 = tpu.vector_load %arg10[%get3A_1040, %get3A_1041] {strides = array<i32>} : memref<160x128xf32, #tpu.memory_space<vmem>>, vector<16xf32>,
      %add3A_1043 = arith.constant 3 : i32
      %add3A_1044 = vector.broadcast %add3A_1043 : i32 to vector<16xi32>
      %add3A_1045 = arith.addi %add3A_991, %add3A_1044 : vector<16xi32>
      %lt3A_1046 = arith.cmpi slt, %add3A_1045, %get3A_695 : vector<16xi32>
      %select_n3A_1047 = arith.select %lt3A_1046, %bitcast3A_693, %add3A_674 : vector<16xi1>, vector<16xf32>
      %gt3A_1048 = arith.cmpf ogt, %get3A_1042, %select_n3A_1047 : vector<16xf32>
      %select_n3A_1049 = arith.select %gt3A_1048, %broadcast_in_dim3A_833, %broadcast_in_dim3A_835 : vector<16xi1>, vector<16xi32>
      %add3A_1050 = arith.addi %add3A_1035, %select_n3A_1049 : vector<16xi32>
      %mul3A_1051 = arith.constant 8 : i32
      %mul3A_1052 = arith.muli %scan3A_986, %mul3A_1051 : i32
      %add3A_1053 = arith.constant 4 : i32
      %add3A_1054 = arith.addi %mul3A_1052, %add3A_1053 : i32
      %get3A_1055 = arith.index_cast %add3A_1054 : i32 to index
      %get3A_1056 = arith.constant 48 : index
      %get3A_1057 = tpu.vector_load %arg10[%get3A_1055, %get3A_1056] {strides = array<i32>} : memref<160x128xf32, #tpu.memory_space<vmem>>, vector<16xf32>,
      %add3A_1058 = arith.constant 4 : i32
      %add3A_1059 = vector.broadcast %add3A_1058 : i32 to vector<16xi32>
      %add3A_1060 = arith.addi %add3A_991, %add3A_1059 : vector<16xi32>
      %lt3A_1061 = arith.cmpi slt, %add3A_1060, %get3A_695 : vector<16xi32>
      %select_n3A_1062 = arith.select %lt3A_1061, %bitcast3A_693, %add3A_674 : vector<16xi1>, vector<16xf32>
      %gt3A_1063 = arith.cmpf ogt, %get3A_1057, %select_n3A_1062 : vector<16xf32>
      %select_n3A_1064 = arith.select %gt3A_1063, %broadcast_in_dim3A_833, %broadcast_in_dim3A_835 : vector<16xi1>, vector<16xi32>
      %add3A_1065 = arith.addi %add3A_1050, %select_n3A_1064 : vector<16xi32>
      %mul3A_1066 = arith.constant 8 : i32
      %mul3A_1067 = arith.muli %scan3A_986, %mul3A_1066 : i32
      %add3A_1068 = arith.constant 5 : i32
      %add3A_1069 = arith.addi %mul3A_1067, %add3A_1068 : i32
      %get3A_1070 = arith.index_cast %add3A_1069 : i32 to index
      %get3A_1071 = arith.constant 48 : index
      %get3A_1072 = tpu.vector_load %arg10[%get3A_1070, %get3A_1071] {strides = array<i32>} : memref<160x128xf32, #tpu.memory_space<vmem>>, vector<16xf32>,
      %add3A_1073 = arith.constant 5 : i32
      %add3A_1074 = vector.broadcast %add3A_1073 : i32 to vector<16xi32>
      %add3A_1075 = arith.addi %add3A_991, %add3A_1074 : vector<16xi32>
      %lt3A_1076 = arith.cmpi slt, %add3A_1075, %get3A_695 : vector<16xi32>
      %select_n3A_1077 = arith.select %lt3A_1076, %bitcast3A_693, %add3A_674 : vector<16xi1>, vector<16xf32>
      %gt3A_1078 = arith.cmpf ogt, %get3A_1072, %select_n3A_1077 : vector<16xf32>
      %select_n3A_1079 = arith.select %gt3A_1078, %broadcast_in_dim3A_833, %broadcast_in_dim3A_835 : vector<16xi1>, vector<16xi32>
      %add3A_1080 = arith.addi %add3A_1065, %select_n3A_1079 : vector<16xi32>
      %mul3A_1081 = arith.constant 8 : i32
      %mul3A_1082 = arith.muli %scan3A_986, %mul3A_1081 : i32
      %add3A_1083 = arith.constant 6 : i32
      %add3A_1084 = arith.addi %mul3A_1082, %add3A_1083 : i32
      %get3A_1085 = arith.index_cast %add3A_1084 : i32 to index
      %get3A_1086 = arith.constant 48 : index
      %get3A_1087 = tpu.vector_load %arg10[%get3A_1085, %get3A_1086] {strides = array<i32>} : memref<160x128xf32, #tpu.memory_space<vmem>>, vector<16xf32>,
      %add3A_1088 = arith.constant 6 : i32
      %add3A_1089 = vector.broadcast %add3A_1088 : i32 to vector<16xi32>
      %add3A_1090 = arith.addi %add3A_991, %add3A_1089 : vector<16xi32>
      %lt3A_1091 = arith.cmpi slt, %add3A_1090, %get3A_695 : vector<16xi32>
      %select_n3A_1092 = arith.select %lt3A_1091, %bitcast3A_693, %add3A_674 : vector<16xi1>, vector<16xf32>
      %gt3A_1093 = arith.cmpf ogt, %get3A_1087, %select_n3A_1092 : vector<16xf32>
      %select_n3A_1094 = arith.select %gt3A_1093, %broadcast_in_dim3A_833, %broadcast_in_dim3A_835 : vector<16xi1>, vector<16xi32>
      %add3A_1095 = arith.addi %add3A_1080, %select_n3A_1094 : vector<16xi32>
      %mul3A_1096 = arith.constant 8 : i32
      %mul3A_1097 = arith.muli %scan3A_986, %mul3A_1096 : i32
      %add3A_1098 = arith.constant 7 : i32
      %add3A_1099 = arith.addi %mul3A_1097, %add3A_1098 : i32
      %get3A_1100 = arith.index_cast %add3A_1099 : i32 to index
      %get3A_1101 = arith.constant 48 : index
      %get3A_1102 = tpu.vector_load %arg10[%get3A_1100, %get3A_1101] {strides = array<i32>} : memref<160x128xf32, #tpu.memory_space<vmem>>, vector<16xf32>,
      %add3A_1103 = arith.constant 7 : i32
      %add3A_1104 = vector.broadcast %add3A_1103 : i32 to vector<16xi32>
      %add3A_1105 = arith.addi %add3A_991, %add3A_1104 : vector<16xi32>
      %lt3A_1106 = arith.cmpi slt, %add3A_1105, %get3A_695 : vector<16xi32>
      %select_n3A_1107 = arith.select %lt3A_1106, %bitcast3A_693, %add3A_674 : vector<16xi1>, vector<16xf32>
      %gt3A_1108 = arith.cmpf ogt, %get3A_1102, %select_n3A_1107 : vector<16xf32>
      %select_n3A_1109 = arith.select %gt3A_1108, %broadcast_in_dim3A_833, %broadcast_in_dim3A_835 : vector<16xi1>, vector<16xi32>
      %add3A_1110 = arith.addi %add3A_1095, %select_n3A_1109 : vector<16xi32>
      scf.yield %add3A_1110 : vector<16xi32>
    }
    %scan3A_903 = arith.constant 20 : i32
    %mul3A_904 = vector.broadcast %select_n3A_850 : i32 to vector<16xi32>
    %mul3A_905 = arith.muli %mul3A_904, %scan3A_902 : vector<16xi32>
    %add3A_906 = arith.addi %scan3A_839#3, %mul3A_905 : vector<16xi32>
    %broadcast_in_dim3A_907 = arith.constant 1 : i32
    %broadcast_in_dim3A_908 = vector.broadcast %broadcast_in_dim3A_907 : i32 to vector<16xi32>
    %mul3A_909 = arith.constant 99840 : i32
    %mul3A_910 = vector.broadcast %mul3A_909 : i32 to vector<16xi32>
    %mul3A_911 = arith.muli %broadcast_in_dim3A_908, %mul3A_910 : vector<16xi32>
    %scan3A_912 = arith.constant 0 : i32
    %scan3A_913 = arith.constant 20 : i32
    %scan3A_914 = arith.addi %scan3A_912, %scan3A_913 : i32
    %scan3A_915 = arith.constant 1 : i32
    %scan3A_916 = scf.for %scan3A_986 = %scan3A_912 to %scan3A_914 step %scan3A_915 iter_args(%scan3A_987 = %broadcast_in_dim3A_835) -> (vector<16xi32>)  : i32 {
      %mul3A_988 = arith.constant 8 : i32
      %mul3A_989 = arith.muli %scan3A_986, %mul3A_988 : i32
      %add3A_990 = vector.broadcast %mul3A_989 : i32 to vector<16xi32>
      %add3A_991 = arith.addi %mul3A_911, %add3A_990 : vector<16xi32>
      %mul3A_992 = arith.constant 8 : i32
      %mul3A_993 = arith.muli %scan3A_986, %mul3A_992 : i32
      %add3A_994 = arith.constant 0 : i32
      %add3A_995 = arith.addi %mul3A_993, %add3A_994 : i32
      %get3A_996 = arith.index_cast %add3A_995 : i32 to index
      %get3A_997 = arith.constant 64 : index
      %get3A_998 = tpu.vector_load %arg10[%get3A_996, %get3A_997] {strides = array<i32>} : memref<160x128xf32, #tpu.memory_space<vmem>>, vector<16xf32>,
      %add3A_999 = arith.constant 0 : i32
      %add3A_1000 = vector.broadcast %add3A_999 : i32 to vector<16xi32>
      %add3A_1001 = arith.addi %add3A_991, %add3A_1000 : vector<16xi32>
      %lt3A = arith.cmpi slt, %add3A_1001, %get3A_725 : vector<16xi32>
      %select_n3A_1002 = arith.select %lt3A, %bitcast3A_723, %add3A_704 : vector<16xi1>, vector<16xf32>
      %gt3A_1003 = arith.cmpf ogt, %get3A_998, %select_n3A_1002 : vector<16xf32>
      %select_n3A_1004 = arith.select %gt3A_1003, %broadcast_in_dim3A_833, %broadcast_in_dim3A_835 : vector<16xi1>, vector<16xi32>
      %add3A_1005 = arith.addi %scan3A_987, %select_n3A_1004 : vector<16xi32>
      %mul3A_1006 = arith.constant 8 : i32
      %mul3A_1007 = arith.muli %scan3A_986, %mul3A_1006 : i32
      %add3A_1008 = arith.constant 1 : i32
      %add3A_1009 = arith.addi %mul3A_1007, %add3A_1008 : i32
      %get3A_1010 = arith.index_cast %add3A_1009 : i32 to index
      %get3A_1011 = arith.constant 64 : index
      %get3A_1012 = tpu.vector_load %arg10[%get3A_1010, %get3A_1011] {strides = array<i32>} : memref<160x128xf32, #tpu.memory_space<vmem>>, vector<16xf32>,
      %add3A_1013 = arith.constant 1 : i32
      %add3A_1014 = vector.broadcast %add3A_1013 : i32 to vector<16xi32>
      %add3A_1015 = arith.addi %add3A_991, %add3A_1014 : vector<16xi32>
      %lt3A_1016 = arith.cmpi slt, %add3A_1015, %get3A_725 : vector<16xi32>
      %select_n3A_1017 = arith.select %lt3A_1016, %bitcast3A_723, %add3A_704 : vector<16xi1>, vector<16xf32>
      %gt3A_1018 = arith.cmpf ogt, %get3A_1012, %select_n3A_1017 : vector<16xf32>
      %select_n3A_1019 = arith.select %gt3A_1018, %broadcast_in_dim3A_833, %broadcast_in_dim3A_835 : vector<16xi1>, vector<16xi32>
      %add3A_1020 = arith.addi %add3A_1005, %select_n3A_1019 : vector<16xi32>
      %mul3A_1021 = arith.constant 8 : i32
      %mul3A_1022 = arith.muli %scan3A_986, %mul3A_1021 : i32
      %add3A_1023 = arith.constant 2 : i32
      %add3A_1024 = arith.addi %mul3A_1022, %add3A_1023 : i32
      %get3A_1025 = arith.index_cast %add3A_1024 : i32 to index
      %get3A_1026 = arith.constant 64 : index
      %get3A_1027 = tpu.vector_load %arg10[%get3A_1025, %get3A_1026] {strides = array<i32>} : memref<160x128xf32, #tpu.memory_space<vmem>>, vector<16xf32>,
      %add3A_1028 = arith.constant 2 : i32
      %add3A_1029 = vector.broadcast %add3A_1028 : i32 to vector<16xi32>
      %add3A_1030 = arith.addi %add3A_991, %add3A_1029 : vector<16xi32>
      %lt3A_1031 = arith.cmpi slt, %add3A_1030, %get3A_725 : vector<16xi32>
      %select_n3A_1032 = arith.select %lt3A_1031, %bitcast3A_723, %add3A_704 : vector<16xi1>, vector<16xf32>
      %gt3A_1033 = arith.cmpf ogt, %get3A_1027, %select_n3A_1032 : vector<16xf32>
      %select_n3A_1034 = arith.select %gt3A_1033, %broadcast_in_dim3A_833, %broadcast_in_dim3A_835 : vector<16xi1>, vector<16xi32>
      %add3A_1035 = arith.addi %add3A_1020, %select_n3A_1034 : vector<16xi32>
      %mul3A_1036 = arith.constant 8 : i32
      %mul3A_1037 = arith.muli %scan3A_986, %mul3A_1036 : i32
      %add3A_1038 = arith.constant 3 : i32
      %add3A_1039 = arith.addi %mul3A_1037, %add3A_1038 : i32
      %get3A_1040 = arith.index_cast %add3A_1039 : i32 to index
      %get3A_1041 = arith.constant 64 : index
      %get3A_1042 = tpu.vector_load %arg10[%get3A_1040, %get3A_1041] {strides = array<i32>} : memref<160x128xf32, #tpu.memory_space<vmem>>, vector<16xf32>,
      %add3A_1043 = arith.constant 3 : i32
      %add3A_1044 = vector.broadcast %add3A_1043 : i32 to vector<16xi32>
      %add3A_1045 = arith.addi %add3A_991, %add3A_1044 : vector<16xi32>
      %lt3A_1046 = arith.cmpi slt, %add3A_1045, %get3A_725 : vector<16xi32>
      %select_n3A_1047 = arith.select %lt3A_1046, %bitcast3A_723, %add3A_704 : vector<16xi1>, vector<16xf32>
      %gt3A_1048 = arith.cmpf ogt, %get3A_1042, %select_n3A_1047 : vector<16xf32>
      %select_n3A_1049 = arith.select %gt3A_1048, %broadcast_in_dim3A_833, %broadcast_in_dim3A_835 : vector<16xi1>, vector<16xi32>
      %add3A_1050 = arith.addi %add3A_1035, %select_n3A_1049 : vector<16xi32>
      %mul3A_1051 = arith.constant 8 : i32
      %mul3A_1052 = arith.muli %scan3A_986, %mul3A_1051 : i32
      %add3A_1053 = arith.constant 4 : i32
      %add3A_1054 = arith.addi %mul3A_1052, %add3A_1053 : i32
      %get3A_1055 = arith.index_cast %add3A_1054 : i32 to index
      %get3A_1056 = arith.constant 64 : index
      %get3A_1057 = tpu.vector_load %arg10[%get3A_1055, %get3A_1056] {strides = array<i32>} : memref<160x128xf32, #tpu.memory_space<vmem>>, vector<16xf32>,
      %add3A_1058 = arith.constant 4 : i32
      %add3A_1059 = vector.broadcast %add3A_1058 : i32 to vector<16xi32>
      %add3A_1060 = arith.addi %add3A_991, %add3A_1059 : vector<16xi32>
      %lt3A_1061 = arith.cmpi slt, %add3A_1060, %get3A_725 : vector<16xi32>
      %select_n3A_1062 = arith.select %lt3A_1061, %bitcast3A_723, %add3A_704 : vector<16xi1>, vector<16xf32>
      %gt3A_1063 = arith.cmpf ogt, %get3A_1057, %select_n3A_1062 : vector<16xf32>
      %select_n3A_1064 = arith.select %gt3A_1063, %broadcast_in_dim3A_833, %broadcast_in_dim3A_835 : vector<16xi1>, vector<16xi32>
      %add3A_1065 = arith.addi %add3A_1050, %select_n3A_1064 : vector<16xi32>
      %mul3A_1066 = arith.constant 8 : i32
      %mul3A_1067 = arith.muli %scan3A_986, %mul3A_1066 : i32
      %add3A_1068 = arith.constant 5 : i32
      %add3A_1069 = arith.addi %mul3A_1067, %add3A_1068 : i32
      %get3A_1070 = arith.index_cast %add3A_1069 : i32 to index
      %get3A_1071 = arith.constant 64 : index
      %get3A_1072 = tpu.vector_load %arg10[%get3A_1070, %get3A_1071] {strides = array<i32>} : memref<160x128xf32, #tpu.memory_space<vmem>>, vector<16xf32>,
      %add3A_1073 = arith.constant 5 : i32
      %add3A_1074 = vector.broadcast %add3A_1073 : i32 to vector<16xi32>
      %add3A_1075 = arith.addi %add3A_991, %add3A_1074 : vector<16xi32>
      %lt3A_1076 = arith.cmpi slt, %add3A_1075, %get3A_725 : vector<16xi32>
      %select_n3A_1077 = arith.select %lt3A_1076, %bitcast3A_723, %add3A_704 : vector<16xi1>, vector<16xf32>
      %gt3A_1078 = arith.cmpf ogt, %get3A_1072, %select_n3A_1077 : vector<16xf32>
      %select_n3A_1079 = arith.select %gt3A_1078, %broadcast_in_dim3A_833, %broadcast_in_dim3A_835 : vector<16xi1>, vector<16xi32>
      %add3A_1080 = arith.addi %add3A_1065, %select_n3A_1079 : vector<16xi32>
      %mul3A_1081 = arith.constant 8 : i32
      %mul3A_1082 = arith.muli %scan3A_986, %mul3A_1081 : i32
      %add3A_1083 = arith.constant 6 : i32
      %add3A_1084 = arith.addi %mul3A_1082, %add3A_1083 : i32
      %get3A_1085 = arith.index_cast %add3A_1084 : i32 to index
      %get3A_1086 = arith.constant 64 : index
      %get3A_1087 = tpu.vector_load %arg10[%get3A_1085, %get3A_1086] {strides = array<i32>} : memref<160x128xf32, #tpu.memory_space<vmem>>, vector<16xf32>,
      %add3A_1088 = arith.constant 6 : i32
      %add3A_1089 = vector.broadcast %add3A_1088 : i32 to vector<16xi32>
      %add3A_1090 = arith.addi %add3A_991, %add3A_1089 : vector<16xi32>
      %lt3A_1091 = arith.cmpi slt, %add3A_1090, %get3A_725 : vector<16xi32>
      %select_n3A_1092 = arith.select %lt3A_1091, %bitcast3A_723, %add3A_704 : vector<16xi1>, vector<16xf32>
      %gt3A_1093 = arith.cmpf ogt, %get3A_1087, %select_n3A_1092 : vector<16xf32>
      %select_n3A_1094 = arith.select %gt3A_1093, %broadcast_in_dim3A_833, %broadcast_in_dim3A_835 : vector<16xi1>, vector<16xi32>
      %add3A_1095 = arith.addi %add3A_1080, %select_n3A_1094 : vector<16xi32>
      %mul3A_1096 = arith.constant 8 : i32
      %mul3A_1097 = arith.muli %scan3A_986, %mul3A_1096 : i32
      %add3A_1098 = arith.constant 7 : i32
      %add3A_1099 = arith.addi %mul3A_1097, %add3A_1098 : i32
      %get3A_1100 = arith.index_cast %add3A_1099 : i32 to index
      %get3A_1101 = arith.constant 64 : index
      %get3A_1102 = tpu.vector_load %arg10[%get3A_1100, %get3A_1101] {strides = array<i32>} : memref<160x128xf32, #tpu.memory_space<vmem>>, vector<16xf32>,
      %add3A_1103 = arith.constant 7 : i32
      %add3A_1104 = vector.broadcast %add3A_1103 : i32 to vector<16xi32>
      %add3A_1105 = arith.addi %add3A_991, %add3A_1104 : vector<16xi32>
      %lt3A_1106 = arith.cmpi slt, %add3A_1105, %get3A_725 : vector<16xi32>
      %select_n3A_1107 = arith.select %lt3A_1106, %bitcast3A_723, %add3A_704 : vector<16xi1>, vector<16xf32>
      %gt3A_1108 = arith.cmpf ogt, %get3A_1102, %select_n3A_1107 : vector<16xf32>
      %select_n3A_1109 = arith.select %gt3A_1108, %broadcast_in_dim3A_833, %broadcast_in_dim3A_835 : vector<16xi1>, vector<16xi32>
      %add3A_1110 = arith.addi %add3A_1095, %select_n3A_1109 : vector<16xi32>
      scf.yield %add3A_1110 : vector<16xi32>
    }
    %scan3A_917 = arith.constant 20 : i32
    %mul3A_918 = vector.broadcast %select_n3A_850 : i32 to vector<16xi32>
    %mul3A_919 = arith.muli %mul3A_918, %scan3A_916 : vector<16xi32>
    %add3A_920 = arith.addi %scan3A_839#4, %mul3A_919 : vector<16xi32>
    %broadcast_in_dim3A_921 = arith.constant 1 : i32
    %broadcast_in_dim3A_922 = vector.broadcast %broadcast_in_dim3A_921 : i32 to vector<16xi32>
    %mul3A_923 = arith.constant 99840 : i32
    %mul3A_924 = vector.broadcast %mul3A_923 : i32 to vector<16xi32>
    %mul3A_925 = arith.muli %broadcast_in_dim3A_922, %mul3A_924 : vector<16xi32>
    %scan3A_926 = arith.constant 0 : i32
    %scan3A_927 = arith.constant 20 : i32
    %scan3A_928 = arith.addi %scan3A_926, %scan3A_927 : i32
    %scan3A_929 = arith.constant 1 : i32
    %scan3A_930 = scf.for %scan3A_986 = %scan3A_926 to %scan3A_928 step %scan3A_929 iter_args(%scan3A_987 = %broadcast_in_dim3A_835) -> (vector<16xi32>)  : i32 {
      %mul3A_988 = arith.constant 8 : i32
      %mul3A_989 = arith.muli %scan3A_986, %mul3A_988 : i32
      %add3A_990 = vector.broadcast %mul3A_989 : i32 to vector<16xi32>
      %add3A_991 = arith.addi %mul3A_925, %add3A_990 : vector<16xi32>
      %mul3A_992 = arith.constant 8 : i32
      %mul3A_993 = arith.muli %scan3A_986, %mul3A_992 : i32
      %add3A_994 = arith.constant 0 : i32
      %add3A_995 = arith.addi %mul3A_993, %add3A_994 : i32
      %get3A_996 = arith.index_cast %add3A_995 : i32 to index
      %get3A_997 = arith.constant 80 : index
      %get3A_998 = tpu.vector_load %arg10[%get3A_996, %get3A_997] {strides = array<i32>} : memref<160x128xf32, #tpu.memory_space<vmem>>, vector<16xf32>,
      %add3A_999 = arith.constant 0 : i32
      %add3A_1000 = vector.broadcast %add3A_999 : i32 to vector<16xi32>
      %add3A_1001 = arith.addi %add3A_991, %add3A_1000 : vector<16xi32>
      %lt3A = arith.cmpi slt, %add3A_1001, %get3A_755 : vector<16xi32>
      %select_n3A_1002 = arith.select %lt3A, %bitcast3A_753, %add3A_734 : vector<16xi1>, vector<16xf32>
      %gt3A_1003 = arith.cmpf ogt, %get3A_998, %select_n3A_1002 : vector<16xf32>
      %select_n3A_1004 = arith.select %gt3A_1003, %broadcast_in_dim3A_833, %broadcast_in_dim3A_835 : vector<16xi1>, vector<16xi32>
      %add3A_1005 = arith.addi %scan3A_987, %select_n3A_1004 : vector<16xi32>
      %mul3A_1006 = arith.constant 8 : i32
      %mul3A_1007 = arith.muli %scan3A_986, %mul3A_1006 : i32
      %add3A_1008 = arith.constant 1 : i32
      %add3A_1009 = arith.addi %mul3A_1007, %add3A_1008 : i32
      %get3A_1010 = arith.index_cast %add3A_1009 : i32 to index
      %get3A_1011 = arith.constant 80 : index
      %get3A_1012 = tpu.vector_load %arg10[%get3A_1010, %get3A_1011] {strides = array<i32>} : memref<160x128xf32, #tpu.memory_space<vmem>>, vector<16xf32>,
      %add3A_1013 = arith.constant 1 : i32
      %add3A_1014 = vector.broadcast %add3A_1013 : i32 to vector<16xi32>
      %add3A_1015 = arith.addi %add3A_991, %add3A_1014 : vector<16xi32>
      %lt3A_1016 = arith.cmpi slt, %add3A_1015, %get3A_755 : vector<16xi32>
      %select_n3A_1017 = arith.select %lt3A_1016, %bitcast3A_753, %add3A_734 : vector<16xi1>, vector<16xf32>
      %gt3A_1018 = arith.cmpf ogt, %get3A_1012, %select_n3A_1017 : vector<16xf32>
      %select_n3A_1019 = arith.select %gt3A_1018, %broadcast_in_dim3A_833, %broadcast_in_dim3A_835 : vector<16xi1>, vector<16xi32>
      %add3A_1020 = arith.addi %add3A_1005, %select_n3A_1019 : vector<16xi32>
      %mul3A_1021 = arith.constant 8 : i32
      %mul3A_1022 = arith.muli %scan3A_986, %mul3A_1021 : i32
      %add3A_1023 = arith.constant 2 : i32
      %add3A_1024 = arith.addi %mul3A_1022, %add3A_1023 : i32
      %get3A_1025 = arith.index_cast %add3A_1024 : i32 to index
      %get3A_1026 = arith.constant 80 : index
      %get3A_1027 = tpu.vector_load %arg10[%get3A_1025, %get3A_1026] {strides = array<i32>} : memref<160x128xf32, #tpu.memory_space<vmem>>, vector<16xf32>,
      %add3A_1028 = arith.constant 2 : i32
      %add3A_1029 = vector.broadcast %add3A_1028 : i32 to vector<16xi32>
      %add3A_1030 = arith.addi %add3A_991, %add3A_1029 : vector<16xi32>
      %lt3A_1031 = arith.cmpi slt, %add3A_1030, %get3A_755 : vector<16xi32>
      %select_n3A_1032 = arith.select %lt3A_1031, %bitcast3A_753, %add3A_734 : vector<16xi1>, vector<16xf32>
      %gt3A_1033 = arith.cmpf ogt, %get3A_1027, %select_n3A_1032 : vector<16xf32>
      %select_n3A_1034 = arith.select %gt3A_1033, %broadcast_in_dim3A_833, %broadcast_in_dim3A_835 : vector<16xi1>, vector<16xi32>
      %add3A_1035 = arith.addi %add3A_1020, %select_n3A_1034 : vector<16xi32>
      %mul3A_1036 = arith.constant 8 : i32
      %mul3A_1037 = arith.muli %scan3A_986, %mul3A_1036 : i32
      %add3A_1038 = arith.constant 3 : i32
      %add3A_1039 = arith.addi %mul3A_1037, %add3A_1038 : i32
      %get3A_1040 = arith.index_cast %add3A_1039 : i32 to index
      %get3A_1041 = arith.constant 80 : index
      %get3A_1042 = tpu.vector_load %arg10[%get3A_1040, %get3A_1041] {strides = array<i32>} : memref<160x128xf32, #tpu.memory_space<vmem>>, vector<16xf32>,
      %add3A_1043 = arith.constant 3 : i32
      %add3A_1044 = vector.broadcast %add3A_1043 : i32 to vector<16xi32>
      %add3A_1045 = arith.addi %add3A_991, %add3A_1044 : vector<16xi32>
      %lt3A_1046 = arith.cmpi slt, %add3A_1045, %get3A_755 : vector<16xi32>
      %select_n3A_1047 = arith.select %lt3A_1046, %bitcast3A_753, %add3A_734 : vector<16xi1>, vector<16xf32>
      %gt3A_1048 = arith.cmpf ogt, %get3A_1042, %select_n3A_1047 : vector<16xf32>
      %select_n3A_1049 = arith.select %gt3A_1048, %broadcast_in_dim3A_833, %broadcast_in_dim3A_835 : vector<16xi1>, vector<16xi32>
      %add3A_1050 = arith.addi %add3A_1035, %select_n3A_1049 : vector<16xi32>
      %mul3A_1051 = arith.constant 8 : i32
      %mul3A_1052 = arith.muli %scan3A_986, %mul3A_1051 : i32
      %add3A_1053 = arith.constant 4 : i32
      %add3A_1054 = arith.addi %mul3A_1052, %add3A_1053 : i32
      %get3A_1055 = arith.index_cast %add3A_1054 : i32 to index
      %get3A_1056 = arith.constant 80 : index
      %get3A_1057 = tpu.vector_load %arg10[%get3A_1055, %get3A_1056] {strides = array<i32>} : memref<160x128xf32, #tpu.memory_space<vmem>>, vector<16xf32>,
      %add3A_1058 = arith.constant 4 : i32
      %add3A_1059 = vector.broadcast %add3A_1058 : i32 to vector<16xi32>
      %add3A_1060 = arith.addi %add3A_991, %add3A_1059 : vector<16xi32>
      %lt3A_1061 = arith.cmpi slt, %add3A_1060, %get3A_755 : vector<16xi32>
      %select_n3A_1062 = arith.select %lt3A_1061, %bitcast3A_753, %add3A_734 : vector<16xi1>, vector<16xf32>
      %gt3A_1063 = arith.cmpf ogt, %get3A_1057, %select_n3A_1062 : vector<16xf32>
      %select_n3A_1064 = arith.select %gt3A_1063, %broadcast_in_dim3A_833, %broadcast_in_dim3A_835 : vector<16xi1>, vector<16xi32>
      %add3A_1065 = arith.addi %add3A_1050, %select_n3A_1064 : vector<16xi32>
      %mul3A_1066 = arith.constant 8 : i32
      %mul3A_1067 = arith.muli %scan3A_986, %mul3A_1066 : i32
      %add3A_1068 = arith.constant 5 : i32
      %add3A_1069 = arith.addi %mul3A_1067, %add3A_1068 : i32
      %get3A_1070 = arith.index_cast %add3A_1069 : i32 to index
      %get3A_1071 = arith.constant 80 : index
      %get3A_1072 = tpu.vector_load %arg10[%get3A_1070, %get3A_1071] {strides = array<i32>} : memref<160x128xf32, #tpu.memory_space<vmem>>, vector<16xf32>,
      %add3A_1073 = arith.constant 5 : i32
      %add3A_1074 = vector.broadcast %add3A_1073 : i32 to vector<16xi32>
      %add3A_1075 = arith.addi %add3A_991, %add3A_1074 : vector<16xi32>
      %lt3A_1076 = arith.cmpi slt, %add3A_1075, %get3A_755 : vector<16xi32>
      %select_n3A_1077 = arith.select %lt3A_1076, %bitcast3A_753, %add3A_734 : vector<16xi1>, vector<16xf32>
      %gt3A_1078 = arith.cmpf ogt, %get3A_1072, %select_n3A_1077 : vector<16xf32>
      %select_n3A_1079 = arith.select %gt3A_1078, %broadcast_in_dim3A_833, %broadcast_in_dim3A_835 : vector<16xi1>, vector<16xi32>
      %add3A_1080 = arith.addi %add3A_1065, %select_n3A_1079 : vector<16xi32>
      %mul3A_1081 = arith.constant 8 : i32
      %mul3A_1082 = arith.muli %scan3A_986, %mul3A_1081 : i32
      %add3A_1083 = arith.constant 6 : i32
      %add3A_1084 = arith.addi %mul3A_1082, %add3A_1083 : i32
      %get3A_1085 = arith.index_cast %add3A_1084 : i32 to index
      %get3A_1086 = arith.constant 80 : index
      %get3A_1087 = tpu.vector_load %arg10[%get3A_1085, %get3A_1086] {strides = array<i32>} : memref<160x128xf32, #tpu.memory_space<vmem>>, vector<16xf32>,
      %add3A_1088 = arith.constant 6 : i32
      %add3A_1089 = vector.broadcast %add3A_1088 : i32 to vector<16xi32>
      %add3A_1090 = arith.addi %add3A_991, %add3A_1089 : vector<16xi32>
      %lt3A_1091 = arith.cmpi slt, %add3A_1090, %get3A_755 : vector<16xi32>
      %select_n3A_1092 = arith.select %lt3A_1091, %bitcast3A_753, %add3A_734 : vector<16xi1>, vector<16xf32>
      %gt3A_1093 = arith.cmpf ogt, %get3A_1087, %select_n3A_1092 : vector<16xf32>
      %select_n3A_1094 = arith.select %gt3A_1093, %broadcast_in_dim3A_833, %broadcast_in_dim3A_835 : vector<16xi1>, vector<16xi32>
      %add3A_1095 = arith.addi %add3A_1080, %select_n3A_1094 : vector<16xi32>
      %mul3A_1096 = arith.constant 8 : i32
      %mul3A_1097 = arith.muli %scan3A_986, %mul3A_1096 : i32
      %add3A_1098 = arith.constant 7 : i32
      %add3A_1099 = arith.addi %mul3A_1097, %add3A_1098 : i32
      %get3A_1100 = arith.index_cast %add3A_1099 : i32 to index
      %get3A_1101 = arith.constant 80 : index
      %get3A_1102 = tpu.vector_load %arg10[%get3A_1100, %get3A_1101] {strides = array<i32>} : memref<160x128xf32, #tpu.memory_space<vmem>>, vector<16xf32>,
      %add3A_1103 = arith.constant 7 : i32
      %add3A_1104 = vector.broadcast %add3A_1103 : i32 to vector<16xi32>
      %add3A_1105 = arith.addi %add3A_991, %add3A_1104 : vector<16xi32>
      %lt3A_1106 = arith.cmpi slt, %add3A_1105, %get3A_755 : vector<16xi32>
      %select_n3A_1107 = arith.select %lt3A_1106, %bitcast3A_753, %add3A_734 : vector<16xi1>, vector<16xf32>
      %gt3A_1108 = arith.cmpf ogt, %get3A_1102, %select_n3A_1107 : vector<16xf32>
      %select_n3A_1109 = arith.select %gt3A_1108, %broadcast_in_dim3A_833, %broadcast_in_dim3A_835 : vector<16xi1>, vector<16xi32>
      %add3A_1110 = arith.addi %add3A_1095, %select_n3A_1109 : vector<16xi32>
      scf.yield %add3A_1110 : vector<16xi32>
    }
    %scan3A_931 = arith.constant 20 : i32
    %mul3A_932 = vector.broadcast %select_n3A_850 : i32 to vector<16xi32>
    %mul3A_933 = arith.muli %mul3A_932, %scan3A_930 : vector<16xi32>
    %add3A_934 = arith.addi %scan3A_839#5, %mul3A_933 : vector<16xi32>
    %broadcast_in_dim3A_935 = arith.constant 1 : i32
    %broadcast_in_dim3A_936 = vector.broadcast %broadcast_in_dim3A_935 : i32 to vector<16xi32>
    %mul3A_937 = arith.constant 99840 : i32
    %mul3A_938 = vector.broadcast %mul3A_937 : i32 to vector<16xi32>
    %mul3A_939 = arith.muli %broadcast_in_dim3A_936, %mul3A_938 : vector<16xi32>
    %scan3A_940 = arith.constant 0 : i32
    %scan3A_941 = arith.constant 20 : i32
    %scan3A_942 = arith.addi %scan3A_940, %scan3A_941 : i32
    %scan3A_943 = arith.constant 1 : i32
    %scan3A_944 = scf.for %scan3A_986 = %scan3A_940 to %scan3A_942 step %scan3A_943 iter_args(%scan3A_987 = %broadcast_in_dim3A_835) -> (vector<16xi32>)  : i32 {
      %mul3A_988 = arith.constant 8 : i32
      %mul3A_989 = arith.muli %scan3A_986, %mul3A_988 : i32
      %add3A_990 = vector.broadcast %mul3A_989 : i32 to vector<16xi32>
      %add3A_991 = arith.addi %mul3A_939, %add3A_990 : vector<16xi32>
      %mul3A_992 = arith.constant 8 : i32
      %mul3A_993 = arith.muli %scan3A_986, %mul3A_992 : i32
      %add3A_994 = arith.constant 0 : i32
      %add3A_995 = arith.addi %mul3A_993, %add3A_994 : i32
      %get3A_996 = arith.index_cast %add3A_995 : i32 to index
      %get3A_997 = arith.constant 96 : index
      %get3A_998 = tpu.vector_load %arg10[%get3A_996, %get3A_997] {strides = array<i32>} : memref<160x128xf32, #tpu.memory_space<vmem>>, vector<16xf32>,
      %add3A_999 = arith.constant 0 : i32
      %add3A_1000 = vector.broadcast %add3A_999 : i32 to vector<16xi32>
      %add3A_1001 = arith.addi %add3A_991, %add3A_1000 : vector<16xi32>
      %lt3A = arith.cmpi slt, %add3A_1001, %get3A_785 : vector<16xi32>
      %select_n3A_1002 = arith.select %lt3A, %bitcast3A_783, %add3A_764 : vector<16xi1>, vector<16xf32>
      %gt3A_1003 = arith.cmpf ogt, %get3A_998, %select_n3A_1002 : vector<16xf32>
      %select_n3A_1004 = arith.select %gt3A_1003, %broadcast_in_dim3A_833, %broadcast_in_dim3A_835 : vector<16xi1>, vector<16xi32>
      %add3A_1005 = arith.addi %scan3A_987, %select_n3A_1004 : vector<16xi32>
      %mul3A_1006 = arith.constant 8 : i32
      %mul3A_1007 = arith.muli %scan3A_986, %mul3A_1006 : i32
      %add3A_1008 = arith.constant 1 : i32
      %add3A_1009 = arith.addi %mul3A_1007, %add3A_1008 : i32
      %get3A_1010 = arith.index_cast %add3A_1009 : i32 to index
      %get3A_1011 = arith.constant 96 : index
      %get3A_1012 = tpu.vector_load %arg10[%get3A_1010, %get3A_1011] {strides = array<i32>} : memref<160x128xf32, #tpu.memory_space<vmem>>, vector<16xf32>,
      %add3A_1013 = arith.constant 1 : i32
      %add3A_1014 = vector.broadcast %add3A_1013 : i32 to vector<16xi32>
      %add3A_1015 = arith.addi %add3A_991, %add3A_1014 : vector<16xi32>
      %lt3A_1016 = arith.cmpi slt, %add3A_1015, %get3A_785 : vector<16xi32>
      %select_n3A_1017 = arith.select %lt3A_1016, %bitcast3A_783, %add3A_764 : vector<16xi1>, vector<16xf32>
      %gt3A_1018 = arith.cmpf ogt, %get3A_1012, %select_n3A_1017 : vector<16xf32>
      %select_n3A_1019 = arith.select %gt3A_1018, %broadcast_in_dim3A_833, %broadcast_in_dim3A_835 : vector<16xi1>, vector<16xi32>
      %add3A_1020 = arith.addi %add3A_1005, %select_n3A_1019 : vector<16xi32>
      %mul3A_1021 = arith.constant 8 : i32
      %mul3A_1022 = arith.muli %scan3A_986, %mul3A_1021 : i32
      %add3A_1023 = arith.constant 2 : i32
      %add3A_1024 = arith.addi %mul3A_1022, %add3A_1023 : i32
      %get3A_1025 = arith.index_cast %add3A_1024 : i32 to index
      %get3A_1026 = arith.constant 96 : index
      %get3A_1027 = tpu.vector_load %arg10[%get3A_1025, %get3A_1026] {strides = array<i32>} : memref<160x128xf32, #tpu.memory_space<vmem>>, vector<16xf32>,
      %add3A_1028 = arith.constant 2 : i32
      %add3A_1029 = vector.broadcast %add3A_1028 : i32 to vector<16xi32>
      %add3A_1030 = arith.addi %add3A_991, %add3A_1029 : vector<16xi32>
      %lt3A_1031 = arith.cmpi slt, %add3A_1030, %get3A_785 : vector<16xi32>
      %select_n3A_1032 = arith.select %lt3A_1031, %bitcast3A_783, %add3A_764 : vector<16xi1>, vector<16xf32>
      %gt3A_1033 = arith.cmpf ogt, %get3A_1027, %select_n3A_1032 : vector<16xf32>
      %select_n3A_1034 = arith.select %gt3A_1033, %broadcast_in_dim3A_833, %broadcast_in_dim3A_835 : vector<16xi1>, vector<16xi32>
      %add3A_1035 = arith.addi %add3A_1020, %select_n3A_1034 : vector<16xi32>
      %mul3A_1036 = arith.constant 8 : i32
      %mul3A_1037 = arith.muli %scan3A_986, %mul3A_1036 : i32
      %add3A_1038 = arith.constant 3 : i32
      %add3A_1039 = arith.addi %mul3A_1037, %add3A_1038 : i32
      %get3A_1040 = arith.index_cast %add3A_1039 : i32 to index
      %get3A_1041 = arith.constant 96 : index
      %get3A_1042 = tpu.vector_load %arg10[%get3A_1040, %get3A_1041] {strides = array<i32>} : memref<160x128xf32, #tpu.memory_space<vmem>>, vector<16xf32>,
      %add3A_1043 = arith.constant 3 : i32
      %add3A_1044 = vector.broadcast %add3A_1043 : i32 to vector<16xi32>
      %add3A_1045 = arith.addi %add3A_991, %add3A_1044 : vector<16xi32>
      %lt3A_1046 = arith.cmpi slt, %add3A_1045, %get3A_785 : vector<16xi32>
      %select_n3A_1047 = arith.select %lt3A_1046, %bitcast3A_783, %add3A_764 : vector<16xi1>, vector<16xf32>
      %gt3A_1048 = arith.cmpf ogt, %get3A_1042, %select_n3A_1047 : vector<16xf32>
      %select_n3A_1049 = arith.select %gt3A_1048, %broadcast_in_dim3A_833, %broadcast_in_dim3A_835 : vector<16xi1>, vector<16xi32>
      %add3A_1050 = arith.addi %add3A_1035, %select_n3A_1049 : vector<16xi32>
      %mul3A_1051 = arith.constant 8 : i32
      %mul3A_1052 = arith.muli %scan3A_986, %mul3A_1051 : i32
      %add3A_1053 = arith.constant 4 : i32
      %add3A_1054 = arith.addi %mul3A_1052, %add3A_1053 : i32
      %get3A_1055 = arith.index_cast %add3A_1054 : i32 to index
      %get3A_1056 = arith.constant 96 : index
      %get3A_1057 = tpu.vector_load %arg10[%get3A_1055, %get3A_1056] {strides = array<i32>} : memref<160x128xf32, #tpu.memory_space<vmem>>, vector<16xf32>,
      %add3A_1058 = arith.constant 4 : i32
      %add3A_1059 = vector.broadcast %add3A_1058 : i32 to vector<16xi32>
      %add3A_1060 = arith.addi %add3A_991, %add3A_1059 : vector<16xi32>
      %lt3A_1061 = arith.cmpi slt, %add3A_1060, %get3A_785 : vector<16xi32>
      %select_n3A_1062 = arith.select %lt3A_1061, %bitcast3A_783, %add3A_764 : vector<16xi1>, vector<16xf32>
      %gt3A_1063 = arith.cmpf ogt, %get3A_1057, %select_n3A_1062 : vector<16xf32>
      %select_n3A_1064 = arith.select %gt3A_1063, %broadcast_in_dim3A_833, %broadcast_in_dim3A_835 : vector<16xi1>, vector<16xi32>
      %add3A_1065 = arith.addi %add3A_1050, %select_n3A_1064 : vector<16xi32>
      %mul3A_1066 = arith.constant 8 : i32
      %mul3A_1067 = arith.muli %scan3A_986, %mul3A_1066 : i32
      %add3A_1068 = arith.constant 5 : i32
      %add3A_1069 = arith.addi %mul3A_1067, %add3A_1068 : i32
      %get3A_1070 = arith.index_cast %add3A_1069 : i32 to index
      %get3A_1071 = arith.constant 96 : index
      %get3A_1072 = tpu.vector_load %arg10[%get3A_1070, %get3A_1071] {strides = array<i32>} : memref<160x128xf32, #tpu.memory_space<vmem>>, vector<16xf32>,
      %add3A_1073 = arith.constant 5 : i32
      %add3A_1074 = vector.broadcast %add3A_1073 : i32 to vector<16xi32>
      %add3A_1075 = arith.addi %add3A_991, %add3A_1074 : vector<16xi32>
      %lt3A_1076 = arith.cmpi slt, %add3A_1075, %get3A_785 : vector<16xi32>
      %select_n3A_1077 = arith.select %lt3A_1076, %bitcast3A_783, %add3A_764 : vector<16xi1>, vector<16xf32>
      %gt3A_1078 = arith.cmpf ogt, %get3A_1072, %select_n3A_1077 : vector<16xf32>
      %select_n3A_1079 = arith.select %gt3A_1078, %broadcast_in_dim3A_833, %broadcast_in_dim3A_835 : vector<16xi1>, vector<16xi32>
      %add3A_1080 = arith.addi %add3A_1065, %select_n3A_1079 : vector<16xi32>
      %mul3A_1081 = arith.constant 8 : i32
      %mul3A_1082 = arith.muli %scan3A_986, %mul3A_1081 : i32
      %add3A_1083 = arith.constant 6 : i32
      %add3A_1084 = arith.addi %mul3A_1082, %add3A_1083 : i32
      %get3A_1085 = arith.index_cast %add3A_1084 : i32 to index
      %get3A_1086 = arith.constant 96 : index
      %get3A_1087 = tpu.vector_load %arg10[%get3A_1085, %get3A_1086] {strides = array<i32>} : memref<160x128xf32, #tpu.memory_space<vmem>>, vector<16xf32>,
      %add3A_1088 = arith.constant 6 : i32
      %add3A_1089 = vector.broadcast %add3A_1088 : i32 to vector<16xi32>
      %add3A_1090 = arith.addi %add3A_991, %add3A_1089 : vector<16xi32>
      %lt3A_1091 = arith.cmpi slt, %add3A_1090, %get3A_785 : vector<16xi32>
      %select_n3A_1092 = arith.select %lt3A_1091, %bitcast3A_783, %add3A_764 : vector<16xi1>, vector<16xf32>
      %gt3A_1093 = arith.cmpf ogt, %get3A_1087, %select_n3A_1092 : vector<16xf32>
      %select_n3A_1094 = arith.select %gt3A_1093, %broadcast_in_dim3A_833, %broadcast_in_dim3A_835 : vector<16xi1>, vector<16xi32>
      %add3A_1095 = arith.addi %add3A_1080, %select_n3A_1094 : vector<16xi32>
      %mul3A_1096 = arith.constant 8 : i32
      %mul3A_1097 = arith.muli %scan3A_986, %mul3A_1096 : i32
      %add3A_1098 = arith.constant 7 : i32
      %add3A_1099 = arith.addi %mul3A_1097, %add3A_1098 : i32
      %get3A_1100 = arith.index_cast %add3A_1099 : i32 to index
      %get3A_1101 = arith.constant 96 : index
      %get3A_1102 = tpu.vector_load %arg10[%get3A_1100, %get3A_1101] {strides = array<i32>} : memref<160x128xf32, #tpu.memory_space<vmem>>, vector<16xf32>,
      %add3A_1103 = arith.constant 7 : i32
      %add3A_1104 = vector.broadcast %add3A_1103 : i32 to vector<16xi32>
      %add3A_1105 = arith.addi %add3A_991, %add3A_1104 : vector<16xi32>
      %lt3A_1106 = arith.cmpi slt, %add3A_1105, %get3A_785 : vector<16xi32>
      %select_n3A_1107 = arith.select %lt3A_1106, %bitcast3A_783, %add3A_764 : vector<16xi1>, vector<16xf32>
      %gt3A_1108 = arith.cmpf ogt, %get3A_1102, %select_n3A_1107 : vector<16xf32>
      %select_n3A_1109 = arith.select %gt3A_1108, %broadcast_in_dim3A_833, %broadcast_in_dim3A_835 : vector<16xi1>, vector<16xi32>
      %add3A_1110 = arith.addi %add3A_1095, %select_n3A_1109 : vector<16xi32>
      scf.yield %add3A_1110 : vector<16xi32>
    }
    %scan3A_945 = arith.constant 20 : i32
    %mul3A_946 = vector.broadcast %select_n3A_850 : i32 to vector<16xi32>
    %mul3A_947 = arith.muli %mul3A_946, %scan3A_944 : vector<16xi32>
    %add3A_948 = arith.addi %scan3A_839#6, %mul3A_947 : vector<16xi32>
    %broadcast_in_dim3A_949 = arith.constant 1 : i32
    %broadcast_in_dim3A_950 = vector.broadcast %broadcast_in_dim3A_949 : i32 to vector<16xi32>
    %mul3A_951 = arith.constant 99840 : i32
    %mul3A_952 = vector.broadcast %mul3A_951 : i32 to vector<16xi32>
    %mul3A_953 = arith.muli %broadcast_in_dim3A_950, %mul3A_952 : vector<16xi32>
    %scan3A_954 = arith.constant 0 : i32
    %scan3A_955 = arith.constant 20 : i32
    %scan3A_956 = arith.addi %scan3A_954, %scan3A_955 : i32
    %scan3A_957 = arith.constant 1 : i32
    %scan3A_958 = scf.for %scan3A_986 = %scan3A_954 to %scan3A_956 step %scan3A_957 iter_args(%scan3A_987 = %broadcast_in_dim3A_835) -> (vector<16xi32>)  : i32 {
      %mul3A_988 = arith.constant 8 : i32
      %mul3A_989 = arith.muli %scan3A_986, %mul3A_988 : i32
      %add3A_990 = vector.broadcast %mul3A_989 : i32 to vector<16xi32>
      %add3A_991 = arith.addi %mul3A_953, %add3A_990 : vector<16xi32>
      %mul3A_992 = arith.constant 8 : i32
      %mul3A_993 = arith.muli %scan3A_986, %mul3A_992 : i32
      %add3A_994 = arith.constant 0 : i32
      %add3A_995 = arith.addi %mul3A_993, %add3A_994 : i32
      %get3A_996 = arith.index_cast %add3A_995 : i32 to index
      %get3A_997 = arith.constant 112 : index
      %get3A_998 = tpu.vector_load %arg10[%get3A_996, %get3A_997] {strides = array<i32>} : memref<160x128xf32, #tpu.memory_space<vmem>>, vector<16xf32>,
      %add3A_999 = arith.constant 0 : i32
      %add3A_1000 = vector.broadcast %add3A_999 : i32 to vector<16xi32>
      %add3A_1001 = arith.addi %add3A_991, %add3A_1000 : vector<16xi32>
      %lt3A = arith.cmpi slt, %add3A_1001, %get3A_815 : vector<16xi32>
      %select_n3A_1002 = arith.select %lt3A, %bitcast3A_813, %add3A_794 : vector<16xi1>, vector<16xf32>
      %gt3A_1003 = arith.cmpf ogt, %get3A_998, %select_n3A_1002 : vector<16xf32>
      %select_n3A_1004 = arith.select %gt3A_1003, %broadcast_in_dim3A_833, %broadcast_in_dim3A_835 : vector<16xi1>, vector<16xi32>
      %add3A_1005 = arith.addi %scan3A_987, %select_n3A_1004 : vector<16xi32>
      %mul3A_1006 = arith.constant 8 : i32
      %mul3A_1007 = arith.muli %scan3A_986, %mul3A_1006 : i32
      %add3A_1008 = arith.constant 1 : i32
      %add3A_1009 = arith.addi %mul3A_1007, %add3A_1008 : i32
      %get3A_1010 = arith.index_cast %add3A_1009 : i32 to index
      %get3A_1011 = arith.constant 112 : index
      %get3A_1012 = tpu.vector_load %arg10[%get3A_1010, %get3A_1011] {strides = array<i32>} : memref<160x128xf32, #tpu.memory_space<vmem>>, vector<16xf32>,
      %add3A_1013 = arith.constant 1 : i32
      %add3A_1014 = vector.broadcast %add3A_1013 : i32 to vector<16xi32>
      %add3A_1015 = arith.addi %add3A_991, %add3A_1014 : vector<16xi32>
      %lt3A_1016 = arith.cmpi slt, %add3A_1015, %get3A_815 : vector<16xi32>
      %select_n3A_1017 = arith.select %lt3A_1016, %bitcast3A_813, %add3A_794 : vector<16xi1>, vector<16xf32>
      %gt3A_1018 = arith.cmpf ogt, %get3A_1012, %select_n3A_1017 : vector<16xf32>
      %select_n3A_1019 = arith.select %gt3A_1018, %broadcast_in_dim3A_833, %broadcast_in_dim3A_835 : vector<16xi1>, vector<16xi32>
      %add3A_1020 = arith.addi %add3A_1005, %select_n3A_1019 : vector<16xi32>
      %mul3A_1021 = arith.constant 8 : i32
      %mul3A_1022 = arith.muli %scan3A_986, %mul3A_1021 : i32
      %add3A_1023 = arith.constant 2 : i32
      %add3A_1024 = arith.addi %mul3A_1022, %add3A_1023 : i32
      %get3A_1025 = arith.index_cast %add3A_1024 : i32 to index
      %get3A_1026 = arith.constant 112 : index
      %get3A_1027 = tpu.vector_load %arg10[%get3A_1025, %get3A_1026] {strides = array<i32>} : memref<160x128xf32, #tpu.memory_space<vmem>>, vector<16xf32>,
      %add3A_1028 = arith.constant 2 : i32
      %add3A_1029 = vector.broadcast %add3A_1028 : i32 to vector<16xi32>
      %add3A_1030 = arith.addi %add3A_991, %add3A_1029 : vector<16xi32>
      %lt3A_1031 = arith.cmpi slt, %add3A_1030, %get3A_815 : vector<16xi32>
      %select_n3A_1032 = arith.select %lt3A_1031, %bitcast3A_813, %add3A_794 : vector<16xi1>, vector<16xf32>
      %gt3A_1033 = arith.cmpf ogt, %get3A_1027, %select_n3A_1032 : vector<16xf32>
      %select_n3A_1034 = arith.select %gt3A_1033, %broadcast_in_dim3A_833, %broadcast_in_dim3A_835 : vector<16xi1>, vector<16xi32>
      %add3A_1035 = arith.addi %add3A_1020, %select_n3A_1034 : vector<16xi32>
      %mul3A_1036 = arith.constant 8 : i32
      %mul3A_1037 = arith.muli %scan3A_986, %mul3A_1036 : i32
      %add3A_1038 = arith.constant 3 : i32
      %add3A_1039 = arith.addi %mul3A_1037, %add3A_1038 : i32
      %get3A_1040 = arith.index_cast %add3A_1039 : i32 to index
      %get3A_1041 = arith.constant 112 : index
      %get3A_1042 = tpu.vector_load %arg10[%get3A_1040, %get3A_1041] {strides = array<i32>} : memref<160x128xf32, #tpu.memory_space<vmem>>, vector<16xf32>,
      %add3A_1043 = arith.constant 3 : i32
      %add3A_1044 = vector.broadcast %add3A_1043 : i32 to vector<16xi32>
      %add3A_1045 = arith.addi %add3A_991, %add3A_1044 : vector<16xi32>
      %lt3A_1046 = arith.cmpi slt, %add3A_1045, %get3A_815 : vector<16xi32>
      %select_n3A_1047 = arith.select %lt3A_1046, %bitcast3A_813, %add3A_794 : vector<16xi1>, vector<16xf32>
      %gt3A_1048 = arith.cmpf ogt, %get3A_1042, %select_n3A_1047 : vector<16xf32>
      %select_n3A_1049 = arith.select %gt3A_1048, %broadcast_in_dim3A_833, %broadcast_in_dim3A_835 : vector<16xi1>, vector<16xi32>
      %add3A_1050 = arith.addi %add3A_1035, %select_n3A_1049 : vector<16xi32>
      %mul3A_1051 = arith.constant 8 : i32
      %mul3A_1052 = arith.muli %scan3A_986, %mul3A_1051 : i32
      %add3A_1053 = arith.constant 4 : i32
      %add3A_1054 = arith.addi %mul3A_1052, %add3A_1053 : i32
      %get3A_1055 = arith.index_cast %add3A_1054 : i32 to index
      %get3A_1056 = arith.constant 112 : index
      %get3A_1057 = tpu.vector_load %arg10[%get3A_1055, %get3A_1056] {strides = array<i32>} : memref<160x128xf32, #tpu.memory_space<vmem>>, vector<16xf32>,
      %add3A_1058 = arith.constant 4 : i32
      %add3A_1059 = vector.broadcast %add3A_1058 : i32 to vector<16xi32>
      %add3A_1060 = arith.addi %add3A_991, %add3A_1059 : vector<16xi32>
      %lt3A_1061 = arith.cmpi slt, %add3A_1060, %get3A_815 : vector<16xi32>
      %select_n3A_1062 = arith.select %lt3A_1061, %bitcast3A_813, %add3A_794 : vector<16xi1>, vector<16xf32>
      %gt3A_1063 = arith.cmpf ogt, %get3A_1057, %select_n3A_1062 : vector<16xf32>
      %select_n3A_1064 = arith.select %gt3A_1063, %broadcast_in_dim3A_833, %broadcast_in_dim3A_835 : vector<16xi1>, vector<16xi32>
      %add3A_1065 = arith.addi %add3A_1050, %select_n3A_1064 : vector<16xi32>
      %mul3A_1066 = arith.constant 8 : i32
      %mul3A_1067 = arith.muli %scan3A_986, %mul3A_1066 : i32
      %add3A_1068 = arith.constant 5 : i32
      %add3A_1069 = arith.addi %mul3A_1067, %add3A_1068 : i32
      %get3A_1070 = arith.index_cast %add3A_1069 : i32 to index
      %get3A_1071 = arith.constant 112 : index
      %get3A_1072 = tpu.vector_load %arg10[%get3A_1070, %get3A_1071] {strides = array<i32>} : memref<160x128xf32, #tpu.memory_space<vmem>>, vector<16xf32>,
      %add3A_1073 = arith.constant 5 : i32
      %add3A_1074 = vector.broadcast %add3A_1073 : i32 to vector<16xi32>
      %add3A_1075 = arith.addi %add3A_991, %add3A_1074 : vector<16xi32>
      %lt3A_1076 = arith.cmpi slt, %add3A_1075, %get3A_815 : vector<16xi32>
      %select_n3A_1077 = arith.select %lt3A_1076, %bitcast3A_813, %add3A_794 : vector<16xi1>, vector<16xf32>
      %gt3A_1078 = arith.cmpf ogt, %get3A_1072, %select_n3A_1077 : vector<16xf32>
      %select_n3A_1079 = arith.select %gt3A_1078, %broadcast_in_dim3A_833, %broadcast_in_dim3A_835 : vector<16xi1>, vector<16xi32>
      %add3A_1080 = arith.addi %add3A_1065, %select_n3A_1079 : vector<16xi32>
      %mul3A_1081 = arith.constant 8 : i32
      %mul3A_1082 = arith.muli %scan3A_986, %mul3A_1081 : i32
      %add3A_1083 = arith.constant 6 : i32
      %add3A_1084 = arith.addi %mul3A_1082, %add3A_1083 : i32
      %get3A_1085 = arith.index_cast %add3A_1084 : i32 to index
      %get3A_1086 = arith.constant 112 : index
      %get3A_1087 = tpu.vector_load %arg10[%get3A_1085, %get3A_1086] {strides = array<i32>} : memref<160x128xf32, #tpu.memory_space<vmem>>, vector<16xf32>,
      %add3A_1088 = arith.constant 6 : i32
      %add3A_1089 = vector.broadcast %add3A_1088 : i32 to vector<16xi32>
      %add3A_1090 = arith.addi %add3A_991, %add3A_1089 : vector<16xi32>
      %lt3A_1091 = arith.cmpi slt, %add3A_1090, %get3A_815 : vector<16xi32>
      %select_n3A_1092 = arith.select %lt3A_1091, %bitcast3A_813, %add3A_794 : vector<16xi1>, vector<16xf32>
      %gt3A_1093 = arith.cmpf ogt, %get3A_1087, %select_n3A_1092 : vector<16xf32>
      %select_n3A_1094 = arith.select %gt3A_1093, %broadcast_in_dim3A_833, %broadcast_in_dim3A_835 : vector<16xi1>, vector<16xi32>
      %add3A_1095 = arith.addi %add3A_1080, %select_n3A_1094 : vector<16xi32>
      %mul3A_1096 = arith.constant 8 : i32
      %mul3A_1097 = arith.muli %scan3A_986, %mul3A_1096 : i32
      %add3A_1098 = arith.constant 7 : i32
      %add3A_1099 = arith.addi %mul3A_1097, %add3A_1098 : i32
      %get3A_1100 = arith.index_cast %add3A_1099 : i32 to index
      %get3A_1101 = arith.constant 112 : index
      %get3A_1102 = tpu.vector_load %arg10[%get3A_1100, %get3A_1101] {strides = array<i32>} : memref<160x128xf32, #tpu.memory_space<vmem>>, vector<16xf32>,
      %add3A_1103 = arith.constant 7 : i32
      %add3A_1104 = vector.broadcast %add3A_1103 : i32 to vector<16xi32>
      %add3A_1105 = arith.addi %add3A_991, %add3A_1104 : vector<16xi32>
      %lt3A_1106 = arith.cmpi slt, %add3A_1105, %get3A_815 : vector<16xi32>
      %select_n3A_1107 = arith.select %lt3A_1106, %bitcast3A_813, %add3A_794 : vector<16xi1>, vector<16xf32>
      %gt3A_1108 = arith.cmpf ogt, %get3A_1102, %select_n3A_1107 : vector<16xf32>
      %select_n3A_1109 = arith.select %gt3A_1108, %broadcast_in_dim3A_833, %broadcast_in_dim3A_835 : vector<16xi1>, vector<16xi32>
      %add3A_1110 = arith.addi %add3A_1095, %select_n3A_1109 : vector<16xi32>
      scf.yield %add3A_1110 : vector<16xi32>
    }
    %scan3A_959 = arith.constant 20 : i32
    %mul3A_960 = vector.broadcast %select_n3A_850 : i32 to vector<16xi32>
    %mul3A_961 = arith.muli %mul3A_960, %scan3A_958 : vector<16xi32>
    %add3A_962 = arith.addi %scan3A_839#7, %mul3A_961 : vector<16xi32>
    %convert_element_type3A = arith.sitofp %add3A_864 : vector<16xi32> to vector<16xf32>
    %swap3A_963 = arith.constant 0 : index
    %swap3A_964 = tpu.vector_load %arg12[%swap3A_963] {strides = array<i32>} : memref<128xf32, #tpu.memory_space<vmem>>, vector<16xf32>,
    tpu.vector_store %arg12[%swap3A_963], %convert_element_type3A {strides = array<i32>} : memref<128xf32, #tpu.memory_space<vmem>>, vector<16xf32>,
    %convert_element_type3A_965 = arith.sitofp %add3A_878 : vector<16xi32> to vector<16xf32>
    %swap3A_966 = arith.constant 16 : index
    %swap3A_967 = tpu.vector_load %arg12[%swap3A_966] {strides = array<i32>} : memref<128xf32, #tpu.memory_space<vmem>>, vector<16xf32>,
    tpu.vector_store %arg12[%swap3A_966], %convert_element_type3A_965 {strides = array<i32>} : memref<128xf32, #tpu.memory_space<vmem>>, vector<16xf32>,
    %convert_element_type3A_968 = arith.sitofp %add3A_892 : vector<16xi32> to vector<16xf32>
    %swap3A_969 = arith.constant 32 : index
    %swap3A_970 = tpu.vector_load %arg12[%swap3A_969] {strides = array<i32>} : memref<128xf32, #tpu.memory_space<vmem>>, vector<16xf32>,
    tpu.vector_store %arg12[%swap3A_969], %convert_element_type3A_968 {strides = array<i32>} : memref<128xf32, #tpu.memory_space<vmem>>, vector<16xf32>,
    %convert_element_type3A_971 = arith.sitofp %add3A_906 : vector<16xi32> to vector<16xf32>
    %swap3A_972 = arith.constant 48 : index
    %swap3A_973 = tpu.vector_load %arg12[%swap3A_972] {strides = array<i32>} : memref<128xf32, #tpu.memory_space<vmem>>, vector<16xf32>,
    tpu.vector_store %arg12[%swap3A_972], %convert_element_type3A_971 {strides = array<i32>} : memref<128xf32, #tpu.memory_space<vmem>>, vector<16xf32>,
    %convert_element_type3A_974 = arith.sitofp %add3A_920 : vector<16xi32> to vector<16xf32>
    %swap3A_975 = arith.constant 64 : index
    %swap3A_976 = tpu.vector_load %arg12[%swap3A_975] {strides = array<i32>} : memref<128xf32, #tpu.memory_space<vmem>>, vector<16xf32>,
    tpu.vector_store %arg12[%swap3A_975], %convert_element_type3A_974 {strides = array<i32>} : memref<128xf32, #tpu.memory_space<vmem>>, vector<16xf32>,
    %convert_element_type3A_977 = arith.sitofp %add3A_934 : vector<16xi32> to vector<16xf32>
    %swap3A_978 = arith.constant 80 : index
    %swap3A_979 = tpu.vector_load %arg12[%swap3A_978] {strides = array<i32>} : memref<128xf32, #tpu.memory_space<vmem>>, vector<16xf32>,
    tpu.vector_store %arg12[%swap3A_978], %convert_element_type3A_977 {strides = array<i32>} : memref<128xf32, #tpu.memory_space<vmem>>, vector<16xf32>,
    %convert_element_type3A_980 = arith.sitofp %add3A_948 : vector<16xi32> to vector<16xf32>
    %swap3A_981 = arith.constant 96 : index
    %swap3A_982 = tpu.vector_load %arg12[%swap3A_981] {strides = array<i32>} : memref<128xf32, #tpu.memory_space<vmem>>, vector<16xf32>,
    tpu.vector_store %arg12[%swap3A_981], %convert_element_type3A_980 {strides = array<i32>} : memref<128xf32, #tpu.memory_space<vmem>>, vector<16xf32>,
    %convert_element_type3A_983 = arith.sitofp %add3A_962 : vector<16xi32> to vector<16xf32>
    %swap3A_984 = arith.constant 112 : index
    %swap3A_985 = tpu.vector_load %arg12[%swap3A_984] {strides = array<i32>} : memref<128xf32, #tpu.memory_space<vmem>>, vector<16xf32>,
    tpu.vector_store %arg12[%swap3A_984], %convert_element_type3A_983 {strides = array<i32>} : memref<128xf32, #tpu.memory_space<vmem>>, vector<16xf32>,
    "tpu.region"() ({
      %run_scoped3A = tpu.sem_alloc : memref<!tpu.dma_semaphore, #tpu.memory_space<semaphore_mem>>
      %dma_start3A_986 = arith.constant 0 : i32
      %dma_start3A_987 = tpu.memref_slice %arg4[%add3A, %dma_start3A_986] : memref<32x128xf32, #tpu.memory_space<hbm>> -> memref<1x128xf32, #tpu.memory_space<hbm>>
      %dma_start3A_988 = tpu.memref_squeeze %dma_start3A_987 : memref<1x128xf32, #tpu.memory_space<hbm>> -> memref<128xf32, #tpu.memory_space<hbm>>
      %dma_start3A_989 = arith.constant 0 : i32
      %dma_start3A_990 = tpu.memref_slice %arg4[%add3A, %dma_start3A_989] : memref<32x128xf32, #tpu.memory_space<hbm>> -> memref<1x128xf32, #tpu.memory_space<hbm>>
      %dma_start3A_991 = tpu.memref_squeeze %dma_start3A_990 : memref<1x128xf32, #tpu.memory_space<hbm>> -> memref<128xf32, #tpu.memory_space<hbm>>
      tpu.enqueue_dma source(%arg12 : memref<128xf32, #tpu.memory_space<vmem>>) target(%dma_start3A_991 : memref<128xf32, #tpu.memory_space<hbm>>) target_semaphore(%run_scoped3A : memref<!tpu.dma_semaphore, #tpu.memory_space<semaphore_mem>>)
      %dma_wait3A_992 = arith.constant 0 : i32
      %dma_wait3A_993 = tpu.memref_slice %arg4[%add3A, %dma_wait3A_992] : memref<32x128xf32, #tpu.memory_space<hbm>> -> memref<1x128xf32, #tpu.memory_space<hbm>>
      %dma_wait3A_994 = tpu.memref_squeeze %dma_wait3A_993 : memref<1x128xf32, #tpu.memory_space<hbm>> -> memref<128xf32, #tpu.memory_space<hbm>>
      %dma_wait3A_995 = arith.constant 0 : i32
      %dma_wait3A_996 = tpu.memref_slice %arg4[%add3A, %dma_wait3A_995] : memref<32x128xf32, #tpu.memory_space<hbm>> -> memref<1x128xf32, #tpu.memory_space<hbm>>
      %dma_wait3A_997 = tpu.memref_squeeze %dma_wait3A_996 : memref<1x128xf32, #tpu.memory_space<hbm>> -> memref<128xf32, #tpu.memory_space<hbm>>
      tpu.wait_dma2 semaphore(%run_scoped3A : memref<!tpu.dma_semaphore, #tpu.memory_space<semaphore_mem>>) src(%arg12 : memref<128xf32, #tpu.memory_space<vmem>>) dst(%dma_wait3A_997 : memref<128xf32, #tpu.memory_space<hbm>>)
      tpu.yield
    }) : () -> ()
    return
  }
}

module attributes {stable_mosaic.version = 14 : i64} {
  func.func @body(%arg0: memref<32x128xf32, #tpu.memory_space<vmem>>, %arg1: memref<1x1xf32, #tpu.memory_space<vmem>>) attributes {dimension_semantics = [], scalar_prefetch = 0 : i64, scratch_operands = 0 : i64, tpu.core_type = #tpu.core_type<tc>} {
    %get3A = arith.constant 0 : index
    %get3A_0 = arith.constant 0 : index
    %get3A_1 = vector.load %arg0[%get3A, %get3A_0] : memref<32x128xf32, #tpu.memory_space<vmem>>, vector<32x128xf32>
    %reduce_sum3A = arith.constant dense<0.000000e+00> : vector<128xf32>
    %reduce_sum3A_2 = vector.multi_reduction <add>, %get3A_1, %reduce_sum3A [0] : vector<32x128xf32> to vector<128xf32>
    %broadcast_in_dim3A = vector.shape_cast %reduce_sum3A_2 : vector<128xf32> to vector<1x128xf32>
    %lt3A = arith.constant 5.000000e+00 : f32
    %lt3A_3 = vector.broadcast %lt3A : f32 to vector<1x128xf32>
    %lt3A_4 = arith.cmpf olt, %broadcast_in_dim3A, %lt3A_3 : vector<1x128xf32>
    %convert_element_type3A = arith.extui %lt3A_4 : vector<1x128xi1> to vector<1x128xi32>
    %convert_element_type3A_5 = arith.sitofp %convert_element_type3A : vector<1x128xi32> to vector<1x128xf32>
    %reduce_sum3A_6 = vector.shape_cast %convert_element_type3A_5 : vector<1x128xf32> to vector<1x1x128xf32>
    %reduce_sum3A_7 = arith.constant dense<0.000000e+00> : vector<1xf32>
    %reduce_sum3A_8 = vector.multi_reduction <add>, %reduce_sum3A_6, %reduce_sum3A_7 [1, 2] : vector<1x1x128xf32> to vector<1xf32>
    %reduce_sum3A_9 = vector.shape_cast %reduce_sum3A_8 : vector<1xf32> to vector<1x1x1xf32>
    %reduce_sum3A_10 = vector.extract %reduce_sum3A_9[0, 0, 0] : f32 from vector<1x1x1xf32>
    %broadcast_in_dim3A_11 = vector.broadcast %reduce_sum3A_10 : f32 to vector<1x1xf32>
    %mul3A = arith.constant 7.812500e-03 : f32
    %mul3A_12 = vector.broadcast %mul3A : f32 to vector<1x1xf32>
    %mul3A_13 = arith.mulf %broadcast_in_dim3A_11, %mul3A_12 : vector<1x1xf32>
    %swap3A = arith.constant 0 : index
    %swap3A_14 = arith.constant 0 : index
    %swap3A_15 = vector.load %arg1[%swap3A, %swap3A_14] : memref<1x1xf32, #tpu.memory_space<vmem>>, vector<1x1xf32>
    tpu.vector_store %arg1[%swap3A, %swap3A_14], %mul3A_13 {strides = array<i32>} : memref<1x1xf32, #tpu.memory_space<vmem>>, vector<1x1xf32>,
    return
  }
}

</mosaic_0001>

<sc_bundles>
// kernel: kernel.4.cloned.1.call-start
scs
__scs_entry_jumppad:
0x0: {  	(pc) =	sbr.rel $0x88, $3  }
0x1: {  	(tag) =	ssettag $0x0;
	lr =	simm.s32 $0x1  }
0x2: {  	[smem:$0x3F9F] =	sst lr;
	_ =	strace $0xD0000000  }
0x3: {  	_ = 	snop  }
0x4: {  	_ = 	snop  }
0x5: {  	_ = 	snop  }
0x6: {  	_ = 	snop  }
0x7: {  	_ = 	snop  }
__scs_overlays_trampoline_lowered:
0x8: {  	[smem:$0x3FAE] =	sst s0  }
0x9: {  	[smem:$0x3FAF] =	sst s1  }
0xa: {  	[smem:$0x3FB0] =	sst s2  }
0xb: {  	[smem:$0x3FB1] =	sst s3  }
0xc: {  	[smem:$0x3FB2] =	sst s4  }
0xd: {  	[smem:$0x3FB3] =	sst s5  }
0xe: {  	[smem:$0x3FB4] =	sst s6  }
0xf: {  	[smem:$0x3FB5] =	sst s7  }
0x10: {  	[smem:$0x3FB6] =	sst s8  }
0x11: {  	[smem:$0x3FB7] =	sst s9;
	s0 =	simm.s32 @!p0 $0x0  }
0x12: {  	s1 =	sld [smem:$0x3F9D];
	s0 =	simm.s32 @p0 $0x1  }
0x13: {  	[smem:$0x3FB8] =	sst s0;
	s0 =	simm.s32 @!p1 $0x0  }
0x14: {  	s2 =	sld [smem:$0x3F9C];
	s0 =	simm.s32 @p1 $0x1  }
0x15: {  	[smem:$0x3FB9] =	sst s0;
	s0 =	simm.s32 @!p2 $0x0  }
0x16: {  	s3 =	sld [smem:$0x3FDB];
	s0 =	simm.s32 @p2 $0x1  }
0x17: {  	s4 =	simm.s32 $0x1BF5;
	[smem:$0x3FBB] =	sst s0  }
0x18: {  	s0 =	sld [smem:$0x3F9E];
	_ =	swait.ge [sflag:s4], $0x0  }
0x19: {  	s7 =	sld [smem:$0x3F9F]  }
0x1a: {  	s8 =	sadd.s32 $0xFFFFE003, lr  }
0x1b: {  	s9 =	sadd.s32 $0xFFFFFEF7, lr;
	s5 =	simm.s32 $0xFFFFFFFF;
	p2 =	slt.u32 s8, $0xFFFFF086  }
0x1c: {  	p1 =	slt.u32 s9, $0xF7A;
	s5 =	simm.s32 @!p2 $0x0  }
0x1d: {  	s5 =	simm.s32 @p1 $0x1;
	p0 =	seq.s32 s7, s2  }
0x1e: {  	s7 =	smul.u32 @!p0 $0xF7A, s2;
	p2 =	seq.s32 @!p0 s5, $0x0  }
0x1f: {  	s9 =	smul.u32 $0xF7A, s1;
	s8 =	simm.s32 @!p0 $0x1BF5;
	p2 =	por !p2, p0  }
0x20: {  	[sflag:s8] =	ssyncset.s32 @!p0 $0xFFFFF086;
	s6 =	sadd.s32 @!p0 s3, s7;
	s7 =	simm.s32 @!p0 $0x108  }
0x21: {  	s3 =	sadd.s32 s3, s9;
	s6 =	sadd.s32 @!p0 $0x88, s6;
	s7 =	simm.s32 @p2 $0x1082  }
0x22: {  	[simem:s7], [sflag:s8] =	dma.local @!p0 [hbm:s6], $0xF7A  }
0x23: {  	s9 =	sor.u32 $0xD0000000, s2;
	s6 =	simm.s32 $0x108;
	_ =	swait.ge @!p0 [sflag:s8], $0x0  }
0x24: {  	s3 =	sadd.s32 $0x88, s3;
	s6 =	simm.s32 @!p1 $0x1082;
	[sflag:s4] =	ssyncset.s32 $0xFFFFF086  }
0x25: {  	[simem:s6], [sflag:s4] =	dma.local [hbm:s3], $0xF7A  }
0x26: {  	[smem:$0x3F9F] =	sst s1;
	(tag) =	ssettag s2;
	_ =	strace s9  }
0x27: {  	s1 =	sld [smem:$0x3FAF]  }
0x28: {  	s2 =	sld [smem:$0x3FB0]  }
0x29: {  	s4 =	sld [smem:$0x3FB2]  }
0x2a: {  	p0 =	seq.s32 s5, $0x0;
	s5 =	sld [smem:$0x3FB3]  }
0x2b: {  	s6 =	sld [smem:$0x3FB4]  }
0x2c: {  	s7 =	sld [smem:$0x3FB5]  }
0x2d: {  	s3 =	simm.s32 $0x108;
	s8 =	sld [smem:$0x3FB6]  }
0x2e: {  	s3 =	simm.s32 @!p0 $0x1082;
	s9 =	sld [smem:$0x3FB7]  }
0x2f: {  	lr =	sadd.s32 s0, s3;
	s0 =	sld [smem:$0x3FAE]  }
0x30: {  	s3 =	sld [smem:$0x3FB1]  }
0x31: {  	[smem:$0x3FBA] =	sst s10  }
0x32: {  	s10 =	sld [smem:$0x3FB8];
	_ =	sdelay $0x3  }
0x33: {  	p0 =	seq.s32 s10, $0x1;
	s10 =	sld [smem:$0x3FBA];
	_ =	sdelay $0x3  }
0x34: {  	[smem:$0x3FBA] =	sst s10  }
0x35: {  	s10 =	sld [smem:$0x3FB9];
	_ =	sdelay $0x3  }
0x36: {  	p1 =	seq.s32 s10, $0x1;
	s10 =	sld [smem:$0x3FBA];
	_ =	sdelay $0x3  }
0x37: {  	[smem:$0x3FBA] =	sst s10  }
0x38: {  	s10 =	sld [smem:$0x3FBB]  }
0x39: {  	_ = 	snop;
	(pc) =	sbr.ind lr, $3  }
0x3a: {  	_ = 	snop  }
0x3b: {  	_ = 	snop  }
0x3c: {  	p2 =	seq.s32 s10, $0x1;
	s10 =	sld [smem:$0x3FBA]  }
0x3d: {  	_ =	shalt  }
0x3e: {  	_ =	shalt  }
0x3f: {  	_ =	shalt  }
0x40: {  	_ =	shalt  }
0x41: {  	_ =	shalt  }
0x42: {  	_ =	shalt  }
0x43: {  	_ =	shalt  }
0x44: {  	_ =	shalt  }
0x45: {  	_ =	shalt  }
0x46: {  	_ =	shalt  }
0x47: {  	_ =	shalt  }
0x48: {  	_ =	shalt  }
0x49: {  	_ =	shalt  }
0x4a: {  	_ =	shalt  }
0x4b: {  	_ =	shalt  }
0x4c: {  	_ =	shalt  }
0x4d: {  	_ =	shalt  }
0x4e: {  	_ =	shalt  }
0x4f: {  	_ =	shalt  }
0x50: {  	_ =	shalt  }
0x51: {  	_ =	shalt  }
0x52: {  	_ =	shalt  }
0x53: {  	_ =	shalt  }
0x54: {  	_ =	shalt  }
0x55: {  	_ =	shalt  }
0x56: {  	_ =	shalt  }
0x57: {  	_ =	shalt  }
0x58: {  	_ =	shalt  }
0x59: {  	_ =	shalt  }
0x5a: {  	_ =	shalt  }
0x5b: {  	_ =	shalt  }
0x5c: {  	_ =	shalt  }
0x5d: {  	_ =	shalt  }
0x5e: {  	_ =	shalt  }
0x5f: {  	_ =	shalt  }
0x60: {  	_ =	shalt  }
0x61: {  	_ =	shalt  }
0x62: {  	_ =	shalt  }
0x63: {  	_ =	shalt  }
0x64: {  	_ =	shalt  }
0x65: {  	_ =	shalt  }
0x66: {  	_ =	shalt  }
0x67: {  	_ =	shalt  }
0x68: {  	_ =	shalt  }
0x69: {  	_ =	shalt  }
0x6a: {  	_ =	shalt  }
0x6b: {  	_ =	shalt  }
0x6c: {  	_ =	shalt  }
0x6d: {  	_ =	shalt  }
0x6e: {  	_ =	shalt  }
0x6f: {  	_ =	shalt  }
0x70: {  	_ =	shalt  }
0x71: {  	_ =	shalt  }
0x72: {  	_ =	shalt  }
0x73: {  	_ =	shalt  }
0x74: {  	_ =	shalt  }
0x75: {  	_ =	shalt  }
0x76: {  	_ =	shalt  }
0x77: {  	_ =	shalt  }
0x78: {  	_ =	shalt  }
0x79: {  	_ =	shalt  }
0x7a: {  	_ =	shalt  }
0x7b: {  	_ =	shalt  }
0x7c: {  	_ =	shalt  }
0x7d: {  	_ =	shalt  }
0x7e: {  	_ =	shalt  }
0x7f: {  	_ =	shalt  }
0x80: {  	_ =	shalt  }
0x81: {  	_ =	shalt  }
0x82: {  	_ =	shalt  }
0x83: {  	_ =	shalt  }
0x84: {  	_ =	shalt  }
0x85: {  	_ =	shalt  }
0x86: {  	_ =	shalt  }
0x87: {  	_ =	shalt  }
.Lfunc_end0:
.L_simem_size_0:
called_computation_lowered:
.L_overlay_start_0:
0x88: {  	s2 =	sld [smem:$0x3FD9]  }
0x89: {  	s3 =	sld [smem:$0x3FFE];
	_ =	sdelay $0x1  }
0x8a: {  	s1 =	srdreg.scid  }
0x8b: {  	s0 =	sand.u32 $0x1, s1  }
0x8c: {  	s17 =	sshll.u32 s0, $0xA;
	s2 =	sadd.s32 s3, s2  }
0x8d: {  	s2 =	sadd.s32 s2, s17  }
0x8e: {  	[smem:$0x3FC6] =	sst s2  }
0x8f: {  	_ = 	snop  }
0x90: {  	s2 =	sld [smem:$0x3FC9]  }
0x91: {  	s18 =	sld [smem:$0x3FC8];
	(tm) =	ssettm $0x1  }
0x92: {  	s4 =	sld [smem:$0x3FFB];
	_ =	sdelay $0x3  }
0x93: {  	_ =	strace s4  }
0x94: {  	s4 =	sld [smem:$0x3FFC];
	_ =	sdelay $0x3  }
0x95: {  	_ =	strace s4  }
0x96: {  	s4 =	sld [smem:$0x3FFD];
	_ =	sdelay $0x3  }
0x97: {  	_ =	strace s4  }
0x98: {  	_ =	strace $0x8FFFFFFF  }
0x99: {  	s19 =	sld [smem:$0x3FDB];
	_ =	sdelay $0x1  }
0x9a: {  	s5 =	simm.s32 $_scs_section_size  }
0x9b: {  	s6 =	simm.s32 $_size__tile_overlayer_lowered;
	s7 =	simm.s32 $_tile_overlayer_lowered  }
0x9c: {  	s22 =	simm.s32 $0x1BFF;
	s21 =	sshll.u32 s7, $0x1;
	s4 =	sadd.s32 s5, s19  }
0x9d: {  	s8 =	simm.s32 $0x0;
	s20 =	sshll.u32 s6, $0x1;
	s6 =	sadd.s32 s21, s4  }
0x9e: {  	[timem:s8], [sflag:s22] =	dma.local [hbm:s6], s20  }
0x9f: {  	_ =	swait.ge [sflag:s22], s20  }
0xa0: {  	s5 =	ssub.s32 $0x0, s20;
	[sflag:s22] =	ssyncset.done $0x0  }
0xa1: {  	[sflag:s22] =	ssyncadd.s32 s5;
	_ =	sdelay $0x1  }
0xa2: {  	s23 =	simm.s32 $0x1B8B  }
0xa3: {  	_ =	swait.ge [sflag:s23], $0x1  }
0xa4: {  	[sflag:s23] =	ssyncset.done $0x0  }
0xa5: {  	s25 =	simm.s32 $0x1B8E;
	s24 =	sld [smem:$0x3FFE];
	[sflag:s23] =	ssyncadd.s32 $0xFFFFFFFF  }
0xa6: {  	s26 =	simm.s32 $execute0_lowered;
	[smem:$0x3FD2] =	sst s25  }
0xa7: {  	s6 =	sshll.u32 s26, $0x1;
	_ =	strace $0x80000046;
	[dreg:$0x1] =	wrdreg $0xFFFFFFFF  }
0xa8: {  	s28 =	simm.s32 $_size_execute0_lowered;
	s4 =	sadd.s32 s4, s6;
	[dreg:$0x0] =	wrdreg $0x0  }
0xa9: {  	s6 =	sshll.u32 s28, $0x1;
	[dreg:$0x2] =	wrdreg s4  }
0xaa: {  	[dreg:$0x3] =	wrdreg s6  }
0xab: {  	[dreg:$0x4] =	wrdreg $0xC0  }
0xac: {  	_ =	task [dreg:s8], $0x5FFFF  }
0xad: {  	[dreg:$0x1] =	wrdreg $0xFFFFFFFF  }
0xae: {  	[dreg:$0x0] =	wrdreg $0x60  }
0xaf: {  	[dreg:$0x2] =	wrdreg s2  }
0xb0: {  	[dreg:$0x3] =	wrdreg s18  }
0xb1: {  	[dreg:$0x4] =	wrdreg s24  }
0xb2: {  	[dreg:$0x5] =	wrdreg $0x1B1800  }
0xb3: {  	[dreg:$0x6] =	wrdreg $0x9  }
0xb4: {  	_ =	task.clear_ibuf [dreg:s8], $0x7FFFF;
	_ =	strace $0x90000046  }
0xb5: {  	s29 =	simm.s32 $0x9;
	_ =	strace $0x80000048  }
0xb6: {  	_ =	swait.ge [sflag:s29], $0x1  }
0xb7: {  	[sflag:s29] =	ssyncadd.s32 $0xFFFFFFFF  }
0xb8: {  	_ =	strace $0x90000048  }
0xb9: {  	_ =	sfence  }
0xba: {  	s30 =	sld [smem:$0x0];
	_ =	sdelay $0x2  }
0xbb: {  	s31 =	sshll.u32 s1, $0xD;
	s1 =	sshrl.u32 s1, $0x2  }
0xbc: {  	s3 =	sand.u32 $0x4000, s31;
	s1 =	sadd.s32 s1, s30  }
0xbd: {  	s0 =	sor.u32 s3, s0;
	s1 =	sshll.u32 s1, $0x11  }
0xbe: {  	s0 =	sor.u32 s1, s0  }
0xbf: {  	s0 =	sadd.s32 $0x8F2B, s0  }
0xc0: {  	[sflag:s0] =	ssyncadd.remote.s32 $0x1  }
0xc1: {  	_ =	sfence.sel $0xFFFF  }
0xc2: {  	[dreg:$0x0] =	wrdreg $0xFFFFFFFF;
	(pc) =	sbr.abs _section_cstart, $3  }
0xc3: {  	[dreg:$0x1] =	wrdreg $0xFFFFFFFF  }
0xc4: {  	_ =	task.clear_ibuf [dreg:s8], $0x2FFFF;
	_ =	strace $0x9FFFFFFF  }
0xc5: {  	(tm) =	ssettm $0x7FFFFFFF  }
tec
execute0_lowered:
.L_overlay_start_1:
0x0: {  	(tag) =	ssettag $0x1  }
0x1: {  	s1 =	rddreg [dreg:$0x0]  }
0x2: {  	s0 =	rddreg [dreg:$0x2]  }
0x3: {  	s4 =	rddreg [dreg:$0x3]  }
0x4: {  	s2 =	srdreg.scid;
	s25 =	stileid.u32  }
0x5: {  	s5 =	simm.s32 $0x0;
	s31 =	simm.s32 $0x3;
	s2 =	sand.u32 $0x1, s2  }
0x6: {  	s3 =	sshll.u32 s25, $0x1;
	[smem:$0x7FF] =	sst s5;
	s10 =	sshll.u32 s25, $0x3  }
0x7: {  	s18 =	sshllo.u32 s25, $0x3;
	s29 =	sshll.u32 s25, $0x7;
	s3 =	sor.u32 s2, s3  }
0x8: {  	_ =	strace $0x80000047;
	s2 =	ssub.s32 $0x2, s2;
	s11 =	sor.u32 $0x1, s10  }
0x9: {  	s12 =	sor.u32 $0x2, s10;
	s13 =	sor.u32 $0x3, s10;
	s14 =	sor.u32 $0x4, s10  }
0xa: {  	s15 =	sor.u32 $0x5, s10;
	s16 =	sand.u32 $0x8, s10;
	s17 =	sor.u32 $0x6, s10  }
0xb: {  	v7 =	vmov s18;
	s18 =	simm.s32 $0x4;
	s6 =	smul.u32 $0x61800, s3;
	s7 =	sshll.u32 s3, $0x4  }
0xc: {  	v23 =	vlaneseq.u32;
	v0 =	vmov s10;
	s8 =	sshrl.u32 s2, $0x1;
	s9 =	smul.u32 $0xC300, s3;
	s19 =	sor.u32 $0x1, s16;
	v1 =	vmov s11  }
0xd: {  	s20 =	sor.u32 $0x2, s16;
	s21 =	sor.u32 $0x3, s16;
	s22 =	sor.u32 $0x4, s16;
	v2 =	vmov s12;
	v3 =	vmov s13;
	v4 =	vmov s14  }
0xe: {  	[tilespmem:$0x1FFB0] =	vst v0;
	s23 =	sor.u32 $0x5, s16;
	s24 =	sor.u32 $0x6, s16;
	v5 =	vmov s15;
	v6 =	vmov s17;
	s30 =	sor.u32 $0x7, s16;
	v0 =	vmov s16  }
0xf: {  	s11 =	sadd.s32 s29, s4;
	p0 =	seq.s32 s3, $0x0;
	s15 =	simm.s32 $0x1;
	v14 =	vor.u32 $0x1C00, v7;
	v8 =	vor.u32 $0x400, v1;
	v16 =	vmov s19  }
0x10: {  	s4 =	simm.s32 $0x1C80;
	s0 =	sadd.s32 s7, s0;
	s2 =	ssub.s32 s2, s8;
	v17 =	vmov s20;
	v18 =	vmov s21;
	v19 =	vmov s22  }
0x11: {  	v12 =	vor.u32 $0x1400, v5;
	v20 =	vmov s23;
	s19 =	simm.s32 $0xC480;
	s21 =	simm.s32 $0x5;
	v13 =	vor.u32 $0x1800, v6;
	s22 =	simm.s32 $0x80  }
0x12: {  	v21 =	vmov s24;
	v22 =	vmov s30;
	vm7 =	veq.s32 v0, v23;
	s23 =	simm.s32 $0x0;
	s28 =	sshrl.u32 s6, $0x3;
	s6 =	smul.u32 $0xC30, s3  }
0x13: {  	s7 =	sadd.s32 s1, s9;
	s9 =	sadd.s32 $0x186000, s1;
	[tilespmem:$0x1FFC0] =	vst v8;
	s3 =	simm.s32 $0x1;
	v8 =	vor.u32 $0x800, v2;
	vm0 =	veq.s32 v22, v23;
	vm1 =	veq.s32 v21, v23  }
0x14: {  	s16 =	sadd.s32 $0x600, s0;
	s17 =	smax.u32 s2, $0x1;
	vm2 =	veq.s32 v20, v23;
	vm3 =	veq.s32 v19, v23;
	s8 =	sadd.s32 s1, s28;
	[tilespmem:$0x1FFD0] =	vst v8;
	v8 =	vor.u32 $0xC00, v3  }
0x15: {  	vm4 =	veq.s32 v18, v23;
	vm5 =	veq.s32 v17, v23;
	s2 =	simm.s32 $0x2;
	s3 =	simm.s32 @!p0 $0x0;
	s8 =	sadd.s32 $0x1380, s8;
	[tilespmem:$0x1FFE0] =	vst v8;
	v8 =	vor.u32 $0x1000, v4  }
0x16: {  	vm6 =	veq.s32 v16, v23;
	v16 =	vimm.s32 $0x0;
	s12 =	sadd.s32 $0x270, s6;
	s13 =	sadd.s32 $0x138, s6;
	s14 =	sadd.s32 $0x3A8, s6;
	v15 =	vmov s3;
	[tilespmem:$0x1FFF0] =	vst v8  }
.LBB2_1:
0x17: {  	s0 =	simm.s32 $0x2880  }
0x18: {  	[tilespmem:s0], [sflag:$0x1] =	stream.linear.gather [hbm4b:s7+s5], $0x9C00, $0x38;
	[tilespmem:$0x1B190] =	vst v63  }
0x19: {  	_ = 	snop  }
0x1a: {  	[tilespmem:s19], [sflag:$0x2] =	stream.linear.gather [hbm4b:s8+s5], $0x9C00, $0x38;
	[tilespmem:$0x1B190] =	vst v63  }
0x1b: {  	s26 =	simm.s32 $0x16080  }
0x1c: {  	[tilespmem:s26], [sflag:$0x4] =	stream.linear.gather [hbm4b:s9+s5], $0x5000, $0x38;
	[tilespmem:$0x1B190] =	vst v63  }
0x1d: {  	s28 =	rddreg [dreg:$0x1]  }
0x1e: {  	[tilespmem:s5], [sflag:$0x5] =	stream.linear.gather [hbm4b:s28+s5], $0x80, $0x38;
	[tilespmem:$0x1B190] =	vst v63  }
0x1f: {  	_ =	swait.ge [sflag:s21], $0x80  }
0x20: {  	v0 =	vld [tilespmem:$0x1FFB0];
	_ =	sdelay $0x5  }
0x21: {  	[sflag:s21] =	ssyncset.done $0x0  }
0x22: {  	[sflag:s21] =	ssyncadd.s32 $0xFFFFFF80  }
0x23: {  	v0 =	vld.idx.msk [tilespmem:v0+s5+$0x0], $0xffff;
	_ =	sdelay $0x4  }
0x24: {  	v0 =	vxor.u32 $0x80000000, v0  }
0x25: {  	(xrf0) =	vmax.scan.msk.u32 $0xffff, v0;
	_ =	sdelay $0x5  }
0x26: {  	v0, _, _ =	vpop (xrf0)  }
0x27: {  	(v2sf) =	vpush v0, $0xF;
	_ =	sdelay $0xe  }
0x28: {  	s24 =	spop (v2sf)  }
0x29: {  	s25 =	sshll.u32 s24, $0x4  }
0x2a: {  	s25 =	sand.u32 $0xFFFFF80, s25  }
0x2b: {  	s25 =	sadd.s32 s1, s25  }
0x2c: {  	[tilespmem:s22], [sflag:$0x3] =	stream.linear.gather [hbm4b:s25+s5], $0x400, $0x38;
	[tilespmem:$0x1B190] =	vst v63  }
0x2d: {  	v0 =	vld.idx.msk [tilespmem:v1+s5+$0x0], $0xffff;
	_ =	sdelay $0x4  }
0x2e: {  	v0 =	vxor.u32 $0x80000000, v0  }
0x2f: {  	(xrf0) =	vmax.scan.msk.u32 $0xffff, v0;
	_ =	sdelay $0x5  }
0x30: {  	v0, _, _ =	vpop (xrf0)  }
0x31: {  	(v2sf) =	vpush v0, $0xF;
	_ =	sdelay $0xe  }
0x32: {  	s25 =	spop (v2sf)  }
0x33: {  	s26 =	sshll.u32 s25, $0x4  }
0x34: {  	s26 =	sand.u32 $0xFFFFF80, s26  }
0x35: {  	s29 =	simm.s32 $0x480;
	s26 =	sadd.s32 s1, s26  }
0x36: {  	[tilespmem:s29], [sflag:$0x3] =	stream.linear.gather [hbm4b:s26+s5], $0x400, $0x38;
	[tilespmem:$0x1B190] =	vst v63  }
0x37: {  	v0 =	vld.idx.msk [tilespmem:v2+s5+$0x0], $0xffff;
	_ =	sdelay $0x4  }
0x38: {  	v0 =	vxor.u32 $0x80000000, v0  }
0x39: {  	(xrf0) =	vmax.scan.msk.u32 $0xffff, v0;
	_ =	sdelay $0x5  }
0x3a: {  	v0, _, _ =	vpop (xrf0)  }
0x3b: {  	(v2sf) =	vpush v0, $0xF;
	_ =	sdelay $0xe  }
0x3c: {  	s26 =	spop (v2sf)  }
0x3d: {  	s28 =	sshll.u32 s26, $0x4  }
0x3e: {  	s28 =	sand.u32 $0xFFFFF80, s28  }
0x3f: {  	s30 =	simm.s32 $0x880;
	s28 =	sadd.s32 s1, s28  }
0x40: {  	[tilespmem:s30], [sflag:$0x3] =	stream.linear.gather [hbm4b:s28+s5], $0x400, $0x38;
	[tilespmem:$0x1B190] =	vst v63  }
0x41: {  	v0 =	vld.idx.msk [tilespmem:v3+s5+$0x0], $0xffff;
	_ =	sdelay $0x4  }
0x42: {  	v0 =	vxor.u32 $0x80000000, v0  }
0x43: {  	(xrf0) =	vmax.scan.msk.u32 $0xffff, v0;
	_ =	sdelay $0x5  }
0x44: {  	v0, _, _ =	vpop (xrf0)  }
0x45: {  	(v2sf) =	vpush v0, $0xF;
	_ =	sdelay $0xe  }
0x46: {  	s28 =	spop (v2sf)  }
0x47: {  	s29 =	sshll.u32 s28, $0x4  }
0x48: {  	s29 =	sand.u32 $0xFFFFF80, s29  }
0x49: {  	s3 =	simm.s32 $0xC80;
	s29 =	sadd.s32 s1, s29  }
0x4a: {  	[tilespmem:s3], [sflag:$0x3] =	stream.linear.gather [hbm4b:s29+s5], $0x400, $0x38;
	[tilespmem:$0x1B190] =	vst v63  }
0x4b: {  	v0 =	vld.idx.msk [tilespmem:v4+s5+$0x0], $0xffff;
	_ =	sdelay $0x4  }
0x4c: {  	v0 =	vxor.u32 $0x80000000, v0  }
0x4d: {  	(xrf0) =	vmax.scan.msk.u32 $0xffff, v0;
	_ =	sdelay $0x5  }
0x4e: {  	v0, _, _ =	vpop (xrf0)  }
0x4f: {  	(v2sf) =	vpush v0, $0xF;
	_ =	sdelay $0xe  }
0x50: {  	s29 =	spop (v2sf)  }
0x51: {  	s30 =	sshll.u32 s29, $0x4  }
0x52: {  	s30 =	sand.u32 $0xFFFFF80, s30  }
0x53: {  	s20 =	simm.s32 $0x1080;
	s30 =	sadd.s32 s1, s30  }
0x54: {  	[tilespmem:s20], [sflag:$0x3] =	stream.linear.gather [hbm4b:s30+s5], $0x400, $0x38;
	[tilespmem:$0x1B190] =	vst v63  }
0x55: {  	v0 =	vld.idx.msk [tilespmem:v5+s5+$0x0], $0xffff;
	_ =	sdelay $0x4  }
0x56: {  	v0 =	vxor.u32 $0x80000000, v0  }
0x57: {  	(xrf0) =	vmax.scan.msk.u32 $0xffff, v0;
	_ =	sdelay $0x5  }
0x58: {  	v0, _, _ =	vpop (xrf0)  }
0x59: {  	(v2sf) =	vpush v0, $0xF;
	_ =	sdelay $0xe  }
0x5a: {  	s30 =	spop (v2sf)  }
0x5b: {  	s3 =	sshll.u32 s30, $0x4  }
0x5c: {  	s0 =	sand.u32 $0xFFFFF80, s3  }
0x5d: {  	s3 =	simm.s32 $0x1480;
	s0 =	sadd.s32 s1, s0  }
0x5e: {  	[tilespmem:s3], [sflag:$0x3] =	stream.linear.gather [hbm4b:s0+s5], $0x400, $0x38;
	[tilespmem:$0x1B190] =	vst v63  }
0x5f: {  	v0 =	vld.idx.msk [tilespmem:v6+s5+$0x0], $0xffff;
	_ =	sdelay $0x4  }
0x60: {  	v0 =	vxor.u32 $0x80000000, v0  }
0x61: {  	(xrf0) =	vmax.scan.msk.u32 $0xffff, v0;
	_ =	sdelay $0x5  }
0x62: {  	v0, _, _ =	vpop (xrf0)  }
0x63: {  	(v2sf) =	vpush v0, $0xF;
	_ =	sdelay $0xe  }
0x64: {  	s0 =	spop (v2sf)  }
0x65: {  	s20 =	sshll.u32 s0, $0x4  }
0x66: {  	s3 =	sand.u32 $0xFFFFF80, s20  }
0x67: {  	s20 =	simm.s32 $0x1880;
	s3 =	sadd.s32 s1, s3  }
0x68: {  	[tilespmem:s20], [sflag:$0x3] =	stream.linear.gather [hbm4b:s3+s5], $0x400, $0x38;
	[tilespmem:$0x1B190] =	vst v63  }
0x69: {  	v0 =	vld.idx.msk [tilespmem:v7+s5+$0x0], $0xffff;
	_ =	sdelay $0x4  }
0x6a: {  	v0 =	vxor.u32 $0x80000000, v0  }
0x6b: {  	(xrf0) =	vmax.scan.msk.u32 $0xffff, v0;
	_ =	sdelay $0x5  }
0x6c: {  	v0, _, _ =	vpop (xrf0)  }
0x6d: {  	(v2sf) =	vpush v0, $0xF;
	_ =	sdelay $0xe  }
0x6e: {  	s3 =	spop (v2sf)  }
0x6f: {  	s20 =	sshll.u32 s3, $0x4  }
0x70: {  	s20 =	sand.u32 $0xFFFFF80, s20  }
0x71: {  	s20 =	sadd.s32 s1, s20  }
0x72: {  	[tilespmem:s4], [sflag:$0x3] =	stream.linear.gather [hbm4b:s20+s5], $0x400, $0x38;
	[tilespmem:$0x1B190] =	vst v63  }
0x73: {  	_ =	swait.ge [sflag:s31], $0x400  }
0x74: {  	[sflag:s31] =	ssyncset.done $0x0  }
0x75: {  	[sflag:s31] =	ssyncadd.s32 $0xFFFFFC00  }
0x76: {  	_ =	swait.ge [sflag:s31], $0x400  }
0x77: {  	[sflag:s31] =	ssyncset.done $0x0  }
0x78: {  	[sflag:s31] =	ssyncadd.s32 $0xFFFFFC00  }
0x79: {  	_ =	swait.ge [sflag:s31], $0x400  }
0x7a: {  	[sflag:s31] =	ssyncset.done $0x0  }
0x7b: {  	[sflag:s31] =	ssyncadd.s32 $0xFFFFFC00  }
0x7c: {  	_ =	swait.ge [sflag:s31], $0x400  }
0x7d: {  	[sflag:s31] =	ssyncset.done $0x0  }
0x7e: {  	[sflag:s31] =	ssyncadd.s32 $0xFFFFFC00  }
0x7f: {  	_ =	swait.ge [sflag:s31], $0x400  }
0x80: {  	[sflag:s31] =	ssyncset.done $0x0  }
0x81: {  	[sflag:s31] =	ssyncadd.s32 $0xFFFFFC00  }
0x82: {  	_ =	swait.ge [sflag:s31], $0x400  }
0x83: {  	[sflag:s31] =	ssyncset.done $0x0  }
0x84: {  	[sflag:s31] =	ssyncadd.s32 $0xFFFFFC00  }
0x85: {  	_ =	swait.ge [sflag:s31], $0x400  }
0x86: {  	v8 =	vld [tilespmem:$0x1FFD0];
	_ =	sdelay $0x2  }
0x87: {  	s26 =	sand.u32 $0x7, s26  }
0x88: {  	s26 =	sshll.u32 s26, $0x7  }
0x89: {  	v18 =	vadd.s32 s26, v8;
	v8 =	vld [tilespmem:$0x1FFE0];
	_ =	sdelay $0x1  }
0x8a: {  	v0 =	vld [tilespmem:$0x1FFC0]  }
0x8b: {  	s28 =	sand.u32 $0x7, s28  }
0x8c: {  	s26 =	sshll.u32 s28, $0x7  }
0x8d: {  	s24 =	sand.u32 $0x7, s24;
	s25 =	sand.u32 $0x7, s25;
	v19 =	vadd.s32 s26, v8;
	v8 =	vld [tilespmem:$0x1FFF0]  }
0x8e: {  	s20 =	sshll.u32 s24, $0x7;
	s24 =	sshll.u32 s25, $0x7  }
0x8f: {  	s20 =	sor.u32 s10, s20;
	v0 =	vadd.s32 s24, v0  }
0x90: {  	v17 =	vmov s20;
	[sflag:s31] =	ssyncset.done $0x0;
	s28 =	sand.u32 $0x7, s29;
	v0 =	vbroadcast v0, $0x0  }
0x91: {  	s30 =	sand.u32 $0x7, s30;
	[sflag:s31] =	ssyncadd.s32 $0xFFFFFC00;
	v18 =	vbroadcast v18, $0x0;
	s29 =	sshll.u32 s28, $0x7  }
0x92: {  	s0 =	sand.u32 $0x7, s0;
	s25 =	sshll.u32 s30, $0x7;
	_ =	swait.ge [sflag:s31], $0x400;
	v19 =	vbroadcast v19, $0x0;
	v20 =	vadd.s32 s29, v8  }
0x93: {  	s0 =	sshll.u32 s0, $0x7;
	s3 =	sand.u32 $0x7, s3;
	v21 =	vadd.s32 s25, v12;
	[sflag:s31] =	ssyncset.done $0x0;
	v20 =	vbroadcast v20, $0x0  }
0x94: {  	v22 =	vadd.s32 s0, v13;
	v21 =	vbroadcast v21, $0x0;
	s26 =	sshll.u32 s3, $0x7;
	[sflag:s31] =	ssyncadd.s32 $0xFFFFFC00  }
0x95: {  	v22 =	vbroadcast v22, $0x0;
	v23 =	vadd.s32 s26, v14;
	v17 =	vld.idx.msk [tilespmem:v17+s22+$0x0], $0xffff  }
0x96: {  	v23 =	vbroadcast v23, $0x0;
	v0 =	vld.idx.msk [tilespmem:v0+s22+$0x0], $0xffff  }
0x97: {  	v18 =	vld.idx.msk [tilespmem:v18+s22+$0x0], $0xffff  }
0x98: {  	v19 =	vld.idx.msk [tilespmem:v19+s22+$0x0], $0xffff  }
0x99: {  	v20 =	vld.idx.msk [tilespmem:v20+s22+$0x0], $0xffff  }
0x9a: {  	v21 =	vld.idx.msk [tilespmem:v21+s22+$0x0], $0xffff;
	v17 =	vnsel vm7, $0x0, v17  }
0x9b: {  	v0 =	vsel vm6, v0, v17;
	v17 =	vld.idx.msk [tilespmem:v22+s22+$0x0], $0xffff  }
0x9c: {  	v0 =	vsel vm5, v18, v0;
	v18 =	vld.idx.msk [tilespmem:v23+s22+$0x0], $0xffff  }
0x9d: {  	v0 =	vsel vm4, v19, v0  }
0x9e: {  	v0 =	vsel vm3, v20, v0  }
0x9f: {  	v0 =	vsel vm2, v21, v0  }
0xa0: {  	v0 =	vsel vm1, v17, v0  }
0xa1: {  	v0 =	vsel vm0, v18, v0  }
0xa2: {  	s28 =	simm.s32 $0x1B080;
	[tilespmem:$0x1B080] =	vst v0  }
0xa3: {  	[spmem:s11] =	stream.linear.scatter [tilespmem:s28], [sflag:$0x5], $0x80, $0x38;
	[tilespmem:$0x1B190] =	vst v63  }
0xa4: {  	_ =	swait.ge [sflag:s21], $0x80  }
0xa5: {  	[sflag:s21] =	ssyncset.done $0x0  }
0xa6: {  	[sflag:s21] =	ssyncadd.s32 $0xFFFFFF80  }
0xa7: {  	[bflag:$0x0] =	sbarrier.arrive $0xFFFF  }
0xa8: {  	s30 =	simm.s32 $0x2080;
	s29 =	rddreg [dreg:$0x3]  }
0xa9: {  	[tilespmem:s30], [sflag:$0x5] =	stream.linear.gather [spmem:s29], $0x800, $0x38;
	[tilespmem:$0x1B190] =	vst v63  }
0xaa: {  	_ =	swait.ge [sflag:s21], $0x800  }
0xab: {  	[sflag:s21] =	ssyncset.done $0x0  }
0xac: {  	[sflag:s21] =	ssyncadd.s32 $0xFFFFF800  }
0xad: {  	v0 =	vld [tilespmem:$0x2080]  }
0xae: {  	v17 =	vld [tilespmem:$0x2100]  }
0xaf: {  	v18 =	vld [tilespmem:$0x2180]  }
0xb0: {  	v19 =	vld [tilespmem:$0x2200]  }
0xb1: {  	v20 =	vld [tilespmem:$0x2280]  }
0xb2: {  	v21 =	vld [tilespmem:$0x2300]  }
0xb3: {  	v23 =	vld [tilespmem:$0x2580]  }
0xb4: {  	v25 =	vld [tilespmem:$0x2600];
	_ =	sdelay $0x2  }
0xb5: {  	v41 =	vimm.s32 $0x0  }
0xb6: {  	v42 =	vimm.s32 $0x0;
	v38 =	vadd.f32 v17, v0;
	v0 =	vld [tilespmem:$0x2380];
	v35 =	vadd.f32 v19, v18  }
0xb7: {  	v43 =	vimm.s32 $0x0;
	v17 =	vld [tilespmem:$0x2400];
	v32 =	vadd.f32 v21, v20;
	v23 =	vadd.f32 v25, v23  }
0xb8: {  	v18 =	vld [tilespmem:$0x2480];
	vm8 =	vgt.s32 v38, $0x0;
	v22 =	vadd.s32 $0xFFFFFFFF, v38;
	vm9 =	veq.f32 v38, $0.0e+00  }
0xb9: {  	v20 =	vld [tilespmem:$0x2500];
	v19 =	vadd.s32 $0x1, v38;
	vm14 =	veq.f32 v35, $0.0e+00;
	v21 =	vadd.s32 $0x1, v35  }
0xba: {  	vm15 =	veq.f32 v32, $0.0e+00;
	v24 =	vadd.s32 $0x1, v32;
	vm10 =	vgt.s32 v35, $0x0  }
0xbb: {  	v40 =	vld [tilespmem:$0x0];
	v26 =	vadd.s32 $0xFFFFFFFF, v35;
	vm12 =	vgt.s32 v32, $0x0;
	v21 =	vsel vm14, $0x80000001, v21  }
0xbc: {  	v27 =	vadd.s32 $0xFFFFFFFF, v32;
	v19 =	vsel vm9, $0x80000001, v19;
	v36 =	vsel vm10, v26, v21;
	v21 =	vld [tilespmem:$0x2780]  }
0xbd: {  	v31 =	vadd.s32 $0xFFFFFFFF, v23;
	v39 =	vsel vm8, v22, v19;
	v22 =	vld [tilespmem:$0x2800];
	v29 =	vadd.f32 v17, v0  }
0xbe: {  	v24 =	vsel vm15, $0x80000001, v24;
	vm15 =	veq.f32 v23, $0.0e+00;
	v0 =	vld [tilespmem:$0x2680];
	v26 =	vadd.f32 v20, v18  }
0xbf: {  	v33 =	vsel vm12, v27, v24;
	v18 =	vld [tilespmem:$0x2700];
	vm8 =	vgt.s32 v29, $0x0;
	vm13 =	veq.f32 v29, $0.0e+00  }
0xc0: {  	v37 =	vld [tilespmem:$0x10];
	v19 =	vadd.s32 $0x1, v29;
	vm14 =	veq.f32 v26, $0.0e+00;
	v20 =	vadd.s32 $0x1, v26  }
0xc1: {  	v34 =	vld [tilespmem:$0x20];
	vm12 =	vgt.s32 v26, $0x0;
	v25 =	vadd.s32 $0xFFFFFFFF, v26;
	v24 =	vsel vm14, $0x80000001, v20  }
0xc2: {  	v17 =	vadd.s32 $0xFFFFFFFF, v29;
	v19 =	vsel vm13, $0x80000001, v19;
	v27 =	vsel vm12, v25, v24;
	v25 =	vld [tilespmem:$0x50]  }
0xc3: {  	v20 =	vadd.s32 $0x1, v23;
	v30 =	vsel vm8, v17, v19;
	v17 =	vadd.f32 v22, v21;
	v22 =	vld [tilespmem:$0x60]  }
0xc4: {  	vm13 =	vgt.s32 v23, $0x0;
	v28 =	vsel vm15, $0x80000001, v20;
	v19 =	vld [tilespmem:$0x70];
	v20 =	vadd.f32 v18, v0  }
0xc5: {  	v44 =	vimm.s32 $0x0;
	v45 =	vimm.s32 $0x0;
	v24 =	vsel vm13, v31, v28;
	v31 =	vld [tilespmem:$0x30]  }
0xc6: {  	v46 =	vimm.s32 $0x0;
	v28 =	vld [tilespmem:$0x40];
	vm8 =	veq.f32 v20, $0.0e+00;
	v0 =	vadd.s32 $0x1, v20  }
0xc7: {  	vm14 =	vgt.s32 v20, $0x0;
	v18 =	vadd.s32 $0xFFFFFFFF, v20;
	v0 =	vsel vm8, $0x80000001, v0  }
0xc8: {  	vm8 =	veq.f32 v17, $0.0e+00;
	v21 =	vsel vm14, v18, v0;
	v0 =	vadd.s32 $0x1, v17  }
0xc9: {  	vm15 =	vgt.s32 v17, $0x0;
	v18 =	vadd.s32 $0xFFFFFFFF, v17;
	v0 =	vsel vm8, $0x80000001, v0  }
0xca: {  	v47 =	vimm.s32 $0x0;
	v48 =	vimm.s32 $0x0;
	s24 =	simm.s32 $0x0;
	v18 =	vsel vm15, v18, v0  }
.LBB2_2:
0xcb: {  	s25 =	smul.u32 $0x270, s24;
	_ =	sdelay $0x1  }
0xcc: {  	s26 =	sadd.s32 s6, s25  }
0xcd: {  	s0 =	sadd.s32 $0x0, s26  }
0xce: {  	_ =	swait.ge [sflag:s15], $0x9C00;
	v49 =	vmov s0  }
0xcf: {  	[sflag:s15] =	ssyncset.done $0x0;
	v53 =	vor.u32 $0x6, v49;
	v54 =	vor.u32 $0x7, v49  }
0xd0: {  	s28 =	simm.s32 $0x2A80;
	[sflag:s15] =	ssyncadd.s32 $0xFFFF6400;
	v51 =	vor.u32 $0x3, v49;
	v52 =	vor.u32 $0x4, v49;
	v56 =	vor.u32 $0x5, v49  }
0xd1: {  	s29 =	simm.s32 $0x8;
	v50 =	vld [tilespmem:s28+$0xFFFFFE00];
	vm8 =	vlt.s32 v49, v40;
	v55 =	vor.u32 $0x1, v49;
	v57 =	vor.u32 $0x2, v49  }
.LBB2_3:
0xd2: {  	p0 =	sne.s32 s29, $0x130;
	v0 =	vld [tilespmem:s28+$0xFFFFFE80];
	vm9 =	vlt.s32 v56, v40;
	vm10 =	vlt.s32 v53, v40;
	vm11 =	vlt.s32 v54, v40  }
0xd3: {  	vm12 =	vlt.s32 v57, v40;
	vm13 =	vlt.s32 v51, v40;
	vm14 =	vlt.s32 v52, v40;
	v53 =	vld [tilespmem:s28+$0xFFFFFF00]  }
0xd4: {  	v51 =	vsel vm8, v39, v38;
	vm8 =	vlt.s32 v55, v40;
	v54 =	vsel vm11, v39, v38;
	v52 =	vld [tilespmem:s28+$0xFFFFFF80]  }
0xd5: {  	v56 =	vsel vm14, v39, v38;
	v57 =	vsel vm9, v39, v38;
	v58 =	vsel vm10, v39, v38;
	v55 =	vld [tilespmem:s28+$0x0]  }
0xd6: {  	vm9 =	vgt.f32 v50, v51;
	v50 =	vsel vm8, v39, v38;
	v51 =	vsel vm13, v39, v38;
	v59 =	vld [tilespmem:s28+$0x80]  }
0xd7: {  	v60 =	vsel vm9, $0x1, v16;
	vm8 =	vgt.f32 v0, v50;
	v0 =	vsel vm12, v39, v38;
	v50 =	vld [tilespmem:s28+$0x100]  }
0xd8: {  	v48 =	vadd.s32 v60, v48;
	v60 =	vsel vm8, $0x1, v16;
	vm8 =	vgt.f32 v53, v0;
	v0 =	vld [tilespmem:s28+$0x180]  }
0xd9: {  	v48 =	vadd.s32 v60, v48;
	v53 =	vsel vm8, $0x1, v16;
	vm8 =	vgt.f32 v52, v51  }
0xda: {  	v48 =	vadd.s32 v53, v48;
	v51 =	vsel vm8, $0x1, v16;
	vm8 =	vgt.f32 v55, v56  }
0xdb: {  	v48 =	vadd.s32 v51, v48;
	v51 =	vsel vm8, $0x1, v16;
	vm8 =	vgt.f32 v59, v57  }
0xdc: {  	v48 =	vadd.s32 v51, v48;
	v51 =	vsel vm8, $0x1, v16;
	vm8 =	vgt.f32 v50, v58  }
.Ltmp0:
0xdd: {  	s0 =	sadd.s32 s26, s29;
	v48 =	vadd.s32 v51, v48;
	v50 =	vsel vm8, $0x1, v16;
	vm8 =	vgt.f32 v0, v54;
	(pc) =	sbr.rel @p0 .LBB2_3-.Ltmp0, $4  }
0xde: {  	v0 =	vmov s0;
	v48 =	vadd.s32 v50, v48;
	v50 =	vsel vm8, $0x1, v16  }
0xdf: {  	v53 =	vor.u32 $0x6, v0;
	v54 =	vor.u32 $0x7, v0;
	v48 =	vadd.s32 v50, v48  }
0xe0: {  	s28 =	sadd.s32 $0x400, s28;
	v51 =	vor.u32 $0x3, v0;
	v52 =	vor.u32 $0x4, v0;
	v56 =	vor.u32 $0x5, v0  }
0xe1: {  	s29 =	sadd.s32 $0x8, s29;
	vm8 =	vlt.s32 v0, v40;
	v55 =	vor.u32 $0x1, v0;
	v57 =	vor.u32 $0x2, v0;
	v50 =	vld [tilespmem:s28+$0xFFFFFE00]  }
0xe2: {  	v0 =	vld [tilespmem:s28+$0xFFFFFE80];
	vm9 =	vlt.s32 v56, v40;
	vm10 =	vlt.s32 v53, v40  }
0xe3: {  	vm11 =	vlt.s32 v54, v40;
	v53 =	vld [tilespmem:s28+$0xFFFFFF00];
	vm12 =	vlt.s32 v57, v40;
	vm13 =	vlt.s32 v51, v40  }
0xe4: {  	vm14 =	vlt.s32 v52, v40;
	v10 =	vsel vm8, v39, v38;
	vm8 =	vlt.s32 v55, v40  }
0xe5: {  	v52 =	vld [tilespmem:s28+$0xFFFFFF80];
	v54 =	vsel vm11, v39, v38;
	v56 =	vsel vm14, v39, v38;
	v57 =	vsel vm9, v39, v38  }
0xe6: {  	v55 =	vld [tilespmem:s28+$0x0];
	v58 =	vsel vm10, v39, v38;
	v11 =	vsel vm8, v39, v38;
	vm9 =	vgt.f32 v50, v10  }
0xe7: {  	v60 =	vsel vm9, $0x1, v16;
	vm8 =	vgt.f32 v0, v11;
	v0 =	vsel vm12, v39, v38  }
0xe8: {  	v59 =	vld [tilespmem:s28+$0x80];
	v48 =	vadd.s32 v60, v48;
	v11 =	vsel vm8, $0x1, v16;
	vm8 =	vgt.f32 v53, v0  }
0xe9: {  	v9 =	vsel vm13, v39, v38;
	v10 =	vld [tilespmem:s28+$0x100];
	v48 =	vadd.s32 v11, v48;
	v53 =	vsel vm8, $0x1, v16  }
0xea: {  	v0 =	vld [tilespmem:s28+$0x180];
	vm8 =	vgt.f32 v52, v9;
	v52 =	vor.u32 $0x4, v49;
	v48 =	vadd.s32 v53, v48  }
0xeb: {  	v51 =	vsel vm8, $0x1, v16;
	vm8 =	vgt.f32 v55, v56;
	v53 =	vor.u32 $0x6, v49  }
0xec: {  	v56 =	vor.u32 $0x5, v49;
	v55 =	vor.u32 $0x1, v49;
	v48 =	vadd.s32 v51, v48  }
0xed: {  	v61 =	vsel vm8, $0x1, v16;
	vm8 =	vgt.f32 v59, v57;
	v51 =	vor.u32 $0x3, v49  }
0xee: {  	v48 =	vadd.s32 v61, v48;
	v62 =	vsel vm8, $0x1, v16;
	vm8 =	vgt.f32 v10, v58  }
0xef: {  	v48 =	vadd.s32 v62, v48;
	v50 =	vsel vm8, $0x1, v16;
	vm8 =	vgt.f32 v0, v54  }
0xf0: {  	s28 =	simm.s32 $0x2A90;
	v54 =	vor.u32 $0x7, v49;
	v0 =	vadd.s32 v50, v48;
	v63 =	vsel vm8, $0x1, v16  }
0xf1: {  	s29 =	simm.s32 $0x8;
	v50 =	vld [tilespmem:s28+$0xFFFFFE00];
	vm8 =	vlt.s32 v49, v37;
	v49 =	vor.u32 $0x2, v49;
	v48 =	vadd.s32 v63, v0  }
.LBB2_5:
0xf2: {  	p0 =	sne.s32 s29, $0x130;
	v0 =	vld [tilespmem:s28+$0xFFFFFE80];
	vm9 =	vlt.s32 v56, v37;
	vm10 =	vlt.s32 v53, v37;
	vm11 =	vlt.s32 v54, v37  }
0xf3: {  	vm12 =	vlt.s32 v49, v37;
	vm13 =	vlt.s32 v51, v37;
	vm14 =	vlt.s32 v52, v37;
	v53 =	vld [tilespmem:s28+$0xFFFFFF00]  }
0xf4: {  	v49 =	vsel vm8, v36, v35;
	vm8 =	vlt.s32 v55, v37;
	v52 =	vsel vm11, v36, v35;
	v51 =	vld [tilespmem:s28+$0xFFFFFF80]  }
0xf5: {  	v55 =	vsel vm14, v36, v35;
	v56 =	vsel vm9, v36, v35;
	v57 =	vsel vm10, v36, v35;
	v54 =	vld [tilespmem:s28+$0x0]  }
0xf6: {  	vm9 =	vgt.f32 v50, v49;
	v49 =	vsel vm8, v36, v35;
	v50 =	vsel vm13, v36, v35;
	v58 =	vld [tilespmem:s28+$0x80]  }
0xf7: {  	v59 =	vsel vm9, $0x1, v16;
	vm8 =	vgt.f32 v0, v49;
	v0 =	vsel vm12, v36, v35;
	v49 =	vld [tilespmem:s28+$0x100]  }
0xf8: {  	v47 =	vadd.s32 v59, v47;
	v59 =	vsel vm8, $0x1, v16;
	vm8 =	vgt.f32 v53, v0;
	v0 =	vld [tilespmem:s28+$0x180]  }
0xf9: {  	v47 =	vadd.s32 v59, v47;
	v53 =	vsel vm8, $0x1, v16;
	vm8 =	vgt.f32 v51, v50  }
0xfa: {  	v47 =	vadd.s32 v53, v47;
	v50 =	vsel vm8, $0x1, v16;
	vm8 =	vgt.f32 v54, v55  }
0xfb: {  	v47 =	vadd.s32 v50, v47;
	v50 =	vsel vm8, $0x1, v16;
	vm8 =	vgt.f32 v58, v56  }
0xfc: {  	v47 =	vadd.s32 v50, v47;
	v50 =	vsel vm8, $0x1, v16;
	vm8 =	vgt.f32 v49, v57  }
.Ltmp1:
0xfd: {  	s0 =	sadd.s32 s26, s29;
	v47 =	vadd.s32 v50, v47;
	v49 =	vsel vm8, $0x1, v16;
	vm8 =	vgt.f32 v0, v52;
	(pc) =	sbr.rel @p0 .LBB2_5-.Ltmp1, $4  }
0xfe: {  	v0 =	vmov s0;
	v47 =	vadd.s32 v49, v47;
	v49 =	vsel vm8, $0x1, v16  }
0xff: {  	v53 =	vor.u32 $0x6, v0;
	v54 =	vor.u32 $0x7, v0;
	v47 =	vadd.s32 v49, v47  }
0x100: {  	s28 =	sadd.s32 $0x400, s28;
	v51 =	vor.u32 $0x3, v0;
	v52 =	vor.u32 $0x4, v0;
	v56 =	vor.u32 $0x5, v0  }
0x101: {  	s29 =	sadd.s32 $0x8, s29;
	vm8 =	vlt.s32 v0, v37;
	v55 =	vor.u32 $0x1, v0;
	v49 =	vor.u32 $0x2, v0;
	v50 =	vld [tilespmem:s28+$0xFFFFFE00]  }
0x102: {  	v0 =	vld [tilespmem:s28+$0xFFFFFE80];
	vm9 =	vlt.s32 v56, v37;
	vm10 =	vlt.s32 v53, v37;
	vm11 =	vlt.s32 v54, v37  }
0x103: {  	v53 =	vld [tilespmem:s28+$0xFFFFFF00];
	vm12 =	vlt.s32 v49, v37;
	vm13 =	vlt.s32 v51, v37;
	vm14 =	vlt.s32 v52, v37  }
0x104: {  	v60 =	vsel vm8, v36, v35;
	vm8 =	vlt.s32 v55, v37;
	v61 =	vld [tilespmem:s28+$0xFFFFFF80];
	v52 =	vsel vm11, v36, v35  }
0x105: {  	v62 =	vld [tilespmem:s28+$0x0];
	v63 =	vsel vm14, v36, v35;
	v56 =	vsel vm9, v36, v35;
	v57 =	vsel vm10, v36, v35  }
0x106: {  	v58 =	vld [tilespmem:s28+$0x80];
	v9 =	vsel vm8, v36, v35;
	v10 =	vsel vm13, v36, v35;
	vm9 =	vgt.f32 v50, v60  }
0x107: {  	v11 =	vld [tilespmem:s28+$0x100];
	v59 =	vsel vm9, $0x1, v16;
	vm8 =	vgt.f32 v0, v9;
	v0 =	vsel vm12, v36, v35  }
0x108: {  	v47 =	vadd.s32 v59, v47;
	v60 =	vsel vm8, $0x1, v16;
	vm8 =	vgt.f32 v53, v0;
	v0 =	vld [tilespmem:s28+$0x180]  }
0x109: {  	v47 =	vadd.s32 v60, v47;
	v53 =	vsel vm8, $0x1, v16;
	vm8 =	vgt.f32 v61, v10  }
0x10a: {  	v47 =	vadd.s32 v53, v47;
	v50 =	vsel vm8, $0x1, v16;
	vm8 =	vgt.f32 v62, v63  }
0x10b: {  	v47 =	vadd.s32 v50, v47;
	v61 =	vsel vm8, $0x1, v16;
	vm8 =	vgt.f32 v58, v56  }
0x10c: {  	v47 =	vadd.s32 v61, v47;
	v62 =	vsel vm8, $0x1, v16;
	vm8 =	vgt.f32 v11, v57  }
0x10d: {  	s0 =	sadd.s32 $0x0, s26;
	v47 =	vadd.s32 v62, v47;
	v49 =	vsel vm8, $0x1, v16;
	vm8 =	vgt.f32 v0, v52  }
0x10e: {  	v0 =	vadd.s32 v49, v47;
	v63 =	vsel vm8, $0x1, v16;
	v49 =	vmov s0  }
0x10f: {  	v47 =	vadd.s32 v63, v0;
	v53 =	vor.u32 $0x6, v49;
	v54 =	vor.u32 $0x7, v49  }
0x110: {  	s28 =	simm.s32 $0x2AA0;
	v51 =	vor.u32 $0x3, v49;
	v52 =	vor.u32 $0x4, v49;
	v56 =	vor.u32 $0x5, v49  }
0x111: {  	s29 =	simm.s32 $0x8;
	v50 =	vld [tilespmem:s28+$0xFFFFFE00];
	vm8 =	vlt.s32 v49, v34;
	v55 =	vor.u32 $0x1, v49;
	v57 =	vor.u32 $0x2, v49  }
.LBB2_7:
0x112: {  	p0 =	sne.s32 s29, $0x130;
	v0 =	vld [tilespmem:s28+$0xFFFFFE80];
	vm9 =	vlt.s32 v56, v34;
	vm10 =	vlt.s32 v53, v34;
	vm11 =	vlt.s32 v54, v34  }
0x113: {  	vm12 =	vlt.s32 v57, v34;
	vm13 =	vlt.s32 v51, v34;
	vm14 =	vlt.s32 v52, v34;
	v53 =	vld [tilespmem:s28+$0xFFFFFF00]  }
0x114: {  	v51 =	vsel vm8, v33, v32;
	vm8 =	vlt.s32 v55, v34;
	v54 =	vsel vm11, v33, v32;
	v52 =	vld [tilespmem:s28+$0xFFFFFF80]  }
0x115: {  	v56 =	vsel vm14, v33, v32;
	v57 =	vsel vm9, v33, v32;
	v58 =	vsel vm10, v33, v32;
	v55 =	vld [tilespmem:s28+$0x0]  }
0x116: {  	vm9 =	vgt.f32 v50, v51;
	v50 =	vsel vm8, v33, v32;
	v51 =	vsel vm13, v33, v32;
	v59 =	vld [tilespmem:s28+$0x80]  }
0x117: {  	v60 =	vsel vm9, $0x1, v16;
	vm8 =	vgt.f32 v0, v50;
	v0 =	vsel vm12, v33, v32;
	v50 =	vld [tilespmem:s28+$0x100]  }
0x118: {  	v46 =	vadd.s32 v60, v46;
	v60 =	vsel vm8, $0x1, v16;
	vm8 =	vgt.f32 v53, v0;
	v0 =	vld [tilespmem:s28+$0x180]  }
0x119: {  	v46 =	vadd.s32 v60, v46;
	v53 =	vsel vm8, $0x1, v16;
	vm8 =	vgt.f32 v52, v51  }
0x11a: {  	v46 =	vadd.s32 v53, v46;
	v51 =	vsel vm8, $0x1, v16;
	vm8 =	vgt.f32 v55, v56  }
0x11b: {  	v46 =	vadd.s32 v51, v46;
	v51 =	vsel vm8, $0x1, v16;
	vm8 =	vgt.f32 v59, v57  }
0x11c: {  	v46 =	vadd.s32 v51, v46;
	v51 =	vsel vm8, $0x1, v16;
	vm8 =	vgt.f32 v50, v58  }
.Ltmp2:
0x11d: {  	s0 =	sadd.s32 s26, s29;
	v46 =	vadd.s32 v51, v46;
	v50 =	vsel vm8, $0x1, v16;
	vm8 =	vgt.f32 v0, v54;
	(pc) =	sbr.rel @p0 .LBB2_7-.Ltmp2, $4  }
0x11e: {  	v0 =	vmov s0;
	v46 =	vadd.s32 v50, v46;
	v50 =	vsel vm8, $0x1, v16  }
0x11f: {  	v53 =	vor.u32 $0x6, v0;
	v54 =	vor.u32 $0x7, v0;
	v46 =	vadd.s32 v50, v46  }
0x120: {  	s28 =	sadd.s32 $0x400, s28;
	v51 =	vor.u32 $0x3, v0;
	v52 =	vor.u32 $0x4, v0;
	v56 =	vor.u32 $0x5, v0  }
0x121: {  	s29 =	sadd.s32 $0x8, s29;
	vm8 =	vlt.s32 v0, v34;
	v55 =	vor.u32 $0x1, v0;
	v57 =	vor.u32 $0x2, v0;
	v50 =	vld [tilespmem:s28+$0xFFFFFE00]  }
0x122: {  	v0 =	vld [tilespmem:s28+$0xFFFFFE80];
	vm9 =	vlt.s32 v56, v34;
	vm10 =	vlt.s32 v53, v34  }
0x123: {  	vm11 =	vlt.s32 v54, v34;
	v53 =	vld [tilespmem:s28+$0xFFFFFF00];
	vm12 =	vlt.s32 v57, v34;
	vm13 =	vlt.s32 v51, v34  }
0x124: {  	vm14 =	vlt.s32 v52, v34;
	v10 =	vsel vm8, v33, v32;
	vm8 =	vlt.s32 v55, v34  }
0x125: {  	v52 =	vld [tilespmem:s28+$0xFFFFFF80];
	v54 =	vsel vm11, v33, v32;
	v56 =	vsel vm14, v33, v32;
	v57 =	vsel vm9, v33, v32  }
0x126: {  	v55 =	vld [tilespmem:s28+$0x0];
	v58 =	vsel vm10, v33, v32;
	v11 =	vsel vm8, v33, v32;
	vm9 =	vgt.f32 v50, v10  }
0x127: {  	v60 =	vsel vm9, $0x1, v16;
	vm8 =	vgt.f32 v0, v11;
	v0 =	vsel vm12, v33, v32  }
0x128: {  	v59 =	vld [tilespmem:s28+$0x80];
	v46 =	vadd.s32 v60, v46;
	v11 =	vsel vm8, $0x1, v16;
	vm8 =	vgt.f32 v53, v0  }
0x129: {  	v9 =	vsel vm13, v33, v32;
	v10 =	vld [tilespmem:s28+$0x100];
	v46 =	vadd.s32 v11, v46;
	v53 =	vsel vm8, $0x1, v16  }
0x12a: {  	v0 =	vld [tilespmem:s28+$0x180];
	vm8 =	vgt.f32 v52, v9;
	v52 =	vor.u32 $0x4, v49;
	v46 =	vadd.s32 v53, v46  }
0x12b: {  	v51 =	vsel vm8, $0x1, v16;
	vm8 =	vgt.f32 v55, v56;
	v53 =	vor.u32 $0x6, v49  }
0x12c: {  	v56 =	vor.u32 $0x5, v49;
	v55 =	vor.u32 $0x1, v49;
	v46 =	vadd.s32 v51, v46  }
0x12d: {  	v61 =	vsel vm8, $0x1, v16;
	vm8 =	vgt.f32 v59, v57;
	v51 =	vor.u32 $0x3, v49  }
0x12e: {  	v46 =	vadd.s32 v61, v46;
	v62 =	vsel vm8, $0x1, v16;
	vm8 =	vgt.f32 v10, v58  }
0x12f: {  	v46 =	vadd.s32 v62, v46;
	v50 =	vsel vm8, $0x1, v16;
	vm8 =	vgt.f32 v0, v54  }
0x130: {  	s28 =	simm.s32 $0x2AB0;
	v54 =	vor.u32 $0x7, v49;
	v0 =	vadd.s32 v50, v46;
	v63 =	vsel vm8, $0x1, v16  }
0x131: {  	s29 =	simm.s32 $0x8;
	v50 =	vld [tilespmem:s28+$0xFFFFFE00];
	vm8 =	vlt.s32 v49, v31;
	v49 =	vor.u32 $0x2, v49;
	v46 =	vadd.s32 v63, v0  }
.LBB2_9:
0x132: {  	p0 =	sne.s32 s29, $0x130;
	v0 =	vld [tilespmem:s28+$0xFFFFFE80];
	vm9 =	vlt.s32 v56, v31;
	vm10 =	vlt.s32 v53, v31;
	vm11 =	vlt.s32 v54, v31  }
0x133: {  	vm12 =	vlt.s32 v49, v31;
	vm13 =	vlt.s32 v51, v31;
	vm14 =	vlt.s32 v52, v31;
	v53 =	vld [tilespmem:s28+$0xFFFFFF00]  }
0x134: {  	v49 =	vsel vm8, v30, v29;
	vm8 =	vlt.s32 v55, v31;
	v52 =	vsel vm11, v30, v29;
	v51 =	vld [tilespmem:s28+$0xFFFFFF80]  }
0x135: {  	v55 =	vsel vm14, v30, v29;
	v56 =	vsel vm9, v30, v29;
	v57 =	vsel vm10, v30, v29;
	v54 =	vld [tilespmem:s28+$0x0]  }
0x136: {  	vm9 =	vgt.f32 v50, v49;
	v49 =	vsel vm8, v30, v29;
	v50 =	vsel vm13, v30, v29;
	v58 =	vld [tilespmem:s28+$0x80]  }
0x137: {  	v59 =	vsel vm9, $0x1, v16;
	vm8 =	vgt.f32 v0, v49;
	v0 =	vsel vm12, v30, v29;
	v49 =	vld [tilespmem:s28+$0x100]  }
0x138: {  	v45 =	vadd.s32 v59, v45;
	v59 =	vsel vm8, $0x1, v16;
	vm8 =	vgt.f32 v53, v0;
	v0 =	vld [tilespmem:s28+$0x180]  }
0x139: {  	v45 =	vadd.s32 v59, v45;
	v53 =	vsel vm8, $0x1, v16;
	vm8 =	vgt.f32 v51, v50  }
0x13a: {  	v45 =	vadd.s32 v53, v45;
	v50 =	vsel vm8, $0x1, v16;
	vm8 =	vgt.f32 v54, v55  }
0x13b: {  	v45 =	vadd.s32 v50, v45;
	v50 =	vsel vm8, $0x1, v16;
	vm8 =	vgt.f32 v58, v56  }
0x13c: {  	v45 =	vadd.s32 v50, v45;
	v50 =	vsel vm8, $0x1, v16;
	vm8 =	vgt.f32 v49, v57  }
.Ltmp3:
0x13d: {  	s0 =	sadd.s32 s26, s29;
	v45 =	vadd.s32 v50, v45;
	v49 =	vsel vm8, $0x1, v16;
	vm8 =	vgt.f32 v0, v52;
	(pc) =	sbr.rel @p0 .LBB2_9-.Ltmp3, $4  }
0x13e: {  	v0 =	vmov s0;
	v45 =	vadd.s32 v49, v45;
	v49 =	vsel vm8, $0x1, v16  }
0x13f: {  	v53 =	vor.u32 $0x6, v0;
	v54 =	vor.u32 $0x7, v0;
	v45 =	vadd.s32 v49, v45  }
0x140: {  	s28 =	sadd.s32 $0x400, s28;
	v51 =	vor.u32 $0x3, v0;
	v52 =	vor.u32 $0x4, v0;
	v56 =	vor.u32 $0x5, v0  }
0x141: {  	s29 =	sadd.s32 $0x8, s29;
	vm8 =	vlt.s32 v0, v31;
	v55 =	vor.u32 $0x1, v0;
	v49 =	vor.u32 $0x2, v0;
	v50 =	vld [tilespmem:s28+$0xFFFFFE00]  }
0x142: {  	v0 =	vld [tilespmem:s28+$0xFFFFFE80];
	vm9 =	vlt.s32 v56, v31;
	vm10 =	vlt.s32 v53, v31;
	vm11 =	vlt.s32 v54, v31  }
0x143: {  	v53 =	vld [tilespmem:s28+$0xFFFFFF00];
	vm12 =	vlt.s32 v49, v31;
	vm13 =	vlt.s32 v51, v31;
	vm14 =	vlt.s32 v52, v31  }
0x144: {  	v60 =	vsel vm8, v30, v29;
	vm8 =	vlt.s32 v55, v31;
	v61 =	vld [tilespmem:s28+$0xFFFFFF80];
	v52 =	vsel vm11, v30, v29  }
0x145: {  	v62 =	vld [tilespmem:s28+$0x0];
	v63 =	vsel vm14, v30, v29;
	v56 =	vsel vm9, v30, v29;
	v57 =	vsel vm10, v30, v29  }
0x146: {  	v58 =	vld [tilespmem:s28+$0x80];
	v9 =	vsel vm8, v30, v29;
	v10 =	vsel vm13, v30, v29;
	vm9 =	vgt.f32 v50, v60  }
0x147: {  	v11 =	vld [tilespmem:s28+$0x100];
	v59 =	vsel vm9, $0x1, v16;
	vm8 =	vgt.f32 v0, v9;
	v0 =	vsel vm12, v30, v29  }
0x148: {  	v45 =	vadd.s32 v59, v45;
	v60 =	vsel vm8, $0x1, v16;
	vm8 =	vgt.f32 v53, v0;
	v0 =	vld [tilespmem:s28+$0x180]  }
0x149: {  	v45 =	vadd.s32 v60, v45;
	v53 =	vsel vm8, $0x1, v16;
	vm8 =	vgt.f32 v61, v10  }
0x14a: {  	v45 =	vadd.s32 v53, v45;
	v50 =	vsel vm8, $0x1, v16;
	vm8 =	vgt.f32 v62, v63  }
0x14b: {  	v45 =	vadd.s32 v50, v45;
	v61 =	vsel vm8, $0x1, v16;
	vm8 =	vgt.f32 v58, v56  }
0x14c: {  	v45 =	vadd.s32 v61, v45;
	v62 =	vsel vm8, $0x1, v16;
	vm8 =	vgt.f32 v11, v57  }
0x14d: {  	s0 =	sadd.s32 $0x0, s26;
	v45 =	vadd.s32 v62, v45;
	v49 =	vsel vm8, $0x1, v16;
	vm8 =	vgt.f32 v0, v52  }
0x14e: {  	v0 =	vadd.s32 v49, v45;
	v63 =	vsel vm8, $0x1, v16;
	v49 =	vmov s0  }
0x14f: {  	v45 =	vadd.s32 v63, v0;
	v53 =	vor.u32 $0x6, v49;
	v54 =	vor.u32 $0x7, v49  }
0x150: {  	s28 =	simm.s32 $0x2AC0;
	v51 =	vor.u32 $0x3, v49;
	v52 =	vor.u32 $0x4, v49;
	v56 =	vor.u32 $0x5, v49  }
0x151: {  	s29 =	simm.s32 $0x8;
	v50 =	vld [tilespmem:s28+$0xFFFFFE00];
	vm8 =	vlt.s32 v49, v28;
	v55 =	vor.u32 $0x1, v49;
	v57 =	vor.u32 $0x2, v49  }
.LBB2_11:
0x152: {  	p0 =	sne.s32 s29, $0x130;
	v0 =	vld [tilespmem:s28+$0xFFFFFE80];
	vm9 =	vlt.s32 v56, v28;
	vm10 =	vlt.s32 v53, v28;
	vm11 =	vlt.s32 v54, v28  }
0x153: {  	vm12 =	vlt.s32 v57, v28;
	vm13 =	vlt.s32 v51, v28;
	vm14 =	vlt.s32 v52, v28;
	v53 =	vld [tilespmem:s28+$0xFFFFFF00]  }
0x154: {  	v51 =	vsel vm8, v27, v26;
	vm8 =	vlt.s32 v55, v28;
	v54 =	vsel vm11, v27, v26;
	v52 =	vld [tilespmem:s28+$0xFFFFFF80]  }
0x155: {  	v56 =	vsel vm14, v27, v26;
	v57 =	vsel vm9, v27, v26;
	v58 =	vsel vm10, v27, v26;
	v55 =	vld [tilespmem:s28+$0x0]  }
0x156: {  	vm9 =	vgt.f32 v50, v51;
	v50 =	vsel vm8, v27, v26;
	v51 =	vsel vm13, v27, v26;
	v59 =	vld [tilespmem:s28+$0x80]  }
0x157: {  	v60 =	vsel vm9, $0x1, v16;
	vm8 =	vgt.f32 v0, v50;
	v0 =	vsel vm12, v27, v26;
	v50 =	vld [tilespmem:s28+$0x100]  }
0x158: {  	v44 =	vadd.s32 v60, v44;
	v60 =	vsel vm8, $0x1, v16;
	vm8 =	vgt.f32 v53, v0;
	v0 =	vld [tilespmem:s28+$0x180]  }
0x159: {  	v44 =	vadd.s32 v60, v44;
	v53 =	vsel vm8, $0x1, v16;
	vm8 =	vgt.f32 v52, v51  }
0x15a: {  	v44 =	vadd.s32 v53, v44;
	v51 =	vsel vm8, $0x1, v16;
	vm8 =	vgt.f32 v55, v56  }
0x15b: {  	v44 =	vadd.s32 v51, v44;
	v51 =	vsel vm8, $0x1, v16;
	vm8 =	vgt.f32 v59, v57  }
0x15c: {  	v44 =	vadd.s32 v51, v44;
	v51 =	vsel vm8, $0x1, v16;
	vm8 =	vgt.f32 v50, v58  }
.Ltmp4:
0x15d: {  	s0 =	sadd.s32 s26, s29;
	v44 =	vadd.s32 v51, v44;
	v50 =	vsel vm8, $0x1, v16;
	vm8 =	vgt.f32 v0, v54;
	(pc) =	sbr.rel @p0 .LBB2_11-.Ltmp4, $4  }
0x15e: {  	v0 =	vmov s0;
	v44 =	vadd.s32 v50, v44;
	v50 =	vsel vm8, $0x1, v16  }
0x15f: {  	v53 =	vor.u32 $0x6, v0;
	v54 =	vor.u32 $0x7, v0;
	v44 =	vadd.s32 v50, v44  }
0x160: {  	s28 =	sadd.s32 $0x400, s28;
	v51 =	vor.u32 $0x3, v0;
	v52 =	vor.u32 $0x4, v0;
	v56 =	vor.u32 $0x5, v0  }
0x161: {  	s29 =	sadd.s32 $0x8, s29;
	vm8 =	vlt.s32 v0, v28;
	v55 =	vor.u32 $0x1, v0;
	v57 =	vor.u32 $0x2, v0;
	v50 =	vld [tilespmem:s28+$0xFFFFFE00]  }
0x162: {  	v0 =	vld [tilespmem:s28+$0xFFFFFE80];
	vm9 =	vlt.s32 v56, v28;
	vm10 =	vlt.s32 v53, v28  }
0x163: {  	vm11 =	vlt.s32 v54, v28;
	v53 =	vld [tilespmem:s28+$0xFFFFFF00];
	vm12 =	vlt.s32 v57, v28;
	vm13 =	vlt.s32 v51, v28  }
0x164: {  	vm14 =	vlt.s32 v52, v28;
	v10 =	vsel vm8, v27, v26;
	vm8 =	vlt.s32 v55, v28  }
0x165: {  	v52 =	vld [tilespmem:s28+$0xFFFFFF80];
	v54 =	vsel vm11, v27, v26;
	v56 =	vsel vm14, v27, v26;
	v57 =	vsel vm9, v27, v26  }
0x166: {  	v55 =	vld [tilespmem:s28+$0x0];
	v58 =	vsel vm10, v27, v26;
	v11 =	vsel vm8, v27, v26;
	vm9 =	vgt.f32 v50, v10  }
0x167: {  	v60 =	vsel vm9, $0x1, v16;
	vm8 =	vgt.f32 v0, v11;
	v0 =	vsel vm12, v27, v26  }
0x168: {  	v59 =	vld [tilespmem:s28+$0x80];
	v44 =	vadd.s32 v60, v44;
	v11 =	vsel vm8, $0x1, v16;
	vm8 =	vgt.f32 v53, v0  }
0x169: {  	v9 =	vsel vm13, v27, v26;
	v10 =	vld [tilespmem:s28+$0x100];
	v44 =	vadd.s32 v11, v44;
	v53 =	vsel vm8, $0x1, v16  }
0x16a: {  	v0 =	vld [tilespmem:s28+$0x180];
	vm8 =	vgt.f32 v52, v9;
	v52 =	vor.u32 $0x4, v49;
	v44 =	vadd.s32 v53, v44  }
0x16b: {  	v51 =	vsel vm8, $0x1, v16;
	vm8 =	vgt.f32 v55, v56;
	v53 =	vor.u32 $0x6, v49  }
0x16c: {  	v56 =	vor.u32 $0x5, v49;
	v55 =	vor.u32 $0x1, v49;
	v44 =	vadd.s32 v51, v44  }
0x16d: {  	v61 =	vsel vm8, $0x1, v16;
	vm8 =	vgt.f32 v59, v57;
	v51 =	vor.u32 $0x3, v49  }
0x16e: {  	v44 =	vadd.s32 v61, v44;
	v62 =	vsel vm8, $0x1, v16;
	vm8 =	vgt.f32 v10, v58  }
0x16f: {  	v44 =	vadd.s32 v62, v44;
	v50 =	vsel vm8, $0x1, v16;
	vm8 =	vgt.f32 v0, v54  }
0x170: {  	s28 =	simm.s32 $0x2AD0;
	v54 =	vor.u32 $0x7, v49;
	v0 =	vadd.s32 v50, v44;
	v63 =	vsel vm8, $0x1, v16  }
0x171: {  	s29 =	simm.s32 $0x8;
	v50 =	vld [tilespmem:s28+$0xFFFFFE00];
	vm8 =	vlt.s32 v49, v25;
	v49 =	vor.u32 $0x2, v49;
	v44 =	vadd.s32 v63, v0  }
.LBB2_13:
0x172: {  	p0 =	sne.s32 s29, $0x130;
	v0 =	vld [tilespmem:s28+$0xFFFFFE80];
	vm9 =	vlt.s32 v56, v25;
	vm10 =	vlt.s32 v53, v25;
	vm11 =	vlt.s32 v54, v25  }
0x173: {  	vm12 =	vlt.s32 v49, v25;
	vm13 =	vlt.s32 v51, v25;
	vm14 =	vlt.s32 v52, v25;
	v53 =	vld [tilespmem:s28+$0xFFFFFF00]  }
0x174: {  	v49 =	vsel vm8, v24, v23;
	vm8 =	vlt.s32 v55, v25;
	v52 =	vsel vm11, v24, v23;
	v51 =	vld [tilespmem:s28+$0xFFFFFF80]  }
0x175: {  	v55 =	vsel vm14, v24, v23;
	v56 =	vsel vm9, v24, v23;
	v57 =	vsel vm10, v24, v23;
	v54 =	vld [tilespmem:s28+$0x0]  }
0x176: {  	vm9 =	vgt.f32 v50, v49;
	v49 =	vsel vm8, v24, v23;
	v50 =	vsel vm13, v24, v23;
	v58 =	vld [tilespmem:s28+$0x80]  }
0x177: {  	v59 =	vsel vm9, $0x1, v16;
	vm8 =	vgt.f32 v0, v49;
	v0 =	vsel vm12, v24, v23;
	v49 =	vld [tilespmem:s28+$0x100]  }
0x178: {  	v43 =	vadd.s32 v59, v43;
	v59 =	vsel vm8, $0x1, v16;
	vm8 =	vgt.f32 v53, v0;
	v0 =	vld [tilespmem:s28+$0x180]  }
0x179: {  	v43 =	vadd.s32 v59, v43;
	v53 =	vsel vm8, $0x1, v16;
	vm8 =	vgt.f32 v51, v50  }
0x17a: {  	v43 =	vadd.s32 v53, v43;
	v50 =	vsel vm8, $0x1, v16;
	vm8 =	vgt.f32 v54, v55  }
0x17b: {  	v43 =	vadd.s32 v50, v43;
	v50 =	vsel vm8, $0x1, v16;
	vm8 =	vgt.f32 v58, v56  }
0x17c: {  	v43 =	vadd.s32 v50, v43;
	v50 =	vsel vm8, $0x1, v16;
	vm8 =	vgt.f32 v49, v57  }
.Ltmp5:
0x17d: {  	s0 =	sadd.s32 s26, s29;
	v43 =	vadd.s32 v50, v43;
	v49 =	vsel vm8, $0x1, v16;
	vm8 =	vgt.f32 v0, v52;
	(pc) =	sbr.rel @p0 .LBB2_13-.Ltmp5, $4  }
0x17e: {  	v0 =	vmov s0;
	v43 =	vadd.s32 v49, v43;
	v49 =	vsel vm8, $0x1, v16  }
0x17f: {  	v53 =	vor.u32 $0x6, v0;
	v54 =	vor.u32 $0x7, v0;
	v43 =	vadd.s32 v49, v43  }
0x180: {  	s28 =	sadd.s32 $0x400, s28;
	v51 =	vor.u32 $0x3, v0;
	v52 =	vor.u32 $0x4, v0;
	v56 =	vor.u32 $0x5, v0  }
0x181: {  	s29 =	sadd.s32 $0x8, s29;
	vm8 =	vlt.s32 v0, v25;
	v55 =	vor.u32 $0x1, v0;
	v49 =	vor.u32 $0x2, v0;
	v50 =	vld [tilespmem:s28+$0xFFFFFE00]  }
0x182: {  	v0 =	vld [tilespmem:s28+$0xFFFFFE80];
	vm9 =	vlt.s32 v56, v25;
	vm10 =	vlt.s32 v53, v25;
	vm11 =	vlt.s32 v54, v25  }
0x183: {  	v53 =	vld [tilespmem:s28+$0xFFFFFF00];
	vm12 =	vlt.s32 v49, v25;
	vm13 =	vlt.s32 v51, v25;
	vm14 =	vlt.s32 v52, v25  }
0x184: {  	v60 =	vsel vm8, v24, v23;
	vm8 =	vlt.s32 v55, v25;
	v61 =	vld [tilespmem:s28+$0xFFFFFF80];
	v52 =	vsel vm11, v24, v23  }
0x185: {  	v62 =	vld [tilespmem:s28+$0x0];
	v63 =	vsel vm14, v24, v23;
	v56 =	vsel vm9, v24, v23;
	v57 =	vsel vm10, v24, v23  }
0x186: {  	v58 =	vld [tilespmem:s28+$0x80];
	v9 =	vsel vm8, v24, v23;
	v10 =	vsel vm13, v24, v23;
	vm9 =	vgt.f32 v50, v60  }
0x187: {  	v11 =	vld [tilespmem:s28+$0x100];
	v59 =	vsel vm9, $0x1, v16;
	vm8 =	vgt.f32 v0, v9;
	v0 =	vsel vm12, v24, v23  }
0x188: {  	v43 =	vadd.s32 v59, v43;
	v60 =	vsel vm8, $0x1, v16;
	vm8 =	vgt.f32 v53, v0;
	v0 =	vld [tilespmem:s28+$0x180]  }
0x189: {  	v43 =	vadd.s32 v60, v43;
	v53 =	vsel vm8, $0x1, v16;
	vm8 =	vgt.f32 v61, v10  }
0x18a: {  	v43 =	vadd.s32 v53, v43;
	v50 =	vsel vm8, $0x1, v16;
	vm8 =	vgt.f32 v62, v63  }
0x18b: {  	v43 =	vadd.s32 v50, v43;
	v61 =	vsel vm8, $0x1, v16;
	vm8 =	vgt.f32 v58, v56  }
0x18c: {  	v43 =	vadd.s32 v61, v43;
	v62 =	vsel vm8, $0x1, v16;
	vm8 =	vgt.f32 v11, v57  }
0x18d: {  	s0 =	sadd.s32 $0x0, s26;
	v43 =	vadd.s32 v62, v43;
	v49 =	vsel vm8, $0x1, v16;
	vm8 =	vgt.f32 v0, v52  }
0x18e: {  	v0 =	vadd.s32 v49, v43;
	v63 =	vsel vm8, $0x1, v16;
	v49 =	vmov s0  }
0x18f: {  	v43 =	vadd.s32 v63, v0;
	v53 =	vor.u32 $0x6, v49;
	v54 =	vor.u32 $0x7, v49  }
0x190: {  	s28 =	simm.s32 $0x2AE0;
	v51 =	vor.u32 $0x3, v49;
	v52 =	vor.u32 $0x4, v49;
	v56 =	vor.u32 $0x5, v49  }
0x191: {  	s29 =	simm.s32 $0x8;
	v50 =	vld [tilespmem:s28+$0xFFFFFE00];
	vm8 =	vlt.s32 v49, v22;
	v55 =	vor.u32 $0x1, v49;
	v57 =	vor.u32 $0x2, v49  }
.LBB2_15:
0x192: {  	p0 =	sne.s32 s29, $0x130;
	v0 =	vld [tilespmem:s28+$0xFFFFFE80];
	vm9 =	vlt.s32 v56, v22;
	vm10 =	vlt.s32 v53, v22;
	vm11 =	vlt.s32 v54, v22  }
0x193: {  	vm12 =	vlt.s32 v57, v22;
	vm13 =	vlt.s32 v51, v22;
	vm14 =	vlt.s32 v52, v22;
	v53 =	vld [tilespmem:s28+$0xFFFFFF00]  }
0x194: {  	v51 =	vsel vm8, v21, v20;
	vm8 =	vlt.s32 v55, v22;
	v54 =	vsel vm11, v21, v20;
	v52 =	vld [tilespmem:s28+$0xFFFFFF80]  }
0x195: {  	v56 =	vsel vm14, v21, v20;
	v57 =	vsel vm9, v21, v20;
	v58 =	vsel vm10, v21, v20;
	v55 =	vld [tilespmem:s28+$0x0]  }
0x196: {  	vm9 =	vgt.f32 v50, v51;
	v50 =	vsel vm8, v21, v20;
	v51 =	vsel vm13, v21, v20;
	v59 =	vld [tilespmem:s28+$0x80]  }
0x197: {  	v60 =	vsel vm9, $0x1, v16;
	vm8 =	vgt.f32 v0, v50;
	v0 =	vsel vm12, v21, v20;
	v50 =	vld [tilespmem:s28+$0x100]  }
0x198: {  	v42 =	vadd.s32 v60, v42;
	v60 =	vsel vm8, $0x1, v16;
	vm8 =	vgt.f32 v53, v0;
	v0 =	vld [tilespmem:s28+$0x180]  }
0x199: {  	v42 =	vadd.s32 v60, v42;
	v53 =	vsel vm8, $0x1, v16;
	vm8 =	vgt.f32 v52, v51  }
0x19a: {  	v42 =	vadd.s32 v53, v42;
	v51 =	vsel vm8, $0x1, v16;
	vm8 =	vgt.f32 v55, v56  }
0x19b: {  	v42 =	vadd.s32 v51, v42;
	v51 =	vsel vm8, $0x1, v16;
	vm8 =	vgt.f32 v59, v57  }
0x19c: {  	v42 =	vadd.s32 v51, v42;
	v51 =	vsel vm8, $0x1, v16;
	vm8 =	vgt.f32 v50, v58  }
.Ltmp6:
0x19d: {  	s0 =	sadd.s32 s26, s29;
	v42 =	vadd.s32 v51, v42;
	v50 =	vsel vm8, $0x1, v16;
	vm8 =	vgt.f32 v0, v54;
	(pc) =	sbr.rel @p0 .LBB2_15-.Ltmp6, $4  }
0x19e: {  	v0 =	vmov s0;
	v42 =	vadd.s32 v50, v42;
	v50 =	vsel vm8, $0x1, v16  }
0x19f: {  	v53 =	vor.u32 $0x6, v0;
	v54 =	vor.u32 $0x7, v0;
	v42 =	vadd.s32 v50, v42  }
0x1a0: {  	s28 =	sadd.s32 $0x400, s28;
	v51 =	vor.u32 $0x3, v0;
	v52 =	vor.u32 $0x4, v0;
	v56 =	vor.u32 $0x5, v0  }
0x1a1: {  	s29 =	sadd.s32 $0x8, s29;
	vm8 =	vlt.s32 v0, v22;
	v55 =	vor.u32 $0x1, v0;
	v57 =	vor.u32 $0x2, v0;
	v50 =	vld [tilespmem:s28+$0xFFFFFE00]  }
0x1a2: {  	v0 =	vld [tilespmem:s28+$0xFFFFFE80];
	vm9 =	vlt.s32 v56, v22;
	vm10 =	vlt.s32 v53, v22  }
0x1a3: {  	vm11 =	vlt.s32 v54, v22;
	v53 =	vld [tilespmem:s28+$0xFFFFFF00];
	vm12 =	vlt.s32 v57, v22;
	vm13 =	vlt.s32 v51, v22  }
0x1a4: {  	vm14 =	vlt.s32 v52, v22;
	v10 =	vsel vm8, v21, v20;
	vm8 =	vlt.s32 v55, v22  }
0x1a5: {  	v52 =	vld [tilespmem:s28+$0xFFFFFF80];
	v54 =	vsel vm11, v21, v20;
	v56 =	vsel vm14, v21, v20;
	v57 =	vsel vm9, v21, v20  }
0x1a6: {  	v55 =	vld [tilespmem:s28+$0x0];
	v58 =	vsel vm10, v21, v20;
	v11 =	vsel vm8, v21, v20;
	vm9 =	vgt.f32 v50, v10  }
0x1a7: {  	v60 =	vsel vm9, $0x1, v16;
	vm8 =	vgt.f32 v0, v11;
	v0 =	vsel vm12, v21, v20  }
0x1a8: {  	v59 =	vld [tilespmem:s28+$0x80];
	v42 =	vadd.s32 v60, v42;
	v11 =	vsel vm8, $0x1, v16;
	vm8 =	vgt.f32 v53, v0  }
0x1a9: {  	v9 =	vsel vm13, v21, v20;
	v10 =	vld [tilespmem:s28+$0x100];
	v42 =	vadd.s32 v11, v42;
	v53 =	vsel vm8, $0x1, v16  }
0x1aa: {  	v0 =	vld [tilespmem:s28+$0x180];
	vm8 =	vgt.f32 v52, v9;
	v52 =	vor.u32 $0x4, v49;
	v42 =	vadd.s32 v53, v42  }
0x1ab: {  	v51 =	vsel vm8, $0x1, v16;
	vm8 =	vgt.f32 v55, v56;
	v53 =	vor.u32 $0x6, v49  }
0x1ac: {  	v56 =	vor.u32 $0x5, v49;
	v55 =	vor.u32 $0x1, v49;
	v42 =	vadd.s32 v51, v42  }
0x1ad: {  	v61 =	vsel vm8, $0x1, v16;
	vm8 =	vgt.f32 v59, v57;
	v51 =	vor.u32 $0x3, v49  }
0x1ae: {  	v42 =	vadd.s32 v61, v42;
	v62 =	vsel vm8, $0x1, v16;
	vm8 =	vgt.f32 v10, v58  }
0x1af: {  	v42 =	vadd.s32 v62, v42;
	v50 =	vsel vm8, $0x1, v16;
	vm8 =	vgt.f32 v0, v54  }
0x1b0: {  	s28 =	simm.s32 $0x2AF0;
	v54 =	vor.u32 $0x7, v49;
	v0 =	vadd.s32 v50, v42;
	v63 =	vsel vm8, $0x1, v16  }
0x1b1: {  	s29 =	simm.s32 $0x8;
	v50 =	vld [tilespmem:s28+$0xFFFFFE00];
	vm8 =	vlt.s32 v49, v19;
	v49 =	vor.u32 $0x2, v49;
	v42 =	vadd.s32 v63, v0  }
.LBB2_17:
0x1b2: {  	p0 =	sne.s32 s29, $0x130;
	v0 =	vld [tilespmem:s28+$0xFFFFFE80];
	vm9 =	vlt.s32 v56, v19;
	vm10 =	vlt.s32 v53, v19;
	vm11 =	vlt.s32 v54, v19  }
0x1b3: {  	vm12 =	vlt.s32 v49, v19;
	vm13 =	vlt.s32 v51, v19;
	vm14 =	vlt.s32 v52, v19;
	v53 =	vld [tilespmem:s28+$0xFFFFFF00]  }
0x1b4: {  	v49 =	vsel vm8, v18, v17;
	vm8 =	vlt.s32 v55, v19;
	v52 =	vsel vm11, v18, v17;
	v51 =	vld [tilespmem:s28+$0xFFFFFF80]  }
0x1b5: {  	v55 =	vsel vm14, v18, v17;
	v56 =	vsel vm9, v18, v17;
	v57 =	vsel vm10, v18, v17;
	v54 =	vld [tilespmem:s28+$0x0]  }
0x1b6: {  	vm9 =	vgt.f32 v50, v49;
	v49 =	vsel vm8, v18, v17;
	v50 =	vsel vm13, v18, v17;
	v58 =	vld [tilespmem:s28+$0x80]  }
0x1b7: {  	v59 =	vsel vm9, $0x1, v16;
	vm8 =	vgt.f32 v0, v49;
	v0 =	vsel vm12, v18, v17;
	v49 =	vld [tilespmem:s28+$0x100]  }
0x1b8: {  	v41 =	vadd.s32 v59, v41;
	v59 =	vsel vm8, $0x1, v16;
	vm8 =	vgt.f32 v53, v0;
	v0 =	vld [tilespmem:s28+$0x180]  }
0x1b9: {  	v41 =	vadd.s32 v59, v41;
	v53 =	vsel vm8, $0x1, v16;
	vm8 =	vgt.f32 v51, v50  }
0x1ba: {  	v41 =	vadd.s32 v53, v41;
	v50 =	vsel vm8, $0x1, v16;
	vm8 =	vgt.f32 v54, v55  }
0x1bb: {  	v41 =	vadd.s32 v50, v41;
	v50 =	vsel vm8, $0x1, v16;
	vm8 =	vgt.f32 v58, v56  }
0x1bc: {  	v41 =	vadd.s32 v50, v41;
	v50 =	vsel vm8, $0x1, v16;
	vm8 =	vgt.f32 v49, v57  }
.Ltmp7:
0x1bd: {  	s0 =	sadd.s32 s26, s29;
	v41 =	vadd.s32 v50, v41;
	v49 =	vsel vm8, $0x1, v16;
	vm8 =	vgt.f32 v0, v52;
	(pc) =	sbr.rel @p0 .LBB2_17-.Ltmp7, $4  }
0x1be: {  	v0 =	vmov s0;
	v41 =	vadd.s32 v49, v41;
	v49 =	vsel vm8, $0x1, v16  }
0x1bf: {  	v53 =	vor.u32 $0x6, v0;
	v54 =	vor.u32 $0x7, v0;
	v41 =	vadd.s32 v49, v41  }
0x1c0: {  	s28 =	sadd.s32 $0x400, s28;
	v51 =	vor.u32 $0x3, v0;
	v52 =	vor.u32 $0x4, v0;
	v56 =	vor.u32 $0x5, v0  }
0x1c1: {  	s29 =	sadd.s32 $0x8, s29;
	vm8 =	vlt.s32 v0, v19;
	v55 =	vor.u32 $0x1, v0;
	v49 =	vor.u32 $0x2, v0;
	v50 =	vld [tilespmem:s28+$0xFFFFFE00]  }
0x1c2: {  	v0 =	vld [tilespmem:s28+$0xFFFFFE80];
	vm9 =	vlt.s32 v56, v19;
	vm10 =	vlt.s32 v53, v19;
	vm11 =	vlt.s32 v54, v19  }
0x1c3: {  	v53 =	vld [tilespmem:s28+$0xFFFFFF00];
	vm12 =	vlt.s32 v49, v19;
	vm13 =	vlt.s32 v51, v19;
	vm14 =	vlt.s32 v52, v19  }
0x1c4: {  	v60 =	vsel vm8, v18, v17;
	vm8 =	vlt.s32 v55, v19;
	v61 =	vld [tilespmem:s28+$0xFFFFFF80];
	v52 =	vsel vm11, v18, v17  }
0x1c5: {  	v62 =	vld [tilespmem:s28+$0x0];
	v63 =	vsel vm14, v18, v17;
	v56 =	vsel vm9, v18, v17;
	v57 =	vsel vm10, v18, v17  }
0x1c6: {  	v58 =	vld [tilespmem:s28+$0x80];
	v9 =	vsel vm8, v18, v17;
	v10 =	vsel vm13, v18, v17;
	vm9 =	vgt.f32 v50, v60  }
0x1c7: {  	v11 =	vld [tilespmem:s28+$0x100];
	v59 =	vsel vm9, $0x1, v16;
	vm8 =	vgt.f32 v0, v9;
	v0 =	vsel vm12, v18, v17  }
0x1c8: {  	v41 =	vadd.s32 v59, v41;
	v60 =	vsel vm8, $0x1, v16;
	vm8 =	vgt.f32 v53, v0;
	v0 =	vld [tilespmem:s28+$0x180]  }
0x1c9: {  	p0 =	seq.s32 s24, $0x4;
	v41 =	vadd.s32 v60, v41;
	v53 =	vsel vm8, $0x1, v16;
	vm8 =	vgt.f32 v61, v10  }
0x1ca: {  	s0 =	sadd.s32 @!p0 s25, s12;
	v41 =	vadd.s32 v53, v41;
	v50 =	vsel vm8, $0x1, v16;
	vm8 =	vgt.f32 v62, v63  }
0x1cb: {  	s26 =	sadd.s32 s25, s13;
	s3 =	simm.s32 @!p0 $0x0;
	s0 =	sshll.u32 @!p0 s0, $0x4;
	v41 =	vadd.s32 v50, v41;
	v61 =	vsel vm8, $0x1, v16;
	vm8 =	vgt.f32 v58, v56  }
0x1cc: {  	s20 =	simm.s32 @!p0 $0x2880;
	s30 =	sadd.s32 $0x0, s26;
	s0 =	sadd.s32 @!p0 s1, s0;
	v41 =	vadd.s32 v61, v41;
	v62 =	vsel vm8, $0x1, v16;
	vm8 =	vgt.f32 v11, v57  }
0x1cd: {  	[tilespmem:s20], [sflag:$0x1] =	stream.linear.gather @!p0 [hbm4b:s0+s3], $0x9C00, $0x38;
	v41 =	vadd.s32 v62, v41;
	v49 =	vsel vm8, $0x1, v16;
	vm8 =	vgt.f32 v0, v52;
	[tilespmem:$0x1B190] =	vst v63  }
0x1ce: {  	_ =	swait.ge [sflag:s2], $0x9C00;
	v0 =	vadd.s32 v49, v41;
	v63 =	vsel vm8, $0x1, v16;
	v49 =	vmov s30  }
0x1cf: {  	[sflag:s2] =	ssyncset.done $0x0;
	v41 =	vadd.s32 v63, v0;
	v53 =	vor.u32 $0x6, v49;
	v54 =	vor.u32 $0x7, v49  }
0x1d0: {  	s28 =	simm.s32 $0xC680;
	[sflag:s2] =	ssyncadd.s32 $0xFFFF6400;
	v51 =	vor.u32 $0x3, v49;
	v52 =	vor.u32 $0x4, v49;
	v56 =	vor.u32 $0x5, v49  }
0x1d1: {  	s29 =	simm.s32 $0x8;
	v50 =	vld [tilespmem:s28+$0xFFFFFE00];
	vm8 =	vlt.s32 v49, v40;
	v55 =	vor.u32 $0x1, v49;
	v57 =	vor.u32 $0x2, v49  }
.LBB2_19:
0x1d2: {  	p1 =	sne.s32 s29, $0x130;
	v0 =	vld [tilespmem:s28+$0xFFFFFE80];
	vm9 =	vlt.s32 v56, v40;
	vm10 =	vlt.s32 v53, v40;
	vm11 =	vlt.s32 v54, v40  }
0x1d3: {  	vm12 =	vlt.s32 v57, v40;
	vm13 =	vlt.s32 v51, v40;
	vm14 =	vlt.s32 v52, v40;
	v53 =	vld [tilespmem:s28+$0xFFFFFF00]  }
0x1d4: {  	v51 =	vsel vm8, v39, v38;
	vm8 =	vlt.s32 v55, v40;
	v54 =	vsel vm11, v39, v38;
	v52 =	vld [tilespmem:s28+$0xFFFFFF80]  }
0x1d5: {  	v56 =	vsel vm14, v39, v38;
	v57 =	vsel vm9, v39, v38;
	v58 =	vsel vm10, v39, v38;
	v55 =	vld [tilespmem:s28+$0x0]  }
0x1d6: {  	vm9 =	vgt.f32 v50, v51;
	v50 =	vsel vm8, v39, v38;
	v51 =	vsel vm13, v39, v38;
	v59 =	vld [tilespmem:s28+$0x80]  }
0x1d7: {  	v60 =	vsel vm9, $0x1, v16;
	vm8 =	vgt.f32 v0, v50;
	v0 =	vsel vm12, v39, v38;
	v50 =	vld [tilespmem:s28+$0x100]  }
0x1d8: {  	v48 =	vadd.s32 v60, v48;
	v60 =	vsel vm8, $0x1, v16;
	vm8 =	vgt.f32 v53, v0;
	v0 =	vld [tilespmem:s28+$0x180]  }
0x1d9: {  	v48 =	vadd.s32 v60, v48;
	v53 =	vsel vm8, $0x1, v16;
	vm8 =	vgt.f32 v52, v51  }
0x1da: {  	v48 =	vadd.s32 v53, v48;
	v51 =	vsel vm8, $0x1, v16;
	vm8 =	vgt.f32 v55, v56  }
0x1db: {  	v48 =	vadd.s32 v51, v48;
	v51 =	vsel vm8, $0x1, v16;
	vm8 =	vgt.f32 v59, v57  }
0x1dc: {  	v48 =	vadd.s32 v51, v48;
	v51 =	vsel vm8, $0x1, v16;
	vm8 =	vgt.f32 v50, v58  }
.Ltmp8:
0x1dd: {  	s0 =	sadd.s32 s26, s29;
	v48 =	vadd.s32 v51, v48;
	v50 =	vsel vm8, $0x1, v16;
	vm8 =	vgt.f32 v0, v54;
	(pc) =	sbr.rel @p1 .LBB2_19-.Ltmp8, $4  }
0x1de: {  	v0 =	vmov s0;
	v48 =	vadd.s32 v50, v48;
	v50 =	vsel vm8, $0x1, v16  }
0x1df: {  	v53 =	vor.u32 $0x6, v0;
	v54 =	vor.u32 $0x7, v0;
	v48 =	vadd.s32 v50, v48  }
0x1e0: {  	s28 =	sadd.s32 $0x400, s28;
	v51 =	vor.u32 $0x3, v0;
	v52 =	vor.u32 $0x4, v0;
	v56 =	vor.u32 $0x5, v0  }
0x1e1: {  	s29 =	sadd.s32 $0x8, s29;
	vm8 =	vlt.s32 v0, v40;
	v55 =	vor.u32 $0x1, v0;
	v57 =	vor.u32 $0x2, v0;
	v50 =	vld [tilespmem:s28+$0xFFFFFE00]  }
0x1e2: {  	v0 =	vld [tilespmem:s28+$0xFFFFFE80];
	vm9 =	vlt.s32 v56, v40;
	vm10 =	vlt.s32 v53, v40  }
0x1e3: {  	vm11 =	vlt.s32 v54, v40;
	v53 =	vld [tilespmem:s28+$0xFFFFFF00];
	vm12 =	vlt.s32 v57, v40;
	vm13 =	vlt.s32 v51, v40  }
0x1e4: {  	vm14 =	vlt.s32 v52, v40;
	v10 =	vsel vm8, v39, v38;
	vm8 =	vlt.s32 v55, v40  }
0x1e5: {  	v52 =	vld [tilespmem:s28+$0xFFFFFF80];
	v54 =	vsel vm11, v39, v38;
	v56 =	vsel vm14, v39, v38;
	v57 =	vsel vm9, v39, v38  }
0x1e6: {  	v55 =	vld [tilespmem:s28+$0x0];
	v58 =	vsel vm10, v39, v38;
	v11 =	vsel vm8, v39, v38;
	vm9 =	vgt.f32 v50, v10  }
0x1e7: {  	v60 =	vsel vm9, $0x1, v16;
	vm8 =	vgt.f32 v0, v11;
	v0 =	vsel vm12, v39, v38  }
0x1e8: {  	v59 =	vld [tilespmem:s28+$0x80];
	v48 =	vadd.s32 v60, v48;
	v11 =	vsel vm8, $0x1, v16;
	vm8 =	vgt.f32 v53, v0  }
0x1e9: {  	v9 =	vsel vm13, v39, v38;
	v10 =	vld [tilespmem:s28+$0x100];
	v48 =	vadd.s32 v11, v48;
	v53 =	vsel vm8, $0x1, v16  }
0x1ea: {  	v0 =	vld [tilespmem:s28+$0x180];
	vm8 =	vgt.f32 v52, v9;
	v52 =	vor.u32 $0x4, v49;
	v48 =	vadd.s32 v53, v48  }
0x1eb: {  	v51 =	vsel vm8, $0x1, v16;
	vm8 =	vgt.f32 v55, v56;
	v53 =	vor.u32 $0x6, v49  }
0x1ec: {  	v56 =	vor.u32 $0x5, v49;
	v55 =	vor.u32 $0x1, v49;
	v48 =	vadd.s32 v51, v48  }
0x1ed: {  	v61 =	vsel vm8, $0x1, v16;
	vm8 =	vgt.f32 v59, v57;
	v51 =	vor.u32 $0x3, v49  }
0x1ee: {  	v48 =	vadd.s32 v61, v48;
	v62 =	vsel vm8, $0x1, v16;
	vm8 =	vgt.f32 v10, v58  }
0x1ef: {  	v48 =	vadd.s32 v62, v48;
	v50 =	vsel vm8, $0x1, v16;
	vm8 =	vgt.f32 v0, v54  }
0x1f0: {  	s28 =	simm.s32 $0xC690;
	v54 =	vor.u32 $0x7, v49;
	v0 =	vadd.s32 v50, v48;
	v63 =	vsel vm8, $0x1, v16  }
0x1f1: {  	s29 =	simm.s32 $0x8;
	v50 =	vld [tilespmem:s28+$0xFFFFFE00];
	vm8 =	vlt.s32 v49, v37;
	v49 =	vor.u32 $0x2, v49;
	v48 =	vadd.s32 v63, v0  }
.LBB2_21:
0x1f2: {  	p1 =	sne.s32 s29, $0x130;
	v0 =	vld [tilespmem:s28+$0xFFFFFE80];
	vm9 =	vlt.s32 v56, v37;
	vm10 =	vlt.s32 v53, v37;
	vm11 =	vlt.s32 v54, v37  }
0x1f3: {  	vm12 =	vlt.s32 v49, v37;
	vm13 =	vlt.s32 v51, v37;
	vm14 =	vlt.s32 v52, v37;
	v53 =	vld [tilespmem:s28+$0xFFFFFF00]  }
0x1f4: {  	v49 =	vsel vm8, v36, v35;
	vm8 =	vlt.s32 v55, v37;
	v52 =	vsel vm11, v36, v35;
	v51 =	vld [tilespmem:s28+$0xFFFFFF80]  }
0x1f5: {  	v55 =	vsel vm14, v36, v35;
	v56 =	vsel vm9, v36, v35;
	v57 =	vsel vm10, v36, v35;
	v54 =	vld [tilespmem:s28+$0x0]  }
0x1f6: {  	vm9 =	vgt.f32 v50, v49;
	v49 =	vsel vm8, v36, v35;
	v50 =	vsel vm13, v36, v35;
	v58 =	vld [tilespmem:s28+$0x80]  }
0x1f7: {  	v59 =	vsel vm9, $0x1, v16;
	vm8 =	vgt.f32 v0, v49;
	v0 =	vsel vm12, v36, v35;
	v49 =	vld [tilespmem:s28+$0x100]  }
0x1f8: {  	v47 =	vadd.s32 v59, v47;
	v59 =	vsel vm8, $0x1, v16;
	vm8 =	vgt.f32 v53, v0;
	v0 =	vld [tilespmem:s28+$0x180]  }
0x1f9: {  	v47 =	vadd.s32 v59, v47;
	v53 =	vsel vm8, $0x1, v16;
	vm8 =	vgt.f32 v51, v50  }
0x1fa: {  	v47 =	vadd.s32 v53, v47;
	v50 =	vsel vm8, $0x1, v16;
	vm8 =	vgt.f32 v54, v55  }
0x1fb: {  	v47 =	vadd.s32 v50, v47;
	v50 =	vsel vm8, $0x1, v16;
	vm8 =	vgt.f32 v58, v56  }
0x1fc: {  	v47 =	vadd.s32 v50, v47;
	v50 =	vsel vm8, $0x1, v16;
	vm8 =	vgt.f32 v49, v57  }
.Ltmp9:
0x1fd: {  	s0 =	sadd.s32 s26, s29;
	v47 =	vadd.s32 v50, v47;
	v49 =	vsel vm8, $0x1, v16;
	vm8 =	vgt.f32 v0, v52;
	(pc) =	sbr.rel @p1 .LBB2_21-.Ltmp9, $4  }
0x1fe: {  	v0 =	vmov s0;
	v47 =	vadd.s32 v49, v47;
	v49 =	vsel vm8, $0x1, v16  }
0x1ff: {  	v53 =	vor.u32 $0x6, v0;
	v54 =	vor.u32 $0x7, v0;
	v47 =	vadd.s32 v49, v47  }
0x200: {  	s28 =	sadd.s32 $0x400, s28;
	v51 =	vor.u32 $0x3, v0;
	v52 =	vor.u32 $0x4, v0;
	v56 =	vor.u32 $0x5, v0  }
0x201: {  	s29 =	sadd.s32 $0x8, s29;
	vm8 =	vlt.s32 v0, v37;
	v55 =	vor.u32 $0x1, v0;
	v49 =	vor.u32 $0x2, v0;
	v50 =	vld [tilespmem:s28+$0xFFFFFE00]  }
0x202: {  	v0 =	vld [tilespmem:s28+$0xFFFFFE80];
	vm9 =	vlt.s32 v56, v37;
	vm10 =	vlt.s32 v53, v37;
	vm11 =	vlt.s32 v54, v37  }
0x203: {  	v53 =	vld [tilespmem:s28+$0xFFFFFF00];
	vm12 =	vlt.s32 v49, v37;
	vm13 =	vlt.s32 v51, v37;
	vm14 =	vlt.s32 v52, v37  }
0x204: {  	v60 =	vsel vm8, v36, v35;
	vm8 =	vlt.s32 v55, v37;
	v61 =	vld [tilespmem:s28+$0xFFFFFF80];
	v52 =	vsel vm11, v36, v35  }
0x205: {  	v62 =	vld [tilespmem:s28+$0x0];
	v63 =	vsel vm14, v36, v35;
	v56 =	vsel vm9, v36, v35;
	v57 =	vsel vm10, v36, v35  }
0x206: {  	v58 =	vld [tilespmem:s28+$0x80];
	v9 =	vsel vm8, v36, v35;
	v10 =	vsel vm13, v36, v35;
	vm9 =	vgt.f32 v50, v60  }
0x207: {  	v11 =	vld [tilespmem:s28+$0x100];
	v59 =	vsel vm9, $0x1, v16;
	vm8 =	vgt.f32 v0, v9;
	v0 =	vsel vm12, v36, v35  }
0x208: {  	v47 =	vadd.s32 v59, v47;
	v60 =	vsel vm8, $0x1, v16;
	vm8 =	vgt.f32 v53, v0;
	v0 =	vld [tilespmem:s28+$0x180]  }
0x209: {  	v47 =	vadd.s32 v60, v47;
	v53 =	vsel vm8, $0x1, v16;
	vm8 =	vgt.f32 v61, v10  }
0x20a: {  	v47 =	vadd.s32 v53, v47;
	v50 =	vsel vm8, $0x1, v16;
	vm8 =	vgt.f32 v62, v63  }
0x20b: {  	v47 =	vadd.s32 v50, v47;
	v61 =	vsel vm8, $0x1, v16;
	vm8 =	vgt.f32 v58, v56  }
0x20c: {  	v47 =	vadd.s32 v61, v47;
	v62 =	vsel vm8, $0x1, v16;
	vm8 =	vgt.f32 v11, v57  }
0x20d: {  	s0 =	sadd.s32 $0x0, s26;
	v47 =	vadd.s32 v62, v47;
	v49 =	vsel vm8, $0x1, v16;
	vm8 =	vgt.f32 v0, v52  }
0x20e: {  	v0 =	vadd.s32 v49, v47;
	v63 =	vsel vm8, $0x1, v16;
	v49 =	vmov s0  }
0x20f: {  	v47 =	vadd.s32 v63, v0;
	v53 =	vor.u32 $0x6, v49;
	v54 =	vor.u32 $0x7, v49  }
0x210: {  	s28 =	simm.s32 $0xC6A0;
	v51 =	vor.u32 $0x3, v49;
	v52 =	vor.u32 $0x4, v49;
	v56 =	vor.u32 $0x5, v49  }
0x211: {  	s29 =	simm.s32 $0x8;
	v50 =	vld [tilespmem:s28+$0xFFFFFE00];
	vm8 =	vlt.s32 v49, v34;
	v55 =	vor.u32 $0x1, v49;
	v57 =	vor.u32 $0x2, v49  }
.LBB2_23:
0x212: {  	p1 =	sne.s32 s29, $0x130;
	v0 =	vld [tilespmem:s28+$0xFFFFFE80];
	vm9 =	vlt.s32 v56, v34;
	vm10 =	vlt.s32 v53, v34;
	vm11 =	vlt.s32 v54, v34  }
0x213: {  	vm12 =	vlt.s32 v57, v34;
	vm13 =	vlt.s32 v51, v34;
	vm14 =	vlt.s32 v52, v34;
	v53 =	vld [tilespmem:s28+$0xFFFFFF00]  }
0x214: {  	v51 =	vsel vm8, v33, v32;
	vm8 =	vlt.s32 v55, v34;
	v54 =	vsel vm11, v33, v32;
	v52 =	vld [tilespmem:s28+$0xFFFFFF80]  }
0x215: {  	v56 =	vsel vm14, v33, v32;
	v57 =	vsel vm9, v33, v32;
	v58 =	vsel vm10, v33, v32;
	v55 =	vld [tilespmem:s28+$0x0]  }
0x216: {  	vm9 =	vgt.f32 v50, v51;
	v50 =	vsel vm8, v33, v32;
	v51 =	vsel vm13, v33, v32;
	v59 =	vld [tilespmem:s28+$0x80]  }
0x217: {  	v60 =	vsel vm9, $0x1, v16;
	vm8 =	vgt.f32 v0, v50;
	v0 =	vsel vm12, v33, v32;
	v50 =	vld [tilespmem:s28+$0x100]  }
0x218: {  	v46 =	vadd.s32 v60, v46;
	v60 =	vsel vm8, $0x1, v16;
	vm8 =	vgt.f32 v53, v0;
	v0 =	vld [tilespmem:s28+$0x180]  }
0x219: {  	v46 =	vadd.s32 v60, v46;
	v53 =	vsel vm8, $0x1, v16;
	vm8 =	vgt.f32 v52, v51  }
0x21a: {  	v46 =	vadd.s32 v53, v46;
	v51 =	vsel vm8, $0x1, v16;
	vm8 =	vgt.f32 v55, v56  }
0x21b: {  	v46 =	vadd.s32 v51, v46;
	v51 =	vsel vm8, $0x1, v16;
	vm8 =	vgt.f32 v59, v57  }
0x21c: {  	v46 =	vadd.s32 v51, v46;
	v51 =	vsel vm8, $0x1, v16;
	vm8 =	vgt.f32 v50, v58  }
.Ltmp10:
0x21d: {  	s0 =	sadd.s32 s26, s29;
	v46 =	vadd.s32 v51, v46;
	v50 =	vsel vm8, $0x1, v16;
	vm8 =	vgt.f32 v0, v54;
	(pc) =	sbr.rel @p1 .LBB2_23-.Ltmp10, $4  }
0x21e: {  	v0 =	vmov s0;
	v46 =	vadd.s32 v50, v46;
	v50 =	vsel vm8, $0x1, v16  }
0x21f: {  	v53 =	vor.u32 $0x6, v0;
	v54 =	vor.u32 $0x7, v0;
	v46 =	vadd.s32 v50, v46  }
0x220: {  	s28 =	sadd.s32 $0x400, s28;
	v51 =	vor.u32 $0x3, v0;
	v52 =	vor.u32 $0x4, v0;
	v56 =	vor.u32 $0x5, v0  }
0x221: {  	s29 =	sadd.s32 $0x8, s29;
	vm8 =	vlt.s32 v0, v34;
	v55 =	vor.u32 $0x1, v0;
	v57 =	vor.u32 $0x2, v0;
	v50 =	vld [tilespmem:s28+$0xFFFFFE00]  }
0x222: {  	v0 =	vld [tilespmem:s28+$0xFFFFFE80];
	vm9 =	vlt.s32 v56, v34;
	vm10 =	vlt.s32 v53, v34  }
0x223: {  	vm11 =	vlt.s32 v54, v34;
	v53 =	vld [tilespmem:s28+$0xFFFFFF00];
	vm12 =	vlt.s32 v57, v34;
	vm13 =	vlt.s32 v51, v34  }
0x224: {  	vm14 =	vlt.s32 v52, v34;
	v10 =	vsel vm8, v33, v32;
	vm8 =	vlt.s32 v55, v34  }
0x225: {  	v52 =	vld [tilespmem:s28+$0xFFFFFF80];
	v54 =	vsel vm11, v33, v32;
	v56 =	vsel vm14, v33, v32;
	v57 =	vsel vm9, v33, v32  }
0x226: {  	v55 =	vld [tilespmem:s28+$0x0];
	v58 =	vsel vm10, v33, v32;
	v11 =	vsel vm8, v33, v32;
	vm9 =	vgt.f32 v50, v10  }
0x227: {  	v60 =	vsel vm9, $0x1, v16;
	vm8 =	vgt.f32 v0, v11;
	v0 =	vsel vm12, v33, v32  }
0x228: {  	v59 =	vld [tilespmem:s28+$0x80];
	v46 =	vadd.s32 v60, v46;
	v11 =	vsel vm8, $0x1, v16;
	vm8 =	vgt.f32 v53, v0  }
0x229: {  	v9 =	vsel vm13, v33, v32;
	v10 =	vld [tilespmem:s28+$0x100];
	v46 =	vadd.s32 v11, v46;
	v53 =	vsel vm8, $0x1, v16  }
0x22a: {  	v0 =	vld [tilespmem:s28+$0x180];
	vm8 =	vgt.f32 v52, v9;
	v52 =	vor.u32 $0x4, v49;
	v46 =	vadd.s32 v53, v46  }
0x22b: {  	v51 =	vsel vm8, $0x1, v16;
	vm8 =	vgt.f32 v55, v56;
	v53 =	vor.u32 $0x6, v49  }
0x22c: {  	v56 =	vor.u32 $0x5, v49;
	v55 =	vor.u32 $0x1, v49;
	v46 =	vadd.s32 v51, v46  }
0x22d: {  	v61 =	vsel vm8, $0x1, v16;
	vm8 =	vgt.f32 v59, v57;
	v51 =	vor.u32 $0x3, v49  }
0x22e: {  	v46 =	vadd.s32 v61, v46;
	v62 =	vsel vm8, $0x1, v16;
	vm8 =	vgt.f32 v10, v58  }
0x22f: {  	v46 =	vadd.s32 v62, v46;
	v50 =	vsel vm8, $0x1, v16;
	vm8 =	vgt.f32 v0, v54  }
0x230: {  	s28 =	simm.s32 $0xC6B0;
	v54 =	vor.u32 $0x7, v49;
	v0 =	vadd.s32 v50, v46;
	v63 =	vsel vm8, $0x1, v16  }
0x231: {  	s29 =	simm.s32 $0x8;
	v50 =	vld [tilespmem:s28+$0xFFFFFE00];
	vm8 =	vlt.s32 v49, v31;
	v49 =	vor.u32 $0x2, v49;
	v46 =	vadd.s32 v63, v0  }
.LBB2_25:
0x232: {  	p1 =	sne.s32 s29, $0x130;
	v0 =	vld [tilespmem:s28+$0xFFFFFE80];
	vm9 =	vlt.s32 v56, v31;
	vm10 =	vlt.s32 v53, v31;
	vm11 =	vlt.s32 v54, v31  }
0x233: {  	vm12 =	vlt.s32 v49, v31;
	vm13 =	vlt.s32 v51, v31;
	vm14 =	vlt.s32 v52, v31;
	v53 =	vld [tilespmem:s28+$0xFFFFFF00]  }
0x234: {  	v49 =	vsel vm8, v30, v29;
	vm8 =	vlt.s32 v55, v31;
	v52 =	vsel vm11, v30, v29;
	v51 =	vld [tilespmem:s28+$0xFFFFFF80]  }
0x235: {  	v55 =	vsel vm14, v30, v29;
	v56 =	vsel vm9, v30, v29;
	v57 =	vsel vm10, v30, v29;
	v54 =	vld [tilespmem:s28+$0x0]  }
0x236: {  	vm9 =	vgt.f32 v50, v49;
	v49 =	vsel vm8, v30, v29;
	v50 =	vsel vm13, v30, v29;
	v58 =	vld [tilespmem:s28+$0x80]  }
0x237: {  	v59 =	vsel vm9, $0x1, v16;
	vm8 =	vgt.f32 v0, v49;
	v0 =	vsel vm12, v30, v29;
	v49 =	vld [tilespmem:s28+$0x100]  }
0x238: {  	v45 =	vadd.s32 v59, v45;
	v59 =	vsel vm8, $0x1, v16;
	vm8 =	vgt.f32 v53, v0;
	v0 =	vld [tilespmem:s28+$0x180]  }
0x239: {  	v45 =	vadd.s32 v59, v45;
	v53 =	vsel vm8, $0x1, v16;
	vm8 =	vgt.f32 v51, v50  }
0x23a: {  	v45 =	vadd.s32 v53, v45;
	v50 =	vsel vm8, $0x1, v16;
	vm8 =	vgt.f32 v54, v55  }
0x23b: {  	v45 =	vadd.s32 v50, v45;
	v50 =	vsel vm8, $0x1, v16;
	vm8 =	vgt.f32 v58, v56  }
0x23c: {  	v45 =	vadd.s32 v50, v45;
	v50 =	vsel vm8, $0x1, v16;
	vm8 =	vgt.f32 v49, v57  }
.Ltmp11:
0x23d: {  	s0 =	sadd.s32 s26, s29;
	v45 =	vadd.s32 v50, v45;
	v49 =	vsel vm8, $0x1, v16;
	vm8 =	vgt.f32 v0, v52;
	(pc) =	sbr.rel @p1 .LBB2_25-.Ltmp11, $4  }
0x23e: {  	v0 =	vmov s0;
	v45 =	vadd.s32 v49, v45;
	v49 =	vsel vm8, $0x1, v16  }
0x23f: {  	v53 =	vor.u32 $0x6, v0;
	v54 =	vor.u32 $0x7, v0;
	v45 =	vadd.s32 v49, v45  }
0x240: {  	s28 =	sadd.s32 $0x400, s28;
	v51 =	vor.u32 $0x3, v0;
	v52 =	vor.u32 $0x4, v0;
	v56 =	vor.u32 $0x5, v0  }
0x241: {  	s29 =	sadd.s32 $0x8, s29;
	vm8 =	vlt.s32 v0, v31;
	v55 =	vor.u32 $0x1, v0;
	v49 =	vor.u32 $0x2, v0;
	v50 =	vld [tilespmem:s28+$0xFFFFFE00]  }
0x242: {  	v0 =	vld [tilespmem:s28+$0xFFFFFE80];
	vm9 =	vlt.s32 v56, v31;
	vm10 =	vlt.s32 v53, v31;
	vm11 =	vlt.s32 v54, v31  }
0x243: {  	v53 =	vld [tilespmem:s28+$0xFFFFFF00];
	vm12 =	vlt.s32 v49, v31;
	vm13 =	vlt.s32 v51, v31;
	vm14 =	vlt.s32 v52, v31  }
0x244: {  	v60 =	vsel vm8, v30, v29;
	vm8 =	vlt.s32 v55, v31;
	v61 =	vld [tilespmem:s28+$0xFFFFFF80];
	v52 =	vsel vm11, v30, v29  }
0x245: {  	v62 =	vld [tilespmem:s28+$0x0];
	v63 =	vsel vm14, v30, v29;
	v56 =	vsel vm9, v30, v29;
	v57 =	vsel vm10, v30, v29  }
0x246: {  	v58 =	vld [tilespmem:s28+$0x80];
	v9 =	vsel vm8, v30, v29;
	v10 =	vsel vm13, v30, v29;
	vm9 =	vgt.f32 v50, v60  }
0x247: {  	v11 =	vld [tilespmem:s28+$0x100];
	v59 =	vsel vm9, $0x1, v16;
	vm8 =	vgt.f32 v0, v9;
	v0 =	vsel vm12, v30, v29  }
0x248: {  	v45 =	vadd.s32 v59, v45;
	v60 =	vsel vm8, $0x1, v16;
	vm8 =	vgt.f32 v53, v0;
	v0 =	vld [tilespmem:s28+$0x180]  }
0x249: {  	v45 =	vadd.s32 v60, v45;
	v53 =	vsel vm8, $0x1, v16;
	vm8 =	vgt.f32 v61, v10  }
0x24a: {  	v45 =	vadd.s32 v53, v45;
	v50 =	vsel vm8, $0x1, v16;
	vm8 =	vgt.f32 v62, v63  }
0x24b: {  	v45 =	vadd.s32 v50, v45;
	v61 =	vsel vm8, $0x1, v16;
	vm8 =	vgt.f32 v58, v56  }
0x24c: {  	v45 =	vadd.s32 v61, v45;
	v62 =	vsel vm8, $0x1, v16;
	vm8 =	vgt.f32 v11, v57  }
0x24d: {  	s0 =	sadd.s32 $0x0, s26;
	v45 =	vadd.s32 v62, v45;
	v49 =	vsel vm8, $0x1, v16;
	vm8 =	vgt.f32 v0, v52  }
0x24e: {  	v0 =	vadd.s32 v49, v45;
	v63 =	vsel vm8, $0x1, v16;
	v49 =	vmov s0  }
0x24f: {  	v45 =	vadd.s32 v63, v0;
	v53 =	vor.u32 $0x6, v49;
	v54 =	vor.u32 $0x7, v49  }
0x250: {  	s28 =	simm.s32 $0xC6C0;
	v51 =	vor.u32 $0x3, v49;
	v52 =	vor.u32 $0x4, v49;
	v56 =	vor.u32 $0x5, v49  }
0x251: {  	s29 =	simm.s32 $0x8;
	v50 =	vld [tilespmem:s28+$0xFFFFFE00];
	vm8 =	vlt.s32 v49, v28;
	v55 =	vor.u32 $0x1, v49;
	v57 =	vor.u32 $0x2, v49  }
.LBB2_27:
0x252: {  	p1 =	sne.s32 s29, $0x130;
	v0 =	vld [tilespmem:s28+$0xFFFFFE80];
	vm9 =	vlt.s32 v56, v28;
	vm10 =	vlt.s32 v53, v28;
	vm11 =	vlt.s32 v54, v28  }
0x253: {  	vm12 =	vlt.s32 v57, v28;
	vm13 =	vlt.s32 v51, v28;
	vm14 =	vlt.s32 v52, v28;
	v53 =	vld [tilespmem:s28+$0xFFFFFF00]  }
0x254: {  	v51 =	vsel vm8, v27, v26;
	vm8 =	vlt.s32 v55, v28;
	v54 =	vsel vm11, v27, v26;
	v52 =	vld [tilespmem:s28+$0xFFFFFF80]  }
0x255: {  	v56 =	vsel vm14, v27, v26;
	v57 =	vsel vm9, v27, v26;
	v58 =	vsel vm10, v27, v26;
	v55 =	vld [tilespmem:s28+$0x0]  }
0x256: {  	vm9 =	vgt.f32 v50, v51;
	v50 =	vsel vm8, v27, v26;
	v51 =	vsel vm13, v27, v26;
	v59 =	vld [tilespmem:s28+$0x80]  }
0x257: {  	v60 =	vsel vm9, $0x1, v16;
	vm8 =	vgt.f32 v0, v50;
	v0 =	vsel vm12, v27, v26;
	v50 =	vld [tilespmem:s28+$0x100]  }
0x258: {  	v44 =	vadd.s32 v60, v44;
	v60 =	vsel vm8, $0x1, v16;
	vm8 =	vgt.f32 v53, v0;
	v0 =	vld [tilespmem:s28+$0x180]  }
0x259: {  	v44 =	vadd.s32 v60, v44;
	v53 =	vsel vm8, $0x1, v16;
	vm8 =	vgt.f32 v52, v51  }
0x25a: {  	v44 =	vadd.s32 v53, v44;
	v51 =	vsel vm8, $0x1, v16;
	vm8 =	vgt.f32 v55, v56  }
0x25b: {  	v44 =	vadd.s32 v51, v44;
	v51 =	vsel vm8, $0x1, v16;
	vm8 =	vgt.f32 v59, v57  }
0x25c: {  	v44 =	vadd.s32 v51, v44;
	v51 =	vsel vm8, $0x1, v16;
	vm8 =	vgt.f32 v50, v58  }
.Ltmp12:
0x25d: {  	s0 =	sadd.s32 s26, s29;
	v44 =	vadd.s32 v51, v44;
	v50 =	vsel vm8, $0x1, v16;
	vm8 =	vgt.f32 v0, v54;
	(pc) =	sbr.rel @p1 .LBB2_27-.Ltmp12, $4  }
0x25e: {  	v0 =	vmov s0;
	v44 =	vadd.s32 v50, v44;
	v50 =	vsel vm8, $0x1, v16  }
0x25f: {  	v53 =	vor.u32 $0x6, v0;
	v54 =	vor.u32 $0x7, v0;
	v44 =	vadd.s32 v50, v44  }
0x260: {  	s28 =	sadd.s32 $0x400, s28;
	v51 =	vor.u32 $0x3, v0;
	v52 =	vor.u32 $0x4, v0;
	v56 =	vor.u32 $0x5, v0  }
0x261: {  	s29 =	sadd.s32 $0x8, s29;
	vm8 =	vlt.s32 v0, v28;
	v55 =	vor.u32 $0x1, v0;
	v57 =	vor.u32 $0x2, v0;
	v50 =	vld [tilespmem:s28+$0xFFFFFE00]  }
0x262: {  	v0 =	vld [tilespmem:s28+$0xFFFFFE80];
	vm9 =	vlt.s32 v56, v28;
	vm10 =	vlt.s32 v53, v28  }
0x263: {  	vm11 =	vlt.s32 v54, v28;
	v53 =	vld [tilespmem:s28+$0xFFFFFF00];
	vm12 =	vlt.s32 v57, v28;
	vm13 =	vlt.s32 v51, v28  }
0x264: {  	vm14 =	vlt.s32 v52, v28;
	v10 =	vsel vm8, v27, v26;
	vm8 =	vlt.s32 v55, v28  }
0x265: {  	v52 =	vld [tilespmem:s28+$0xFFFFFF80];
	v54 =	vsel vm11, v27, v26;
	v56 =	vsel vm14, v27, v26;
	v57 =	vsel vm9, v27, v26  }
0x266: {  	v55 =	vld [tilespmem:s28+$0x0];
	v58 =	vsel vm10, v27, v26;
	v11 =	vsel vm8, v27, v26;
	vm9 =	vgt.f32 v50, v10  }
0x267: {  	v60 =	vsel vm9, $0x1, v16;
	vm8 =	vgt.f32 v0, v11;
	v0 =	vsel vm12, v27, v26  }
0x268: {  	v59 =	vld [tilespmem:s28+$0x80];
	v44 =	vadd.s32 v60, v44;
	v11 =	vsel vm8, $0x1, v16;
	vm8 =	vgt.f32 v53, v0  }
0x269: {  	v9 =	vsel vm13, v27, v26;
	v10 =	vld [tilespmem:s28+$0x100];
	v44 =	vadd.s32 v11, v44;
	v53 =	vsel vm8, $0x1, v16  }
0x26a: {  	v0 =	vld [tilespmem:s28+$0x180];
	vm8 =	vgt.f32 v52, v9;
	v52 =	vor.u32 $0x4, v49;
	v44 =	vadd.s32 v53, v44  }
0x26b: {  	v51 =	vsel vm8, $0x1, v16;
	vm8 =	vgt.f32 v55, v56;
	v53 =	vor.u32 $0x6, v49  }
0x26c: {  	v56 =	vor.u32 $0x5, v49;
	v55 =	vor.u32 $0x1, v49;
	v44 =	vadd.s32 v51, v44  }
0x26d: {  	v61 =	vsel vm8, $0x1, v16;
	vm8 =	vgt.f32 v59, v57;
	v51 =	vor.u32 $0x3, v49  }
0x26e: {  	v44 =	vadd.s32 v61, v44;
	v62 =	vsel vm8, $0x1, v16;
	vm8 =	vgt.f32 v10, v58  }
0x26f: {  	v44 =	vadd.s32 v62, v44;
	v50 =	vsel vm8, $0x1, v16;
	vm8 =	vgt.f32 v0, v54  }
0x270: {  	s28 =	simm.s32 $0xC6D0;
	v54 =	vor.u32 $0x7, v49;
	v0 =	vadd.s32 v50, v44;
	v63 =	vsel vm8, $0x1, v16  }
0x271: {  	s29 =	simm.s32 $0x8;
	v50 =	vld [tilespmem:s28+$0xFFFFFE00];
	vm8 =	vlt.s32 v49, v25;
	v49 =	vor.u32 $0x2, v49;
	v44 =	vadd.s32 v63, v0  }
.LBB2_29:
0x272: {  	p1 =	sne.s32 s29, $0x130;
	v0 =	vld [tilespmem:s28+$0xFFFFFE80];
	vm9 =	vlt.s32 v56, v25;
	vm10 =	vlt.s32 v53, v25;
	vm11 =	vlt.s32 v54, v25  }
0x273: {  	vm12 =	vlt.s32 v49, v25;
	vm13 =	vlt.s32 v51, v25;
	vm14 =	vlt.s32 v52, v25;
	v53 =	vld [tilespmem:s28+$0xFFFFFF00]  }
0x274: {  	v49 =	vsel vm8, v24, v23;
	vm8 =	vlt.s32 v55, v25;
	v52 =	vsel vm11, v24, v23;
	v51 =	vld [tilespmem:s28+$0xFFFFFF80]  }
0x275: {  	v55 =	vsel vm14, v24, v23;
	v56 =	vsel vm9, v24, v23;
	v57 =	vsel vm10, v24, v23;
	v54 =	vld [tilespmem:s28+$0x0]  }
0x276: {  	vm9 =	vgt.f32 v50, v49;
	v49 =	vsel vm8, v24, v23;
	v50 =	vsel vm13, v24, v23;
	v58 =	vld [tilespmem:s28+$0x80]  }
0x277: {  	v59 =	vsel vm9, $0x1, v16;
	vm8 =	vgt.f32 v0, v49;
	v0 =	vsel vm12, v24, v23;
	v49 =	vld [tilespmem:s28+$0x100]  }
0x278: {  	v43 =	vadd.s32 v59, v43;
	v59 =	vsel vm8, $0x1, v16;
	vm8 =	vgt.f32 v53, v0;
	v0 =	vld [tilespmem:s28+$0x180]  }
0x279: {  	v43 =	vadd.s32 v59, v43;
	v53 =	vsel vm8, $0x1, v16;
	vm8 =	vgt.f32 v51, v50  }
0x27a: {  	v43 =	vadd.s32 v53, v43;
	v50 =	vsel vm8, $0x1, v16;
	vm8 =	vgt.f32 v54, v55  }
0x27b: {  	v43 =	vadd.s32 v50, v43;
	v50 =	vsel vm8, $0x1, v16;
	vm8 =	vgt.f32 v58, v56  }
0x27c: {  	v43 =	vadd.s32 v50, v43;
	v50 =	vsel vm8, $0x1, v16;
	vm8 =	vgt.f32 v49, v57  }
.Ltmp13:
0x27d: {  	s0 =	sadd.s32 s26, s29;
	v43 =	vadd.s32 v50, v43;
	v49 =	vsel vm8, $0x1, v16;
	vm8 =	vgt.f32 v0, v52;
	(pc) =	sbr.rel @p1 .LBB2_29-.Ltmp13, $4  }
0x27e: {  	v0 =	vmov s0;
	v43 =	vadd.s32 v49, v43;
	v49 =	vsel vm8, $0x1, v16  }
0x27f: {  	v53 =	vor.u32 $0x6, v0;
	v54 =	vor.u32 $0x7, v0;
	v43 =	vadd.s32 v49, v43  }
0x280: {  	s28 =	sadd.s32 $0x400, s28;
	v51 =	vor.u32 $0x3, v0;
	v52 =	vor.u32 $0x4, v0;
	v56 =	vor.u32 $0x5, v0  }
0x281: {  	s29 =	sadd.s32 $0x8, s29;
	vm8 =	vlt.s32 v0, v25;
	v55 =	vor.u32 $0x1, v0;
	v49 =	vor.u32 $0x2, v0;
	v50 =	vld [tilespmem:s28+$0xFFFFFE00]  }
0x282: {  	v0 =	vld [tilespmem:s28+$0xFFFFFE80];
	vm9 =	vlt.s32 v56, v25;
	vm10 =	vlt.s32 v53, v25;
	vm11 =	vlt.s32 v54, v25  }
0x283: {  	v53 =	vld [tilespmem:s28+$0xFFFFFF00];
	vm12 =	vlt.s32 v49, v25;
	vm13 =	vlt.s32 v51, v25;
	vm14 =	vlt.s32 v52, v25  }
0x284: {  	v60 =	vsel vm8, v24, v23;
	vm8 =	vlt.s32 v55, v25;
	v61 =	vld [tilespmem:s28+$0xFFFFFF80];
	v52 =	vsel vm11, v24, v23  }
0x285: {  	v62 =	vld [tilespmem:s28+$0x0];
	v63 =	vsel vm14, v24, v23;
	v56 =	vsel vm9, v24, v23;
	v57 =	vsel vm10, v24, v23  }
0x286: {  	v58 =	vld [tilespmem:s28+$0x80];
	v9 =	vsel vm8, v24, v23;
	v10 =	vsel vm13, v24, v23;
	vm9 =	vgt.f32 v50, v60  }
0x287: {  	v11 =	vld [tilespmem:s28+$0x100];
	v59 =	vsel vm9, $0x1, v16;
	vm8 =	vgt.f32 v0, v9;
	v0 =	vsel vm12, v24, v23  }
0x288: {  	v43 =	vadd.s32 v59, v43;
	v60 =	vsel vm8, $0x1, v16;
	vm8 =	vgt.f32 v53, v0;
	v0 =	vld [tilespmem:s28+$0x180]  }
0x289: {  	v43 =	vadd.s32 v60, v43;
	v53 =	vsel vm8, $0x1, v16;
	vm8 =	vgt.f32 v61, v10  }
0x28a: {  	v43 =	vadd.s32 v53, v43;
	v50 =	vsel vm8, $0x1, v16;
	vm8 =	vgt.f32 v62, v63  }
0x28b: {  	v43 =	vadd.s32 v50, v43;
	v61 =	vsel vm8, $0x1, v16;
	vm8 =	vgt.f32 v58, v56  }
0x28c: {  	v43 =	vadd.s32 v61, v43;
	v62 =	vsel vm8, $0x1, v16;
	vm8 =	vgt.f32 v11, v57  }
0x28d: {  	s0 =	sadd.s32 $0x0, s26;
	v43 =	vadd.s32 v62, v43;
	v49 =	vsel vm8, $0x1, v16;
	vm8 =	vgt.f32 v0, v52  }
0x28e: {  	v0 =	vadd.s32 v49, v43;
	v63 =	vsel vm8, $0x1, v16;
	v49 =	vmov s0  }
0x28f: {  	v43 =	vadd.s32 v63, v0;
	v53 =	vor.u32 $0x6, v49;
	v54 =	vor.u32 $0x7, v49  }
0x290: {  	s28 =	simm.s32 $0xC6E0;
	v51 =	vor.u32 $0x3, v49;
	v52 =	vor.u32 $0x4, v49;
	v56 =	vor.u32 $0x5, v49  }
0x291: {  	s29 =	simm.s32 $0x8;
	v50 =	vld [tilespmem:s28+$0xFFFFFE00];
	vm8 =	vlt.s32 v49, v22;
	v55 =	vor.u32 $0x1, v49;
	v57 =	vor.u32 $0x2, v49  }
.LBB2_31:
0x292: {  	p1 =	sne.s32 s29, $0x130;
	v0 =	vld [tilespmem:s28+$0xFFFFFE80];
	vm9 =	vlt.s32 v56, v22;
	vm10 =	vlt.s32 v53, v22;
	vm11 =	vlt.s32 v54, v22  }
0x293: {  	vm12 =	vlt.s32 v57, v22;
	vm13 =	vlt.s32 v51, v22;
	vm14 =	vlt.s32 v52, v22;
	v53 =	vld [tilespmem:s28+$0xFFFFFF00]  }
0x294: {  	v51 =	vsel vm8, v21, v20;
	vm8 =	vlt.s32 v55, v22;
	v54 =	vsel vm11, v21, v20;
	v52 =	vld [tilespmem:s28+$0xFFFFFF80]  }
0x295: {  	v56 =	vsel vm14, v21, v20;
	v57 =	vsel vm9, v21, v20;
	v58 =	vsel vm10, v21, v20;
	v55 =	vld [tilespmem:s28+$0x0]  }
0x296: {  	vm9 =	vgt.f32 v50, v51;
	v50 =	vsel vm8, v21, v20;
	v51 =	vsel vm13, v21, v20;
	v59 =	vld [tilespmem:s28+$0x80]  }
0x297: {  	v60 =	vsel vm9, $0x1, v16;
	vm8 =	vgt.f32 v0, v50;
	v0 =	vsel vm12, v21, v20;
	v50 =	vld [tilespmem:s28+$0x100]  }
0x298: {  	v42 =	vadd.s32 v60, v42;
	v60 =	vsel vm8, $0x1, v16;
	vm8 =	vgt.f32 v53, v0;
	v0 =	vld [tilespmem:s28+$0x180]  }
0x299: {  	v42 =	vadd.s32 v60, v42;
	v53 =	vsel vm8, $0x1, v16;
	vm8 =	vgt.f32 v52, v51  }
0x29a: {  	v42 =	vadd.s32 v53, v42;
	v51 =	vsel vm8, $0x1, v16;
	vm8 =	vgt.f32 v55, v56  }
0x29b: {  	v42 =	vadd.s32 v51, v42;
	v51 =	vsel vm8, $0x1, v16;
	vm8 =	vgt.f32 v59, v57  }
0x29c: {  	v42 =	vadd.s32 v51, v42;
	v51 =	vsel vm8, $0x1, v16;
	vm8 =	vgt.f32 v50, v58  }
.Ltmp14:
0x29d: {  	s0 =	sadd.s32 s26, s29;
	v42 =	vadd.s32 v51, v42;
	v50 =	vsel vm8, $0x1, v16;
	vm8 =	vgt.f32 v0, v54;
	(pc) =	sbr.rel @p1 .LBB2_31-.Ltmp14, $4  }
0x29e: {  	v0 =	vmov s0;
	v42 =	vadd.s32 v50, v42;
	v50 =	vsel vm8, $0x1, v16  }
0x29f: {  	v53 =	vor.u32 $0x6, v0;
	v54 =	vor.u32 $0x7, v0;
	v42 =	vadd.s32 v50, v42  }
0x2a0: {  	s28 =	sadd.s32 $0x400, s28;
	v51 =	vor.u32 $0x3, v0;
	v52 =	vor.u32 $0x4, v0;
	v56 =	vor.u32 $0x5, v0  }
0x2a1: {  	s29 =	sadd.s32 $0x8, s29;
	vm8 =	vlt.s32 v0, v22;
	v55 =	vor.u32 $0x1, v0;
	v57 =	vor.u32 $0x2, v0;
	v50 =	vld [tilespmem:s28+$0xFFFFFE00]  }
0x2a2: {  	v0 =	vld [tilespmem:s28+$0xFFFFFE80];
	vm9 =	vlt.s32 v56, v22;
	vm10 =	vlt.s32 v53, v22  }
0x2a3: {  	vm11 =	vlt.s32 v54, v22;
	v53 =	vld [tilespmem:s28+$0xFFFFFF00];
	vm12 =	vlt.s32 v57, v22;
	vm13 =	vlt.s32 v51, v22  }
0x2a4: {  	vm14 =	vlt.s32 v52, v22;
	v10 =	vsel vm8, v21, v20;
	vm8 =	vlt.s32 v55, v22  }
0x2a5: {  	v52 =	vld [tilespmem:s28+$0xFFFFFF80];
	v54 =	vsel vm11, v21, v20;
	v56 =	vsel vm14, v21, v20;
	v57 =	vsel vm9, v21, v20  }
0x2a6: {  	v55 =	vld [tilespmem:s28+$0x0];
	v58 =	vsel vm10, v21, v20;
	v11 =	vsel vm8, v21, v20;
	vm9 =	vgt.f32 v50, v10  }
0x2a7: {  	v60 =	vsel vm9, $0x1, v16;
	vm8 =	vgt.f32 v0, v11;
	v0 =	vsel vm12, v21, v20  }
0x2a8: {  	v59 =	vld [tilespmem:s28+$0x80];
	v42 =	vadd.s32 v60, v42;
	v11 =	vsel vm8, $0x1, v16;
	vm8 =	vgt.f32 v53, v0  }
0x2a9: {  	v9 =	vsel vm13, v21, v20;
	v10 =	vld [tilespmem:s28+$0x100];
	v42 =	vadd.s32 v11, v42;
	v53 =	vsel vm8, $0x1, v16  }
0x2aa: {  	v0 =	vld [tilespmem:s28+$0x180];
	vm8 =	vgt.f32 v52, v9;
	v52 =	vor.u32 $0x4, v49;
	v42 =	vadd.s32 v53, v42  }
0x2ab: {  	v51 =	vsel vm8, $0x1, v16;
	vm8 =	vgt.f32 v55, v56;
	v53 =	vor.u32 $0x6, v49  }
0x2ac: {  	v56 =	vor.u32 $0x5, v49;
	v55 =	vor.u32 $0x1, v49;
	v42 =	vadd.s32 v51, v42  }
0x2ad: {  	v61 =	vsel vm8, $0x1, v16;
	vm8 =	vgt.f32 v59, v57;
	v51 =	vor.u32 $0x3, v49  }
0x2ae: {  	v42 =	vadd.s32 v61, v42;
	v62 =	vsel vm8, $0x1, v16;
	vm8 =	vgt.f32 v10, v58  }
0x2af: {  	v42 =	vadd.s32 v62, v42;
	v50 =	vsel vm8, $0x1, v16;
	vm8 =	vgt.f32 v0, v54  }
0x2b0: {  	s28 =	simm.s32 $0xC6F0;
	v54 =	vor.u32 $0x7, v49;
	v0 =	vadd.s32 v50, v42;
	v63 =	vsel vm8, $0x1, v16  }
0x2b1: {  	s29 =	simm.s32 $0x8;
	v50 =	vld [tilespmem:s28+$0xFFFFFE00];
	vm8 =	vlt.s32 v49, v19;
	v49 =	vor.u32 $0x2, v49;
	v42 =	vadd.s32 v63, v0  }
.LBB2_33:
0x2b2: {  	p1 =	sne.s32 s29, $0x130;
	v0 =	vld [tilespmem:s28+$0xFFFFFE80];
	vm9 =	vlt.s32 v56, v19;
	vm10 =	vlt.s32 v53, v19;
	vm11 =	vlt.s32 v54, v19  }
0x2b3: {  	vm12 =	vlt.s32 v49, v19;
	vm13 =	vlt.s32 v51, v19;
	vm14 =	vlt.s32 v52, v19;
	v53 =	vld [tilespmem:s28+$0xFFFFFF00]  }
0x2b4: {  	v49 =	vsel vm8, v18, v17;
	vm8 =	vlt.s32 v55, v19;
	v52 =	vsel vm11, v18, v17;
	v51 =	vld [tilespmem:s28+$0xFFFFFF80]  }
0x2b5: {  	v55 =	vsel vm14, v18, v17;
	v56 =	vsel vm9, v18, v17;
	v57 =	vsel vm10, v18, v17;
	v54 =	vld [tilespmem:s28+$0x0]  }
0x2b6: {  	vm9 =	vgt.f32 v50, v49;
	v49 =	vsel vm8, v18, v17;
	v50 =	vsel vm13, v18, v17;
	v58 =	vld [tilespmem:s28+$0x80]  }
0x2b7: {  	v59 =	vsel vm9, $0x1, v16;
	vm8 =	vgt.f32 v0, v49;
	v0 =	vsel vm12, v18, v17;
	v49 =	vld [tilespmem:s28+$0x100]  }
0x2b8: {  	v41 =	vadd.s32 v59, v41;
	v59 =	vsel vm8, $0x1, v16;
	vm8 =	vgt.f32 v53, v0;
	v0 =	vld [tilespmem:s28+$0x180]  }
0x2b9: {  	v41 =	vadd.s32 v59, v41;
	v53 =	vsel vm8, $0x1, v16;
	vm8 =	vgt.f32 v51, v50  }
0x2ba: {  	v41 =	vadd.s32 v53, v41;
	v50 =	vsel vm8, $0x1, v16;
	vm8 =	vgt.f32 v54, v55  }
0x2bb: {  	v41 =	vadd.s32 v50, v41;
	v50 =	vsel vm8, $0x1, v16;
	vm8 =	vgt.f32 v58, v56  }
0x2bc: {  	v41 =	vadd.s32 v50, v41;
	v50 =	vsel vm8, $0x1, v16;
	vm8 =	vgt.f32 v49, v57  }
.Ltmp15:
0x2bd: {  	s0 =	sadd.s32 s26, s29;
	v41 =	vadd.s32 v50, v41;
	v49 =	vsel vm8, $0x1, v16;
	vm8 =	vgt.f32 v0, v52;
	(pc) =	sbr.rel @p1 .LBB2_33-.Ltmp15, $4  }
0x2be: {  	v0 =	vmov s0;
	v41 =	vadd.s32 v49, v41;
	v49 =	vsel vm8, $0x1, v16  }
0x2bf: {  	v53 =	vor.u32 $0x6, v0;
	v54 =	vor.u32 $0x7, v0;
	v41 =	vadd.s32 v49, v41  }
0x2c0: {  	s28 =	sadd.s32 $0x400, s28;
	v51 =	vor.u32 $0x3, v0;
	v52 =	vor.u32 $0x4, v0;
	v56 =	vor.u32 $0x5, v0  }
0x2c1: {  	s29 =	sadd.s32 $0x8, s29;
	vm8 =	vlt.s32 v0, v19;
	v55 =	vor.u32 $0x1, v0;
	v49 =	vor.u32 $0x2, v0;
	v50 =	vld [tilespmem:s28+$0xFFFFFE00]  }
0x2c2: {  	v0 =	vld [tilespmem:s28+$0xFFFFFE80];
	vm9 =	vlt.s32 v56, v19;
	vm10 =	vlt.s32 v53, v19;
	vm11 =	vlt.s32 v54, v19  }
0x2c3: {  	v53 =	vld [tilespmem:s28+$0xFFFFFF00];
	vm12 =	vlt.s32 v49, v19;
	vm13 =	vlt.s32 v51, v19;
	vm14 =	vlt.s32 v52, v19  }
0x2c4: {  	v60 =	vsel vm8, v18, v17;
	vm8 =	vlt.s32 v55, v19;
	v61 =	vld [tilespmem:s28+$0xFFFFFF80];
	v52 =	vsel vm11, v18, v17  }
0x2c5: {  	v62 =	vld [tilespmem:s28+$0x0];
	v63 =	vsel vm14, v18, v17;
	v56 =	vsel vm9, v18, v17;
	v57 =	vsel vm10, v18, v17  }
0x2c6: {  	v58 =	vld [tilespmem:s28+$0x80];
	v9 =	vsel vm8, v18, v17;
	v10 =	vsel vm13, v18, v17;
	vm15 =	vgt.f32 v50, v60  }
0x2c7: {  	v11 =	vld [tilespmem:s28+$0x100];
	v59 =	vsel vm15, $0x1, v16;
	vm8 =	vgt.f32 v0, v9;
	v0 =	vsel vm12, v18, v17  }
0x2c8: {  	v41 =	vadd.s32 v59, v41;
	v60 =	vsel vm8, $0x1, v16;
	vm8 =	vgt.f32 v53, v0;
	v0 =	vld [tilespmem:s28+$0x180]  }
0x2c9: {  	v41 =	vadd.s32 v60, v41;
	v53 =	vsel vm8, $0x1, v16;
	vm8 =	vgt.f32 v61, v10  }
0x2ca: {  	v41 =	vadd.s32 v53, v41;
	v50 =	vsel vm8, $0x1, v16;
	vm8 =	vgt.f32 v62, v63  }
.Ltmp16:
0x2cb: {  	v41 =	vadd.s32 v50, v41;
	v61 =	vsel vm8, $0x1, v16;
	vm8 =	vgt.f32 v58, v56;
	(pc) =	sbr.rel @p0 .LBB2_36-.Ltmp16, $4  }
0x2cc: {  	v41 =	vadd.s32 v61, v41;
	v62 =	vsel vm8, $0x1, v16;
	vm8 =	vgt.f32 v11, v57  }
0x2cd: {  	v41 =	vadd.s32 v62, v41;
	v49 =	vsel vm8, $0x1, v16;
	vm8 =	vgt.f32 v0, v52  }
0x2ce: {  	v0 =	vadd.s32 v49, v41;
	v63 =	vsel vm8, $0x1, v16  }
0x2cf: {  	v41 =	vadd.s32 v63, v0  }
.Ltmp17:
0x2d0: {  	(pc) =	sbr.rel .LBB2_2-.Ltmp17, $4  }
0x2d1: {  	s0 =	sadd.s32 s25, s14  }
0x2d2: {  	s0 =	sshll.u32 s0, $0x4  }
0x2d3: {  	s24 =	sadd.s32 $0x1, s24;
	s0 =	sadd.s32 s1, s0  }
0x2d4: {  	[tilespmem:s19], [sflag:$0x2] =	stream.linear.gather [hbm4b:s0+s5], $0x9C00, $0x38;
	[tilespmem:$0x1B190] =	vst v63  }
.LBB2_36:
0x2d5: {  	_ =	swait.ge [sflag:s18], $0x5000  }
0x2d6: {  	s0 =	simm.s32 $0x0;
	[sflag:s18] =	ssyncset.done $0x0  }
0x2d7: {  	s24 =	simm.s32 $0x16280;
	v0 =	vmov s0;
	[sflag:s18] =	ssyncadd.s32 $0xFFFFB000  }
0x2d8: {  	v0 =	vadd.s32 $0x18600, v0;
	v49 =	vld [tilespmem:s24+$0xFFFFFE00]  }
0x2d9: {  	v53 =	vbroadcast v0, $0x0;
	v0 =	vld [tilespmem:s24+$0xFFFFFE80];
	_ =	sdelay $0x1  }
0x2da: {  	v51 =	vimm.s32 $0x0;
	vm8 =	vlt.s32 v53, v40;
	v54 =	vor.u32 $0x1, v53  }
0x2db: {  	v52 =	vor.u32 $0x7, v53;
	v50 =	vsel vm8, v39, v38;
	vm8 =	vlt.s32 v54, v40  }
0x2dc: {  	v60 =	vld [tilespmem:s24+$0x0];
	v57 =	vor.u32 $0x2, v53;
	v59 =	vsel vm8, v39, v38;
	vm9 =	vgt.f32 v49, v50  }
0x2dd: {  	v61 =	vld [tilespmem:s24+$0xFFFFFF80];
	vm11 =	vlt.s32 v57, v40;
	v50 =	vsel vm9, $0x1, v16;
	vm9 =	vgt.f32 v0, v59  }
0x2de: {  	vm8 =	vlt.s32 v52, v40;
	v0 =	vld [tilespmem:s24+$0xFFFFFF00];
	v55 =	vadd.s32 v50, v51;
	v56 =	vsel vm9, $0x1, v16  }
0x2df: {  	v58 =	vadd.s32 v56, v55;
	v55 =	vor.u32 $0x3, v53;
	v56 =	vor.u32 $0x4, v53  }
0x2e0: {  	v8 =	vsel vm11, v39, v38;
	vm9 =	vlt.s32 v55, v40;
	vm10 =	vlt.s32 v56, v40  }
0x2e1: {  	v49 =	vor.u32 $0x6, v53;
	v59 =	vld [tilespmem:s24+$0x100];
	v62 =	vsel vm9, v39, v38;
	v63 =	vsel vm10, v39, v38  }
0x2e2: {  	v50 =	vor.u32 $0x5, v53;
	vm9 =	vgt.f32 v61, v62;
	vm10 =	vgt.f32 v60, v63;
	v61 =	vld [tilespmem:s24+$0x80]  }
0x2e3: {  	vm11 =	vgt.f32 v0, v8;
	v63 =	vsel vm9, $0x1, v16;
	v62 =	vsel vm10, $0x1, v16  }
0x2e4: {  	s25 =	simm.s32 $0x8;
	v60 =	vld [tilespmem:s24+$0x180];
	v0 =	vsel vm11, $0x1, v16;
	vm9 =	vlt.s32 v50, v40;
	vm10 =	vlt.s32 v49, v40  }
.LBB2_37:
0x2e5: {  	p0 =	sne.s32 s25, $0x98  }
0x2e6: {  	v0 =	vadd.s32 v0, v58;
	v8 =	vsel vm9, v39, v38;
	v58 =	vsel vm10, v39, v38;
	s24 =	sadd.s32 $0x400, s24;
	s0 =	smov.u32 s25;
	s25 =	sadd.s32 $0x8, s25  }
0x2e7: {  	v0 =	vadd.s32 v63, v0;
	vm9 =	vgt.f32 v61, v8;
	vm10 =	vgt.f32 v59, v58  }
0x2e8: {  	v8 =	vmov s0;
	v0 =	vadd.s32 v62, v0;
	v58 =	vsel vm10, $0x1, v16  }
0x2e9: {  	v8 =	vadd.s32 $0x18600, v8;
	v61 =	vsel vm9, $0x1, v16;
	v62 =	vsel vm8, v39, v38;
	v59 =	vld [tilespmem:s24+$0xFFFFFE00]  }
0x2ea: {  	v8 =	vbroadcast v8, $0x0;
	v0 =	vadd.s32 v61, v0;
	v63 =	vld [tilespmem:s24+$0xFFFFFE80];
	vm8 =	vgt.f32 v60, v62  }
0x2eb: {  	v0 =	vadd.s32 v58, v0;
	v58 =	vsel vm8, $0x1, v16  }
0x2ec: {  	vm8 =	vlt.s32 v8, v40;
	v60 =	vor.u32 $0x1, v8;
	v0 =	vadd.s32 v58, v0  }
0x2ed: {  	v61 =	vor.u32 $0x7, v8;
	v58 =	vsel vm8, v39, v38;
	vm8 =	vlt.s32 v60, v40;
	v60 =	vld [tilespmem:s24+$0x0]  }
0x2ee: {  	vm9 =	vgt.f32 v59, v58;
	v58 =	vsel vm8, v39, v38;
	v62 =	vld [tilespmem:s24+$0xFFFFFF80];
	vm8 =	vlt.s32 v61, v40  }
0x2ef: {  	v9 =	vor.u32 $0x6, v8;
	v59 =	vsel vm9, $0x1, v16;
	vm9 =	vgt.f32 v63, v58;
	v63 =	vld [tilespmem:s24+$0xFFFFFF00]  }
0x2f0: {  	v10 =	vor.u32 $0x5, v8;
	v0 =	vadd.s32 v59, v0;
	v58 =	vsel vm9, $0x1, v16  }
0x2f1: {  	v59 =	vor.u32 $0x4, v8;
	v58 =	vadd.s32 v58, v0;
	v0 =	vor.u32 $0x3, v8  }
.Ltmp18:
0x2f2: {  	v8 =	vor.u32 $0x2, v8;
	vm10 =	vlt.s32 v59, v40;
	vm9 =	vlt.s32 v0, v40;
	v59 =	vld [tilespmem:s24+$0x100];
	(pc) =	sbr.rel @p0 .LBB2_37-.Ltmp18, $4  }
0x2f3: {  	vm11 =	vlt.s32 v8, v40;
	v8 =	vsel vm10, v39, v38;
	v0 =	vsel vm9, v39, v38;
	v61 =	vld [tilespmem:s24+$0x80]  }
0x2f4: {  	v11 =	vsel vm11, v39, v38;
	vm10 =	vgt.f32 v60, v8;
	vm9 =	vgt.f32 v62, v0  }
0x2f5: {  	vm11 =	vgt.f32 v63, v11;
	v62 =	vsel vm10, $0x1, v16;
	v63 =	vsel vm9, $0x1, v16  }
0x2f6: {  	vm10 =	vlt.s32 v9, v40;
	v0 =	vsel vm11, $0x1, v16;
	vm9 =	vlt.s32 v10, v40;
	v60 =	vld [tilespmem:s24+$0x180]  }
0x2f7: {  	v0 =	vadd.s32 v0, v58  }
0x2f8: {  	s24 =	simm.s32 $0x16290;
	v8 =	vsel vm9, v39, v38;
	v9 =	vsel vm10, v39, v38;
	v40 =	vsel vm8, v39, v38  }
0x2f9: {  	vm11 =	vlt.s32 v57, v37;
	v0 =	vadd.s32 v63, v0;
	vm9 =	vgt.f32 v61, v8;
	v8 =	vld [tilespmem:s24+$0xFFFFFE80]  }
0x2fa: {  	v10 =	vld [tilespmem:s24+$0xFFFFFE00];
	vm10 =	vgt.f32 v59, v9;
	v63 =	vsel vm11, v36, v35;
	v0 =	vadd.s32 v62, v0  }
0x2fb: {  	v59 =	vld [tilespmem:s24+$0x0];
	v9 =	vsel vm10, $0x1, v16;
	v11 =	vsel vm9, $0x1, v16;
	vm9 =	vlt.s32 v53, v37  }
0x2fc: {  	vm10 =	vlt.s32 v56, v37;
	v58 =	vsel vm9, v36, v35;
	vm9 =	vlt.s32 v54, v37  }
0x2fd: {  	v61 =	vld [tilespmem:s24+$0xFFFFFF80];
	v0 =	vadd.s32 v11, v0;
	vm8 =	vgt.f32 v60, v40;
	v60 =	vsel vm9, v36, v35  }
0x2fe: {  	v0 =	vadd.s32 v9, v0;
	v38 =	vsel vm8, $0x1, v16;
	vm9 =	vgt.f32 v8, v60;
	v8 =	vld [tilespmem:s24+$0xFFFFFF00]  }
0x2ff: {  	v62 =	vsel vm10, v36, v35;
	vm8 =	vgt.f32 v10, v58;
	v38 =	vadd.s32 v38, v0  }
0x300: {  	vm10 =	vgt.f32 v59, v62;
	v0 =	vsel vm8, $0x1, v16;
	vm8 =	vlt.s32 v52, v37  }
0x301: {  	v40 =	vld [tilespmem:s24+$0x100];
	v9 =	vsel vm9, $0x1, v16;
	vm9 =	vlt.s32 v55, v37;
	v0 =	vadd.s32 v0, v51  }
0x302: {  	v52 =	vsel vm10, $0x1, v16;
	v51 =	vld [tilespmem:s24+$0x80];
	v39 =	vadd.s32 v9, v0;
	v0 =	vsel vm9, v36, v35  }
0x303: {  	vm10 =	vlt.s32 v49, v37;
	vm9 =	vgt.f32 v61, v0;
	vm11 =	vgt.f32 v8, v63  }
0x304: {  	s25 =	simm.s32 $0x8;
	v49 =	vld [tilespmem:s24+$0x180];
	v53 =	vsel vm9, $0x1, v16;
	vm9 =	vlt.s32 v50, v37;
	v0 =	vsel vm11, $0x1, v16  }
.LBB2_39:
0x305: {  	p0 =	sne.s32 s25, $0x98  }
0x306: {  	v0 =	vadd.s32 v0, v39;
	v8 =	vsel vm9, v36, v35;
	v9 =	vsel vm10, v36, v35;
	s24 =	sadd.s32 $0x400, s24;
	s0 =	smov.u32 s25;
	s25 =	sadd.s32 $0x8, s25  }
0x307: {  	v0 =	vadd.s32 v53, v0;
	vm9 =	vgt.f32 v51, v8;
	vm10 =	vgt.f32 v40, v9  }
0x308: {  	v8 =	vmov s0;
	v0 =	vadd.s32 v52, v0;
	v9 =	vsel vm10, $0x1, v16  }
0x309: {  	v39 =	vsel vm8, v36, v35;
	v8 =	vadd.s32 $0x18600, v8;
	v11 =	vsel vm9, $0x1, v16;
	v10 =	vld [tilespmem:s24+$0xFFFFFE00]  }
0x30a: {  	v8 =	vbroadcast v8, $0x0;
	v0 =	vadd.s32 v11, v0;
	v40 =	vld [tilespmem:s24+$0xFFFFFE80];
	vm8 =	vgt.f32 v49, v39  }
0x30b: {  	v0 =	vadd.s32 v9, v0;
	v9 =	vsel vm8, $0x1, v16  }
0x30c: {  	vm8 =	vlt.s32 v8, v37;
	v11 =	vor.u32 $0x1, v8;
	v0 =	vadd.s32 v9, v0  }
0x30d: {  	v39 =	vor.u32 $0x7, v8;
	v9 =	vsel vm8, v36, v35;
	vm8 =	vlt.s32 v11, v37;
	v11 =	vld [tilespmem:s24+$0x0]  }
0x30e: {  	vm9 =	vgt.f32 v10, v9;
	v9 =	vsel vm8, v36, v35;
	v10 =	vld [tilespmem:s24+$0xFFFFFF80];
	vm8 =	vlt.s32 v39, v37  }
0x30f: {  	v49 =	vor.u32 $0x6, v8;
	v39 =	vsel vm9, $0x1, v16;
	vm9 =	vgt.f32 v40, v9;
	v9 =	vld [tilespmem:s24+$0xFFFFFF00]  }
0x310: {  	v50 =	vor.u32 $0x5, v8;
	v0 =	vadd.s32 v39, v0;
	v39 =	vsel vm9, $0x1, v16  }
0x311: {  	v40 =	vor.u32 $0x4, v8;
	v39 =	vadd.s32 v39, v0;
	v0 =	vor.u32 $0x3, v8  }
.Ltmp19:
0x312: {  	vm10 =	vlt.s32 v40, v37;
	v8 =	vor.u32 $0x2, v8;
	vm9 =	vlt.s32 v0, v37;
	v40 =	vld [tilespmem:s24+$0x100];
	(pc) =	sbr.rel @p0 .LBB2_39-.Ltmp19, $4  }
0x313: {  	vm11 =	vlt.s32 v8, v37;
	v8 =	vsel vm10, v36, v35;
	v0 =	vsel vm9, v36, v35;
	v51 =	vld [tilespmem:s24+$0x80]  }
0x314: {  	v52 =	vsel vm11, v36, v35;
	vm10 =	vgt.f32 v11, v8;
	vm9 =	vgt.f32 v10, v0  }
0x315: {  	vm11 =	vgt.f32 v9, v52;
	v52 =	vsel vm10, $0x1, v16;
	v53 =	vsel vm9, $0x1, v16  }
0x316: {  	vm10 =	vlt.s32 v49, v37;
	v0 =	vsel vm11, $0x1, v16;
	vm9 =	vlt.s32 v50, v37;
	v49 =	vld [tilespmem:s24+$0x180]  }
0x317: {  	v0 =	vadd.s32 v0, v39;
	v8 =	vsel vm10, v36, v35;
	v9 =	vsel vm9, v36, v35  }
0x318: {  	s0 =	simm.s32 $0x0;
	v10 =	vsel vm8, v36, v35;
	v0 =	vadd.s32 v53, v0;
	vm9 =	vgt.f32 v40, v8  }
0x319: {  	vm10 =	vgt.f32 v51, v9;
	v11 =	vmov s0;
	v0 =	vadd.s32 v52, v0  }
0x31a: {  	s24 =	simm.s32 $0x162A0;
	v8 =	vsel vm9, $0x1, v16;
	v9 =	vsel vm10, $0x1, v16;
	v56 =	vadd.s32 $0x18600, v11  }
0x31b: {  	v57 =	vld [tilespmem:s24+$0xFFFFFE00];
	v0 =	vadd.s32 v9, v0;
	vm8 =	vgt.f32 v49, v10;
	v49 =	vbroadcast v56, $0x0  }
0x31c: {  	v39 =	vimm.s32 $0x0;
	v58 =	vld [tilespmem:s24+$0xFFFFFE80];
	v0 =	vadd.s32 v8, v0;
	v8 =	vsel vm8, $0x1, v16  }
0x31d: {  	v35 =	vadd.s32 v8, v0;
	vm8 =	vlt.s32 v49, v34;
	v50 =	vor.u32 $0x1, v49  }
0x31e: {  	v40 =	vor.u32 $0x7, v49;
	v36 =	vor.u32 $0x6, v49;
	v37 =	vor.u32 $0x5, v49  }
0x31f: {  	v10 =	vld [tilespmem:s24+$0xFFFFFF80];
	v51 =	vor.u32 $0x3, v49;
	v0 =	vsel vm8, v33, v32;
	vm8 =	vlt.s32 v50, v34  }
0x320: {  	v8 =	vld [tilespmem:s24+$0x0];
	v52 =	vor.u32 $0x4, v49;
	vm9 =	vgt.f32 v57, v0;
	v0 =	vsel vm8, v33, v32  }
0x321: {  	v53 =	vor.u32 $0x2, v49;
	v59 =	vsel vm9, $0x1, v16;
	vm9 =	vgt.f32 v58, v0;
	v0 =	vld [tilespmem:s24+$0xFFFFFF00]  }
0x322: {  	vm10 =	vlt.s32 v52, v34;
	vm11 =	vlt.s32 v53, v34;
	vm8 =	vlt.s32 v40, v34  }
0x323: {  	v63 =	vsel vm10, v33, v32;
	v61 =	vsel vm9, $0x1, v16;
	vm9 =	vlt.s32 v51, v34  }
0x324: {  	v55 =	vld [tilespmem:s24+$0x100];
	v56 =	vsel vm11, v33, v32;
	v60 =	vadd.s32 v59, v39;
	v62 =	vsel vm9, v33, v32  }
0x325: {  	v57 =	vld [tilespmem:s24+$0x80];
	v54 =	vadd.s32 v61, v60;
	vm10 =	vgt.f32 v8, v63;
	vm9 =	vgt.f32 v10, v62  }
0x326: {  	v58 =	vsel vm10, $0x1, v16;
	vm10 =	vlt.s32 v36, v34;
	vm11 =	vgt.f32 v0, v56  }
0x327: {  	s25 =	simm.s32 $0x8;
	v59 =	vsel vm9, $0x1, v16;
	vm9 =	vlt.s32 v37, v34;
	v56 =	vld [tilespmem:s24+$0x180];
	v0 =	vsel vm11, $0x1, v16  }
.LBB2_41:
0x328: {  	p0 =	sne.s32 s25, $0x98  }
0x329: {  	v0 =	vadd.s32 v0, v54;
	v8 =	vsel vm9, v33, v32;
	v9 =	vsel vm10, v33, v32;
	s24 =	sadd.s32 $0x400, s24;
	s0 =	smov.u32 s25;
	s25 =	sadd.s32 $0x8, s25  }
0x32a: {  	v0 =	vadd.s32 v59, v0;
	vm9 =	vgt.f32 v57, v8;
	vm10 =	vgt.f32 v55, v9  }
0x32b: {  	v8 =	vmov s0;
	v0 =	vadd.s32 v58, v0;
	v9 =	vsel vm10, $0x1, v16  }
0x32c: {  	v54 =	vsel vm8, v33, v32;
	v8 =	vadd.s32 $0x18600, v8;
	v11 =	vsel vm9, $0x1, v16;
	v10 =	vld [tilespmem:s24+$0xFFFFFE00]  }
0x32d: {  	v8 =	vbroadcast v8, $0x0;
	v0 =	vadd.s32 v11, v0;
	v55 =	vld [tilespmem:s24+$0xFFFFFE80];
	vm8 =	vgt.f32 v56, v54  }
0x32e: {  	v0 =	vadd.s32 v9, v0;
	v9 =	vsel vm8, $0x1, v16  }
0x32f: {  	vm8 =	vlt.s32 v8, v34;
	v11 =	vor.u32 $0x1, v8;
	v0 =	vadd.s32 v9, v0  }
0x330: {  	v54 =	vor.u32 $0x7, v8;
	v9 =	vsel vm8, v33, v32;
	vm8 =	vlt.s32 v11, v34;
	v11 =	vld [tilespmem:s24+$0x0]  }
0x331: {  	vm9 =	vgt.f32 v10, v9;
	v9 =	vsel vm8, v33, v32;
	v10 =	vld [tilespmem:s24+$0xFFFFFF80];
	vm8 =	vlt.s32 v54, v34  }
0x332: {  	v56 =	vor.u32 $0x6, v8;
	v54 =	vsel vm9, $0x1, v16;
	vm9 =	vgt.f32 v55, v9;
	v9 =	vld [tilespmem:s24+$0xFFFFFF00]  }
0x333: {  	v60 =	vor.u32 $0x5, v8;
	v0 =	vadd.s32 v54, v0;
	v54 =	vsel vm9, $0x1, v16  }
0x334: {  	v55 =	vor.u32 $0x4, v8;
	v54 =	vadd.s32 v54, v0;
	v0 =	vor.u32 $0x3, v8  }
.Ltmp20:
0x335: {  	vm10 =	vlt.s32 v55, v34;
	v8 =	vor.u32 $0x2, v8;
	vm9 =	vlt.s32 v0, v34;
	v55 =	vld [tilespmem:s24+$0x100];
	(pc) =	sbr.rel @p0 .LBB2_41-.Ltmp20, $4  }
0x336: {  	vm11 =	vlt.s32 v8, v34;
	v8 =	vsel vm10, v33, v32;
	v0 =	vsel vm9, v33, v32;
	v57 =	vld [tilespmem:s24+$0x80]  }
0x337: {  	v58 =	vsel vm11, v33, v32;
	vm10 =	vgt.f32 v11, v8;
	vm9 =	vgt.f32 v10, v0  }
0x338: {  	vm11 =	vgt.f32 v9, v58;
	v58 =	vsel vm10, $0x1, v16;
	v59 =	vsel vm9, $0x1, v16  }
0x339: {  	vm10 =	vlt.s32 v56, v34;
	v0 =	vsel vm11, $0x1, v16;
	vm9 =	vlt.s32 v60, v34;
	v56 =	vld [tilespmem:s24+$0x180]  }
0x33a: {  	v0 =	vadd.s32 v0, v54  }
0x33b: {  	s24 =	simm.s32 $0x162B0;
	v8 =	vsel vm9, v33, v32;
	v9 =	vsel vm10, v33, v32;
	vm11 =	vlt.s32 v53, v31  }
0x33c: {  	v0 =	vadd.s32 v59, v0;
	vm9 =	vgt.f32 v57, v8;
	vm10 =	vgt.f32 v55, v9;
	v8 =	vld [tilespmem:s24+$0xFFFFFE80]  }
0x33d: {  	v10 =	vld [tilespmem:s24+$0xFFFFFE00];
	v57 =	vsel vm8, v33, v32;
	v63 =	vsel vm11, v30, v29;
	v0 =	vadd.s32 v58, v0  }
0x33e: {  	v59 =	vld [tilespmem:s24+$0x0];
	v9 =	vsel vm10, $0x1, v16;
	v11 =	vsel vm9, $0x1, v16;
	vm9 =	vlt.s32 v49, v31  }
0x33f: {  	vm10 =	vlt.s32 v52, v31;
	v58 =	vsel vm9, v30, v29;
	vm9 =	vlt.s32 v50, v31  }
0x340: {  	v61 =	vld [tilespmem:s24+$0xFFFFFF80];
	v0 =	vadd.s32 v11, v0;
	vm8 =	vgt.f32 v56, v57;
	v60 =	vsel vm9, v30, v29  }
0x341: {  	v0 =	vadd.s32 v9, v0;
	v32 =	vsel vm8, $0x1, v16;
	vm9 =	vgt.f32 v8, v60;
	v8 =	vld [tilespmem:s24+$0xFFFFFF00]  }
0x342: {  	v62 =	vsel vm10, v30, v29;
	vm8 =	vgt.f32 v10, v58;
	v32 =	vadd.s32 v32, v0  }
0x343: {  	vm10 =	vgt.f32 v59, v62;
	v0 =	vsel vm8, $0x1, v16;
	vm8 =	vlt.s32 v40, v31  }
0x344: {  	v34 =	vld [tilespmem:s24+$0x100];
	v9 =	vsel vm9, $0x1, v16;
	vm9 =	vlt.s32 v51, v31;
	v0 =	vadd.s32 v0, v39  }
0x345: {  	v40 =	vsel vm10, $0x1, v16;
	v39 =	vld [tilespmem:s24+$0x80];
	v33 =	vadd.s32 v9, v0;
	v0 =	vsel vm9, v30, v29  }
0x346: {  	vm10 =	vlt.s32 v36, v31;
	vm9 =	vgt.f32 v61, v0;
	vm11 =	vgt.f32 v8, v63  }
0x347: {  	s25 =	simm.s32 $0x8;
	v36 =	vld [tilespmem:s24+$0x180];
	v49 =	vsel vm9, $0x1, v16;
	vm9 =	vlt.s32 v37, v31;
	v0 =	vsel vm11, $0x1, v16  }
.LBB2_43:
0x348: {  	p0 =	sne.s32 s25, $0x98  }
0x349: {  	v0 =	vadd.s32 v0, v33;
	v8 =	vsel vm9, v30, v29;
	v9 =	vsel vm10, v30, v29;
	s24 =	sadd.s32 $0x400, s24;
	s0 =	smov.u32 s25;
	s25 =	sadd.s32 $0x8, s25  }
0x34a: {  	v0 =	vadd.s32 v49, v0;
	vm9 =	vgt.f32 v39, v8;
	vm10 =	vgt.f32 v34, v9  }
0x34b: {  	v8 =	vmov s0;
	v0 =	vadd.s32 v40, v0;
	v9 =	vsel vm10, $0x1, v16  }
0x34c: {  	v33 =	vsel vm8, v30, v29;
	v8 =	vadd.s32 $0x18600, v8;
	v11 =	vsel vm9, $0x1, v16;
	v10 =	vld [tilespmem:s24+$0xFFFFFE00]  }
0x34d: {  	v8 =	vbroadcast v8, $0x0;
	v0 =	vadd.s32 v11, v0;
	v34 =	vld [tilespmem:s24+$0xFFFFFE80];
	vm8 =	vgt.f32 v36, v33  }
0x34e: {  	v0 =	vadd.s32 v9, v0;
	v9 =	vsel vm8, $0x1, v16  }
0x34f: {  	vm8 =	vlt.s32 v8, v31;
	v11 =	vor.u32 $0x1, v8;
	v0 =	vadd.s32 v9, v0  }
0x350: {  	v33 =	vor.u32 $0x7, v8;
	v9 =	vsel vm8, v30, v29;
	vm8 =	vlt.s32 v11, v31;
	v11 =	vld [tilespmem:s24+$0x0]  }
0x351: {  	vm9 =	vgt.f32 v10, v9;
	v9 =	vsel vm8, v30, v29;
	v10 =	vld [tilespmem:s24+$0xFFFFFF80];
	vm8 =	vlt.s32 v33, v31  }
0x352: {  	v36 =	vor.u32 $0x6, v8;
	v33 =	vsel vm9, $0x1, v16;
	vm9 =	vgt.f32 v34, v9;
	v9 =	vld [tilespmem:s24+$0xFFFFFF00]  }
0x353: {  	v37 =	vor.u32 $0x5, v8;
	v0 =	vadd.s32 v33, v0;
	v33 =	vsel vm9, $0x1, v16  }
0x354: {  	v34 =	vor.u32 $0x4, v8;
	v33 =	vadd.s32 v33, v0;
	v0 =	vor.u32 $0x3, v8  }
.Ltmp21:
0x355: {  	vm10 =	vlt.s32 v34, v31;
	v8 =	vor.u32 $0x2, v8;
	vm9 =	vlt.s32 v0, v31;
	v34 =	vld [tilespmem:s24+$0x100];
	(pc) =	sbr.rel @p0 .LBB2_43-.Ltmp21, $4  }
0x356: {  	vm11 =	vlt.s32 v8, v31;
	v8 =	vsel vm10, v30, v29;
	v0 =	vsel vm9, v30, v29;
	v39 =	vld [tilespmem:s24+$0x80]  }
0x357: {  	v40 =	vsel vm11, v30, v29;
	vm10 =	vgt.f32 v11, v8;
	vm9 =	vgt.f32 v10, v0  }
0x358: {  	vm11 =	vgt.f32 v9, v40;
	v40 =	vsel vm10, $0x1, v16;
	v49 =	vsel vm9, $0x1, v16  }
0x359: {  	vm10 =	vlt.s32 v36, v31;
	v0 =	vsel vm11, $0x1, v16;
	vm9 =	vlt.s32 v37, v31;
	v36 =	vld [tilespmem:s24+$0x180]  }
0x35a: {  	v0 =	vadd.s32 v0, v33;
	v8 =	vsel vm10, v30, v29;
	v9 =	vsel vm9, v30, v29  }
0x35b: {  	s0 =	simm.s32 $0x0;
	v10 =	vsel vm8, v30, v29;
	v0 =	vadd.s32 v49, v0;
	vm9 =	vgt.f32 v34, v8  }
0x35c: {  	vm10 =	vgt.f32 v39, v9;
	v11 =	vmov s0;
	v0 =	vadd.s32 v40, v0  }
0x35d: {  	s24 =	simm.s32 $0x162C0;
	v8 =	vsel vm9, $0x1, v16;
	v9 =	vsel vm10, $0x1, v16;
	v55 =	vadd.s32 $0x18600, v11  }
0x35e: {  	v56 =	vld [tilespmem:s24+$0xFFFFFE00];
	v0 =	vadd.s32 v9, v0;
	vm8 =	vgt.f32 v36, v10;
	v36 =	vbroadcast v55, $0x0  }
0x35f: {  	v33 =	vimm.s32 $0x0;
	v57 =	vld [tilespmem:s24+$0xFFFFFE80];
	v0 =	vadd.s32 v8, v0;
	v8 =	vsel vm8, $0x1, v16  }
0x360: {  	v29 =	vadd.s32 v8, v0;
	vm8 =	vlt.s32 v36, v28;
	v37 =	vor.u32 $0x1, v36  }
0x361: {  	v34 =	vor.u32 $0x7, v36;
	v30 =	vor.u32 $0x6, v36;
	v31 =	vor.u32 $0x5, v36  }
0x362: {  	v58 =	vld [tilespmem:s24+$0xFFFFFF80];
	v39 =	vor.u32 $0x3, v36;
	v0 =	vsel vm8, v27, v26;
	vm8 =	vlt.s32 v37, v28  }
0x363: {  	v8 =	vld [tilespmem:s24+$0x0];
	v40 =	vor.u32 $0x4, v36;
	vm9 =	vgt.f32 v56, v0;
	v0 =	vsel vm8, v27, v26  }
0x364: {  	v49 =	vor.u32 $0x2, v36;
	v59 =	vsel vm9, $0x1, v16;
	vm9 =	vgt.f32 v57, v0;
	v0 =	vld [tilespmem:s24+$0xFFFFFF00]  }
0x365: {  	vm10 =	vlt.s32 v40, v28;
	vm11 =	vlt.s32 v49, v28;
	vm8 =	vlt.s32 v34, v28  }
0x366: {  	v63 =	vsel vm10, v27, v26;
	v61 =	vsel vm9, $0x1, v16;
	vm9 =	vlt.s32 v39, v28  }
0x367: {  	v51 =	vld [tilespmem:s24+$0x100];
	v52 =	vsel vm11, v27, v26;
	v60 =	vadd.s32 v59, v33;
	v62 =	vsel vm9, v27, v26  }
0x368: {  	v53 =	vld [tilespmem:s24+$0x80];
	v50 =	vadd.s32 v61, v60;
	vm10 =	vgt.f32 v8, v63;
	vm9 =	vgt.f32 v58, v62  }
0x369: {  	v54 =	vsel vm10, $0x1, v16;
	vm10 =	vlt.s32 v30, v28;
	vm11 =	vgt.f32 v0, v52  }
0x36a: {  	s25 =	simm.s32 $0x8;
	v55 =	vsel vm9, $0x1, v16;
	vm9 =	vlt.s32 v31, v28;
	v52 =	vld [tilespmem:s24+$0x180];
	v0 =	vsel vm11, $0x1, v16  }
.LBB2_45:
0x36b: {  	p0 =	sne.s32 s25, $0x98  }
0x36c: {  	v0 =	vadd.s32 v0, v50;
	v8 =	vsel vm9, v27, v26;
	v9 =	vsel vm10, v27, v26;
	s24 =	sadd.s32 $0x400, s24;
	s0 =	smov.u32 s25;
	s25 =	sadd.s32 $0x8, s25  }
0x36d: {  	v0 =	vadd.s32 v55, v0;
	vm9 =	vgt.f32 v53, v8;
	vm10 =	vgt.f32 v51, v9  }
0x36e: {  	v8 =	vmov s0;
	v0 =	vadd.s32 v54, v0;
	v9 =	vsel vm10, $0x1, v16  }
0x36f: {  	v50 =	vsel vm8, v27, v26;
	v8 =	vadd.s32 $0x18600, v8;
	v11 =	vsel vm9, $0x1, v16;
	v10 =	vld [tilespmem:s24+$0xFFFFFE00]  }
0x370: {  	v8 =	vbroadcast v8, $0x0;
	v0 =	vadd.s32 v11, v0;
	v51 =	vld [tilespmem:s24+$0xFFFFFE80];
	vm8 =	vgt.f32 v52, v50  }
0x371: {  	v0 =	vadd.s32 v9, v0;
	v9 =	vsel vm8, $0x1, v16  }
0x372: {  	vm8 =	vlt.s32 v8, v28;
	v11 =	vor.u32 $0x1, v8;
	v0 =	vadd.s32 v9, v0  }
0x373: {  	v50 =	vor.u32 $0x7, v8;
	v9 =	vsel vm8, v27, v26;
	vm8 =	vlt.s32 v11, v28;
	v11 =	vld [tilespmem:s24+$0x0]  }
0x374: {  	vm9 =	vgt.f32 v10, v9;
	v9 =	vsel vm8, v27, v26;
	v10 =	vld [tilespmem:s24+$0xFFFFFF80];
	vm8 =	vlt.s32 v50, v28  }
0x375: {  	v52 =	vor.u32 $0x6, v8;
	v50 =	vsel vm9, $0x1, v16;
	vm9 =	vgt.f32 v51, v9;
	v9 =	vld [tilespmem:s24+$0xFFFFFF00]  }
0x376: {  	v56 =	vor.u32 $0x5, v8;
	v0 =	vadd.s32 v50, v0;
	v50 =	vsel vm9, $0x1, v16  }
0x377: {  	v51 =	vor.u32 $0x4, v8;
	v50 =	vadd.s32 v50, v0;
	v0 =	vor.u32 $0x3, v8  }
.Ltmp22:
0x378: {  	vm10 =	vlt.s32 v51, v28;
	v8 =	vor.u32 $0x2, v8;
	vm9 =	vlt.s32 v0, v28;
	v51 =	vld [tilespmem:s24+$0x100];
	(pc) =	sbr.rel @p0 .LBB2_45-.Ltmp22, $4  }
0x379: {  	vm11 =	vlt.s32 v8, v28;
	v8 =	vsel vm10, v27, v26;
	v0 =	vsel vm9, v27, v26;
	v53 =	vld [tilespmem:s24+$0x80]  }
0x37a: {  	v54 =	vsel vm11, v27, v26;
	vm10 =	vgt.f32 v11, v8;
	vm9 =	vgt.f32 v10, v0  }
0x37b: {  	vm11 =	vgt.f32 v9, v54;
	v54 =	vsel vm10, $0x1, v16;
	v55 =	vsel vm9, $0x1, v16  }
0x37c: {  	vm10 =	vlt.s32 v52, v28;
	v0 =	vsel vm11, $0x1, v16;
	vm9 =	vlt.s32 v56, v28;
	v52 =	vld [tilespmem:s24+$0x180]  }
0x37d: {  	v0 =	vadd.s32 v0, v50  }
0x37e: {  	s24 =	simm.s32 $0x162D0;
	v8 =	vsel vm9, v27, v26;
	v9 =	vsel vm10, v27, v26;
	v26 =	vsel vm8, v27, v26  }
0x37f: {  	vm11 =	vlt.s32 v49, v25;
	v0 =	vadd.s32 v55, v0;
	vm9 =	vgt.f32 v53, v8;
	v8 =	vld [tilespmem:s24+$0xFFFFFE80]  }
0x380: {  	v10 =	vld [tilespmem:s24+$0xFFFFFE00];
	vm10 =	vgt.f32 v51, v9;
	v63 =	vsel vm11, v24, v23;
	v0 =	vadd.s32 v54, v0  }
0x381: {  	v59 =	vld [tilespmem:s24+$0x0];
	v9 =	vsel vm10, $0x1, v16;
	v11 =	vsel vm9, $0x1, v16;
	vm9 =	vlt.s32 v36, v25  }
0x382: {  	vm10 =	vlt.s32 v40, v25;
	v58 =	vsel vm9, v24, v23;
	vm9 =	vlt.s32 v37, v25  }
0x383: {  	v61 =	vld [tilespmem:s24+$0xFFFFFF80];
	v0 =	vadd.s32 v11, v0;
	vm8 =	vgt.f32 v52, v26;
	v60 =	vsel vm9, v24, v23  }
0x384: {  	v0 =	vadd.s32 v9, v0;
	v26 =	vsel vm8, $0x1, v16;
	vm9 =	vgt.f32 v8, v60;
	v8 =	vld [tilespmem:s24+$0xFFFFFF00]  }
0x385: {  	v62 =	vsel vm10, v24, v23;
	vm8 =	vgt.f32 v10, v58;
	v26 =	vadd.s32 v26, v0  }
0x386: {  	vm10 =	vgt.f32 v59, v62;
	v0 =	vsel vm8, $0x1, v16;
	vm8 =	vlt.s32 v34, v25  }
0x387: {  	v28 =	vld [tilespmem:s24+$0x100];
	v9 =	vsel vm9, $0x1, v16;
	vm9 =	vlt.s32 v39, v25;
	v0 =	vadd.s32 v0, v33  }
0x388: {  	v34 =	vsel vm10, $0x1, v16;
	v33 =	vld [tilespmem:s24+$0x80];
	v27 =	vadd.s32 v9, v0;
	v0 =	vsel vm9, v24, v23  }
0x389: {  	vm10 =	vlt.s32 v30, v25;
	vm9 =	vgt.f32 v61, v0;
	vm11 =	vgt.f32 v8, v63  }
0x38a: {  	s25 =	simm.s32 $0x8;
	v30 =	vld [tilespmem:s24+$0x180];
	v36 =	vsel vm9, $0x1, v16;
	vm9 =	vlt.s32 v31, v25;
	v0 =	vsel vm11, $0x1, v16  }
.LBB2_47:
0x38b: {  	p0 =	sne.s32 s25, $0x98  }
0x38c: {  	v0 =	vadd.s32 v0, v27;
	v8 =	vsel vm9, v24, v23;
	v9 =	vsel vm10, v24, v23;
	s24 =	sadd.s32 $0x400, s24;
	s0 =	smov.u32 s25;
	s25 =	sadd.s32 $0x8, s25  }
0x38d: {  	v0 =	vadd.s32 v36, v0;
	vm9 =	vgt.f32 v33, v8;
	vm10 =	vgt.f32 v28, v9  }
0x38e: {  	v8 =	vmov s0;
	v0 =	vadd.s32 v34, v0;
	v9 =	vsel vm10, $0x1, v16  }
0x38f: {  	v27 =	vsel vm8, v24, v23;
	v8 =	vadd.s32 $0x18600, v8;
	v11 =	vsel vm9, $0x1, v16;
	v10 =	vld [tilespmem:s24+$0xFFFFFE00]  }
0x390: {  	v8 =	vbroadcast v8, $0x0;
	v0 =	vadd.s32 v11, v0;
	v28 =	vld [tilespmem:s24+$0xFFFFFE80];
	vm8 =	vgt.f32 v30, v27  }
0x391: {  	v0 =	vadd.s32 v9, v0;
	v9 =	vsel vm8, $0x1, v16  }
0x392: {  	vm8 =	vlt.s32 v8, v25;
	v11 =	vor.u32 $0x1, v8;
	v0 =	vadd.s32 v9, v0  }
0x393: {  	v27 =	vor.u32 $0x7, v8;
	v9 =	vsel vm8, v24, v23;
	vm8 =	vlt.s32 v11, v25;
	v11 =	vld [tilespmem:s24+$0x0]  }
0x394: {  	vm9 =	vgt.f32 v10, v9;
	v9 =	vsel vm8, v24, v23;
	v10 =	vld [tilespmem:s24+$0xFFFFFF80];
	vm8 =	vlt.s32 v27, v25  }
0x395: {  	v30 =	vor.u32 $0x6, v8;
	v27 =	vsel vm9, $0x1, v16;
	vm9 =	vgt.f32 v28, v9;
	v9 =	vld [tilespmem:s24+$0xFFFFFF00]  }
0x396: {  	v31 =	vor.u32 $0x5, v8;
	v0 =	vadd.s32 v27, v0;
	v27 =	vsel vm9, $0x1, v16  }
0x397: {  	v28 =	vor.u32 $0x4, v8;
	v27 =	vadd.s32 v27, v0;
	v0 =	vor.u32 $0x3, v8  }
.Ltmp23:
0x398: {  	vm10 =	vlt.s32 v28, v25;
	v8 =	vor.u32 $0x2, v8;
	vm9 =	vlt.s32 v0, v25;
	v28 =	vld [tilespmem:s24+$0x100];
	(pc) =	sbr.rel @p0 .LBB2_47-.Ltmp23, $4  }
0x399: {  	vm11 =	vlt.s32 v8, v25;
	v8 =	vsel vm10, v24, v23;
	v0 =	vsel vm9, v24, v23;
	v33 =	vld [tilespmem:s24+$0x80]  }
0x39a: {  	v34 =	vsel vm11, v24, v23;
	vm10 =	vgt.f32 v11, v8;
	vm9 =	vgt.f32 v10, v0  }
0x39b: {  	vm11 =	vgt.f32 v9, v34;
	v34 =	vsel vm10, $0x1, v16;
	v36 =	vsel vm9, $0x1, v16  }
0x39c: {  	vm10 =	vlt.s32 v30, v25;
	v0 =	vsel vm11, $0x1, v16;
	vm9 =	vlt.s32 v31, v25;
	v30 =	vld [tilespmem:s24+$0x180]  }
0x39d: {  	v0 =	vadd.s32 v0, v27;
	v8 =	vsel vm10, v24, v23;
	v9 =	vsel vm9, v24, v23  }
0x39e: {  	s0 =	simm.s32 $0x0;
	v10 =	vsel vm8, v24, v23;
	v0 =	vadd.s32 v36, v0;
	vm9 =	vgt.f32 v28, v8  }
0x39f: {  	vm10 =	vgt.f32 v33, v9;
	v11 =	vmov s0;
	v0 =	vadd.s32 v34, v0  }
0x3a0: {  	s24 =	simm.s32 $0x162E0;
	v8 =	vsel vm9, $0x1, v16;
	v9 =	vsel vm10, $0x1, v16;
	v55 =	vadd.s32 $0x18600, v11  }
0x3a1: {  	v56 =	vld [tilespmem:s24+$0xFFFFFE00];
	v0 =	vadd.s32 v9, v0;
	vm8 =	vgt.f32 v30, v10;
	v30 =	vbroadcast v55, $0x0  }
0x3a2: {  	v27 =	vimm.s32 $0x0;
	v57 =	vld [tilespmem:s24+$0xFFFFFE80];
	v0 =	vadd.s32 v8, v0;
	v8 =	vsel vm8, $0x1, v16  }
0x3a3: {  	v23 =	vadd.s32 v8, v0;
	vm8 =	vlt.s32 v30, v22;
	v31 =	vor.u32 $0x1, v30  }
0x3a4: {  	v28 =	vor.u32 $0x7, v30;
	v24 =	vor.u32 $0x6, v30;
	v25 =	vor.u32 $0x5, v30  }
0x3a5: {  	v58 =	vld [tilespmem:s24+$0xFFFFFF80];
	v33 =	vor.u32 $0x3, v30;
	v0 =	vsel vm8, v21, v20;
	vm8 =	vlt.s32 v31, v22  }
0x3a6: {  	v8 =	vld [tilespmem:s24+$0x0];
	v34 =	vor.u32 $0x4, v30;
	vm9 =	vgt.f32 v56, v0;
	v0 =	vsel vm8, v21, v20  }
0x3a7: {  	v36 =	vor.u32 $0x2, v30;
	v59 =	vsel vm9, $0x1, v16;
	vm9 =	vgt.f32 v57, v0;
	v0 =	vld [tilespmem:s24+$0xFFFFFF00]  }
0x3a8: {  	vm10 =	vlt.s32 v34, v22;
	vm11 =	vlt.s32 v36, v22;
	vm8 =	vlt.s32 v28, v22  }
0x3a9: {  	v63 =	vsel vm10, v21, v20;
	v61 =	vsel vm9, $0x1, v16;
	vm9 =	vlt.s32 v33, v22  }
0x3aa: {  	v39 =	vld [tilespmem:s24+$0x100];
	v40 =	vsel vm11, v21, v20;
	v60 =	vadd.s32 v59, v27;
	v62 =	vsel vm9, v21, v20  }
0x3ab: {  	v49 =	vld [tilespmem:s24+$0x80];
	v37 =	vadd.s32 v61, v60;
	vm10 =	vgt.f32 v8, v63;
	vm9 =	vgt.f32 v58, v62  }
0x3ac: {  	v50 =	vsel vm10, $0x1, v16;
	vm10 =	vlt.s32 v24, v22;
	vm11 =	vgt.f32 v0, v40  }
0x3ad: {  	s25 =	simm.s32 $0x8;
	v51 =	vsel vm9, $0x1, v16;
	vm9 =	vlt.s32 v25, v22;
	v40 =	vld [tilespmem:s24+$0x180];
	v0 =	vsel vm11, $0x1, v16  }
.LBB2_49:
0x3ae: {  	p0 =	sne.s32 s25, $0x98  }
0x3af: {  	v0 =	vadd.s32 v0, v37;
	v8 =	vsel vm9, v21, v20;
	v9 =	vsel vm10, v21, v20;
	s24 =	sadd.s32 $0x400, s24;
	s0 =	smov.u32 s25;
	s25 =	sadd.s32 $0x8, s25  }
0x3b0: {  	v0 =	vadd.s32 v51, v0;
	vm9 =	vgt.f32 v49, v8;
	vm10 =	vgt.f32 v39, v9  }
0x3b1: {  	v8 =	vmov s0;
	v0 =	vadd.s32 v50, v0;
	v9 =	vsel vm10, $0x1, v16  }
0x3b2: {  	v37 =	vsel vm8, v21, v20;
	v8 =	vadd.s32 $0x18600, v8;
	v11 =	vsel vm9, $0x1, v16;
	v10 =	vld [tilespmem:s24+$0xFFFFFE00]  }
0x3b3: {  	v8 =	vbroadcast v8, $0x0;
	v0 =	vadd.s32 v11, v0;
	v39 =	vld [tilespmem:s24+$0xFFFFFE80];
	vm8 =	vgt.f32 v40, v37  }
0x3b4: {  	v0 =	vadd.s32 v9, v0;
	v9 =	vsel vm8, $0x1, v16  }
0x3b5: {  	vm8 =	vlt.s32 v8, v22;
	v11 =	vor.u32 $0x1, v8;
	v0 =	vadd.s32 v9, v0  }
0x3b6: {  	v37 =	vor.u32 $0x7, v8;
	v9 =	vsel vm8, v21, v20;
	vm8 =	vlt.s32 v11, v22;
	v11 =	vld [tilespmem:s24+$0x0]  }
0x3b7: {  	vm9 =	vgt.f32 v10, v9;
	v9 =	vsel vm8, v21, v20;
	v10 =	vld [tilespmem:s24+$0xFFFFFF80];
	vm8 =	vlt.s32 v37, v22  }
0x3b8: {  	v40 =	vor.u32 $0x6, v8;
	v37 =	vsel vm9, $0x1, v16;
	vm9 =	vgt.f32 v39, v9;
	v9 =	vld [tilespmem:s24+$0xFFFFFF00]  }
0x3b9: {  	v52 =	vor.u32 $0x5, v8;
	v0 =	vadd.s32 v37, v0;
	v37 =	vsel vm9, $0x1, v16  }
0x3ba: {  	v39 =	vor.u32 $0x4, v8;
	v37 =	vadd.s32 v37, v0;
	v0 =	vor.u32 $0x3, v8  }
.Ltmp24:
0x3bb: {  	vm10 =	vlt.s32 v39, v22;
	v8 =	vor.u32 $0x2, v8;
	vm9 =	vlt.s32 v0, v22;
	v39 =	vld [tilespmem:s24+$0x100];
	(pc) =	sbr.rel @p0 .LBB2_49-.Ltmp24, $4  }
0x3bc: {  	vm11 =	vlt.s32 v8, v22;
	v8 =	vsel vm10, v21, v20;
	v0 =	vsel vm9, v21, v20;
	v49 =	vld [tilespmem:s24+$0x80]  }
0x3bd: {  	v50 =	vsel vm11, v21, v20;
	vm10 =	vgt.f32 v11, v8;
	vm9 =	vgt.f32 v10, v0  }
0x3be: {  	vm11 =	vgt.f32 v9, v50;
	v50 =	vsel vm10, $0x1, v16;
	v51 =	vsel vm9, $0x1, v16  }
0x3bf: {  	vm10 =	vlt.s32 v40, v22;
	v0 =	vsel vm11, $0x1, v16;
	vm9 =	vlt.s32 v52, v22;
	v40 =	vld [tilespmem:s24+$0x180]  }
0x3c0: {  	v0 =	vadd.s32 v0, v37;
	s24 =	simm.s32 $0x162F0  }
0x3c1: {  	v8 =	vsel vm9, v21, v20;
	v9 =	vsel vm10, v21, v20;
	v20 =	vsel vm8, v21, v20;
	v10 =	vld [tilespmem:s24+$0xFFFFFE00]  }
0x3c2: {  	v0 =	vadd.s32 v51, v0;
	vm9 =	vgt.f32 v49, v8;
	vm10 =	vgt.f32 v39, v9;
	v8 =	vld [tilespmem:s24+$0xFFFFFE80]  }
0x3c3: {  	vm11 =	vlt.s32 v36, v19;
	v0 =	vadd.s32 v50, v0;
	v9 =	vsel vm10, $0x1, v16  }
0x3c4: {  	v11 =	vsel vm9, $0x1, v16;
	vm9 =	vlt.s32 v30, v19;
	vm10 =	vlt.s32 v34, v19  }
0x3c5: {  	v60 =	vld [tilespmem:s24+$0x0];
	v0 =	vadd.s32 v11, v0;
	v59 =	vsel vm9, v18, v17;
	vm9 =	vlt.s32 v31, v19  }
0x3c6: {  	v62 =	vld [tilespmem:s24+$0xFFFFFF80];
	vm8 =	vgt.f32 v40, v20;
	v0 =	vadd.s32 v9, v0;
	v61 =	vsel vm9, v18, v17  }
0x3c7: {  	v20 =	vsel vm8, $0x1, v16;
	vm8 =	vgt.f32 v10, v59;
	vm9 =	vgt.f32 v8, v61;
	v8 =	vld [tilespmem:s24+$0xFFFFFF00]  }
0x3c8: {  	v63 =	vsel vm10, v18, v17;
	v20 =	vadd.s32 v20, v0;
	v0 =	vsel vm8, $0x1, v16  }
0x3c9: {  	v9 =	vsel vm9, $0x1, v16;
	vm9 =	vlt.s32 v33, v19;
	v0 =	vadd.s32 v0, v27  }
0x3ca: {  	v21 =	vld [tilespmem:s24+$0x100];
	vm10 =	vgt.f32 v60, v63;
	v22 =	vadd.s32 v9, v0;
	v0 =	vsel vm9, v18, v17  }
0x3cb: {  	vm8 =	vlt.s32 v28, v19;
	v28 =	vsel vm11, v18, v17;
	v27 =	vld [tilespmem:s24+$0x80];
	vm9 =	vgt.f32 v62, v0  }
0x3cc: {  	vm11 =	vgt.f32 v8, v28;
	v30 =	vsel vm9, $0x1, v16;
	v28 =	vsel vm10, $0x1, v16  }
0x3cd: {  	s25 =	simm.s32 $0x8;
	vm9 =	vlt.s32 v25, v19;
	vm10 =	vlt.s32 v24, v19;
	v24 =	vld [tilespmem:s24+$0x180];
	v31 =	vsel vm11, $0x1, v16  }
.LBB2_51:
0x3ce: {  	p0 =	sne.s32 s25, $0x98  }
0x3cf: {  	v0 =	vadd.s32 v31, v22;
	v8 =	vsel vm9, v18, v17;
	v9 =	vsel vm10, v18, v17;
	s24 =	sadd.s32 $0x400, s24;
	s0 =	smov.u32 s25;
	s25 =	sadd.s32 $0x8, s25  }
0x3d0: {  	v0 =	vadd.s32 v30, v0;
	vm9 =	vgt.f32 v27, v8;
	vm10 =	vgt.f32 v21, v9  }
0x3d1: {  	v8 =	vmov s0;
	v0 =	vadd.s32 v28, v0;
	v9 =	vsel vm10, $0x1, v16  }
0x3d2: {  	v21 =	vsel vm8, v18, v17;
	v8 =	vadd.s32 $0x18600, v8;
	v11 =	vsel vm9, $0x1, v16;
	v10 =	vld [tilespmem:s24+$0xFFFFFE00]  }
0x3d3: {  	v8 =	vbroadcast v8, $0x0;
	v0 =	vadd.s32 v11, v0;
	v22 =	vld [tilespmem:s24+$0xFFFFFE80];
	vm8 =	vgt.f32 v24, v21  }
0x3d4: {  	v0 =	vadd.s32 v9, v0;
	v9 =	vsel vm8, $0x1, v16  }
0x3d5: {  	vm8 =	vlt.s32 v8, v19;
	v11 =	vor.u32 $0x1, v8;
	v0 =	vadd.s32 v9, v0  }
0x3d6: {  	v21 =	vor.u32 $0x7, v8;
	v9 =	vsel vm8, v18, v17;
	vm8 =	vlt.s32 v11, v19;
	v11 =	vld [tilespmem:s24+$0x0]  }
0x3d7: {  	vm9 =	vgt.f32 v10, v9;
	v9 =	vsel vm8, v18, v17;
	v10 =	vld [tilespmem:s24+$0xFFFFFF80];
	vm8 =	vlt.s32 v21, v19  }
0x3d8: {  	v24 =	vor.u32 $0x6, v8;
	v21 =	vsel vm9, $0x1, v16;
	vm9 =	vgt.f32 v22, v9;
	v9 =	vld [tilespmem:s24+$0xFFFFFF00]  }
0x3d9: {  	v25 =	vor.u32 $0x5, v8;
	v0 =	vadd.s32 v21, v0;
	v21 =	vsel vm9, $0x1, v16  }
0x3da: {  	v22 =	vadd.s32 v21, v0;
	v0 =	vor.u32 $0x3, v8;
	v21 =	vor.u32 $0x4, v8  }
.Ltmp25:
0x3db: {  	v8 =	vor.u32 $0x2, v8;
	vm9 =	vlt.s32 v0, v19;
	vm10 =	vlt.s32 v21, v19;
	v21 =	vld [tilespmem:s24+$0x100];
	(pc) =	sbr.rel @p0 .LBB2_51-.Ltmp25, $4  }
0x3dc: {  	vm11 =	vlt.s32 v8, v19;
	v0 =	vsel vm9, v18, v17;
	v8 =	vsel vm10, v18, v17;
	v27 =	vld [tilespmem:s24+$0x80]  }
0x3dd: {  	v28 =	vsel vm11, v18, v17;
	vm9 =	vgt.f32 v10, v0;
	vm10 =	vgt.f32 v11, v8  }
0x3de: {  	vm11 =	vgt.f32 v9, v28;
	v30 =	vsel vm9, $0x1, v16;
	v28 =	vsel vm10, $0x1, v16  }
0x3df: {  	v31 =	vsel vm11, $0x1, v16;
	vm9 =	vlt.s32 v25, v19;
	vm10 =	vlt.s32 v24, v19;
	v24 =	vld [tilespmem:s24+$0x180]  }
0x3e0: {  	v0 =	vadd.s32 v31, v22  }
0x3e1: {  	v8 =	vsel vm9, v18, v17;
	v9 =	vsel vm10, v18, v17;
	v10 =	vsel vm8, v18, v17  }
0x3e2: {  	v56 =	vmul.u32 v15, v38;
	v58 =	vmul.u32 v15, v32;
	v11 =	vmul.u32 v15, v29  }
0x3e3: {  	v18 =	vmul.u32 v15, v23;
	v0 =	vadd.s32 v30, v0;
	vm9 =	vgt.f32 v27, v8  }
0x3e4: {  	vm10 =	vgt.f32 v21, v9;
	v0 =	vadd.s32 v28, v0;
	v55 =	vsel vm9, $0x1, v16  }
0x3e5: {  	v8 =	vsel vm10, $0x1, v16;
	v0 =	vadd.s32 v55, v0;
	vm8 =	vgt.f32 v24, v10  }
0x3e6: {  	v11 =	vadd.s32 v45, v11;
	v0 =	vadd.s32 v8, v0;
	v8 =	vsel vm8, $0x1, v16  }
0x3e7: {  	v60 =	vcvt.s32.f32 v11;
	v0 =	vadd.s32 v8, v0;
	v8 =	vadd.s32 v48, v56  }
0x3e8: {  	v57 =	vmul.u32 v15, v35;
	v61 =	vadd.s32 v43, v18;
	v8 =	vcvt.s32.f32 v8  }
0x3e9: {  	v17 =	vmul.u32 v15, v26;
	v9 =	vadd.s32 v46, v58;
	v63 =	vcvt.s32.f32 v61;
	[tilespmem:$0x1B130] =	vst v60  }
0x3ea: {  	v10 =	vadd.s32 v47, v57;
	v0 =	vmul.u32 v15, v0;
	[tilespmem:$0x1B100] =	vst v8;
	v8 =	vcvt.s32.f32 v9  }
0x3eb: {  	v59 =	vadd.s32 v44, v17;
	v17 =	vmul.u32 v15, v20;
	v10 =	vcvt.s32.f32 v10;
	[tilespmem:$0x1B150] =	vst v63  }
0x3ec: {  	v0 =	vadd.s32 v41, v0;
	[tilespmem:$0x1B120] =	vst v8;
	v8 =	vcvt.s32.f32 v59  }
0x3ed: {  	v62 =	vadd.s32 v42, v17;
	[tilespmem:$0x1B110] =	vst v10;
	v0 =	vcvt.s32.f32 v0  }
0x3ee: {  	s23 =	sadd.s32 $0x1, s23;
	[tilespmem:$0x1B140] =	vst v8;
	v8 =	vcvt.s32.f32 v62  }
0x3ef: {  	p0 =	sne.s32 s23, s17;
	[tilespmem:$0x1B170] =	vst v0  }
.Ltmp26:
0x3f0: {  	s0 =	simm.s32 $0x1B100;
	[tilespmem:$0x1B160] =	vst v8;
	(pc) =	sbr.rel @p0 .LBB2_1-.Ltmp26, $4  }
0x3f1: {  	[hbm4b:s16+s5] =	stream.linear.scatter [tilespmem:s0], [sflag:$0x5], $0x80, $0x38;
	[tilespmem:$0x1B190] =	vst v63  }
0x3f2: {  	_ =	swait.ge [sflag:s21], $0x80  }
0x3f3: {  	[sflag:s21] =	ssyncset.done $0x0  }
0x3f4: {  	[sflag:s21] =	ssyncadd.s32 $0xFFFFFF80  }
0x3f5: {  	_ =	sfence.sel $0x180000  }
0x3f6: {  	[bflag:$0x0] =	sbarrier.arrive $0xFFFF  }
0x3f7: {  	_ =	strace $0x90000047  }
0x3f8: {  	s0 =	stileid.u32;
	[bflag:$0x2] =	sbarrier.arrive $0xFFFF  }
0x3f9: {  	p0 =	sne.s32 s0, $0x0;
	s0 =	rddreg [dreg:$0x4]  }
0x3fa: {  	s0 =	sadd.s32 @!p0 $0x100000, s0  }
0x3fb: {  	[sflag:s0] =	ssyncadd.tile.s32 @!p0 $0x1;
	_ =	shalt  }
.Lfunc_end2:
_tile_overlayer_lowered:
.L_overlay_start_2:
0x3fc: {  	(tag) =	ssettag $0x2  }
0x3fd: {  	s0 =	rddreg [dreg:$0x0];
	s2 =	stileid.u32  }
0x3fe: {  	s1 =	rddreg [dreg:$0x1];
	p0 =	sne.s32 s2, $0x0  }
0x3ff: {  	s3 =	rddreg [dreg:$0x2];
	[bflag:$0x3] =	sbarrier.arrive $0xFFFF;
	s2 =	simm.s32 @!p0 $0x1C05  }
0x400: {  	[timem:s3], [sflag:s2] =	dma.local @!p0 [hbm:s0], s1  }
0x401: {  	s0 =	simm.s32 @!p0 $0x5  }
0x402: {  	_ =	swait.ge @!p0 [sflag:s0], s1  }
0x403: {  	s1 =	ssub.s32 @!p0 $0x0, s1;
	[sflag:s0] =	ssyncset.done @!p0 $0x0  }
0x404: {  	[sflag:s0] =	ssyncadd.s32 @!p0 s1  }
0x405: {  	[bflag:$0x3] =	sbarrier.arrive $0xFFFF  }
0x406: {  	_ =	shalt  }

</sc_bundles>
